<compile_context>
chip_gen: v7x
topology: tpu7x:2x2x1
jax: 0.10.2.dev20260603
libtpu: 0.0.44.dev20260713+nightly
codegen_flags: <defaults>
</compile_context>

<pallas_src>
import jax
import jax.numpy as jnp
from jax import lax
from jax.experimental import pallas as pl
from jax.experimental.pallas import tpu as pltpu
from jax.experimental.pallas import tpu_sc as plsc

H = 384
W = 384
HW = H * W
NFRAMES = 16
CR = 4
CHUNK = CR * W
NCHUNK = H // CR
RING = 92
RB = RING * W
MODM = 45591
MAGIC = 8388608.0
PRIME_ROWS = 52


def _fire_body(x_hbm, flow_hbm, out_hbm, *sc):
    ring = sc[0:3]
    fx_b = sc[3:5]
    fy_b = sc[5:7]
    xc_b = (sc[7:10], sc[10:13])
    out_b = (sc[13:16], sc[16:19])
    fixidx = sc[19]
    sem_slide, sem_f, sem_xc, sem_st0, sem_st1, sem_fix = sc[20:26]
    sem_st = (sem_st0, sem_st1)

    cid = lax.axis_index("c")
    sid = lax.axis_index("s")
    wid = sid * 2 + cid
    tm1 = wid // 2
    d = wid % 2
    f = jnp.where(d == 0, tm1, 31 - tm1)
    src_t = jnp.where(d == 0, tm1 + 2, tm1)
    cur_t = tm1 + 1
    out_frame = tm1 * 6 + d * 3
    src_ch_base = [(src_t * 3 + ch) * HW for ch in range(3)]
    cur_ch_base = [(cur_t * 3 + ch) * HW for ch in range(3)]
    out_ch_base = [(out_frame + ch) * HW for ch in range(3)]
    fx_off = 2 * f * HW
    fy_off = (2 * f + 1) * HW

    iota_f = lax.iota(jnp.int32, 16).astype(jnp.float32)

    def issue_slide(c):
        c4 = c * CR
        row = jnp.where(c4 + 48 <= H - CR, c4 + 48, H - CR)
        slot = lax.rem(row, RING)
        for ch in range(3):
            pltpu.async_copy(
                x_hbm.at[pl.ds(src_ch_base[ch] + row * W, CHUNK)],
                ring[ch].at[pl.ds(slot * W, CHUNK)],
                sem_slide,
            )

    def wait_slide():
        for ch in range(3):
            pltpu.make_async_copy(
                x_hbm.at[pl.ds(0, CHUNK)], ring[ch].at[pl.ds(0, CHUNK)], sem_slide
            ).wait()

    def issue_prefetch(c, pp):
        c4 = c * CR
        b = jnp.where(c4 <= H - CR, c4, H - CR) * W
        pltpu.async_copy(flow_hbm.at[pl.ds(fx_off + b, CHUNK)], fx_b[pp], sem_f)
        pltpu.async_copy(flow_hbm.at[pl.ds(fy_off + b, CHUNK)], fy_b[pp], sem_f)
        for ch in range(3):
            pltpu.async_copy(
                x_hbm.at[pl.ds(cur_ch_base[ch] + b, CHUNK)], xc_b[pp][ch], sem_xc
            )

    def wait_prefetch(pp):
        pltpu.make_async_copy(
            flow_hbm.at[pl.ds(0, CHUNK)], fx_b[pp], sem_f
        ).wait()
        pltpu.make_async_copy(
            flow_hbm.at[pl.ds(0, CHUNK)], fy_b[pp], sem_f
        ).wait()
        for ch in range(3):
            pltpu.make_async_copy(
                x_hbm.at[pl.ds(0, CHUNK)], xc_b[pp][ch], sem_xc
            ).wait()

    def do_chunk(c, pp, first=False):
        c4 = c * CR
        lo = jnp.where(c4 >= 40, c4 - 40, 0)
        hi = jnp.where(c4 + 47 <= H - 1, c4 + 47, H - 1)
        lo_f = lo.astype(jnp.float32)
        hi_f = hi.astype(jnp.float32)
        row0_f = c4.astype(jnp.float32)

        issue_slide(c)
        issue_prefetch(c + 1, (pp + 1) % 2)

        if not first:

            @pl.when(c >= 2)
            def _():
                for ch in range(3):
                    pltpu.make_async_copy(
                        out_b[pp][ch],
                        out_hbm.at[pl.ds(out_ch_base[ch] + c4 * W, CHUNK)],
                        sem_st[pp],
                    ).wait()

        def row_body(r, _):
            row_f = row0_f + r.astype(jnp.float32)
            roff = r * W
            mn0 = jnp.full((16,), float(H), jnp.float32)
            mx0 = jnp.full((16,), -1.0, jnp.float32)

            @plsc.parallel_loop(0, W // 16, carry=(mn0, mx0), unroll=6)
            def grp(k, carry):
                rx_mn, rx_mx = carry
                off = roff + k * 16
                fxv = fx_b[pp][pl.ds(off, 16)]
                fyv = fy_b[pp][pl.ds(off, 16)]
                rx = jnp.minimum(jnp.maximum(fxv + row_f, 0.0), float(H - 1))
                rx = (rx + MAGIC) - MAGIC
                colv = iota_f + (k * 16).astype(jnp.float32)
                ry = jnp.minimum(jnp.maximum(fyv + colv, 0.0), float(W - 1))
                ry = (ry + MAGIC) - MAGIC
                ryi = ry.astype(jnp.int32)
                rxc = jnp.minimum(jnp.maximum(rx, lo_f), hi_f).astype(jnp.int32)
                q = (rxc * MODM) >> 22
                addr = (rxc - q * RING) * W + ryi
                for ch in range(3):
                    g = plsc.load_gather(ring[ch], [addr])
                    xv = xc_b[pp][ch][pl.ds(off, 16)]
                    out_b[pp][ch][pl.ds(off, 16)] = xv - g
                return (jnp.minimum(rx_mn, rx), jnp.maximum(rx_mx, rx))

            rx_mn, rx_mx = grp

            row_bad = jnp.logical_or(
                jnp.min(rx_mn) < lo_f, jnp.max(rx_mx) > hi_f
            )

            @pl.when(row_bad)
            def _():
                def fix_k(kk, _):
                    o = roff + kk * 16
                    fxv = fx_b[pp][pl.ds(o, 16)]
                    fyv = fy_b[pp][pl.ds(o, 16)]
                    rx = jnp.minimum(jnp.maximum(fxv + row_f, 0.0), float(H - 1))
                    rx = (rx + MAGIC) - MAGIC
                    colv = iota_f + (kk * 16).astype(jnp.float32)
                    ry = jnp.minimum(jnp.maximum(fyv + colv, 0.0), float(W - 1))
                    ry = (ry + MAGIC) - MAGIC
                    fixidx[pl.ds(kk * 16, 16)] = (rx * float(W) + ry).astype(
                        jnp.int32
                    )
                    return 0

                lax.fori_loop(0, W // 16, fix_k, 0)
                for ch in range(3):
                    pltpu.async_copy(
                        x_hbm.at[pl.ds(src_ch_base[ch], HW)].at[fixidx],
                        out_b[pp][ch].at[pl.ds(roff, W)],
                        sem_fix,
                    )
                for ch in range(3):
                    pltpu.make_async_copy(
                        x_hbm.at[pl.ds(0, W)],
                        out_b[pp][ch].at[pl.ds(roff, W)],
                        sem_fix,
                    ).wait()

                def fix_sub(kk, _):
                    o = roff + kk * 16
                    for ch in range(3):
                        out_b[pp][ch][pl.ds(o, 16)] = (
                            xc_b[pp][ch][pl.ds(o, 16)]
                            - out_b[pp][ch][pl.ds(o, 16)]
                        )
                    return 0

                lax.fori_loop(0, W // 16, fix_sub, 0)

            return 0

        lax.fori_loop(0, CR, row_body, 0)


        for ch in range(3):
            pltpu.async_copy(
                out_b[pp][ch],
                out_hbm.at[pl.ds(out_ch_base[ch] + c4 * W, CHUNK)],
                sem_st[pp],
            )

    for ch in range(3):
        pltpu.async_copy(
            x_hbm.at[pl.ds(src_ch_base[ch], PRIME_ROWS * W)],
            ring[ch].at[pl.ds(0, PRIME_ROWS * W)],
            sem_slide,
        )
    issue_prefetch(jnp.int32(0), 0)
    for ch in range(3):
        pltpu.make_async_copy(
            x_hbm.at[pl.ds(0, PRIME_ROWS * W)],
            ring[ch].at[pl.ds(0, PRIME_ROWS * W)],
            sem_slide,
        ).wait()
    wait_prefetch(0)

    do_chunk(jnp.int32(0), 0, first=True)

    def super_body(s, _):
        c = 2 * s + 1
        wait_slide()
        wait_prefetch(1)
        do_chunk(c, 1)
        wait_slide()
        wait_prefetch(0)
        do_chunk(c + 1, 0)
        return 0

    lax.fori_loop(0, (NCHUNK - 2) // 2, super_body, 0)

    wait_slide()
    wait_prefetch(1)
    do_chunk(jnp.int32(NCHUNK - 1), 1)
    wait_slide()
    wait_prefetch(0)

    for pp in (0, 1):
        c4 = (NCHUNK - 2 + pp) * CR
        for ch in range(3):
            pltpu.make_async_copy(
                out_b[pp][ch],
                out_hbm.at[pl.ds(out_ch_base[ch] + c4 * W, CHUNK)],
                sem_st[pp],
            ).wait()


@jax.jit
def kernel(x, flow):
    x_flat = x.reshape(-1)
    flow_flat = flow.reshape(-1)

    mesh = plsc.VectorSubcoreMesh(core_axis_name="c", subcore_axis_name="s")
    out = pl.kernel(
        _fire_body,
        out_type=jax.ShapeDtypeStruct((NFRAMES * 6 * HW,), jnp.float32),
        mesh=mesh,
        compiler_params=pltpu.CompilerParams(needs_layout_passes=False),
        scratch_types=[
            pltpu.VMEM((RB,), jnp.float32),
            pltpu.VMEM((RB,), jnp.float32),
            pltpu.VMEM((RB,), jnp.float32),
            pltpu.VMEM((CHUNK,), jnp.float32),
            pltpu.VMEM((CHUNK,), jnp.float32),
            pltpu.VMEM((CHUNK,), jnp.float32),
            pltpu.VMEM((CHUNK,), jnp.float32),
            pltpu.VMEM((CHUNK,), jnp.float32),
            pltpu.VMEM((CHUNK,), jnp.float32),
            pltpu.VMEM((CHUNK,), jnp.float32),
            pltpu.VMEM((CHUNK,), jnp.float32),
            pltpu.VMEM((CHUNK,), jnp.float32),
            pltpu.VMEM((CHUNK,), jnp.float32),
            pltpu.VMEM((CHUNK,), jnp.float32),
            pltpu.VMEM((CHUNK,), jnp.float32),
            pltpu.VMEM((CHUNK,), jnp.float32),
            pltpu.VMEM((CHUNK,), jnp.float32),
            pltpu.VMEM((CHUNK,), jnp.float32),
            pltpu.VMEM((CHUNK,), jnp.float32),
            pltpu.VMEM((W,), jnp.int32),
            pltpu.SemaphoreType.DMA,
            pltpu.SemaphoreType.DMA,
            pltpu.SemaphoreType.DMA,
            pltpu.SemaphoreType.DMA,
            pltpu.SemaphoreType.DMA,
            pltpu.SemaphoreType.DMA,
        ],
    )(x_flat, flow_flat)
    return out.reshape(NFRAMES, 6, H, W)

# --- scband reference (transcript-rebuilt; emitter-appended) ---
"""Pipeline reference for scband-fire-64527588655149 (READ-ONLY COPY).

The authoritative reference and input builder live on the scoring server;
editing this copy changes nothing except your own understanding.
"""

import jax, jax.numpy as jnp
import numpy as np


def setup_inputs(seed: int = 0) -> dict:
    key = jax.random.key(seed)
    k1, k2 = jax.random.split(key)
    x = jax.random.normal(k1, (18, 3, 384, 384), dtype=jnp.float32)
    flow = jax.random.normal(k2, (32, 2, 384, 384), dtype=jnp.float32) * 10.0
    return {"x": x, "flow": flow}


def reference(x, flow):
    T, C, H, W = x.shape
    N = T - 2
    idx_x = jnp.broadcast_to(jnp.arange(H, dtype=jnp.float32)[:, None], (H, W))
    idx_y = jnp.broadcast_to(jnp.arange(W, dtype=jnp.float32)[None, :], (H, W))
    F2 = flow.shape[0]
    outs = []
    for t in range(1, N + 1):
        fwd_flow = flow[t - 1]
        bwd_flow = flow[F2 - t]
        fwd_flow_x, fwd_flow_y = fwd_flow[0], fwd_flow[1]
        bwd_flow_x, bwd_flow_y = bwd_flow[0], bwd_flow[1]
        ix_f = jnp.clip(jnp.round(idx_x + fwd_flow_x), 0, H - 1).astype(jnp.int32)
        iy_f = jnp.clip(jnp.round(idx_y + fwd_flow_y), 0, W - 1).astype(jnp.int32)
        ix_b = jnp.clip(jnp.round(idx_x + bwd_flow_x), 0, H - 1).astype(jnp.int32)
        iy_b = jnp.clip(jnp.round(idx_y + bwd_flow_y), 0, W - 1).astype(jnp.int32)
        x_prime_fwd = x[t + 1][:, ix_f, iy_f]
        x_prime_bwd = x[t - 1][:, ix_b, iy_b]
        outs.append(jnp.concatenate([x[t] - x_prime_fwd, x[t] - x_prime_bwd], axis=0))
    return jnp.stack(outs, axis=0)

if __name__ == "__main__":
    import jax
    _d = setup_inputs()
    print(jax.jit(kernel)(*tuple(_d.values())))

</pallas_src>

<mosaic_0001>
#map = affine_map<(d0, d1) -> (0)>
module attributes {stable_mosaic.version = 14 : i64} {
  func.func @_fire_body(%arg0: i32, %arg1: i32, %arg2: memref<7962624xf32, #tpu.memory_space<hbm>>, %arg3: memref<9437184xf32, #tpu.memory_space<hbm>>, %arg4: memref<14155776xf32, #tpu.memory_space<hbm>>, %arg5: memref<35328xf32, #tpu.memory_space<vmem>>, %arg6: memref<35328xf32, #tpu.memory_space<vmem>>, %arg7: memref<35328xf32, #tpu.memory_space<vmem>>, %arg8: memref<1536xf32, #tpu.memory_space<vmem>>, %arg9: memref<1536xf32, #tpu.memory_space<vmem>>, %arg10: memref<1536xf32, #tpu.memory_space<vmem>>, %arg11: memref<1536xf32, #tpu.memory_space<vmem>>, %arg12: memref<1536xf32, #tpu.memory_space<vmem>>, %arg13: memref<1536xf32, #tpu.memory_space<vmem>>, %arg14: memref<1536xf32, #tpu.memory_space<vmem>>, %arg15: memref<1536xf32, #tpu.memory_space<vmem>>, %arg16: memref<1536xf32, #tpu.memory_space<vmem>>, %arg17: memref<1536xf32, #tpu.memory_space<vmem>>, %arg18: memref<1536xf32, #tpu.memory_space<vmem>>, %arg19: memref<1536xf32, #tpu.memory_space<vmem>>, %arg20: memref<1536xf32, #tpu.memory_space<vmem>>, %arg21: memref<1536xf32, #tpu.memory_space<vmem>>, %arg22: memref<1536xf32, #tpu.memory_space<vmem>>, %arg23: memref<1536xf32, #tpu.memory_space<vmem>>, %arg24: memref<384xi32, #tpu.memory_space<vmem>>, %arg25: memref<!tpu.dma_semaphore, #tpu.memory_space<semaphore_mem>>, %arg26: memref<!tpu.dma_semaphore, #tpu.memory_space<semaphore_mem>>, %arg27: memref<!tpu.dma_semaphore, #tpu.memory_space<semaphore_mem>>, %arg28: memref<!tpu.dma_semaphore, #tpu.memory_space<semaphore_mem>>, %arg29: memref<!tpu.dma_semaphore, #tpu.memory_space<semaphore_mem>>, %arg30: memref<!tpu.dma_semaphore, #tpu.memory_space<semaphore_mem>>) attributes {dimension_semantics = [#tpu.dimension_semantics<core_parallel>, #tpu.dimension_semantics<subcore_parallel>], iteration_bounds = array<i64: 2, 16>, scalar_prefetch = 0 : i64, scratch_operands = 26 : i64, tpu.core_type = #tpu.core_type<sc_vector_subcore>, window_params = [{transform_indices = #map}, {transform_indices = #map}, {transform_indices = #map}]} {
    %mul3A = arith.constant 2 : i32
    %mul3A_0 = arith.muli %arg1, %mul3A : i32
    %add3A = arith.addi %mul3A_0, %arg0 : i32
    %jit3A = arith.constant 2 : i32
    %div3A = arith.divsi %add3A, %jit3A : i32
    %sign3A = arith.constant 0 : i32
    %sign3A_1 = arith.cmpi sgt, %add3A, %sign3A : i32
    %sign3A_2 = arith.extui %sign3A_1 : i1 to i32
    %sign3A_3 = arith.constant 0 : i32
    %sign3A_4 = arith.cmpi slt, %add3A, %sign3A_3 : i32
    %sign3A_5 = arith.extui %sign3A_4 : i1 to i32
    %sign3A_6 = arith.subi %sign3A_2, %sign3A_5 : i32
    %sign3A_7 = arith.constant 0 : i32
    %sign3A_8 = arith.cmpi sgt, %jit3A, %sign3A_7 : i32
    %sign3A_9 = arith.extui %sign3A_8 : i1 to i32
    %sign3A_10 = arith.constant 0 : i32
    %sign3A_11 = arith.cmpi slt, %jit3A, %sign3A_10 : i32
    %sign3A_12 = arith.extui %sign3A_11 : i1 to i32
    %sign3A_13 = arith.subi %sign3A_9, %sign3A_12 : i32
    %ne3A = arith.cmpi ne, %sign3A_6, %sign3A_13 : i32
    %rem3A = arith.remsi %add3A, %jit3A : i32
    %ne3A_14 = arith.constant 0 : i32
    %ne3A_15 = arith.cmpi ne, %rem3A, %ne3A_14 : i32
    %and3A = arith.andi %ne3A, %ne3A_15 : i1
    %sub3A = arith.constant 1 : i32
    %sub3A_16 = arith.subi %div3A, %sub3A : i32
    %select_n3A = arith.select %and3A, %sub3A_16, %div3A : i32
    %jit3A_17 = arith.constant 2 : i32
    %eq3A = arith.constant 0 : i32
    %eq3A_18 = arith.cmpi eq, %jit3A_17, %eq3A : i32
    %jit3A_19 = arith.constant 1 : i32
    %select_n3A_20 = arith.select %eq3A_18, %jit3A_19, %jit3A_17 : i32
    %rem3A_21 = arith.remsi %add3A, %select_n3A_20 : i32
    %ne3A_22 = arith.constant 0 : i32
    %ne3A_23 = arith.cmpi ne, %rem3A_21, %ne3A_22 : i32
    %lt3A = arith.constant 0 : i32
    %lt3A_24 = arith.cmpi slt, %rem3A_21, %lt3A : i32
    %lt3A_25 = arith.constant 0 : i32
    %lt3A_26 = arith.cmpi slt, %select_n3A_20, %lt3A_25 : i32
    %ne3A_27 = arith.xori %lt3A_24, %lt3A_26 : i1
    %and3A_28 = arith.andi %ne3A_27, %ne3A_23 : i1
    %add3A_29 = arith.addi %rem3A_21, %select_n3A_20 : i32
    %select_n3A_30 = arith.select %and3A_28, %add3A_29, %rem3A_21 : i32
    %eq3A_31 = arith.constant 0 : i32
    %eq3A_32 = arith.cmpi eq, %select_n3A_30, %eq3A_31 : i32
    %sub3A_33 = arith.constant 31 : i32
    %sub3A_34 = arith.subi %sub3A_33, %select_n3A : i32
    %select_n3A_35 = arith.select %eq3A_32, %select_n3A, %sub3A_34 : i32
    %eq3A_36 = arith.constant 0 : i32
    %eq3A_37 = arith.cmpi eq, %select_n3A_30, %eq3A_36 : i32
    %add3A_38 = arith.constant 2 : i32
    %add3A_39 = arith.addi %select_n3A, %add3A_38 : i32
    %select_n3A_40 = arith.select %eq3A_37, %add3A_39, %select_n3A : i32
    %add3A_41 = arith.constant 1 : i32
    %add3A_42 = arith.addi %select_n3A, %add3A_41 : i32
    %mul3A_43 = arith.constant 6 : i32
    %mul3A_44 = arith.muli %select_n3A, %mul3A_43 : i32
    %mul3A_45 = arith.constant 3 : i32
    %mul3A_46 = arith.muli %select_n3A_30, %mul3A_45 : i32
    %add3A_47 = arith.addi %mul3A_44, %mul3A_46 : i32
    %mul3A_48 = arith.constant 3 : i32
    %mul3A_49 = arith.muli %select_n3A_40, %mul3A_48 : i32
    %add3A_50 = arith.constant 0 : i32
    %add3A_51 = arith.addi %mul3A_49, %add3A_50 : i32
    %mul3A_52 = arith.constant 147456 : i32
    %mul3A_53 = arith.muli %add3A_51, %mul3A_52 : i32
    %mul3A_54 = arith.constant 3 : i32
    %mul3A_55 = arith.muli %select_n3A_40, %mul3A_54 : i32
    %add3A_56 = arith.constant 1 : i32
    %add3A_57 = arith.addi %mul3A_55, %add3A_56 : i32
    %mul3A_58 = arith.constant 147456 : i32
    %mul3A_59 = arith.muli %add3A_57, %mul3A_58 : i32
    %mul3A_60 = arith.constant 3 : i32
    %mul3A_61 = arith.muli %select_n3A_40, %mul3A_60 : i32
    %add3A_62 = arith.constant 2 : i32
    %add3A_63 = arith.addi %mul3A_61, %add3A_62 : i32
    %mul3A_64 = arith.constant 147456 : i32
    %mul3A_65 = arith.muli %add3A_63, %mul3A_64 : i32
    %mul3A_66 = arith.constant 3 : i32
    %mul3A_67 = arith.muli %add3A_42, %mul3A_66 : i32
    %add3A_68 = arith.constant 0 : i32
    %add3A_69 = arith.addi %mul3A_67, %add3A_68 : i32
    %mul3A_70 = arith.constant 147456 : i32
    %mul3A_71 = arith.muli %add3A_69, %mul3A_70 : i32
    %mul3A_72 = arith.constant 3 : i32
    %mul3A_73 = arith.muli %add3A_42, %mul3A_72 : i32
    %add3A_74 = arith.constant 1 : i32
    %add3A_75 = arith.addi %mul3A_73, %add3A_74 : i32
    %mul3A_76 = arith.constant 147456 : i32
    %mul3A_77 = arith.muli %add3A_75, %mul3A_76 : i32
    %mul3A_78 = arith.constant 3 : i32
    %mul3A_79 = arith.muli %add3A_42, %mul3A_78 : i32
    %add3A_80 = arith.constant 2 : i32
    %add3A_81 = arith.addi %mul3A_79, %add3A_80 : i32
    %mul3A_82 = arith.constant 147456 : i32
    %mul3A_83 = arith.muli %add3A_81, %mul3A_82 : i32
    %add3A_84 = arith.constant 0 : i32
    %add3A_85 = arith.addi %add3A_47, %add3A_84 : i32
    %mul3A_86 = arith.constant 147456 : i32
    %mul3A_87 = arith.muli %add3A_85, %mul3A_86 : i32
    %add3A_88 = arith.constant 1 : i32
    %add3A_89 = arith.addi %add3A_47, %add3A_88 : i32
    %mul3A_90 = arith.constant 147456 : i32
    %mul3A_91 = arith.muli %add3A_89, %mul3A_90 : i32
    %add3A_92 = arith.constant 2 : i32
    %add3A_93 = arith.addi %add3A_47, %add3A_92 : i32
    %mul3A_94 = arith.constant 147456 : i32
    %mul3A_95 = arith.muli %add3A_93, %mul3A_94 : i32
    %mul3A_96 = arith.constant 2 : i32
    %mul3A_97 = arith.muli %mul3A_96, %select_n3A_35 : i32
    %mul3A_98 = arith.constant 147456 : i32
    %mul3A_99 = arith.muli %mul3A_97, %mul3A_98 : i32
    %mul3A_100 = arith.constant 2 : i32
    %mul3A_101 = arith.muli %mul3A_100, %select_n3A_35 : i32
    %add3A_102 = arith.constant 1 : i32
    %add3A_103 = arith.addi %mul3A_101, %add3A_102 : i32
    %mul3A_104 = arith.constant 147456 : i32
    %mul3A_105 = arith.muli %add3A_103, %mul3A_104 : i32
    %iota3A = tpu.iota {dimensions = array<i32: 0>} : vector<16xi32>
    %convert_element_type3A = arith.sitofp %iota3A : vector<16xi32> to vector<16xf32>
    %dma_start3A = arith.constant 0 : i32
    %dma_start3A_106 = tpu.memref_slice %arg5[%dma_start3A] : memref<35328xf32, #tpu.memory_space<vmem>> -> memref<19968xf32, #tpu.memory_space<vmem>>
    %dma_start3A_107 = tpu.memref_slice %arg2[%mul3A_53] : memref<7962624xf32, #tpu.memory_space<hbm>> -> memref<19968xf32, #tpu.memory_space<hbm>>
    %dma_start3A_108 = arith.constant 0 : i32
    %dma_start3A_109 = tpu.memref_slice %arg5[%dma_start3A_108] : memref<35328xf32, #tpu.memory_space<vmem>> -> memref<19968xf32, #tpu.memory_space<vmem>>
    %dma_start3A_110 = tpu.memref_slice %arg2[%mul3A_53] : memref<7962624xf32, #tpu.memory_space<hbm>> -> memref<19968xf32, #tpu.memory_space<hbm>>
    tpu.enqueue_dma source(%dma_start3A_110 : memref<19968xf32, #tpu.memory_space<hbm>>) target(%dma_start3A_109 : memref<19968xf32, #tpu.memory_space<vmem>>) target_semaphore(%arg25 : memref<!tpu.dma_semaphore, #tpu.memory_space<semaphore_mem>>)
    %dma_start3A_111 = arith.constant 0 : i32
    %dma_start3A_112 = tpu.memref_slice %arg6[%dma_start3A_111] : memref<35328xf32, #tpu.memory_space<vmem>> -> memref<19968xf32, #tpu.memory_space<vmem>>
    %dma_start3A_113 = tpu.memref_slice %arg2[%mul3A_59] : memref<7962624xf32, #tpu.memory_space<hbm>> -> memref<19968xf32, #tpu.memory_space<hbm>>
    %dma_start3A_114 = arith.constant 0 : i32
    %dma_start3A_115 = tpu.memref_slice %arg6[%dma_start3A_114] : memref<35328xf32, #tpu.memory_space<vmem>> -> memref<19968xf32, #tpu.memory_space<vmem>>
    %dma_start3A_116 = tpu.memref_slice %arg2[%mul3A_59] : memref<7962624xf32, #tpu.memory_space<hbm>> -> memref<19968xf32, #tpu.memory_space<hbm>>
    tpu.enqueue_dma source(%dma_start3A_116 : memref<19968xf32, #tpu.memory_space<hbm>>) target(%dma_start3A_115 : memref<19968xf32, #tpu.memory_space<vmem>>) target_semaphore(%arg25 : memref<!tpu.dma_semaphore, #tpu.memory_space<semaphore_mem>>)
    %dma_start3A_117 = arith.constant 0 : i32
    %dma_start3A_118 = tpu.memref_slice %arg7[%dma_start3A_117] : memref<35328xf32, #tpu.memory_space<vmem>> -> memref<19968xf32, #tpu.memory_space<vmem>>
    %dma_start3A_119 = tpu.memref_slice %arg2[%mul3A_65] : memref<7962624xf32, #tpu.memory_space<hbm>> -> memref<19968xf32, #tpu.memory_space<hbm>>
    %dma_start3A_120 = arith.constant 0 : i32
    %dma_start3A_121 = tpu.memref_slice %arg7[%dma_start3A_120] : memref<35328xf32, #tpu.memory_space<vmem>> -> memref<19968xf32, #tpu.memory_space<vmem>>
    %dma_start3A_122 = tpu.memref_slice %arg2[%mul3A_65] : memref<7962624xf32, #tpu.memory_space<hbm>> -> memref<19968xf32, #tpu.memory_space<hbm>>
    tpu.enqueue_dma source(%dma_start3A_122 : memref<19968xf32, #tpu.memory_space<hbm>>) target(%dma_start3A_121 : memref<19968xf32, #tpu.memory_space<vmem>>) target_semaphore(%arg25 : memref<!tpu.dma_semaphore, #tpu.memory_space<semaphore_mem>>)
    %mul3A_123 = arith.constant 0 : i32
    %mul3A_124 = arith.constant 4 : i32
    %mul3A_125 = arith.muli %mul3A_123, %mul3A_124 : i32
    %le3A = arith.constant 380 : i32
    %le3A_126 = arith.cmpi sle, %mul3A_125, %le3A : i32
    %jit3A_127 = arith.constant 380 : i32
    %select_n3A_128 = arith.select %le3A_126, %mul3A_125, %jit3A_127 : i32
    %mul3A_129 = arith.constant 384 : i32
    %mul3A_130 = arith.muli %select_n3A_128, %mul3A_129 : i32
    %add3A_131 = arith.addi %mul3A_99, %mul3A_130 : i32
    %dma_start3A_132 = tpu.memref_slice %arg3[%add3A_131] : memref<9437184xf32, #tpu.memory_space<hbm>> -> memref<1536xf32, #tpu.memory_space<hbm>>
    %dma_start3A_133 = tpu.memref_slice %arg3[%add3A_131] : memref<9437184xf32, #tpu.memory_space<hbm>> -> memref<1536xf32, #tpu.memory_space<hbm>>
    tpu.enqueue_dma source(%dma_start3A_133 : memref<1536xf32, #tpu.memory_space<hbm>>) target(%arg8 : memref<1536xf32, #tpu.memory_space<vmem>>) target_semaphore(%arg26 : memref<!tpu.dma_semaphore, #tpu.memory_space<semaphore_mem>>)
    %add3A_134 = arith.addi %mul3A_105, %mul3A_130 : i32
    %dma_start3A_135 = tpu.memref_slice %arg3[%add3A_134] : memref<9437184xf32, #tpu.memory_space<hbm>> -> memref<1536xf32, #tpu.memory_space<hbm>>
    %dma_start3A_136 = tpu.memref_slice %arg3[%add3A_134] : memref<9437184xf32, #tpu.memory_space<hbm>> -> memref<1536xf32, #tpu.memory_space<hbm>>
    tpu.enqueue_dma source(%dma_start3A_136 : memref<1536xf32, #tpu.memory_space<hbm>>) target(%arg10 : memref<1536xf32, #tpu.memory_space<vmem>>) target_semaphore(%arg26 : memref<!tpu.dma_semaphore, #tpu.memory_space<semaphore_mem>>)
    %add3A_137 = arith.addi %mul3A_71, %mul3A_130 : i32
    %dma_start3A_138 = tpu.memref_slice %arg2[%add3A_137] : memref<7962624xf32, #tpu.memory_space<hbm>> -> memref<1536xf32, #tpu.memory_space<hbm>>
    %dma_start3A_139 = tpu.memref_slice %arg2[%add3A_137] : memref<7962624xf32, #tpu.memory_space<hbm>> -> memref<1536xf32, #tpu.memory_space<hbm>>
    tpu.enqueue_dma source(%dma_start3A_139 : memref<1536xf32, #tpu.memory_space<hbm>>) target(%arg12 : memref<1536xf32, #tpu.memory_space<vmem>>) target_semaphore(%arg27 : memref<!tpu.dma_semaphore, #tpu.memory_space<semaphore_mem>>)
    %add3A_140 = arith.addi %mul3A_77, %mul3A_130 : i32
    %dma_start3A_141 = tpu.memref_slice %arg2[%add3A_140] : memref<7962624xf32, #tpu.memory_space<hbm>> -> memref<1536xf32, #tpu.memory_space<hbm>>
    %dma_start3A_142 = tpu.memref_slice %arg2[%add3A_140] : memref<7962624xf32, #tpu.memory_space<hbm>> -> memref<1536xf32, #tpu.memory_space<hbm>>
    tpu.enqueue_dma source(%dma_start3A_142 : memref<1536xf32, #tpu.memory_space<hbm>>) target(%arg13 : memref<1536xf32, #tpu.memory_space<vmem>>) target_semaphore(%arg27 : memref<!tpu.dma_semaphore, #tpu.memory_space<semaphore_mem>>)
    %add3A_143 = arith.addi %mul3A_83, %mul3A_130 : i32
    %dma_start3A_144 = tpu.memref_slice %arg2[%add3A_143] : memref<7962624xf32, #tpu.memory_space<hbm>> -> memref<1536xf32, #tpu.memory_space<hbm>>
    %dma_start3A_145 = tpu.memref_slice %arg2[%add3A_143] : memref<7962624xf32, #tpu.memory_space<hbm>> -> memref<1536xf32, #tpu.memory_space<hbm>>
    tpu.enqueue_dma source(%dma_start3A_145 : memref<1536xf32, #tpu.memory_space<hbm>>) target(%arg14 : memref<1536xf32, #tpu.memory_space<vmem>>) target_semaphore(%arg27 : memref<!tpu.dma_semaphore, #tpu.memory_space<semaphore_mem>>)
    %dma_wait3A = arith.constant 0 : i32
    %dma_wait3A_146 = tpu.memref_slice %arg5[%dma_wait3A] : memref<35328xf32, #tpu.memory_space<vmem>> -> memref<19968xf32, #tpu.memory_space<vmem>>
    %dma_wait3A_147 = arith.constant 0 : i32
    %dma_wait3A_148 = tpu.memref_slice %arg2[%dma_wait3A_147] : memref<7962624xf32, #tpu.memory_space<hbm>> -> memref<19968xf32, #tpu.memory_space<hbm>>
    %dma_wait3A_149 = arith.constant 0 : i32
    %dma_wait3A_150 = tpu.memref_slice %arg5[%dma_wait3A_149] : memref<35328xf32, #tpu.memory_space<vmem>> -> memref<19968xf32, #tpu.memory_space<vmem>>
    %dma_wait3A_151 = arith.constant 0 : i32
    %dma_wait3A_152 = tpu.memref_slice %arg2[%dma_wait3A_151] : memref<7962624xf32, #tpu.memory_space<hbm>> -> memref<19968xf32, #tpu.memory_space<hbm>>
    tpu.wait_dma2 semaphore(%arg25 : memref<!tpu.dma_semaphore, #tpu.memory_space<semaphore_mem>>) src(%dma_wait3A_152 : memref<19968xf32, #tpu.memory_space<hbm>>) dst(%dma_wait3A_150 : memref<19968xf32, #tpu.memory_space<vmem>>)
    %dma_wait3A_153 = arith.constant 0 : i32
    %dma_wait3A_154 = tpu.memref_slice %arg6[%dma_wait3A_153] : memref<35328xf32, #tpu.memory_space<vmem>> -> memref<19968xf32, #tpu.memory_space<vmem>>
    %dma_wait3A_155 = arith.constant 0 : i32
    %dma_wait3A_156 = tpu.memref_slice %arg2[%dma_wait3A_155] : memref<7962624xf32, #tpu.memory_space<hbm>> -> memref<19968xf32, #tpu.memory_space<hbm>>
    %dma_wait3A_157 = arith.constant 0 : i32
    %dma_wait3A_158 = tpu.memref_slice %arg6[%dma_wait3A_157] : memref<35328xf32, #tpu.memory_space<vmem>> -> memref<19968xf32, #tpu.memory_space<vmem>>
    %dma_wait3A_159 = arith.constant 0 : i32
    %dma_wait3A_160 = tpu.memref_slice %arg2[%dma_wait3A_159] : memref<7962624xf32, #tpu.memory_space<hbm>> -> memref<19968xf32, #tpu.memory_space<hbm>>
    tpu.wait_dma2 semaphore(%arg25 : memref<!tpu.dma_semaphore, #tpu.memory_space<semaphore_mem>>) src(%dma_wait3A_160 : memref<19968xf32, #tpu.memory_space<hbm>>) dst(%dma_wait3A_158 : memref<19968xf32, #tpu.memory_space<vmem>>)
    %dma_wait3A_161 = arith.constant 0 : i32
    %dma_wait3A_162 = tpu.memref_slice %arg7[%dma_wait3A_161] : memref<35328xf32, #tpu.memory_space<vmem>> -> memref<19968xf32, #tpu.memory_space<vmem>>
    %dma_wait3A_163 = arith.constant 0 : i32
    %dma_wait3A_164 = tpu.memref_slice %arg2[%dma_wait3A_163] : memref<7962624xf32, #tpu.memory_space<hbm>> -> memref<19968xf32, #tpu.memory_space<hbm>>
    %dma_wait3A_165 = arith.constant 0 : i32
    %dma_wait3A_166 = tpu.memref_slice %arg7[%dma_wait3A_165] : memref<35328xf32, #tpu.memory_space<vmem>> -> memref<19968xf32, #tpu.memory_space<vmem>>
    %dma_wait3A_167 = arith.constant 0 : i32
    %dma_wait3A_168 = tpu.memref_slice %arg2[%dma_wait3A_167] : memref<7962624xf32, #tpu.memory_space<hbm>> -> memref<19968xf32, #tpu.memory_space<hbm>>
    tpu.wait_dma2 semaphore(%arg25 : memref<!tpu.dma_semaphore, #tpu.memory_space<semaphore_mem>>) src(%dma_wait3A_168 : memref<19968xf32, #tpu.memory_space<hbm>>) dst(%dma_wait3A_166 : memref<19968xf32, #tpu.memory_space<vmem>>)
    %dma_wait3A_169 = arith.constant 0 : i32
    %dma_wait3A_170 = tpu.memref_slice %arg3[%dma_wait3A_169] : memref<9437184xf32, #tpu.memory_space<hbm>> -> memref<1536xf32, #tpu.memory_space<hbm>>
    %dma_wait3A_171 = arith.constant 0 : i32
    %dma_wait3A_172 = tpu.memref_slice %arg3[%dma_wait3A_171] : memref<9437184xf32, #tpu.memory_space<hbm>> -> memref<1536xf32, #tpu.memory_space<hbm>>
    tpu.wait_dma2 semaphore(%arg26 : memref<!tpu.dma_semaphore, #tpu.memory_space<semaphore_mem>>) src(%dma_wait3A_172 : memref<1536xf32, #tpu.memory_space<hbm>>) dst(%arg8 : memref<1536xf32, #tpu.memory_space<vmem>>)
    %dma_wait3A_173 = arith.constant 0 : i32
    %dma_wait3A_174 = tpu.memref_slice %arg3[%dma_wait3A_173] : memref<9437184xf32, #tpu.memory_space<hbm>> -> memref<1536xf32, #tpu.memory_space<hbm>>
    %dma_wait3A_175 = arith.constant 0 : i32
    %dma_wait3A_176 = tpu.memref_slice %arg3[%dma_wait3A_175] : memref<9437184xf32, #tpu.memory_space<hbm>> -> memref<1536xf32, #tpu.memory_space<hbm>>
    tpu.wait_dma2 semaphore(%arg26 : memref<!tpu.dma_semaphore, #tpu.memory_space<semaphore_mem>>) src(%dma_wait3A_176 : memref<1536xf32, #tpu.memory_space<hbm>>) dst(%arg10 : memref<1536xf32, #tpu.memory_space<vmem>>)
    %dma_wait3A_177 = arith.constant 0 : i32
    %dma_wait3A_178 = tpu.memref_slice %arg2[%dma_wait3A_177] : memref<7962624xf32, #tpu.memory_space<hbm>> -> memref<1536xf32, #tpu.memory_space<hbm>>
    %dma_wait3A_179 = arith.constant 0 : i32
    %dma_wait3A_180 = tpu.memref_slice %arg2[%dma_wait3A_179] : memref<7962624xf32, #tpu.memory_space<hbm>> -> memref<1536xf32, #tpu.memory_space<hbm>>
    tpu.wait_dma2 semaphore(%arg27 : memref<!tpu.dma_semaphore, #tpu.memory_space<semaphore_mem>>) src(%dma_wait3A_180 : memref<1536xf32, #tpu.memory_space<hbm>>) dst(%arg12 : memref<1536xf32, #tpu.memory_space<vmem>>)
    %dma_wait3A_181 = arith.constant 0 : i32
    %dma_wait3A_182 = tpu.memref_slice %arg2[%dma_wait3A_181] : memref<7962624xf32, #tpu.memory_space<hbm>> -> memref<1536xf32, #tpu.memory_space<hbm>>
    %dma_wait3A_183 = arith.constant 0 : i32
    %dma_wait3A_184 = tpu.memref_slice %arg2[%dma_wait3A_183] : memref<7962624xf32, #tpu.memory_space<hbm>> -> memref<1536xf32, #tpu.memory_space<hbm>>
    tpu.wait_dma2 semaphore(%arg27 : memref<!tpu.dma_semaphore, #tpu.memory_space<semaphore_mem>>) src(%dma_wait3A_184 : memref<1536xf32, #tpu.memory_space<hbm>>) dst(%arg13 : memref<1536xf32, #tpu.memory_space<vmem>>)
    %dma_wait3A_185 = arith.constant 0 : i32
    %dma_wait3A_186 = tpu.memref_slice %arg2[%dma_wait3A_185] : memref<7962624xf32, #tpu.memory_space<hbm>> -> memref<1536xf32, #tpu.memory_space<hbm>>
    %dma_wait3A_187 = arith.constant 0 : i32
    %dma_wait3A_188 = tpu.memref_slice %arg2[%dma_wait3A_187] : memref<7962624xf32, #tpu.memory_space<hbm>> -> memref<1536xf32, #tpu.memory_space<hbm>>
    tpu.wait_dma2 semaphore(%arg27 : memref<!tpu.dma_semaphore, #tpu.memory_space<semaphore_mem>>) src(%dma_wait3A_188 : memref<1536xf32, #tpu.memory_space<hbm>>) dst(%arg14 : memref<1536xf32, #tpu.memory_space<vmem>>)
    %mul3A_189 = arith.constant 0 : i32
    %mul3A_190 = arith.constant 4 : i32
    %mul3A_191 = arith.muli %mul3A_189, %mul3A_190 : i32
    %ge3A = arith.constant 40 : i32
    %ge3A_192 = arith.cmpi sge, %mul3A_191, %ge3A : i32
    %sub3A_193 = arith.constant 40 : i32
    %sub3A_194 = arith.subi %mul3A_191, %sub3A_193 : i32
    %jit3A_195 = arith.constant 0 : i32
    %select_n3A_196 = arith.select %ge3A_192, %sub3A_194, %jit3A_195 : i32
    %add3A_197 = arith.constant 47 : i32
    %add3A_198 = arith.addi %mul3A_191, %add3A_197 : i32
    %le3A_199 = arith.constant 383 : i32
    %le3A_200 = arith.cmpi sle, %add3A_198, %le3A_199 : i32
    %add3A_201 = arith.constant 47 : i32
    %add3A_202 = arith.addi %mul3A_191, %add3A_201 : i32
    %jit3A_203 = arith.constant 383 : i32
    %select_n3A_204 = arith.select %le3A_200, %add3A_202, %jit3A_203 : i32
    %convert_element_type3A_205 = arith.sitofp %select_n3A_196 : i32 to f32
    %convert_element_type3A_206 = arith.sitofp %select_n3A_204 : i32 to f32
    %convert_element_type3A_207 = arith.sitofp %mul3A_191 : i32 to f32
    %mul3A_208 = arith.constant 0 : i32
    %mul3A_209 = arith.constant 4 : i32
    %mul3A_210 = arith.muli %mul3A_208, %mul3A_209 : i32
    %add3A_211 = arith.constant 48 : i32
    %add3A_212 = arith.addi %mul3A_210, %add3A_211 : i32
    %le3A_213 = arith.constant 380 : i32
    %le3A_214 = arith.cmpi sle, %add3A_212, %le3A_213 : i32
    %add3A_215 = arith.constant 48 : i32
    %add3A_216 = arith.addi %mul3A_210, %add3A_215 : i32
    %jit3A_217 = arith.constant 380 : i32
    %select_n3A_218 = arith.select %le3A_214, %add3A_216, %jit3A_217 : i32
    %rem3A_219 = arith.constant 92 : i32
    %rem3A_220 = arith.remsi %select_n3A_218, %rem3A_219 : i32
    %mul3A_221 = arith.constant 384 : i32
    %mul3A_222 = arith.muli %select_n3A_218, %mul3A_221 : i32
    %add3A_223 = arith.addi %mul3A_53, %mul3A_222 : i32
    %mul3A_224 = arith.constant 384 : i32
    %mul3A_225 = arith.muli %rem3A_220, %mul3A_224 : i32
    %dma_start3A_226 = tpu.memref_slice %arg5[%mul3A_225] : memref<35328xf32, #tpu.memory_space<vmem>> -> memref<1536xf32, #tpu.memory_space<vmem>>
    %dma_start3A_227 = tpu.memref_slice %arg2[%add3A_223] : memref<7962624xf32, #tpu.memory_space<hbm>> -> memref<1536xf32, #tpu.memory_space<hbm>>
    %dma_start3A_228 = tpu.memref_slice %arg5[%mul3A_225] : memref<35328xf32, #tpu.memory_space<vmem>> -> memref<1536xf32, #tpu.memory_space<vmem>>
    %dma_start3A_229 = tpu.memref_slice %arg2[%add3A_223] : memref<7962624xf32, #tpu.memory_space<hbm>> -> memref<1536xf32, #tpu.memory_space<hbm>>
    tpu.enqueue_dma source(%dma_start3A_229 : memref<1536xf32, #tpu.memory_space<hbm>>) target(%dma_start3A_228 : memref<1536xf32, #tpu.memory_space<vmem>>) target_semaphore(%arg25 : memref<!tpu.dma_semaphore, #tpu.memory_space<semaphore_mem>>)
    %mul3A_230 = arith.constant 384 : i32
    %mul3A_231 = arith.muli %select_n3A_218, %mul3A_230 : i32
    %add3A_232 = arith.addi %mul3A_59, %mul3A_231 : i32
    %mul3A_233 = arith.constant 384 : i32
    %mul3A_234 = arith.muli %rem3A_220, %mul3A_233 : i32
    %dma_start3A_235 = tpu.memref_slice %arg6[%mul3A_234] : memref<35328xf32, #tpu.memory_space<vmem>> -> memref<1536xf32, #tpu.memory_space<vmem>>
    %dma_start3A_236 = tpu.memref_slice %arg2[%add3A_232] : memref<7962624xf32, #tpu.memory_space<hbm>> -> memref<1536xf32, #tpu.memory_space<hbm>>
    %dma_start3A_237 = tpu.memref_slice %arg6[%mul3A_234] : memref<35328xf32, #tpu.memory_space<vmem>> -> memref<1536xf32, #tpu.memory_space<vmem>>
    %dma_start3A_238 = tpu.memref_slice %arg2[%add3A_232] : memref<7962624xf32, #tpu.memory_space<hbm>> -> memref<1536xf32, #tpu.memory_space<hbm>>
    tpu.enqueue_dma source(%dma_start3A_238 : memref<1536xf32, #tpu.memory_space<hbm>>) target(%dma_start3A_237 : memref<1536xf32, #tpu.memory_space<vmem>>) target_semaphore(%arg25 : memref<!tpu.dma_semaphore, #tpu.memory_space<semaphore_mem>>)
    %mul3A_239 = arith.constant 384 : i32
    %mul3A_240 = arith.muli %select_n3A_218, %mul3A_239 : i32
    %add3A_241 = arith.addi %mul3A_65, %mul3A_240 : i32
    %mul3A_242 = arith.constant 384 : i32
    %mul3A_243 = arith.muli %rem3A_220, %mul3A_242 : i32
    %dma_start3A_244 = tpu.memref_slice %arg7[%mul3A_243] : memref<35328xf32, #tpu.memory_space<vmem>> -> memref<1536xf32, #tpu.memory_space<vmem>>
    %dma_start3A_245 = tpu.memref_slice %arg2[%add3A_241] : memref<7962624xf32, #tpu.memory_space<hbm>> -> memref<1536xf32, #tpu.memory_space<hbm>>
    %dma_start3A_246 = tpu.memref_slice %arg7[%mul3A_243] : memref<35328xf32, #tpu.memory_space<vmem>> -> memref<1536xf32, #tpu.memory_space<vmem>>
    %dma_start3A_247 = tpu.memref_slice %arg2[%add3A_241] : memref<7962624xf32, #tpu.memory_space<hbm>> -> memref<1536xf32, #tpu.memory_space<hbm>>
    tpu.enqueue_dma source(%dma_start3A_247 : memref<1536xf32, #tpu.memory_space<hbm>>) target(%dma_start3A_246 : memref<1536xf32, #tpu.memory_space<vmem>>) target_semaphore(%arg25 : memref<!tpu.dma_semaphore, #tpu.memory_space<semaphore_mem>>)
    %add3A_248 = arith.constant 0 : i32
    %add3A_249 = arith.constant 1 : i32
    %add3A_250 = arith.addi %add3A_248, %add3A_249 : i32
    %mul3A_251 = arith.constant 4 : i32
    %mul3A_252 = arith.muli %add3A_250, %mul3A_251 : i32
    %le3A_253 = arith.constant 380 : i32
    %le3A_254 = arith.cmpi sle, %mul3A_252, %le3A_253 : i32
    %jit3A_255 = arith.constant 380 : i32
    %select_n3A_256 = arith.select %le3A_254, %mul3A_252, %jit3A_255 : i32
    %mul3A_257 = arith.constant 384 : i32
    %mul3A_258 = arith.muli %select_n3A_256, %mul3A_257 : i32
    %add3A_259 = arith.addi %mul3A_99, %mul3A_258 : i32
    %dma_start3A_260 = tpu.memref_slice %arg3[%add3A_259] : memref<9437184xf32, #tpu.memory_space<hbm>> -> memref<1536xf32, #tpu.memory_space<hbm>>
    %dma_start3A_261 = tpu.memref_slice %arg3[%add3A_259] : memref<9437184xf32, #tpu.memory_space<hbm>> -> memref<1536xf32, #tpu.memory_space<hbm>>
    tpu.enqueue_dma source(%dma_start3A_261 : memref<1536xf32, #tpu.memory_space<hbm>>) target(%arg9 : memref<1536xf32, #tpu.memory_space<vmem>>) target_semaphore(%arg26 : memref<!tpu.dma_semaphore, #tpu.memory_space<semaphore_mem>>)
    %add3A_262 = arith.addi %mul3A_105, %mul3A_258 : i32
    %dma_start3A_263 = tpu.memref_slice %arg3[%add3A_262] : memref<9437184xf32, #tpu.memory_space<hbm>> -> memref<1536xf32, #tpu.memory_space<hbm>>
    %dma_start3A_264 = tpu.memref_slice %arg3[%add3A_262] : memref<9437184xf32, #tpu.memory_space<hbm>> -> memref<1536xf32, #tpu.memory_space<hbm>>
    tpu.enqueue_dma source(%dma_start3A_264 : memref<1536xf32, #tpu.memory_space<hbm>>) target(%arg11 : memref<1536xf32, #tpu.memory_space<vmem>>) target_semaphore(%arg26 : memref<!tpu.dma_semaphore, #tpu.memory_space<semaphore_mem>>)
    %add3A_265 = arith.addi %mul3A_71, %mul3A_258 : i32
    %dma_start3A_266 = tpu.memref_slice %arg2[%add3A_265] : memref<7962624xf32, #tpu.memory_space<hbm>> -> memref<1536xf32, #tpu.memory_space<hbm>>
    %dma_start3A_267 = tpu.memref_slice %arg2[%add3A_265] : memref<7962624xf32, #tpu.memory_space<hbm>> -> memref<1536xf32, #tpu.memory_space<hbm>>
    tpu.enqueue_dma source(%dma_start3A_267 : memref<1536xf32, #tpu.memory_space<hbm>>) target(%arg15 : memref<1536xf32, #tpu.memory_space<vmem>>) target_semaphore(%arg27 : memref<!tpu.dma_semaphore, #tpu.memory_space<semaphore_mem>>)
    %add3A_268 = arith.addi %mul3A_77, %mul3A_258 : i32
    %dma_start3A_269 = tpu.memref_slice %arg2[%add3A_268] : memref<7962624xf32, #tpu.memory_space<hbm>> -> memref<1536xf32, #tpu.memory_space<hbm>>
    %dma_start3A_270 = tpu.memref_slice %arg2[%add3A_268] : memref<7962624xf32, #tpu.memory_space<hbm>> -> memref<1536xf32, #tpu.memory_space<hbm>>
    tpu.enqueue_dma source(%dma_start3A_270 : memref<1536xf32, #tpu.memory_space<hbm>>) target(%arg16 : memref<1536xf32, #tpu.memory_space<vmem>>) target_semaphore(%arg27 : memref<!tpu.dma_semaphore, #tpu.memory_space<semaphore_mem>>)
    %add3A_271 = arith.addi %mul3A_83, %mul3A_258 : i32
    %dma_start3A_272 = tpu.memref_slice %arg2[%add3A_271] : memref<7962624xf32, #tpu.memory_space<hbm>> -> memref<1536xf32, #tpu.memory_space<hbm>>
    %dma_start3A_273 = tpu.memref_slice %arg2[%add3A_271] : memref<7962624xf32, #tpu.memory_space<hbm>> -> memref<1536xf32, #tpu.memory_space<hbm>>
    tpu.enqueue_dma source(%dma_start3A_273 : memref<1536xf32, #tpu.memory_space<hbm>>) target(%arg17 : memref<1536xf32, #tpu.memory_space<vmem>>) target_semaphore(%arg27 : memref<!tpu.dma_semaphore, #tpu.memory_space<semaphore_mem>>)
    %scan3A = arith.constant 0 : i32
    %scan3A_274 = arith.constant 0 : i32
    %scan3A_275 = arith.constant 4 : i32
    %scan3A_276 = arith.addi %scan3A_274, %scan3A_275 : i32
    %scan3A_277 = arith.constant 1 : i32
    %scan3A_278 = scf.for %scan3A_527 = %scan3A_274 to %scan3A_276 step %scan3A_277 iter_args(%scan3A_528 = %scan3A) -> (i32)  : i32 {
      %convert_element_type3A_529 = arith.sitofp %scan3A_527 : i32 to f32
      %add3A_530 = arith.addf %convert_element_type3A_207, %convert_element_type3A_529 : f32
      %mul3A_531 = arith.constant 384 : i32
      %mul3A_532 = arith.muli %scan3A_527, %mul3A_531 : i32
      %broadcast_in_dim3A = arith.constant 3.840000e+02 : f32
      %broadcast_in_dim3A_533 = vector.broadcast %broadcast_in_dim3A : f32 to vector<16xf32>
      %broadcast_in_dim3A_534 = arith.constant -1.000000e+00 : f32
      %broadcast_in_dim3A_535 = vector.broadcast %broadcast_in_dim3A_534 : f32 to vector<16xf32>
      %parallel_loop3A = arith.constant 0 : i32
      %parallel_loop3A_536 = arith.constant 24 : i32
      %parallel_loop3A_537 = arith.constant 1 : i32
      %parallel_loop3A_538:2 = scf.for %parallel_loop3A_550 = %parallel_loop3A to %parallel_loop3A_536 step %parallel_loop3A_537 iter_args(%parallel_loop3A_551 = %broadcast_in_dim3A_533, %parallel_loop3A_552 = %broadcast_in_dim3A_535) -> (vector<16xf32>, vector<16xf32>)  : i32 {
        %parallel_loop3A_553 = arith.constant 16 : i32
        %parallel_loop3A_554 = arith.muli %parallel_loop3A_550, %parallel_loop3A_553 : i32
        %parallel_loop3A_555 = arith.addi %mul3A_532, %parallel_loop3A_554 : i32
        %parallel_loop3A_556 = arith.index_cast %parallel_loop3A_555 : i32 to index
        %parallel_loop3A_557 = tpu.vector_load %arg8[%parallel_loop3A_556] {strides = array<i32>} : memref<1536xf32, #tpu.memory_space<vmem>>, vector<16xf32>,
        %parallel_loop3A_558 = arith.index_cast %parallel_loop3A_555 : i32 to index
        %parallel_loop3A_559 = tpu.vector_load %arg10[%parallel_loop3A_558] {strides = array<i32>} : memref<1536xf32, #tpu.memory_space<vmem>>, vector<16xf32>,
        %parallel_loop3A_560 = vector.broadcast %add3A_530 : f32 to vector<16xf32>
        %parallel_loop3A_561 = arith.addf %parallel_loop3A_557, %parallel_loop3A_560 : vector<16xf32>
        %parallel_loop3A_562 = arith.constant 0.000000e+00 : f32
        %parallel_loop3A_563 = vector.broadcast %parallel_loop3A_562 : f32 to vector<16xf32>
        %parallel_loop3A_564 = arith.maximumf %parallel_loop3A_561, %parallel_loop3A_563 : vector<16xf32>
        %parallel_loop3A_565 = arith.constant 3.830000e+02 : f32
        %parallel_loop3A_566 = vector.broadcast %parallel_loop3A_565 : f32 to vector<16xf32>
        %parallel_loop3A_567 = arith.minimumf %parallel_loop3A_564, %parallel_loop3A_566 : vector<16xf32>
        %parallel_loop3A_568 = arith.constant 0x4B000000 : f32
        %parallel_loop3A_569 = vector.broadcast %parallel_loop3A_568 : f32 to vector<16xf32>
        %parallel_loop3A_570 = arith.addf %parallel_loop3A_567, %parallel_loop3A_569 : vector<16xf32>
        %parallel_loop3A_571 = arith.constant 0x4B000000 : f32
        %parallel_loop3A_572 = vector.broadcast %parallel_loop3A_571 : f32 to vector<16xf32>
        %parallel_loop3A_573 = arith.subf %parallel_loop3A_570, %parallel_loop3A_572 : vector<16xf32>
        %parallel_loop3A_574 = arith.constant 16 : i32
        %parallel_loop3A_575 = arith.muli %parallel_loop3A_550, %parallel_loop3A_574 : i32
        %parallel_loop3A_576 = arith.sitofp %parallel_loop3A_575 : i32 to f32
        %parallel_loop3A_577 = vector.broadcast %parallel_loop3A_576 : f32 to vector<16xf32>
        %parallel_loop3A_578 = arith.addf %convert_element_type3A, %parallel_loop3A_577 : vector<16xf32>
        %parallel_loop3A_579 = arith.addf %parallel_loop3A_559, %parallel_loop3A_578 : vector<16xf32>
        %parallel_loop3A_580 = arith.constant 0.000000e+00 : f32
        %parallel_loop3A_581 = vector.broadcast %parallel_loop3A_580 : f32 to vector<16xf32>
        %parallel_loop3A_582 = arith.maximumf %parallel_loop3A_579, %parallel_loop3A_581 : vector<16xf32>
        %parallel_loop3A_583 = arith.constant 3.830000e+02 : f32
        %parallel_loop3A_584 = vector.broadcast %parallel_loop3A_583 : f32 to vector<16xf32>
        %parallel_loop3A_585 = arith.minimumf %parallel_loop3A_582, %parallel_loop3A_584 : vector<16xf32>
        %parallel_loop3A_586 = arith.constant 0x4B000000 : f32
        %parallel_loop3A_587 = vector.broadcast %parallel_loop3A_586 : f32 to vector<16xf32>
        %parallel_loop3A_588 = arith.addf %parallel_loop3A_585, %parallel_loop3A_587 : vector<16xf32>
        %parallel_loop3A_589 = arith.constant 0x4B000000 : f32
        %parallel_loop3A_590 = vector.broadcast %parallel_loop3A_589 : f32 to vector<16xf32>
        %parallel_loop3A_591 = arith.subf %parallel_loop3A_588, %parallel_loop3A_590 : vector<16xf32>
        %parallel_loop3A_592 = arith.fptosi %parallel_loop3A_591 : vector<16xf32> to vector<16xi32>
        %parallel_loop3A_593 = vector.broadcast %convert_element_type3A_205 : f32 to vector<16xf32>
        %parallel_loop3A_594 = arith.maximumf %parallel_loop3A_573, %parallel_loop3A_593 : vector<16xf32>
        %parallel_loop3A_595 = vector.broadcast %convert_element_type3A_206 : f32 to vector<16xf32>
        %parallel_loop3A_596 = arith.minimumf %parallel_loop3A_594, %parallel_loop3A_595 : vector<16xf32>
        %parallel_loop3A_597 = arith.fptosi %parallel_loop3A_596 : vector<16xf32> to vector<16xi32>
        %parallel_loop3A_598 = arith.constant 45591 : i32
        %parallel_loop3A_599 = vector.broadcast %parallel_loop3A_598 : i32 to vector<16xi32>
        %parallel_loop3A_600 = arith.muli %parallel_loop3A_597, %parallel_loop3A_599 : vector<16xi32>
        %parallel_loop3A_601 = arith.constant 22 : i32
        %parallel_loop3A_602 = vector.broadcast %parallel_loop3A_601 : i32 to vector<16xi32>
        %parallel_loop3A_603 = arith.shrsi %parallel_loop3A_600, %parallel_loop3A_602 : vector<16xi32>
        %parallel_loop3A_604 = arith.constant 92 : i32
        %parallel_loop3A_605 = vector.broadcast %parallel_loop3A_604 : i32 to vector<16xi32>
        %parallel_loop3A_606 = arith.muli %parallel_loop3A_603, %parallel_loop3A_605 : vector<16xi32>
        %parallel_loop3A_607 = arith.subi %parallel_loop3A_597, %parallel_loop3A_606 : vector<16xi32>
        %parallel_loop3A_608 = arith.constant 384 : i32
        %parallel_loop3A_609 = vector.broadcast %parallel_loop3A_608 : i32 to vector<16xi32>
        %parallel_loop3A_610 = arith.muli %parallel_loop3A_607, %parallel_loop3A_609 : vector<16xi32>
        %parallel_loop3A_611 = arith.addi %parallel_loop3A_610, %parallel_loop3A_592 : vector<16xi32>
        %parallel_loop3A_612 = tpu.vector_load_idx %arg5[%parallel_loop3A_611] : memref<35328xf32, #tpu.memory_space<vmem>>[vector<16xi32>], vector<16xf32>,
        %parallel_loop3A_613 = arith.index_cast %parallel_loop3A_555 : i32 to index
        %parallel_loop3A_614 = tpu.vector_load %arg12[%parallel_loop3A_613] {strides = array<i32>} : memref<1536xf32, #tpu.memory_space<vmem>>, vector<16xf32>,
        %parallel_loop3A_615 = arith.subf %parallel_loop3A_614, %parallel_loop3A_612 : vector<16xf32>
        %parallel_loop3A_616 = arith.index_cast %parallel_loop3A_555 : i32 to index
        %parallel_loop3A_617 = tpu.vector_load %arg18[%parallel_loop3A_616] {strides = array<i32>} : memref<1536xf32, #tpu.memory_space<vmem>>, vector<16xf32>,
        tpu.vector_store %arg18[%parallel_loop3A_616], %parallel_loop3A_615 {strides = array<i32>} : memref<1536xf32, #tpu.memory_space<vmem>>, vector<16xf32>,
        %parallel_loop3A_618 = tpu.vector_load_idx %arg6[%parallel_loop3A_611] : memref<35328xf32, #tpu.memory_space<vmem>>[vector<16xi32>], vector<16xf32>,
        %parallel_loop3A_619 = arith.index_cast %parallel_loop3A_555 : i32 to index
        %parallel_loop3A_620 = tpu.vector_load %arg13[%parallel_loop3A_619] {strides = array<i32>} : memref<1536xf32, #tpu.memory_space<vmem>>, vector<16xf32>,
        %parallel_loop3A_621 = arith.subf %parallel_loop3A_620, %parallel_loop3A_618 : vector<16xf32>
        %parallel_loop3A_622 = arith.index_cast %parallel_loop3A_555 : i32 to index
        %parallel_loop3A_623 = tpu.vector_load %arg19[%parallel_loop3A_622] {strides = array<i32>} : memref<1536xf32, #tpu.memory_space<vmem>>, vector<16xf32>,
        tpu.vector_store %arg19[%parallel_loop3A_622], %parallel_loop3A_621 {strides = array<i32>} : memref<1536xf32, #tpu.memory_space<vmem>>, vector<16xf32>,
        %parallel_loop3A_624 = tpu.vector_load_idx %arg7[%parallel_loop3A_611] : memref<35328xf32, #tpu.memory_space<vmem>>[vector<16xi32>], vector<16xf32>,
        %parallel_loop3A_625 = arith.index_cast %parallel_loop3A_555 : i32 to index
        %parallel_loop3A_626 = tpu.vector_load %arg14[%parallel_loop3A_625] {strides = array<i32>} : memref<1536xf32, #tpu.memory_space<vmem>>, vector<16xf32>,
        %parallel_loop3A_627 = arith.subf %parallel_loop3A_626, %parallel_loop3A_624 : vector<16xf32>
        %parallel_loop3A_628 = arith.index_cast %parallel_loop3A_555 : i32 to index
        %parallel_loop3A_629 = tpu.vector_load %arg20[%parallel_loop3A_628] {strides = array<i32>} : memref<1536xf32, #tpu.memory_space<vmem>>, vector<16xf32>,
        tpu.vector_store %arg20[%parallel_loop3A_628], %parallel_loop3A_627 {strides = array<i32>} : memref<1536xf32, #tpu.memory_space<vmem>>, vector<16xf32>,
        %parallel_loop3A_630 = arith.minimumf %parallel_loop3A_551, %parallel_loop3A_573 : vector<16xf32>
        %parallel_loop3A_631 = arith.maximumf %parallel_loop3A_552, %parallel_loop3A_573 : vector<16xf32>
        scf.yield %parallel_loop3A_630, %parallel_loop3A_631 : vector<16xf32>, vector<16xf32>
      } {sc.loop_unroll_factor = 6 : i64, sc.parallel_access}
      %reduce_min3A = arith.constant true
      %reduce_min3A_539 = vector.broadcast %reduce_min3A : i1 to vector<16xi1>
      %reduce_min3A_540 = tpu.scan <min>, %parallel_loop3A_538#0 masked %reduce_min3A_539 : vector<16xf32>, vector<16xi1> -> vector<16xf32>
      %reduce_min3A_541 = vector.extract %reduce_min3A_540[15] : f32 from vector<16xf32>
      %lt3A_542 = arith.cmpf olt, %reduce_min3A_541, %convert_element_type3A_205 : f32
      %reduce_max3A = arith.constant true
      %reduce_max3A_543 = vector.broadcast %reduce_max3A : i1 to vector<16xi1>
      %reduce_max3A_544 = tpu.scan <max>, %parallel_loop3A_538#1 masked %reduce_max3A_543 : vector<16xf32>, vector<16xi1> -> vector<16xf32>
      %reduce_max3A_545 = vector.extract %reduce_max3A_544[15] : f32 from vector<16xf32>
      %gt3A = arith.cmpf ogt, %reduce_max3A_545, %convert_element_type3A_206 : f32
      %or3A = arith.ori %lt3A_542, %gt3A : i1
      %convert_element_type3A_546 = arith.extui %or3A : i1 to i32
      %cond3A_547 = arith.constant 0 : i32
      %cond3A_548 = arith.cmpi ne, %convert_element_type3A_546, %cond3A_547 : i32
      scf.if %cond3A_548 {
        %scan3A_550 = arith.constant 0 : i32
        %scan3A_551 = arith.constant 0 : i32
        %scan3A_552 = arith.constant 24 : i32
        %scan3A_553 = arith.addi %scan3A_551, %scan3A_552 : i32
        %scan3A_554 = arith.constant 1 : i32
        %scan3A_555 = scf.for %scan3A_594 = %scan3A_551 to %scan3A_553 step %scan3A_554 iter_args(%scan3A_595 = %scan3A_550) -> (i32)  : i32 {
          %mul3A_596 = arith.constant 16 : i32
          %mul3A_597 = arith.muli %scan3A_594, %mul3A_596 : i32
          %add3A_598 = arith.addi %mul3A_532, %mul3A_597 : i32
          %get3A = arith.index_cast %add3A_598 : i32 to index
          %get3A_599 = tpu.vector_load %arg8[%get3A] {strides = array<i32>} : memref<1536xf32, #tpu.memory_space<vmem>>, vector<16xf32>,
          %get3A_600 = arith.index_cast %add3A_598 : i32 to index
          %get3A_601 = tpu.vector_load %arg10[%get3A_600] {strides = array<i32>} : memref<1536xf32, #tpu.memory_space<vmem>>, vector<16xf32>,
          %add3A_602 = vector.broadcast %add3A_530 : f32 to vector<16xf32>
          %add3A_603 = arith.addf %get3A_599, %add3A_602 : vector<16xf32>
          %max3A = arith.constant 0.000000e+00 : f32
          %max3A_604 = vector.broadcast %max3A : f32 to vector<16xf32>
          %max3A_605 = arith.maximumf %add3A_603, %max3A_604 : vector<16xf32>
          %min3A = arith.constant 3.830000e+02 : f32
          %min3A_606 = vector.broadcast %min3A : f32 to vector<16xf32>
          %min3A_607 = arith.minimumf %max3A_605, %min3A_606 : vector<16xf32>
          %add3A_608 = arith.constant 0x4B000000 : f32
          %add3A_609 = vector.broadcast %add3A_608 : f32 to vector<16xf32>
          %add3A_610 = arith.addf %min3A_607, %add3A_609 : vector<16xf32>
          %sub3A_611 = arith.constant 0x4B000000 : f32
          %sub3A_612 = vector.broadcast %sub3A_611 : f32 to vector<16xf32>
          %sub3A_613 = arith.subf %add3A_610, %sub3A_612 : vector<16xf32>
          %mul3A_614 = arith.constant 16 : i32
          %mul3A_615 = arith.muli %scan3A_594, %mul3A_614 : i32
          %convert_element_type3A_616 = arith.sitofp %mul3A_615 : i32 to f32
          %add3A_617 = vector.broadcast %convert_element_type3A_616 : f32 to vector<16xf32>
          %add3A_618 = arith.addf %convert_element_type3A, %add3A_617 : vector<16xf32>
          %add3A_619 = arith.addf %get3A_601, %add3A_618 : vector<16xf32>
          %max3A_620 = arith.constant 0.000000e+00 : f32
          %max3A_621 = vector.broadcast %max3A_620 : f32 to vector<16xf32>
          %max3A_622 = arith.maximumf %add3A_619, %max3A_621 : vector<16xf32>
          %min3A_623 = arith.constant 3.830000e+02 : f32
          %min3A_624 = vector.broadcast %min3A_623 : f32 to vector<16xf32>
          %min3A_625 = arith.minimumf %max3A_622, %min3A_624 : vector<16xf32>
          %add3A_626 = arith.constant 0x4B000000 : f32
          %add3A_627 = vector.broadcast %add3A_626 : f32 to vector<16xf32>
          %add3A_628 = arith.addf %min3A_625, %add3A_627 : vector<16xf32>
          %sub3A_629 = arith.constant 0x4B000000 : f32
          %sub3A_630 = vector.broadcast %sub3A_629 : f32 to vector<16xf32>
          %sub3A_631 = arith.subf %add3A_628, %sub3A_630 : vector<16xf32>
          %mul3A_632 = arith.constant 3.840000e+02 : f32
          %mul3A_633 = vector.broadcast %mul3A_632 : f32 to vector<16xf32>
          %mul3A_634 = arith.mulf %sub3A_613, %mul3A_633 : vector<16xf32>
          %add3A_635 = arith.addf %mul3A_634, %sub3A_631 : vector<16xf32>
          %convert_element_type3A_636 = arith.fptosi %add3A_635 : vector<16xf32> to vector<16xi32>
          %mul3A_637 = arith.constant 16 : i32
          %mul3A_638 = arith.muli %scan3A_594, %mul3A_637 : i32
          %swap3A = arith.index_cast %mul3A_638 : i32 to index
          %swap3A_639 = tpu.vector_load %arg24[%swap3A] {strides = array<i32>} : memref<384xi32, #tpu.memory_space<vmem>>, vector<16xi32>,
          tpu.vector_store %arg24[%swap3A], %convert_element_type3A_636 {strides = array<i32>} : memref<384xi32, #tpu.memory_space<vmem>>, vector<16xi32>,
          %scan3A_640 = arith.constant 0 : i32
          scf.yield %scan3A_640 : i32
        }
        %scan3A_556 = arith.constant 24 : i32
        %dma_start3A_557 = tpu.memref_slice %arg18[%mul3A_532] : memref<1536xf32, #tpu.memory_space<vmem>> -> memref<384xf32, #tpu.memory_space<vmem>>
        %dma_start3A_558 = tpu.memref_slice %arg2[%mul3A_53] : memref<7962624xf32, #tpu.memory_space<hbm>> -> memref<147456xf32, #tpu.memory_space<hbm>>
        %dma_start3A_559 = arith.constant 0 : i32
        %dma_start3A_560 = tpu.memref_slice %dma_start3A_558[%dma_start3A_559] : memref<147456xf32, #tpu.memory_space<hbm>> -> memref<147456xf32, #tpu.memory_space<hbm>>
        tpu.enqueue_indirect_dma source(%dma_start3A_560 : memref<147456xf32, #tpu.memory_space<hbm>>) target(%dma_start3A_557 : memref<384xf32, #tpu.memory_space<vmem>>) offsets(%arg24 : memref<384xi32, #tpu.memory_space<vmem>>) semaphore(%arg30 : memref<!tpu.dma_semaphore, #tpu.memory_space<semaphore_mem>>)
        %dma_start3A_561 = tpu.memref_slice %arg19[%mul3A_532] : memref<1536xf32, #tpu.memory_space<vmem>> -> memref<384xf32, #tpu.memory_space<vmem>>
        %dma_start3A_562 = tpu.memref_slice %arg2[%mul3A_59] : memref<7962624xf32, #tpu.memory_space<hbm>> -> memref<147456xf32, #tpu.memory_space<hbm>>
        %dma_start3A_563 = arith.constant 0 : i32
        %dma_start3A_564 = tpu.memref_slice %dma_start3A_562[%dma_start3A_563] : memref<147456xf32, #tpu.memory_space<hbm>> -> memref<147456xf32, #tpu.memory_space<hbm>>
        tpu.enqueue_indirect_dma source(%dma_start3A_564 : memref<147456xf32, #tpu.memory_space<hbm>>) target(%dma_start3A_561 : memref<384xf32, #tpu.memory_space<vmem>>) offsets(%arg24 : memref<384xi32, #tpu.memory_space<vmem>>) semaphore(%arg30 : memref<!tpu.dma_semaphore, #tpu.memory_space<semaphore_mem>>)
        %dma_start3A_565 = tpu.memref_slice %arg20[%mul3A_532] : memref<1536xf32, #tpu.memory_space<vmem>> -> memref<384xf32, #tpu.memory_space<vmem>>
        %dma_start3A_566 = tpu.memref_slice %arg2[%mul3A_65] : memref<7962624xf32, #tpu.memory_space<hbm>> -> memref<147456xf32, #tpu.memory_space<hbm>>
        %dma_start3A_567 = arith.constant 0 : i32
        %dma_start3A_568 = tpu.memref_slice %dma_start3A_566[%dma_start3A_567] : memref<147456xf32, #tpu.memory_space<hbm>> -> memref<147456xf32, #tpu.memory_space<hbm>>
        tpu.enqueue_indirect_dma source(%dma_start3A_568 : memref<147456xf32, #tpu.memory_space<hbm>>) target(%dma_start3A_565 : memref<384xf32, #tpu.memory_space<vmem>>) offsets(%arg24 : memref<384xi32, #tpu.memory_space<vmem>>) semaphore(%arg30 : memref<!tpu.dma_semaphore, #tpu.memory_space<semaphore_mem>>)
        %dma_wait3A_569 = tpu.memref_slice %arg18[%mul3A_532] : memref<1536xf32, #tpu.memory_space<vmem>> -> memref<384xf32, #tpu.memory_space<vmem>>
        %dma_wait3A_570 = arith.constant 0 : i32
        %dma_wait3A_571 = tpu.memref_slice %arg2[%dma_wait3A_570] : memref<7962624xf32, #tpu.memory_space<hbm>> -> memref<384xf32, #tpu.memory_space<hbm>>
        %dma_wait3A_572 = tpu.memref_slice %arg18[%mul3A_532] : memref<1536xf32, #tpu.memory_space<vmem>> -> memref<384xf32, #tpu.memory_space<vmem>>
        %dma_wait3A_573 = arith.constant 0 : i32
        %dma_wait3A_574 = tpu.memref_slice %arg2[%dma_wait3A_573] : memref<7962624xf32, #tpu.memory_space<hbm>> -> memref<384xf32, #tpu.memory_space<hbm>>
        tpu.wait_dma2 semaphore(%arg30 : memref<!tpu.dma_semaphore, #tpu.memory_space<semaphore_mem>>) src(%dma_wait3A_574 : memref<384xf32, #tpu.memory_space<hbm>>) dst(%dma_wait3A_572 : memref<384xf32, #tpu.memory_space<vmem>>)
        %dma_wait3A_575 = tpu.memref_slice %arg19[%mul3A_532] : memref<1536xf32, #tpu.memory_space<vmem>> -> memref<384xf32, #tpu.memory_space<vmem>>
        %dma_wait3A_576 = arith.constant 0 : i32
        %dma_wait3A_577 = tpu.memref_slice %arg2[%dma_wait3A_576] : memref<7962624xf32, #tpu.memory_space<hbm>> -> memref<384xf32, #tpu.memory_space<hbm>>
        %dma_wait3A_578 = tpu.memref_slice %arg19[%mul3A_532] : memref<1536xf32, #tpu.memory_space<vmem>> -> memref<384xf32, #tpu.memory_space<vmem>>
        %dma_wait3A_579 = arith.constant 0 : i32
        %dma_wait3A_580 = tpu.memref_slice %arg2[%dma_wait3A_579] : memref<7962624xf32, #tpu.memory_space<hbm>> -> memref<384xf32, #tpu.memory_space<hbm>>
        tpu.wait_dma2 semaphore(%arg30 : memref<!tpu.dma_semaphore, #tpu.memory_space<semaphore_mem>>) src(%dma_wait3A_580 : memref<384xf32, #tpu.memory_space<hbm>>) dst(%dma_wait3A_578 : memref<384xf32, #tpu.memory_space<vmem>>)
        %dma_wait3A_581 = tpu.memref_slice %arg20[%mul3A_532] : memref<1536xf32, #tpu.memory_space<vmem>> -> memref<384xf32, #tpu.memory_space<vmem>>
        %dma_wait3A_582 = arith.constant 0 : i32
        %dma_wait3A_583 = tpu.memref_slice %arg2[%dma_wait3A_582] : memref<7962624xf32, #tpu.memory_space<hbm>> -> memref<384xf32, #tpu.memory_space<hbm>>
        %dma_wait3A_584 = tpu.memref_slice %arg20[%mul3A_532] : memref<1536xf32, #tpu.memory_space<vmem>> -> memref<384xf32, #tpu.memory_space<vmem>>
        %dma_wait3A_585 = arith.constant 0 : i32
        %dma_wait3A_586 = tpu.memref_slice %arg2[%dma_wait3A_585] : memref<7962624xf32, #tpu.memory_space<hbm>> -> memref<384xf32, #tpu.memory_space<hbm>>
        tpu.wait_dma2 semaphore(%arg30 : memref<!tpu.dma_semaphore, #tpu.memory_space<semaphore_mem>>) src(%dma_wait3A_586 : memref<384xf32, #tpu.memory_space<hbm>>) dst(%dma_wait3A_584 : memref<384xf32, #tpu.memory_space<vmem>>)
        %scan3A_587 = arith.constant 0 : i32
        %scan3A_588 = arith.constant 0 : i32
        %scan3A_589 = arith.constant 24 : i32
        %scan3A_590 = arith.addi %scan3A_588, %scan3A_589 : i32
        %scan3A_591 = arith.constant 1 : i32
        %scan3A_592 = scf.for %scan3A_594 = %scan3A_588 to %scan3A_590 step %scan3A_591 iter_args(%scan3A_595 = %scan3A_587) -> (i32)  : i32 {
          %mul3A_596 = arith.constant 16 : i32
          %mul3A_597 = arith.muli %scan3A_594, %mul3A_596 : i32
          %add3A_598 = arith.addi %mul3A_532, %mul3A_597 : i32
          %get3A = arith.index_cast %add3A_598 : i32 to index
          %get3A_599 = tpu.vector_load %arg12[%get3A] {strides = array<i32>} : memref<1536xf32, #tpu.memory_space<vmem>>, vector<16xf32>,
          %get3A_600 = arith.index_cast %add3A_598 : i32 to index
          %get3A_601 = tpu.vector_load %arg18[%get3A_600] {strides = array<i32>} : memref<1536xf32, #tpu.memory_space<vmem>>, vector<16xf32>,
          %sub3A_602 = arith.subf %get3A_599, %get3A_601 : vector<16xf32>
          %swap3A = arith.index_cast %add3A_598 : i32 to index
          %swap3A_603 = tpu.vector_load %arg18[%swap3A] {strides = array<i32>} : memref<1536xf32, #tpu.memory_space<vmem>>, vector<16xf32>,
          tpu.vector_store %arg18[%swap3A], %sub3A_602 {strides = array<i32>} : memref<1536xf32, #tpu.memory_space<vmem>>, vector<16xf32>,
          %get3A_604 = arith.index_cast %add3A_598 : i32 to index
          %get3A_605 = tpu.vector_load %arg13[%get3A_604] {strides = array<i32>} : memref<1536xf32, #tpu.memory_space<vmem>>, vector<16xf32>,
          %get3A_606 = arith.index_cast %add3A_598 : i32 to index
          %get3A_607 = tpu.vector_load %arg19[%get3A_606] {strides = array<i32>} : memref<1536xf32, #tpu.memory_space<vmem>>, vector<16xf32>,
          %sub3A_608 = arith.subf %get3A_605, %get3A_607 : vector<16xf32>
          %swap3A_609 = arith.index_cast %add3A_598 : i32 to index
          %swap3A_610 = tpu.vector_load %arg19[%swap3A_609] {strides = array<i32>} : memref<1536xf32, #tpu.memory_space<vmem>>, vector<16xf32>,
          tpu.vector_store %arg19[%swap3A_609], %sub3A_608 {strides = array<i32>} : memref<1536xf32, #tpu.memory_space<vmem>>, vector<16xf32>,
          %get3A_611 = arith.index_cast %add3A_598 : i32 to index
          %get3A_612 = tpu.vector_load %arg14[%get3A_611] {strides = array<i32>} : memref<1536xf32, #tpu.memory_space<vmem>>, vector<16xf32>,
          %get3A_613 = arith.index_cast %add3A_598 : i32 to index
          %get3A_614 = tpu.vector_load %arg20[%get3A_613] {strides = array<i32>} : memref<1536xf32, #tpu.memory_space<vmem>>, vector<16xf32>,
          %sub3A_615 = arith.subf %get3A_612, %get3A_614 : vector<16xf32>
          %swap3A_616 = arith.index_cast %add3A_598 : i32 to index
          %swap3A_617 = tpu.vector_load %arg20[%swap3A_616] {strides = array<i32>} : memref<1536xf32, #tpu.memory_space<vmem>>, vector<16xf32>,
          tpu.vector_store %arg20[%swap3A_616], %sub3A_615 {strides = array<i32>} : memref<1536xf32, #tpu.memory_space<vmem>>, vector<16xf32>,
          %scan3A_618 = arith.constant 0 : i32
          scf.yield %scan3A_618 : i32
        }
        %scan3A_593 = arith.constant 24 : i32
      } else {
      }
      %scan3A_549 = arith.constant 0 : i32
      scf.yield %scan3A_549 : i32
    }
    %scan3A_279 = arith.constant 4 : i32
    %mul3A_280 = arith.constant 384 : i32
    %mul3A_281 = arith.muli %mul3A_191, %mul3A_280 : i32
    %add3A_282 = arith.addi %mul3A_87, %mul3A_281 : i32
    %dma_start3A_283 = tpu.memref_slice %arg4[%add3A_282] : memref<14155776xf32, #tpu.memory_space<hbm>> -> memref<1536xf32, #tpu.memory_space<hbm>>
    %dma_start3A_284 = tpu.memref_slice %arg4[%add3A_282] : memref<14155776xf32, #tpu.memory_space<hbm>> -> memref<1536xf32, #tpu.memory_space<hbm>>
    tpu.enqueue_dma source(%arg18 : memref<1536xf32, #tpu.memory_space<vmem>>) target(%dma_start3A_284 : memref<1536xf32, #tpu.memory_space<hbm>>) target_semaphore(%arg28 : memref<!tpu.dma_semaphore, #tpu.memory_space<semaphore_mem>>)
    %mul3A_285 = arith.constant 384 : i32
    %mul3A_286 = arith.muli %mul3A_191, %mul3A_285 : i32
    %add3A_287 = arith.addi %mul3A_91, %mul3A_286 : i32
    %dma_start3A_288 = tpu.memref_slice %arg4[%add3A_287] : memref<14155776xf32, #tpu.memory_space<hbm>> -> memref<1536xf32, #tpu.memory_space<hbm>>
    %dma_start3A_289 = tpu.memref_slice %arg4[%add3A_287] : memref<14155776xf32, #tpu.memory_space<hbm>> -> memref<1536xf32, #tpu.memory_space<hbm>>
    tpu.enqueue_dma source(%arg19 : memref<1536xf32, #tpu.memory_space<vmem>>) target(%dma_start3A_289 : memref<1536xf32, #tpu.memory_space<hbm>>) target_semaphore(%arg28 : memref<!tpu.dma_semaphore, #tpu.memory_space<semaphore_mem>>)
    %mul3A_290 = arith.constant 384 : i32
    %mul3A_291 = arith.muli %mul3A_191, %mul3A_290 : i32
    %add3A_292 = arith.addi %mul3A_95, %mul3A_291 : i32
    %dma_start3A_293 = tpu.memref_slice %arg4[%add3A_292] : memref<14155776xf32, #tpu.memory_space<hbm>> -> memref<1536xf32, #tpu.memory_space<hbm>>
    %dma_start3A_294 = tpu.memref_slice %arg4[%add3A_292] : memref<14155776xf32, #tpu.memory_space<hbm>> -> memref<1536xf32, #tpu.memory_space<hbm>>
    tpu.enqueue_dma source(%arg20 : memref<1536xf32, #tpu.memory_space<vmem>>) target(%dma_start3A_294 : memref<1536xf32, #tpu.memory_space<hbm>>) target_semaphore(%arg28 : memref<!tpu.dma_semaphore, #tpu.memory_space<semaphore_mem>>)
    %scan3A_295 = arith.constant 0 : i32
    %scan3A_296 = arith.constant 0 : i32
    %scan3A_297 = arith.constant 47 : i32
    %scan3A_298 = arith.addi %scan3A_296, %scan3A_297 : i32
    %scan3A_299 = arith.constant 1 : i32
    %scan3A_300 = scf.for %scan3A_527 = %scan3A_296 to %scan3A_298 step %scan3A_299 iter_args(%scan3A_528 = %scan3A_295) -> (i32)  : i32 {
      %mul3A_529 = arith.constant 2 : i32
      %mul3A_530 = arith.muli %mul3A_529, %scan3A_527 : i32
      %add3A_531 = arith.constant 1 : i32
      %add3A_532 = arith.addi %mul3A_530, %add3A_531 : i32
      %dma_wait3A_533 = arith.constant 0 : i32
      %dma_wait3A_534 = tpu.memref_slice %arg5[%dma_wait3A_533] : memref<35328xf32, #tpu.memory_space<vmem>> -> memref<1536xf32, #tpu.memory_space<vmem>>
      %dma_wait3A_535 = arith.constant 0 : i32
      %dma_wait3A_536 = tpu.memref_slice %arg2[%dma_wait3A_535] : memref<7962624xf32, #tpu.memory_space<hbm>> -> memref<1536xf32, #tpu.memory_space<hbm>>
      %dma_wait3A_537 = arith.constant 0 : i32
      %dma_wait3A_538 = tpu.memref_slice %arg5[%dma_wait3A_537] : memref<35328xf32, #tpu.memory_space<vmem>> -> memref<1536xf32, #tpu.memory_space<vmem>>
      %dma_wait3A_539 = arith.constant 0 : i32
      %dma_wait3A_540 = tpu.memref_slice %arg2[%dma_wait3A_539] : memref<7962624xf32, #tpu.memory_space<hbm>> -> memref<1536xf32, #tpu.memory_space<hbm>>
      tpu.wait_dma2 semaphore(%arg25 : memref<!tpu.dma_semaphore, #tpu.memory_space<semaphore_mem>>) src(%dma_wait3A_540 : memref<1536xf32, #tpu.memory_space<hbm>>) dst(%dma_wait3A_538 : memref<1536xf32, #tpu.memory_space<vmem>>)
      %dma_wait3A_541 = arith.constant 0 : i32
      %dma_wait3A_542 = tpu.memref_slice %arg6[%dma_wait3A_541] : memref<35328xf32, #tpu.memory_space<vmem>> -> memref<1536xf32, #tpu.memory_space<vmem>>
      %dma_wait3A_543 = arith.constant 0 : i32
      %dma_wait3A_544 = tpu.memref_slice %arg2[%dma_wait3A_543] : memref<7962624xf32, #tpu.memory_space<hbm>> -> memref<1536xf32, #tpu.memory_space<hbm>>
      %dma_wait3A_545 = arith.constant 0 : i32
      %dma_wait3A_546 = tpu.memref_slice %arg6[%dma_wait3A_545] : memref<35328xf32, #tpu.memory_space<vmem>> -> memref<1536xf32, #tpu.memory_space<vmem>>
      %dma_wait3A_547 = arith.constant 0 : i32
      %dma_wait3A_548 = tpu.memref_slice %arg2[%dma_wait3A_547] : memref<7962624xf32, #tpu.memory_space<hbm>> -> memref<1536xf32, #tpu.memory_space<hbm>>
      tpu.wait_dma2 semaphore(%arg25 : memref<!tpu.dma_semaphore, #tpu.memory_space<semaphore_mem>>) src(%dma_wait3A_548 : memref<1536xf32, #tpu.memory_space<hbm>>) dst(%dma_wait3A_546 : memref<1536xf32, #tpu.memory_space<vmem>>)
      %dma_wait3A_549 = arith.constant 0 : i32
      %dma_wait3A_550 = tpu.memref_slice %arg7[%dma_wait3A_549] : memref<35328xf32, #tpu.memory_space<vmem>> -> memref<1536xf32, #tpu.memory_space<vmem>>
      %dma_wait3A_551 = arith.constant 0 : i32
      %dma_wait3A_552 = tpu.memref_slice %arg2[%dma_wait3A_551] : memref<7962624xf32, #tpu.memory_space<hbm>> -> memref<1536xf32, #tpu.memory_space<hbm>>
      %dma_wait3A_553 = arith.constant 0 : i32
      %dma_wait3A_554 = tpu.memref_slice %arg7[%dma_wait3A_553] : memref<35328xf32, #tpu.memory_space<vmem>> -> memref<1536xf32, #tpu.memory_space<vmem>>
      %dma_wait3A_555 = arith.constant 0 : i32
      %dma_wait3A_556 = tpu.memref_slice %arg2[%dma_wait3A_555] : memref<7962624xf32, #tpu.memory_space<hbm>> -> memref<1536xf32, #tpu.memory_space<hbm>>
      tpu.wait_dma2 semaphore(%arg25 : memref<!tpu.dma_semaphore, #tpu.memory_space<semaphore_mem>>) src(%dma_wait3A_556 : memref<1536xf32, #tpu.memory_space<hbm>>) dst(%dma_wait3A_554 : memref<1536xf32, #tpu.memory_space<vmem>>)
      %dma_wait3A_557 = arith.constant 0 : i32
      %dma_wait3A_558 = tpu.memref_slice %arg3[%dma_wait3A_557] : memref<9437184xf32, #tpu.memory_space<hbm>> -> memref<1536xf32, #tpu.memory_space<hbm>>
      %dma_wait3A_559 = arith.constant 0 : i32
      %dma_wait3A_560 = tpu.memref_slice %arg3[%dma_wait3A_559] : memref<9437184xf32, #tpu.memory_space<hbm>> -> memref<1536xf32, #tpu.memory_space<hbm>>
      tpu.wait_dma2 semaphore(%arg26 : memref<!tpu.dma_semaphore, #tpu.memory_space<semaphore_mem>>) src(%dma_wait3A_560 : memref<1536xf32, #tpu.memory_space<hbm>>) dst(%arg9 : memref<1536xf32, #tpu.memory_space<vmem>>)
      %dma_wait3A_561 = arith.constant 0 : i32
      %dma_wait3A_562 = tpu.memref_slice %arg3[%dma_wait3A_561] : memref<9437184xf32, #tpu.memory_space<hbm>> -> memref<1536xf32, #tpu.memory_space<hbm>>
      %dma_wait3A_563 = arith.constant 0 : i32
      %dma_wait3A_564 = tpu.memref_slice %arg3[%dma_wait3A_563] : memref<9437184xf32, #tpu.memory_space<hbm>> -> memref<1536xf32, #tpu.memory_space<hbm>>
      tpu.wait_dma2 semaphore(%arg26 : memref<!tpu.dma_semaphore, #tpu.memory_space<semaphore_mem>>) src(%dma_wait3A_564 : memref<1536xf32, #tpu.memory_space<hbm>>) dst(%arg11 : memref<1536xf32, #tpu.memory_space<vmem>>)
      %dma_wait3A_565 = arith.constant 0 : i32
      %dma_wait3A_566 = tpu.memref_slice %arg2[%dma_wait3A_565] : memref<7962624xf32, #tpu.memory_space<hbm>> -> memref<1536xf32, #tpu.memory_space<hbm>>
      %dma_wait3A_567 = arith.constant 0 : i32
      %dma_wait3A_568 = tpu.memref_slice %arg2[%dma_wait3A_567] : memref<7962624xf32, #tpu.memory_space<hbm>> -> memref<1536xf32, #tpu.memory_space<hbm>>
      tpu.wait_dma2 semaphore(%arg27 : memref<!tpu.dma_semaphore, #tpu.memory_space<semaphore_mem>>) src(%dma_wait3A_568 : memref<1536xf32, #tpu.memory_space<hbm>>) dst(%arg15 : memref<1536xf32, #tpu.memory_space<vmem>>)
      %dma_wait3A_569 = arith.constant 0 : i32
      %dma_wait3A_570 = tpu.memref_slice %arg2[%dma_wait3A_569] : memref<7962624xf32, #tpu.memory_space<hbm>> -> memref<1536xf32, #tpu.memory_space<hbm>>
      %dma_wait3A_571 = arith.constant 0 : i32
      %dma_wait3A_572 = tpu.memref_slice %arg2[%dma_wait3A_571] : memref<7962624xf32, #tpu.memory_space<hbm>> -> memref<1536xf32, #tpu.memory_space<hbm>>
      tpu.wait_dma2 semaphore(%arg27 : memref<!tpu.dma_semaphore, #tpu.memory_space<semaphore_mem>>) src(%dma_wait3A_572 : memref<1536xf32, #tpu.memory_space<hbm>>) dst(%arg16 : memref<1536xf32, #tpu.memory_space<vmem>>)
      %dma_wait3A_573 = arith.constant 0 : i32
      %dma_wait3A_574 = tpu.memref_slice %arg2[%dma_wait3A_573] : memref<7962624xf32, #tpu.memory_space<hbm>> -> memref<1536xf32, #tpu.memory_space<hbm>>
      %dma_wait3A_575 = arith.constant 0 : i32
      %dma_wait3A_576 = tpu.memref_slice %arg2[%dma_wait3A_575] : memref<7962624xf32, #tpu.memory_space<hbm>> -> memref<1536xf32, #tpu.memory_space<hbm>>
      tpu.wait_dma2 semaphore(%arg27 : memref<!tpu.dma_semaphore, #tpu.memory_space<semaphore_mem>>) src(%dma_wait3A_576 : memref<1536xf32, #tpu.memory_space<hbm>>) dst(%arg17 : memref<1536xf32, #tpu.memory_space<vmem>>)
      %mul3A_577 = arith.constant 4 : i32
      %mul3A_578 = arith.muli %add3A_532, %mul3A_577 : i32
      %ge3A_579 = arith.constant 40 : i32
      %ge3A_580 = arith.cmpi sge, %mul3A_578, %ge3A_579 : i32
      %sub3A_581 = arith.constant 40 : i32
      %sub3A_582 = arith.subi %mul3A_578, %sub3A_581 : i32
      %jit3A_583 = arith.constant 0 : i32
      %select_n3A_584 = arith.select %ge3A_580, %sub3A_582, %jit3A_583 : i32
      %add3A_585 = arith.constant 47 : i32
      %add3A_586 = arith.addi %mul3A_578, %add3A_585 : i32
      %le3A_587 = arith.constant 383 : i32
      %le3A_588 = arith.cmpi sle, %add3A_586, %le3A_587 : i32
      %add3A_589 = arith.constant 47 : i32
      %add3A_590 = arith.addi %mul3A_578, %add3A_589 : i32
      %jit3A_591 = arith.constant 383 : i32
      %select_n3A_592 = arith.select %le3A_588, %add3A_590, %jit3A_591 : i32
      %convert_element_type3A_593 = arith.sitofp %select_n3A_584 : i32 to f32
      %convert_element_type3A_594 = arith.sitofp %select_n3A_592 : i32 to f32
      %convert_element_type3A_595 = arith.sitofp %mul3A_578 : i32 to f32
      %mul3A_596 = arith.constant 4 : i32
      %mul3A_597 = arith.muli %add3A_532, %mul3A_596 : i32
      %add3A_598 = arith.constant 48 : i32
      %add3A_599 = arith.addi %mul3A_597, %add3A_598 : i32
      %le3A_600 = arith.constant 380 : i32
      %le3A_601 = arith.cmpi sle, %add3A_599, %le3A_600 : i32
      %add3A_602 = arith.constant 48 : i32
      %add3A_603 = arith.addi %mul3A_597, %add3A_602 : i32
      %jit3A_604 = arith.constant 380 : i32
      %select_n3A_605 = arith.select %le3A_601, %add3A_603, %jit3A_604 : i32
      %rem3A_606 = arith.constant 92 : i32
      %rem3A_607 = arith.remsi %select_n3A_605, %rem3A_606 : i32
      %mul3A_608 = arith.constant 384 : i32
      %mul3A_609 = arith.muli %select_n3A_605, %mul3A_608 : i32
      %add3A_610 = arith.addi %mul3A_53, %mul3A_609 : i32
      %mul3A_611 = arith.constant 384 : i32
      %mul3A_612 = arith.muli %rem3A_607, %mul3A_611 : i32
      %dma_start3A_613 = tpu.memref_slice %arg5[%mul3A_612] : memref<35328xf32, #tpu.memory_space<vmem>> -> memref<1536xf32, #tpu.memory_space<vmem>>
      %dma_start3A_614 = tpu.memref_slice %arg2[%add3A_610] : memref<7962624xf32, #tpu.memory_space<hbm>> -> memref<1536xf32, #tpu.memory_space<hbm>>
      %dma_start3A_615 = tpu.memref_slice %arg5[%mul3A_612] : memref<35328xf32, #tpu.memory_space<vmem>> -> memref<1536xf32, #tpu.memory_space<vmem>>
      %dma_start3A_616 = tpu.memref_slice %arg2[%add3A_610] : memref<7962624xf32, #tpu.memory_space<hbm>> -> memref<1536xf32, #tpu.memory_space<hbm>>
      tpu.enqueue_dma source(%dma_start3A_616 : memref<1536xf32, #tpu.memory_space<hbm>>) target(%dma_start3A_615 : memref<1536xf32, #tpu.memory_space<vmem>>) target_semaphore(%arg25 : memref<!tpu.dma_semaphore, #tpu.memory_space<semaphore_mem>>)
      %mul3A_617 = arith.constant 384 : i32
      %mul3A_618 = arith.muli %select_n3A_605, %mul3A_617 : i32
      %add3A_619 = arith.addi %mul3A_59, %mul3A_618 : i32
      %mul3A_620 = arith.constant 384 : i32
      %mul3A_621 = arith.muli %rem3A_607, %mul3A_620 : i32
      %dma_start3A_622 = tpu.memref_slice %arg6[%mul3A_621] : memref<35328xf32, #tpu.memory_space<vmem>> -> memref<1536xf32, #tpu.memory_space<vmem>>
      %dma_start3A_623 = tpu.memref_slice %arg2[%add3A_619] : memref<7962624xf32, #tpu.memory_space<hbm>> -> memref<1536xf32, #tpu.memory_space<hbm>>
      %dma_start3A_624 = tpu.memref_slice %arg6[%mul3A_621] : memref<35328xf32, #tpu.memory_space<vmem>> -> memref<1536xf32, #tpu.memory_space<vmem>>
      %dma_start3A_625 = tpu.memref_slice %arg2[%add3A_619] : memref<7962624xf32, #tpu.memory_space<hbm>> -> memref<1536xf32, #tpu.memory_space<hbm>>
      tpu.enqueue_dma source(%dma_start3A_625 : memref<1536xf32, #tpu.memory_space<hbm>>) target(%dma_start3A_624 : memref<1536xf32, #tpu.memory_space<vmem>>) target_semaphore(%arg25 : memref<!tpu.dma_semaphore, #tpu.memory_space<semaphore_mem>>)
      %mul3A_626 = arith.constant 384 : i32
      %mul3A_627 = arith.muli %select_n3A_605, %mul3A_626 : i32
      %add3A_628 = arith.addi %mul3A_65, %mul3A_627 : i32
      %mul3A_629 = arith.constant 384 : i32
      %mul3A_630 = arith.muli %rem3A_607, %mul3A_629 : i32
      %dma_start3A_631 = tpu.memref_slice %arg7[%mul3A_630] : memref<35328xf32, #tpu.memory_space<vmem>> -> memref<1536xf32, #tpu.memory_space<vmem>>
      %dma_start3A_632 = tpu.memref_slice %arg2[%add3A_628] : memref<7962624xf32, #tpu.memory_space<hbm>> -> memref<1536xf32, #tpu.memory_space<hbm>>
      %dma_start3A_633 = tpu.memref_slice %arg7[%mul3A_630] : memref<35328xf32, #tpu.memory_space<vmem>> -> memref<1536xf32, #tpu.memory_space<vmem>>
      %dma_start3A_634 = tpu.memref_slice %arg2[%add3A_628] : memref<7962624xf32, #tpu.memory_space<hbm>> -> memref<1536xf32, #tpu.memory_space<hbm>>
      tpu.enqueue_dma source(%dma_start3A_634 : memref<1536xf32, #tpu.memory_space<hbm>>) target(%dma_start3A_633 : memref<1536xf32, #tpu.memory_space<vmem>>) target_semaphore(%arg25 : memref<!tpu.dma_semaphore, #tpu.memory_space<semaphore_mem>>)
      %add3A_635 = arith.constant 1 : i32
      %add3A_636 = arith.addi %add3A_532, %add3A_635 : i32
      %mul3A_637 = arith.constant 4 : i32
      %mul3A_638 = arith.muli %add3A_636, %mul3A_637 : i32
      %le3A_639 = arith.constant 380 : i32
      %le3A_640 = arith.cmpi sle, %mul3A_638, %le3A_639 : i32
      %jit3A_641 = arith.constant 380 : i32
      %select_n3A_642 = arith.select %le3A_640, %mul3A_638, %jit3A_641 : i32
      %mul3A_643 = arith.constant 384 : i32
      %mul3A_644 = arith.muli %select_n3A_642, %mul3A_643 : i32
      %add3A_645 = arith.addi %mul3A_99, %mul3A_644 : i32
      %dma_start3A_646 = tpu.memref_slice %arg3[%add3A_645] : memref<9437184xf32, #tpu.memory_space<hbm>> -> memref<1536xf32, #tpu.memory_space<hbm>>
      %dma_start3A_647 = tpu.memref_slice %arg3[%add3A_645] : memref<9437184xf32, #tpu.memory_space<hbm>> -> memref<1536xf32, #tpu.memory_space<hbm>>
      tpu.enqueue_dma source(%dma_start3A_647 : memref<1536xf32, #tpu.memory_space<hbm>>) target(%arg8 : memref<1536xf32, #tpu.memory_space<vmem>>) target_semaphore(%arg26 : memref<!tpu.dma_semaphore, #tpu.memory_space<semaphore_mem>>)
      %add3A_648 = arith.addi %mul3A_105, %mul3A_644 : i32
      %dma_start3A_649 = tpu.memref_slice %arg3[%add3A_648] : memref<9437184xf32, #tpu.memory_space<hbm>> -> memref<1536xf32, #tpu.memory_space<hbm>>
      %dma_start3A_650 = tpu.memref_slice %arg3[%add3A_648] : memref<9437184xf32, #tpu.memory_space<hbm>> -> memref<1536xf32, #tpu.memory_space<hbm>>
      tpu.enqueue_dma source(%dma_start3A_650 : memref<1536xf32, #tpu.memory_space<hbm>>) target(%arg10 : memref<1536xf32, #tpu.memory_space<vmem>>) target_semaphore(%arg26 : memref<!tpu.dma_semaphore, #tpu.memory_space<semaphore_mem>>)
      %add3A_651 = arith.addi %mul3A_71, %mul3A_644 : i32
      %dma_start3A_652 = tpu.memref_slice %arg2[%add3A_651] : memref<7962624xf32, #tpu.memory_space<hbm>> -> memref<1536xf32, #tpu.memory_space<hbm>>
      %dma_start3A_653 = tpu.memref_slice %arg2[%add3A_651] : memref<7962624xf32, #tpu.memory_space<hbm>> -> memref<1536xf32, #tpu.memory_space<hbm>>
      tpu.enqueue_dma source(%dma_start3A_653 : memref<1536xf32, #tpu.memory_space<hbm>>) target(%arg12 : memref<1536xf32, #tpu.memory_space<vmem>>) target_semaphore(%arg27 : memref<!tpu.dma_semaphore, #tpu.memory_space<semaphore_mem>>)
      %add3A_654 = arith.addi %mul3A_77, %mul3A_644 : i32
      %dma_start3A_655 = tpu.memref_slice %arg2[%add3A_654] : memref<7962624xf32, #tpu.memory_space<hbm>> -> memref<1536xf32, #tpu.memory_space<hbm>>
      %dma_start3A_656 = tpu.memref_slice %arg2[%add3A_654] : memref<7962624xf32, #tpu.memory_space<hbm>> -> memref<1536xf32, #tpu.memory_space<hbm>>
      tpu.enqueue_dma source(%dma_start3A_656 : memref<1536xf32, #tpu.memory_space<hbm>>) target(%arg13 : memref<1536xf32, #tpu.memory_space<vmem>>) target_semaphore(%arg27 : memref<!tpu.dma_semaphore, #tpu.memory_space<semaphore_mem>>)
      %add3A_657 = arith.addi %mul3A_83, %mul3A_644 : i32
      %dma_start3A_658 = tpu.memref_slice %arg2[%add3A_657] : memref<7962624xf32, #tpu.memory_space<hbm>> -> memref<1536xf32, #tpu.memory_space<hbm>>
      %dma_start3A_659 = tpu.memref_slice %arg2[%add3A_657] : memref<7962624xf32, #tpu.memory_space<hbm>> -> memref<1536xf32, #tpu.memory_space<hbm>>
      tpu.enqueue_dma source(%dma_start3A_659 : memref<1536xf32, #tpu.memory_space<hbm>>) target(%arg14 : memref<1536xf32, #tpu.memory_space<vmem>>) target_semaphore(%arg27 : memref<!tpu.dma_semaphore, #tpu.memory_space<semaphore_mem>>)
      %ge3A_660 = arith.constant 2 : i32
      %ge3A_661 = arith.cmpi sge, %add3A_532, %ge3A_660 : i32
      %convert_element_type3A_662 = arith.extui %ge3A_661 : i1 to i32
      %cond3A_663 = arith.constant 0 : i32
      %cond3A_664 = arith.cmpi ne, %convert_element_type3A_662, %cond3A_663 : i32
      scf.if %cond3A_664 {
        %mul3A_844 = arith.constant 384 : i32
        %mul3A_845 = arith.muli %mul3A_578, %mul3A_844 : i32
        %add3A_846 = arith.addi %mul3A_87, %mul3A_845 : i32
        %dma_wait3A_847 = tpu.memref_slice %arg4[%add3A_846] : memref<14155776xf32, #tpu.memory_space<hbm>> -> memref<1536xf32, #tpu.memory_space<hbm>>
        %dma_wait3A_848 = tpu.memref_slice %arg4[%add3A_846] : memref<14155776xf32, #tpu.memory_space<hbm>> -> memref<1536xf32, #tpu.memory_space<hbm>>
        tpu.wait_dma2 semaphore(%arg29 : memref<!tpu.dma_semaphore, #tpu.memory_space<semaphore_mem>>) src(%arg21 : memref<1536xf32, #tpu.memory_space<vmem>>) dst(%dma_wait3A_848 : memref<1536xf32, #tpu.memory_space<hbm>>)
        %mul3A_849 = arith.constant 384 : i32
        %mul3A_850 = arith.muli %mul3A_578, %mul3A_849 : i32
        %add3A_851 = arith.addi %mul3A_91, %mul3A_850 : i32
        %dma_wait3A_852 = tpu.memref_slice %arg4[%add3A_851] : memref<14155776xf32, #tpu.memory_space<hbm>> -> memref<1536xf32, #tpu.memory_space<hbm>>
        %dma_wait3A_853 = tpu.memref_slice %arg4[%add3A_851] : memref<14155776xf32, #tpu.memory_space<hbm>> -> memref<1536xf32, #tpu.memory_space<hbm>>
        tpu.wait_dma2 semaphore(%arg29 : memref<!tpu.dma_semaphore, #tpu.memory_space<semaphore_mem>>) src(%arg22 : memref<1536xf32, #tpu.memory_space<vmem>>) dst(%dma_wait3A_853 : memref<1536xf32, #tpu.memory_space<hbm>>)
        %mul3A_854 = arith.constant 384 : i32
        %mul3A_855 = arith.muli %mul3A_578, %mul3A_854 : i32
        %add3A_856 = arith.addi %mul3A_95, %mul3A_855 : i32
        %dma_wait3A_857 = tpu.memref_slice %arg4[%add3A_856] : memref<14155776xf32, #tpu.memory_space<hbm>> -> memref<1536xf32, #tpu.memory_space<hbm>>
        %dma_wait3A_858 = tpu.memref_slice %arg4[%add3A_856] : memref<14155776xf32, #tpu.memory_space<hbm>> -> memref<1536xf32, #tpu.memory_space<hbm>>
        tpu.wait_dma2 semaphore(%arg29 : memref<!tpu.dma_semaphore, #tpu.memory_space<semaphore_mem>>) src(%arg23 : memref<1536xf32, #tpu.memory_space<vmem>>) dst(%dma_wait3A_858 : memref<1536xf32, #tpu.memory_space<hbm>>)
      } else {
      }
      %scan3A_665 = arith.constant 0 : i32
      %scan3A_666 = arith.constant 0 : i32
      %scan3A_667 = arith.constant 4 : i32
      %scan3A_668 = arith.addi %scan3A_666, %scan3A_667 : i32
      %scan3A_669 = arith.constant 1 : i32
      %scan3A_670 = scf.for %scan3A_844 = %scan3A_666 to %scan3A_668 step %scan3A_669 iter_args(%scan3A_845 = %scan3A_665) -> (i32)  : i32 {
        %convert_element_type3A_846 = arith.sitofp %scan3A_844 : i32 to f32
        %add3A_847 = arith.addf %convert_element_type3A_595, %convert_element_type3A_846 : f32
        %mul3A_848 = arith.constant 384 : i32
        %mul3A_849 = arith.muli %scan3A_844, %mul3A_848 : i32
        %broadcast_in_dim3A = arith.constant 3.840000e+02 : f32
        %broadcast_in_dim3A_850 = vector.broadcast %broadcast_in_dim3A : f32 to vector<16xf32>
        %broadcast_in_dim3A_851 = arith.constant -1.000000e+00 : f32
        %broadcast_in_dim3A_852 = vector.broadcast %broadcast_in_dim3A_851 : f32 to vector<16xf32>
        %parallel_loop3A = arith.constant 0 : i32
        %parallel_loop3A_853 = arith.constant 24 : i32
        %parallel_loop3A_854 = arith.constant 1 : i32
        %parallel_loop3A_855:2 = scf.for %parallel_loop3A_867 = %parallel_loop3A to %parallel_loop3A_853 step %parallel_loop3A_854 iter_args(%parallel_loop3A_868 = %broadcast_in_dim3A_850, %parallel_loop3A_869 = %broadcast_in_dim3A_852) -> (vector<16xf32>, vector<16xf32>)  : i32 {
          %parallel_loop3A_870 = arith.constant 16 : i32
          %parallel_loop3A_871 = arith.muli %parallel_loop3A_867, %parallel_loop3A_870 : i32
          %parallel_loop3A_872 = arith.addi %mul3A_849, %parallel_loop3A_871 : i32
          %parallel_loop3A_873 = arith.index_cast %parallel_loop3A_872 : i32 to index
          %parallel_loop3A_874 = tpu.vector_load %arg9[%parallel_loop3A_873] {strides = array<i32>} : memref<1536xf32, #tpu.memory_space<vmem>>, vector<16xf32>,
          %parallel_loop3A_875 = arith.index_cast %parallel_loop3A_872 : i32 to index
          %parallel_loop3A_876 = tpu.vector_load %arg11[%parallel_loop3A_875] {strides = array<i32>} : memref<1536xf32, #tpu.memory_space<vmem>>, vector<16xf32>,
          %parallel_loop3A_877 = vector.broadcast %add3A_847 : f32 to vector<16xf32>
          %parallel_loop3A_878 = arith.addf %parallel_loop3A_874, %parallel_loop3A_877 : vector<16xf32>
          %parallel_loop3A_879 = arith.constant 0.000000e+00 : f32
          %parallel_loop3A_880 = vector.broadcast %parallel_loop3A_879 : f32 to vector<16xf32>
          %parallel_loop3A_881 = arith.maximumf %parallel_loop3A_878, %parallel_loop3A_880 : vector<16xf32>
          %parallel_loop3A_882 = arith.constant 3.830000e+02 : f32
          %parallel_loop3A_883 = vector.broadcast %parallel_loop3A_882 : f32 to vector<16xf32>
          %parallel_loop3A_884 = arith.minimumf %parallel_loop3A_881, %parallel_loop3A_883 : vector<16xf32>
          %parallel_loop3A_885 = arith.constant 0x4B000000 : f32
          %parallel_loop3A_886 = vector.broadcast %parallel_loop3A_885 : f32 to vector<16xf32>
          %parallel_loop3A_887 = arith.addf %parallel_loop3A_884, %parallel_loop3A_886 : vector<16xf32>
          %parallel_loop3A_888 = arith.constant 0x4B000000 : f32
          %parallel_loop3A_889 = vector.broadcast %parallel_loop3A_888 : f32 to vector<16xf32>
          %parallel_loop3A_890 = arith.subf %parallel_loop3A_887, %parallel_loop3A_889 : vector<16xf32>
          %parallel_loop3A_891 = arith.constant 16 : i32
          %parallel_loop3A_892 = arith.muli %parallel_loop3A_867, %parallel_loop3A_891 : i32
          %parallel_loop3A_893 = arith.sitofp %parallel_loop3A_892 : i32 to f32
          %parallel_loop3A_894 = vector.broadcast %parallel_loop3A_893 : f32 to vector<16xf32>
          %parallel_loop3A_895 = arith.addf %convert_element_type3A, %parallel_loop3A_894 : vector<16xf32>
          %parallel_loop3A_896 = arith.addf %parallel_loop3A_876, %parallel_loop3A_895 : vector<16xf32>
          %parallel_loop3A_897 = arith.constant 0.000000e+00 : f32
          %parallel_loop3A_898 = vector.broadcast %parallel_loop3A_897 : f32 to vector<16xf32>
          %parallel_loop3A_899 = arith.maximumf %parallel_loop3A_896, %parallel_loop3A_898 : vector<16xf32>
          %parallel_loop3A_900 = arith.constant 3.830000e+02 : f32
          %parallel_loop3A_901 = vector.broadcast %parallel_loop3A_900 : f32 to vector<16xf32>
          %parallel_loop3A_902 = arith.minimumf %parallel_loop3A_899, %parallel_loop3A_901 : vector<16xf32>
          %parallel_loop3A_903 = arith.constant 0x4B000000 : f32
          %parallel_loop3A_904 = vector.broadcast %parallel_loop3A_903 : f32 to vector<16xf32>
          %parallel_loop3A_905 = arith.addf %parallel_loop3A_902, %parallel_loop3A_904 : vector<16xf32>
          %parallel_loop3A_906 = arith.constant 0x4B000000 : f32
          %parallel_loop3A_907 = vector.broadcast %parallel_loop3A_906 : f32 to vector<16xf32>
          %parallel_loop3A_908 = arith.subf %parallel_loop3A_905, %parallel_loop3A_907 : vector<16xf32>
          %parallel_loop3A_909 = arith.fptosi %parallel_loop3A_908 : vector<16xf32> to vector<16xi32>
          %parallel_loop3A_910 = vector.broadcast %convert_element_type3A_593 : f32 to vector<16xf32>
          %parallel_loop3A_911 = arith.maximumf %parallel_loop3A_890, %parallel_loop3A_910 : vector<16xf32>
          %parallel_loop3A_912 = vector.broadcast %convert_element_type3A_594 : f32 to vector<16xf32>
          %parallel_loop3A_913 = arith.minimumf %parallel_loop3A_911, %parallel_loop3A_912 : vector<16xf32>
          %parallel_loop3A_914 = arith.fptosi %parallel_loop3A_913 : vector<16xf32> to vector<16xi32>
          %parallel_loop3A_915 = arith.constant 45591 : i32
          %parallel_loop3A_916 = vector.broadcast %parallel_loop3A_915 : i32 to vector<16xi32>
          %parallel_loop3A_917 = arith.muli %parallel_loop3A_914, %parallel_loop3A_916 : vector<16xi32>
          %parallel_loop3A_918 = arith.constant 22 : i32
          %parallel_loop3A_919 = vector.broadcast %parallel_loop3A_918 : i32 to vector<16xi32>
          %parallel_loop3A_920 = arith.shrsi %parallel_loop3A_917, %parallel_loop3A_919 : vector<16xi32>
          %parallel_loop3A_921 = arith.constant 92 : i32
          %parallel_loop3A_922 = vector.broadcast %parallel_loop3A_921 : i32 to vector<16xi32>
          %parallel_loop3A_923 = arith.muli %parallel_loop3A_920, %parallel_loop3A_922 : vector<16xi32>
          %parallel_loop3A_924 = arith.subi %parallel_loop3A_914, %parallel_loop3A_923 : vector<16xi32>
          %parallel_loop3A_925 = arith.constant 384 : i32
          %parallel_loop3A_926 = vector.broadcast %parallel_loop3A_925 : i32 to vector<16xi32>
          %parallel_loop3A_927 = arith.muli %parallel_loop3A_924, %parallel_loop3A_926 : vector<16xi32>
          %parallel_loop3A_928 = arith.addi %parallel_loop3A_927, %parallel_loop3A_909 : vector<16xi32>
          %parallel_loop3A_929 = tpu.vector_load_idx %arg5[%parallel_loop3A_928] : memref<35328xf32, #tpu.memory_space<vmem>>[vector<16xi32>], vector<16xf32>,
          %parallel_loop3A_930 = arith.index_cast %parallel_loop3A_872 : i32 to index
          %parallel_loop3A_931 = tpu.vector_load %arg15[%parallel_loop3A_930] {strides = array<i32>} : memref<1536xf32, #tpu.memory_space<vmem>>, vector<16xf32>,
          %parallel_loop3A_932 = arith.subf %parallel_loop3A_931, %parallel_loop3A_929 : vector<16xf32>
          %parallel_loop3A_933 = arith.index_cast %parallel_loop3A_872 : i32 to index
          %parallel_loop3A_934 = tpu.vector_load %arg21[%parallel_loop3A_933] {strides = array<i32>} : memref<1536xf32, #tpu.memory_space<vmem>>, vector<16xf32>,
          tpu.vector_store %arg21[%parallel_loop3A_933], %parallel_loop3A_932 {strides = array<i32>} : memref<1536xf32, #tpu.memory_space<vmem>>, vector<16xf32>,
          %parallel_loop3A_935 = tpu.vector_load_idx %arg6[%parallel_loop3A_928] : memref<35328xf32, #tpu.memory_space<vmem>>[vector<16xi32>], vector<16xf32>,
          %parallel_loop3A_936 = arith.index_cast %parallel_loop3A_872 : i32 to index
          %parallel_loop3A_937 = tpu.vector_load %arg16[%parallel_loop3A_936] {strides = array<i32>} : memref<1536xf32, #tpu.memory_space<vmem>>, vector<16xf32>,
          %parallel_loop3A_938 = arith.subf %parallel_loop3A_937, %parallel_loop3A_935 : vector<16xf32>
          %parallel_loop3A_939 = arith.index_cast %parallel_loop3A_872 : i32 to index
          %parallel_loop3A_940 = tpu.vector_load %arg22[%parallel_loop3A_939] {strides = array<i32>} : memref<1536xf32, #tpu.memory_space<vmem>>, vector<16xf32>,
          tpu.vector_store %arg22[%parallel_loop3A_939], %parallel_loop3A_938 {strides = array<i32>} : memref<1536xf32, #tpu.memory_space<vmem>>, vector<16xf32>,
          %parallel_loop3A_941 = tpu.vector_load_idx %arg7[%parallel_loop3A_928] : memref<35328xf32, #tpu.memory_space<vmem>>[vector<16xi32>], vector<16xf32>,
          %parallel_loop3A_942 = arith.index_cast %parallel_loop3A_872 : i32 to index
          %parallel_loop3A_943 = tpu.vector_load %arg17[%parallel_loop3A_942] {strides = array<i32>} : memref<1536xf32, #tpu.memory_space<vmem>>, vector<16xf32>,
          %parallel_loop3A_944 = arith.subf %parallel_loop3A_943, %parallel_loop3A_941 : vector<16xf32>
          %parallel_loop3A_945 = arith.index_cast %parallel_loop3A_872 : i32 to index
          %parallel_loop3A_946 = tpu.vector_load %arg23[%parallel_loop3A_945] {strides = array<i32>} : memref<1536xf32, #tpu.memory_space<vmem>>, vector<16xf32>,
          tpu.vector_store %arg23[%parallel_loop3A_945], %parallel_loop3A_944 {strides = array<i32>} : memref<1536xf32, #tpu.memory_space<vmem>>, vector<16xf32>,
          %parallel_loop3A_947 = arith.minimumf %parallel_loop3A_868, %parallel_loop3A_890 : vector<16xf32>
          %parallel_loop3A_948 = arith.maximumf %parallel_loop3A_869, %parallel_loop3A_890 : vector<16xf32>
          scf.yield %parallel_loop3A_947, %parallel_loop3A_948 : vector<16xf32>, vector<16xf32>
        } {sc.loop_unroll_factor = 6 : i64, sc.parallel_access}
        %reduce_min3A = arith.constant true
        %reduce_min3A_856 = vector.broadcast %reduce_min3A : i1 to vector<16xi1>
        %reduce_min3A_857 = tpu.scan <min>, %parallel_loop3A_855#0 masked %reduce_min3A_856 : vector<16xf32>, vector<16xi1> -> vector<16xf32>
        %reduce_min3A_858 = vector.extract %reduce_min3A_857[15] : f32 from vector<16xf32>
        %lt3A_859 = arith.cmpf olt, %reduce_min3A_858, %convert_element_type3A_593 : f32
        %reduce_max3A = arith.constant true
        %reduce_max3A_860 = vector.broadcast %reduce_max3A : i1 to vector<16xi1>
        %reduce_max3A_861 = tpu.scan <max>, %parallel_loop3A_855#1 masked %reduce_max3A_860 : vector<16xf32>, vector<16xi1> -> vector<16xf32>
        %reduce_max3A_862 = vector.extract %reduce_max3A_861[15] : f32 from vector<16xf32>
        %gt3A = arith.cmpf ogt, %reduce_max3A_862, %convert_element_type3A_594 : f32
        %or3A = arith.ori %lt3A_859, %gt3A : i1
        %convert_element_type3A_863 = arith.extui %or3A : i1 to i32
        %cond3A_864 = arith.constant 0 : i32
        %cond3A_865 = arith.cmpi ne, %convert_element_type3A_863, %cond3A_864 : i32
        scf.if %cond3A_865 {
          %scan3A_867 = arith.constant 0 : i32
          %scan3A_868 = arith.constant 0 : i32
          %scan3A_869 = arith.constant 24 : i32
          %scan3A_870 = arith.addi %scan3A_868, %scan3A_869 : i32
          %scan3A_871 = arith.constant 1 : i32
          %scan3A_872 = scf.for %scan3A_911 = %scan3A_868 to %scan3A_870 step %scan3A_871 iter_args(%scan3A_912 = %scan3A_867) -> (i32)  : i32 {
            %mul3A_913 = arith.constant 16 : i32
            %mul3A_914 = arith.muli %scan3A_911, %mul3A_913 : i32
            %add3A_915 = arith.addi %mul3A_849, %mul3A_914 : i32
            %get3A = arith.index_cast %add3A_915 : i32 to index
            %get3A_916 = tpu.vector_load %arg9[%get3A] {strides = array<i32>} : memref<1536xf32, #tpu.memory_space<vmem>>, vector<16xf32>,
            %get3A_917 = arith.index_cast %add3A_915 : i32 to index
            %get3A_918 = tpu.vector_load %arg11[%get3A_917] {strides = array<i32>} : memref<1536xf32, #tpu.memory_space<vmem>>, vector<16xf32>,
            %add3A_919 = vector.broadcast %add3A_847 : f32 to vector<16xf32>
            %add3A_920 = arith.addf %get3A_916, %add3A_919 : vector<16xf32>
            %max3A = arith.constant 0.000000e+00 : f32
            %max3A_921 = vector.broadcast %max3A : f32 to vector<16xf32>
            %max3A_922 = arith.maximumf %add3A_920, %max3A_921 : vector<16xf32>
            %min3A = arith.constant 3.830000e+02 : f32
            %min3A_923 = vector.broadcast %min3A : f32 to vector<16xf32>
            %min3A_924 = arith.minimumf %max3A_922, %min3A_923 : vector<16xf32>
            %add3A_925 = arith.constant 0x4B000000 : f32
            %add3A_926 = vector.broadcast %add3A_925 : f32 to vector<16xf32>
            %add3A_927 = arith.addf %min3A_924, %add3A_926 : vector<16xf32>
            %sub3A_928 = arith.constant 0x4B000000 : f32
            %sub3A_929 = vector.broadcast %sub3A_928 : f32 to vector<16xf32>
            %sub3A_930 = arith.subf %add3A_927, %sub3A_929 : vector<16xf32>
            %mul3A_931 = arith.constant 16 : i32
            %mul3A_932 = arith.muli %scan3A_911, %mul3A_931 : i32
            %convert_element_type3A_933 = arith.sitofp %mul3A_932 : i32 to f32
            %add3A_934 = vector.broadcast %convert_element_type3A_933 : f32 to vector<16xf32>
            %add3A_935 = arith.addf %convert_element_type3A, %add3A_934 : vector<16xf32>
            %add3A_936 = arith.addf %get3A_918, %add3A_935 : vector<16xf32>
            %max3A_937 = arith.constant 0.000000e+00 : f32
            %max3A_938 = vector.broadcast %max3A_937 : f32 to vector<16xf32>
            %max3A_939 = arith.maximumf %add3A_936, %max3A_938 : vector<16xf32>
            %min3A_940 = arith.constant 3.830000e+02 : f32
            %min3A_941 = vector.broadcast %min3A_940 : f32 to vector<16xf32>
            %min3A_942 = arith.minimumf %max3A_939, %min3A_941 : vector<16xf32>
            %add3A_943 = arith.constant 0x4B000000 : f32
            %add3A_944 = vector.broadcast %add3A_943 : f32 to vector<16xf32>
            %add3A_945 = arith.addf %min3A_942, %add3A_944 : vector<16xf32>
            %sub3A_946 = arith.constant 0x4B000000 : f32
            %sub3A_947 = vector.broadcast %sub3A_946 : f32 to vector<16xf32>
            %sub3A_948 = arith.subf %add3A_945, %sub3A_947 : vector<16xf32>
            %mul3A_949 = arith.constant 3.840000e+02 : f32
            %mul3A_950 = vector.broadcast %mul3A_949 : f32 to vector<16xf32>
            %mul3A_951 = arith.mulf %sub3A_930, %mul3A_950 : vector<16xf32>
            %add3A_952 = arith.addf %mul3A_951, %sub3A_948 : vector<16xf32>
            %convert_element_type3A_953 = arith.fptosi %add3A_952 : vector<16xf32> to vector<16xi32>
            %mul3A_954 = arith.constant 16 : i32
            %mul3A_955 = arith.muli %scan3A_911, %mul3A_954 : i32
            %swap3A = arith.index_cast %mul3A_955 : i32 to index
            %swap3A_956 = tpu.vector_load %arg24[%swap3A] {strides = array<i32>} : memref<384xi32, #tpu.memory_space<vmem>>, vector<16xi32>,
            tpu.vector_store %arg24[%swap3A], %convert_element_type3A_953 {strides = array<i32>} : memref<384xi32, #tpu.memory_space<vmem>>, vector<16xi32>,
            %scan3A_957 = arith.constant 0 : i32
            scf.yield %scan3A_957 : i32
          }
          %scan3A_873 = arith.constant 24 : i32
          %dma_start3A_874 = tpu.memref_slice %arg21[%mul3A_849] : memref<1536xf32, #tpu.memory_space<vmem>> -> memref<384xf32, #tpu.memory_space<vmem>>
          %dma_start3A_875 = tpu.memref_slice %arg2[%mul3A_53] : memref<7962624xf32, #tpu.memory_space<hbm>> -> memref<147456xf32, #tpu.memory_space<hbm>>
          %dma_start3A_876 = arith.constant 0 : i32
          %dma_start3A_877 = tpu.memref_slice %dma_start3A_875[%dma_start3A_876] : memref<147456xf32, #tpu.memory_space<hbm>> -> memref<147456xf32, #tpu.memory_space<hbm>>
          tpu.enqueue_indirect_dma source(%dma_start3A_877 : memref<147456xf32, #tpu.memory_space<hbm>>) target(%dma_start3A_874 : memref<384xf32, #tpu.memory_space<vmem>>) offsets(%arg24 : memref<384xi32, #tpu.memory_space<vmem>>) semaphore(%arg30 : memref<!tpu.dma_semaphore, #tpu.memory_space<semaphore_mem>>)
          %dma_start3A_878 = tpu.memref_slice %arg22[%mul3A_849] : memref<1536xf32, #tpu.memory_space<vmem>> -> memref<384xf32, #tpu.memory_space<vmem>>
          %dma_start3A_879 = tpu.memref_slice %arg2[%mul3A_59] : memref<7962624xf32, #tpu.memory_space<hbm>> -> memref<147456xf32, #tpu.memory_space<hbm>>
          %dma_start3A_880 = arith.constant 0 : i32
          %dma_start3A_881 = tpu.memref_slice %dma_start3A_879[%dma_start3A_880] : memref<147456xf32, #tpu.memory_space<hbm>> -> memref<147456xf32, #tpu.memory_space<hbm>>
          tpu.enqueue_indirect_dma source(%dma_start3A_881 : memref<147456xf32, #tpu.memory_space<hbm>>) target(%dma_start3A_878 : memref<384xf32, #tpu.memory_space<vmem>>) offsets(%arg24 : memref<384xi32, #tpu.memory_space<vmem>>) semaphore(%arg30 : memref<!tpu.dma_semaphore, #tpu.memory_space<semaphore_mem>>)
          %dma_start3A_882 = tpu.memref_slice %arg23[%mul3A_849] : memref<1536xf32, #tpu.memory_space<vmem>> -> memref<384xf32, #tpu.memory_space<vmem>>
          %dma_start3A_883 = tpu.memref_slice %arg2[%mul3A_65] : memref<7962624xf32, #tpu.memory_space<hbm>> -> memref<147456xf32, #tpu.memory_space<hbm>>
          %dma_start3A_884 = arith.constant 0 : i32
          %dma_start3A_885 = tpu.memref_slice %dma_start3A_883[%dma_start3A_884] : memref<147456xf32, #tpu.memory_space<hbm>> -> memref<147456xf32, #tpu.memory_space<hbm>>
          tpu.enqueue_indirect_dma source(%dma_start3A_885 : memref<147456xf32, #tpu.memory_space<hbm>>) target(%dma_start3A_882 : memref<384xf32, #tpu.memory_space<vmem>>) offsets(%arg24 : memref<384xi32, #tpu.memory_space<vmem>>) semaphore(%arg30 : memref<!tpu.dma_semaphore, #tpu.memory_space<semaphore_mem>>)
          %dma_wait3A_886 = tpu.memref_slice %arg21[%mul3A_849] : memref<1536xf32, #tpu.memory_space<vmem>> -> memref<384xf32, #tpu.memory_space<vmem>>
          %dma_wait3A_887 = arith.constant 0 : i32
          %dma_wait3A_888 = tpu.memref_slice %arg2[%dma_wait3A_887] : memref<7962624xf32, #tpu.memory_space<hbm>> -> memref<384xf32, #tpu.memory_space<hbm>>
          %dma_wait3A_889 = tpu.memref_slice %arg21[%mul3A_849] : memref<1536xf32, #tpu.memory_space<vmem>> -> memref<384xf32, #tpu.memory_space<vmem>>
          %dma_wait3A_890 = arith.constant 0 : i32
          %dma_wait3A_891 = tpu.memref_slice %arg2[%dma_wait3A_890] : memref<7962624xf32, #tpu.memory_space<hbm>> -> memref<384xf32, #tpu.memory_space<hbm>>
          tpu.wait_dma2 semaphore(%arg30 : memref<!tpu.dma_semaphore, #tpu.memory_space<semaphore_mem>>) src(%dma_wait3A_891 : memref<384xf32, #tpu.memory_space<hbm>>) dst(%dma_wait3A_889 : memref<384xf32, #tpu.memory_space<vmem>>)
          %dma_wait3A_892 = tpu.memref_slice %arg22[%mul3A_849] : memref<1536xf32, #tpu.memory_space<vmem>> -> memref<384xf32, #tpu.memory_space<vmem>>
          %dma_wait3A_893 = arith.constant 0 : i32
          %dma_wait3A_894 = tpu.memref_slice %arg2[%dma_wait3A_893] : memref<7962624xf32, #tpu.memory_space<hbm>> -> memref<384xf32, #tpu.memory_space<hbm>>
          %dma_wait3A_895 = tpu.memref_slice %arg22[%mul3A_849] : memref<1536xf32, #tpu.memory_space<vmem>> -> memref<384xf32, #tpu.memory_space<vmem>>
          %dma_wait3A_896 = arith.constant 0 : i32
          %dma_wait3A_897 = tpu.memref_slice %arg2[%dma_wait3A_896] : memref<7962624xf32, #tpu.memory_space<hbm>> -> memref<384xf32, #tpu.memory_space<hbm>>
          tpu.wait_dma2 semaphore(%arg30 : memref<!tpu.dma_semaphore, #tpu.memory_space<semaphore_mem>>) src(%dma_wait3A_897 : memref<384xf32, #tpu.memory_space<hbm>>) dst(%dma_wait3A_895 : memref<384xf32, #tpu.memory_space<vmem>>)
          %dma_wait3A_898 = tpu.memref_slice %arg23[%mul3A_849] : memref<1536xf32, #tpu.memory_space<vmem>> -> memref<384xf32, #tpu.memory_space<vmem>>
          %dma_wait3A_899 = arith.constant 0 : i32
          %dma_wait3A_900 = tpu.memref_slice %arg2[%dma_wait3A_899] : memref<7962624xf32, #tpu.memory_space<hbm>> -> memref<384xf32, #tpu.memory_space<hbm>>
          %dma_wait3A_901 = tpu.memref_slice %arg23[%mul3A_849] : memref<1536xf32, #tpu.memory_space<vmem>> -> memref<384xf32, #tpu.memory_space<vmem>>
          %dma_wait3A_902 = arith.constant 0 : i32
          %dma_wait3A_903 = tpu.memref_slice %arg2[%dma_wait3A_902] : memref<7962624xf32, #tpu.memory_space<hbm>> -> memref<384xf32, #tpu.memory_space<hbm>>
          tpu.wait_dma2 semaphore(%arg30 : memref<!tpu.dma_semaphore, #tpu.memory_space<semaphore_mem>>) src(%dma_wait3A_903 : memref<384xf32, #tpu.memory_space<hbm>>) dst(%dma_wait3A_901 : memref<384xf32, #tpu.memory_space<vmem>>)
          %scan3A_904 = arith.constant 0 : i32
          %scan3A_905 = arith.constant 0 : i32
          %scan3A_906 = arith.constant 24 : i32
          %scan3A_907 = arith.addi %scan3A_905, %scan3A_906 : i32
          %scan3A_908 = arith.constant 1 : i32
          %scan3A_909 = scf.for %scan3A_911 = %scan3A_905 to %scan3A_907 step %scan3A_908 iter_args(%scan3A_912 = %scan3A_904) -> (i32)  : i32 {
            %mul3A_913 = arith.constant 16 : i32
            %mul3A_914 = arith.muli %scan3A_911, %mul3A_913 : i32
            %add3A_915 = arith.addi %mul3A_849, %mul3A_914 : i32
            %get3A = arith.index_cast %add3A_915 : i32 to index
            %get3A_916 = tpu.vector_load %arg15[%get3A] {strides = array<i32>} : memref<1536xf32, #tpu.memory_space<vmem>>, vector<16xf32>,
            %get3A_917 = arith.index_cast %add3A_915 : i32 to index
            %get3A_918 = tpu.vector_load %arg21[%get3A_917] {strides = array<i32>} : memref<1536xf32, #tpu.memory_space<vmem>>, vector<16xf32>,
            %sub3A_919 = arith.subf %get3A_916, %get3A_918 : vector<16xf32>
            %swap3A = arith.index_cast %add3A_915 : i32 to index
            %swap3A_920 = tpu.vector_load %arg21[%swap3A] {strides = array<i32>} : memref<1536xf32, #tpu.memory_space<vmem>>, vector<16xf32>,
            tpu.vector_store %arg21[%swap3A], %sub3A_919 {strides = array<i32>} : memref<1536xf32, #tpu.memory_space<vmem>>, vector<16xf32>,
            %get3A_921 = arith.index_cast %add3A_915 : i32 to index
            %get3A_922 = tpu.vector_load %arg16[%get3A_921] {strides = array<i32>} : memref<1536xf32, #tpu.memory_space<vmem>>, vector<16xf32>,
            %get3A_923 = arith.index_cast %add3A_915 : i32 to index
            %get3A_924 = tpu.vector_load %arg22[%get3A_923] {strides = array<i32>} : memref<1536xf32, #tpu.memory_space<vmem>>, vector<16xf32>,
            %sub3A_925 = arith.subf %get3A_922, %get3A_924 : vector<16xf32>
            %swap3A_926 = arith.index_cast %add3A_915 : i32 to index
            %swap3A_927 = tpu.vector_load %arg22[%swap3A_926] {strides = array<i32>} : memref<1536xf32, #tpu.memory_space<vmem>>, vector<16xf32>,
            tpu.vector_store %arg22[%swap3A_926], %sub3A_925 {strides = array<i32>} : memref<1536xf32, #tpu.memory_space<vmem>>, vector<16xf32>,
            %get3A_928 = arith.index_cast %add3A_915 : i32 to index
            %get3A_929 = tpu.vector_load %arg17[%get3A_928] {strides = array<i32>} : memref<1536xf32, #tpu.memory_space<vmem>>, vector<16xf32>,
            %get3A_930 = arith.index_cast %add3A_915 : i32 to index
            %get3A_931 = tpu.vector_load %arg23[%get3A_930] {strides = array<i32>} : memref<1536xf32, #tpu.memory_space<vmem>>, vector<16xf32>,
            %sub3A_932 = arith.subf %get3A_929, %get3A_931 : vector<16xf32>
            %swap3A_933 = arith.index_cast %add3A_915 : i32 to index
            %swap3A_934 = tpu.vector_load %arg23[%swap3A_933] {strides = array<i32>} : memref<1536xf32, #tpu.memory_space<vmem>>, vector<16xf32>,
            tpu.vector_store %arg23[%swap3A_933], %sub3A_932 {strides = array<i32>} : memref<1536xf32, #tpu.memory_space<vmem>>, vector<16xf32>,
            %scan3A_935 = arith.constant 0 : i32
            scf.yield %scan3A_935 : i32
          }
          %scan3A_910 = arith.constant 24 : i32
        } else {
        }
        %scan3A_866 = arith.constant 0 : i32
        scf.yield %scan3A_866 : i32
      }
      %scan3A_671 = arith.constant 4 : i32
      %mul3A_672 = arith.constant 384 : i32
      %mul3A_673 = arith.muli %mul3A_578, %mul3A_672 : i32
      %add3A_674 = arith.addi %mul3A_87, %mul3A_673 : i32
      %dma_start3A_675 = tpu.memref_slice %arg4[%add3A_674] : memref<14155776xf32, #tpu.memory_space<hbm>> -> memref<1536xf32, #tpu.memory_space<hbm>>
      %dma_start3A_676 = tpu.memref_slice %arg4[%add3A_674] : memref<14155776xf32, #tpu.memory_space<hbm>> -> memref<1536xf32, #tpu.memory_space<hbm>>
      tpu.enqueue_dma source(%arg21 : memref<1536xf32, #tpu.memory_space<vmem>>) target(%dma_start3A_676 : memref<1536xf32, #tpu.memory_space<hbm>>) target_semaphore(%arg29 : memref<!tpu.dma_semaphore, #tpu.memory_space<semaphore_mem>>)
      %mul3A_677 = arith.constant 384 : i32
      %mul3A_678 = arith.muli %mul3A_578, %mul3A_677 : i32
      %add3A_679 = arith.addi %mul3A_91, %mul3A_678 : i32
      %dma_start3A_680 = tpu.memref_slice %arg4[%add3A_679] : memref<14155776xf32, #tpu.memory_space<hbm>> -> memref<1536xf32, #tpu.memory_space<hbm>>
      %dma_start3A_681 = tpu.memref_slice %arg4[%add3A_679] : memref<14155776xf32, #tpu.memory_space<hbm>> -> memref<1536xf32, #tpu.memory_space<hbm>>
      tpu.enqueue_dma source(%arg22 : memref<1536xf32, #tpu.memory_space<vmem>>) target(%dma_start3A_681 : memref<1536xf32, #tpu.memory_space<hbm>>) target_semaphore(%arg29 : memref<!tpu.dma_semaphore, #tpu.memory_space<semaphore_mem>>)
      %mul3A_682 = arith.constant 384 : i32
      %mul3A_683 = arith.muli %mul3A_578, %mul3A_682 : i32
      %add3A_684 = arith.addi %mul3A_95, %mul3A_683 : i32
      %dma_start3A_685 = tpu.memref_slice %arg4[%add3A_684] : memref<14155776xf32, #tpu.memory_space<hbm>> -> memref<1536xf32, #tpu.memory_space<hbm>>
      %dma_start3A_686 = tpu.memref_slice %arg4[%add3A_684] : memref<14155776xf32, #tpu.memory_space<hbm>> -> memref<1536xf32, #tpu.memory_space<hbm>>
      tpu.enqueue_dma source(%arg23 : memref<1536xf32, #tpu.memory_space<vmem>>) target(%dma_start3A_686 : memref<1536xf32, #tpu.memory_space<hbm>>) target_semaphore(%arg29 : memref<!tpu.dma_semaphore, #tpu.memory_space<semaphore_mem>>)
      %dma_wait3A_687 = arith.constant 0 : i32
      %dma_wait3A_688 = tpu.memref_slice %arg5[%dma_wait3A_687] : memref<35328xf32, #tpu.memory_space<vmem>> -> memref<1536xf32, #tpu.memory_space<vmem>>
      %dma_wait3A_689 = arith.constant 0 : i32
      %dma_wait3A_690 = tpu.memref_slice %arg2[%dma_wait3A_689] : memref<7962624xf32, #tpu.memory_space<hbm>> -> memref<1536xf32, #tpu.memory_space<hbm>>
      %dma_wait3A_691 = arith.constant 0 : i32
      %dma_wait3A_692 = tpu.memref_slice %arg5[%dma_wait3A_691] : memref<35328xf32, #tpu.memory_space<vmem>> -> memref<1536xf32, #tpu.memory_space<vmem>>
      %dma_wait3A_693 = arith.constant 0 : i32
      %dma_wait3A_694 = tpu.memref_slice %arg2[%dma_wait3A_693] : memref<7962624xf32, #tpu.memory_space<hbm>> -> memref<1536xf32, #tpu.memory_space<hbm>>
      tpu.wait_dma2 semaphore(%arg25 : memref<!tpu.dma_semaphore, #tpu.memory_space<semaphore_mem>>) src(%dma_wait3A_694 : memref<1536xf32, #tpu.memory_space<hbm>>) dst(%dma_wait3A_692 : memref<1536xf32, #tpu.memory_space<vmem>>)
      %dma_wait3A_695 = arith.constant 0 : i32
      %dma_wait3A_696 = tpu.memref_slice %arg6[%dma_wait3A_695] : memref<35328xf32, #tpu.memory_space<vmem>> -> memref<1536xf32, #tpu.memory_space<vmem>>
      %dma_wait3A_697 = arith.constant 0 : i32
      %dma_wait3A_698 = tpu.memref_slice %arg2[%dma_wait3A_697] : memref<7962624xf32, #tpu.memory_space<hbm>> -> memref<1536xf32, #tpu.memory_space<hbm>>
      %dma_wait3A_699 = arith.constant 0 : i32
      %dma_wait3A_700 = tpu.memref_slice %arg6[%dma_wait3A_699] : memref<35328xf32, #tpu.memory_space<vmem>> -> memref<1536xf32, #tpu.memory_space<vmem>>
      %dma_wait3A_701 = arith.constant 0 : i32
      %dma_wait3A_702 = tpu.memref_slice %arg2[%dma_wait3A_701] : memref<7962624xf32, #tpu.memory_space<hbm>> -> memref<1536xf32, #tpu.memory_space<hbm>>
      tpu.wait_dma2 semaphore(%arg25 : memref<!tpu.dma_semaphore, #tpu.memory_space<semaphore_mem>>) src(%dma_wait3A_702 : memref<1536xf32, #tpu.memory_space<hbm>>) dst(%dma_wait3A_700 : memref<1536xf32, #tpu.memory_space<vmem>>)
      %dma_wait3A_703 = arith.constant 0 : i32
      %dma_wait3A_704 = tpu.memref_slice %arg7[%dma_wait3A_703] : memref<35328xf32, #tpu.memory_space<vmem>> -> memref<1536xf32, #tpu.memory_space<vmem>>
      %dma_wait3A_705 = arith.constant 0 : i32
      %dma_wait3A_706 = tpu.memref_slice %arg2[%dma_wait3A_705] : memref<7962624xf32, #tpu.memory_space<hbm>> -> memref<1536xf32, #tpu.memory_space<hbm>>
      %dma_wait3A_707 = arith.constant 0 : i32
      %dma_wait3A_708 = tpu.memref_slice %arg7[%dma_wait3A_707] : memref<35328xf32, #tpu.memory_space<vmem>> -> memref<1536xf32, #tpu.memory_space<vmem>>
      %dma_wait3A_709 = arith.constant 0 : i32
      %dma_wait3A_710 = tpu.memref_slice %arg2[%dma_wait3A_709] : memref<7962624xf32, #tpu.memory_space<hbm>> -> memref<1536xf32, #tpu.memory_space<hbm>>
      tpu.wait_dma2 semaphore(%arg25 : memref<!tpu.dma_semaphore, #tpu.memory_space<semaphore_mem>>) src(%dma_wait3A_710 : memref<1536xf32, #tpu.memory_space<hbm>>) dst(%dma_wait3A_708 : memref<1536xf32, #tpu.memory_space<vmem>>)
      %dma_wait3A_711 = arith.constant 0 : i32
      %dma_wait3A_712 = tpu.memref_slice %arg3[%dma_wait3A_711] : memref<9437184xf32, #tpu.memory_space<hbm>> -> memref<1536xf32, #tpu.memory_space<hbm>>
      %dma_wait3A_713 = arith.constant 0 : i32
      %dma_wait3A_714 = tpu.memref_slice %arg3[%dma_wait3A_713] : memref<9437184xf32, #tpu.memory_space<hbm>> -> memref<1536xf32, #tpu.memory_space<hbm>>
      tpu.wait_dma2 semaphore(%arg26 : memref<!tpu.dma_semaphore, #tpu.memory_space<semaphore_mem>>) src(%dma_wait3A_714 : memref<1536xf32, #tpu.memory_space<hbm>>) dst(%arg8 : memref<1536xf32, #tpu.memory_space<vmem>>)
      %dma_wait3A_715 = arith.constant 0 : i32
      %dma_wait3A_716 = tpu.memref_slice %arg3[%dma_wait3A_715] : memref<9437184xf32, #tpu.memory_space<hbm>> -> memref<1536xf32, #tpu.memory_space<hbm>>
      %dma_wait3A_717 = arith.constant 0 : i32
      %dma_wait3A_718 = tpu.memref_slice %arg3[%dma_wait3A_717] : memref<9437184xf32, #tpu.memory_space<hbm>> -> memref<1536xf32, #tpu.memory_space<hbm>>
      tpu.wait_dma2 semaphore(%arg26 : memref<!tpu.dma_semaphore, #tpu.memory_space<semaphore_mem>>) src(%dma_wait3A_718 : memref<1536xf32, #tpu.memory_space<hbm>>) dst(%arg10 : memref<1536xf32, #tpu.memory_space<vmem>>)
      %dma_wait3A_719 = arith.constant 0 : i32
      %dma_wait3A_720 = tpu.memref_slice %arg2[%dma_wait3A_719] : memref<7962624xf32, #tpu.memory_space<hbm>> -> memref<1536xf32, #tpu.memory_space<hbm>>
      %dma_wait3A_721 = arith.constant 0 : i32
      %dma_wait3A_722 = tpu.memref_slice %arg2[%dma_wait3A_721] : memref<7962624xf32, #tpu.memory_space<hbm>> -> memref<1536xf32, #tpu.memory_space<hbm>>
      tpu.wait_dma2 semaphore(%arg27 : memref<!tpu.dma_semaphore, #tpu.memory_space<semaphore_mem>>) src(%dma_wait3A_722 : memref<1536xf32, #tpu.memory_space<hbm>>) dst(%arg12 : memref<1536xf32, #tpu.memory_space<vmem>>)
      %dma_wait3A_723 = arith.constant 0 : i32
      %dma_wait3A_724 = tpu.memref_slice %arg2[%dma_wait3A_723] : memref<7962624xf32, #tpu.memory_space<hbm>> -> memref<1536xf32, #tpu.memory_space<hbm>>
      %dma_wait3A_725 = arith.constant 0 : i32
      %dma_wait3A_726 = tpu.memref_slice %arg2[%dma_wait3A_725] : memref<7962624xf32, #tpu.memory_space<hbm>> -> memref<1536xf32, #tpu.memory_space<hbm>>
      tpu.wait_dma2 semaphore(%arg27 : memref<!tpu.dma_semaphore, #tpu.memory_space<semaphore_mem>>) src(%dma_wait3A_726 : memref<1536xf32, #tpu.memory_space<hbm>>) dst(%arg13 : memref<1536xf32, #tpu.memory_space<vmem>>)
      %dma_wait3A_727 = arith.constant 0 : i32
      %dma_wait3A_728 = tpu.memref_slice %arg2[%dma_wait3A_727] : memref<7962624xf32, #tpu.memory_space<hbm>> -> memref<1536xf32, #tpu.memory_space<hbm>>
      %dma_wait3A_729 = arith.constant 0 : i32
      %dma_wait3A_730 = tpu.memref_slice %arg2[%dma_wait3A_729] : memref<7962624xf32, #tpu.memory_space<hbm>> -> memref<1536xf32, #tpu.memory_space<hbm>>
      tpu.wait_dma2 semaphore(%arg27 : memref<!tpu.dma_semaphore, #tpu.memory_space<semaphore_mem>>) src(%dma_wait3A_730 : memref<1536xf32, #tpu.memory_space<hbm>>) dst(%arg14 : memref<1536xf32, #tpu.memory_space<vmem>>)
      %add3A_731 = arith.constant 1 : i32
      %add3A_732 = arith.addi %add3A_532, %add3A_731 : i32
      %mul3A_733 = arith.constant 4 : i32
      %mul3A_734 = arith.muli %add3A_732, %mul3A_733 : i32
      %ge3A_735 = arith.constant 40 : i32
      %ge3A_736 = arith.cmpi sge, %mul3A_734, %ge3A_735 : i32
      %sub3A_737 = arith.constant 40 : i32
      %sub3A_738 = arith.subi %mul3A_734, %sub3A_737 : i32
      %jit3A_739 = arith.constant 0 : i32
      %select_n3A_740 = arith.select %ge3A_736, %sub3A_738, %jit3A_739 : i32
      %add3A_741 = arith.constant 47 : i32
      %add3A_742 = arith.addi %mul3A_734, %add3A_741 : i32
      %le3A_743 = arith.constant 383 : i32
      %le3A_744 = arith.cmpi sle, %add3A_742, %le3A_743 : i32
      %add3A_745 = arith.constant 47 : i32
      %add3A_746 = arith.addi %mul3A_734, %add3A_745 : i32
      %jit3A_747 = arith.constant 383 : i32
      %select_n3A_748 = arith.select %le3A_744, %add3A_746, %jit3A_747 : i32
      %convert_element_type3A_749 = arith.sitofp %select_n3A_740 : i32 to f32
      %convert_element_type3A_750 = arith.sitofp %select_n3A_748 : i32 to f32
      %convert_element_type3A_751 = arith.sitofp %mul3A_734 : i32 to f32
      %mul3A_752 = arith.constant 4 : i32
      %mul3A_753 = arith.muli %add3A_732, %mul3A_752 : i32
      %add3A_754 = arith.constant 48 : i32
      %add3A_755 = arith.addi %mul3A_753, %add3A_754 : i32
      %le3A_756 = arith.constant 380 : i32
      %le3A_757 = arith.cmpi sle, %add3A_755, %le3A_756 : i32
      %add3A_758 = arith.constant 48 : i32
      %add3A_759 = arith.addi %mul3A_753, %add3A_758 : i32
      %jit3A_760 = arith.constant 380 : i32
      %select_n3A_761 = arith.select %le3A_757, %add3A_759, %jit3A_760 : i32
      %rem3A_762 = arith.constant 92 : i32
      %rem3A_763 = arith.remsi %select_n3A_761, %rem3A_762 : i32
      %mul3A_764 = arith.constant 384 : i32
      %mul3A_765 = arith.muli %select_n3A_761, %mul3A_764 : i32
      %add3A_766 = arith.addi %mul3A_53, %mul3A_765 : i32
      %mul3A_767 = arith.constant 384 : i32
      %mul3A_768 = arith.muli %rem3A_763, %mul3A_767 : i32
      %dma_start3A_769 = tpu.memref_slice %arg5[%mul3A_768] : memref<35328xf32, #tpu.memory_space<vmem>> -> memref<1536xf32, #tpu.memory_space<vmem>>
      %dma_start3A_770 = tpu.memref_slice %arg2[%add3A_766] : memref<7962624xf32, #tpu.memory_space<hbm>> -> memref<1536xf32, #tpu.memory_space<hbm>>
      %dma_start3A_771 = tpu.memref_slice %arg5[%mul3A_768] : memref<35328xf32, #tpu.memory_space<vmem>> -> memref<1536xf32, #tpu.memory_space<vmem>>
      %dma_start3A_772 = tpu.memref_slice %arg2[%add3A_766] : memref<7962624xf32, #tpu.memory_space<hbm>> -> memref<1536xf32, #tpu.memory_space<hbm>>
      tpu.enqueue_dma source(%dma_start3A_772 : memref<1536xf32, #tpu.memory_space<hbm>>) target(%dma_start3A_771 : memref<1536xf32, #tpu.memory_space<vmem>>) target_semaphore(%arg25 : memref<!tpu.dma_semaphore, #tpu.memory_space<semaphore_mem>>)
      %mul3A_773 = arith.constant 384 : i32
      %mul3A_774 = arith.muli %select_n3A_761, %mul3A_773 : i32
      %add3A_775 = arith.addi %mul3A_59, %mul3A_774 : i32
      %mul3A_776 = arith.constant 384 : i32
      %mul3A_777 = arith.muli %rem3A_763, %mul3A_776 : i32
      %dma_start3A_778 = tpu.memref_slice %arg6[%mul3A_777] : memref<35328xf32, #tpu.memory_space<vmem>> -> memref<1536xf32, #tpu.memory_space<vmem>>
      %dma_start3A_779 = tpu.memref_slice %arg2[%add3A_775] : memref<7962624xf32, #tpu.memory_space<hbm>> -> memref<1536xf32, #tpu.memory_space<hbm>>
      %dma_start3A_780 = tpu.memref_slice %arg6[%mul3A_777] : memref<35328xf32, #tpu.memory_space<vmem>> -> memref<1536xf32, #tpu.memory_space<vmem>>
      %dma_start3A_781 = tpu.memref_slice %arg2[%add3A_775] : memref<7962624xf32, #tpu.memory_space<hbm>> -> memref<1536xf32, #tpu.memory_space<hbm>>
      tpu.enqueue_dma source(%dma_start3A_781 : memref<1536xf32, #tpu.memory_space<hbm>>) target(%dma_start3A_780 : memref<1536xf32, #tpu.memory_space<vmem>>) target_semaphore(%arg25 : memref<!tpu.dma_semaphore, #tpu.memory_space<semaphore_mem>>)
      %mul3A_782 = arith.constant 384 : i32
      %mul3A_783 = arith.muli %select_n3A_761, %mul3A_782 : i32
      %add3A_784 = arith.addi %mul3A_65, %mul3A_783 : i32
      %mul3A_785 = arith.constant 384 : i32
      %mul3A_786 = arith.muli %rem3A_763, %mul3A_785 : i32
      %dma_start3A_787 = tpu.memref_slice %arg7[%mul3A_786] : memref<35328xf32, #tpu.memory_space<vmem>> -> memref<1536xf32, #tpu.memory_space<vmem>>
      %dma_start3A_788 = tpu.memref_slice %arg2[%add3A_784] : memref<7962624xf32, #tpu.memory_space<hbm>> -> memref<1536xf32, #tpu.memory_space<hbm>>
      %dma_start3A_789 = tpu.memref_slice %arg7[%mul3A_786] : memref<35328xf32, #tpu.memory_space<vmem>> -> memref<1536xf32, #tpu.memory_space<vmem>>
      %dma_start3A_790 = tpu.memref_slice %arg2[%add3A_784] : memref<7962624xf32, #tpu.memory_space<hbm>> -> memref<1536xf32, #tpu.memory_space<hbm>>
      tpu.enqueue_dma source(%dma_start3A_790 : memref<1536xf32, #tpu.memory_space<hbm>>) target(%dma_start3A_789 : memref<1536xf32, #tpu.memory_space<vmem>>) target_semaphore(%arg25 : memref<!tpu.dma_semaphore, #tpu.memory_space<semaphore_mem>>)
      %add3A_791 = arith.constant 1 : i32
      %add3A_792 = arith.addi %add3A_732, %add3A_791 : i32
      %mul3A_793 = arith.constant 4 : i32
      %mul3A_794 = arith.muli %add3A_792, %mul3A_793 : i32
      %le3A_795 = arith.constant 380 : i32
      %le3A_796 = arith.cmpi sle, %mul3A_794, %le3A_795 : i32
      %jit3A_797 = arith.constant 380 : i32
      %select_n3A_798 = arith.select %le3A_796, %mul3A_794, %jit3A_797 : i32
      %mul3A_799 = arith.constant 384 : i32
      %mul3A_800 = arith.muli %select_n3A_798, %mul3A_799 : i32
      %add3A_801 = arith.addi %mul3A_99, %mul3A_800 : i32
      %dma_start3A_802 = tpu.memref_slice %arg3[%add3A_801] : memref<9437184xf32, #tpu.memory_space<hbm>> -> memref<1536xf32, #tpu.memory_space<hbm>>
      %dma_start3A_803 = tpu.memref_slice %arg3[%add3A_801] : memref<9437184xf32, #tpu.memory_space<hbm>> -> memref<1536xf32, #tpu.memory_space<hbm>>
      tpu.enqueue_dma source(%dma_start3A_803 : memref<1536xf32, #tpu.memory_space<hbm>>) target(%arg9 : memref<1536xf32, #tpu.memory_space<vmem>>) target_semaphore(%arg26 : memref<!tpu.dma_semaphore, #tpu.memory_space<semaphore_mem>>)
      %add3A_804 = arith.addi %mul3A_105, %mul3A_800 : i32
      %dma_start3A_805 = tpu.memref_slice %arg3[%add3A_804] : memref<9437184xf32, #tpu.memory_space<hbm>> -> memref<1536xf32, #tpu.memory_space<hbm>>
      %dma_start3A_806 = tpu.memref_slice %arg3[%add3A_804] : memref<9437184xf32, #tpu.memory_space<hbm>> -> memref<1536xf32, #tpu.memory_space<hbm>>
      tpu.enqueue_dma source(%dma_start3A_806 : memref<1536xf32, #tpu.memory_space<hbm>>) target(%arg11 : memref<1536xf32, #tpu.memory_space<vmem>>) target_semaphore(%arg26 : memref<!tpu.dma_semaphore, #tpu.memory_space<semaphore_mem>>)
      %add3A_807 = arith.addi %mul3A_71, %mul3A_800 : i32
      %dma_start3A_808 = tpu.memref_slice %arg2[%add3A_807] : memref<7962624xf32, #tpu.memory_space<hbm>> -> memref<1536xf32, #tpu.memory_space<hbm>>
      %dma_start3A_809 = tpu.memref_slice %arg2[%add3A_807] : memref<7962624xf32, #tpu.memory_space<hbm>> -> memref<1536xf32, #tpu.memory_space<hbm>>
      tpu.enqueue_dma source(%dma_start3A_809 : memref<1536xf32, #tpu.memory_space<hbm>>) target(%arg15 : memref<1536xf32, #tpu.memory_space<vmem>>) target_semaphore(%arg27 : memref<!tpu.dma_semaphore, #tpu.memory_space<semaphore_mem>>)
      %add3A_810 = arith.addi %mul3A_77, %mul3A_800 : i32
      %dma_start3A_811 = tpu.memref_slice %arg2[%add3A_810] : memref<7962624xf32, #tpu.memory_space<hbm>> -> memref<1536xf32, #tpu.memory_space<hbm>>
      %dma_start3A_812 = tpu.memref_slice %arg2[%add3A_810] : memref<7962624xf32, #tpu.memory_space<hbm>> -> memref<1536xf32, #tpu.memory_space<hbm>>
      tpu.enqueue_dma source(%dma_start3A_812 : memref<1536xf32, #tpu.memory_space<hbm>>) target(%arg16 : memref<1536xf32, #tpu.memory_space<vmem>>) target_semaphore(%arg27 : memref<!tpu.dma_semaphore, #tpu.memory_space<semaphore_mem>>)
      %add3A_813 = arith.addi %mul3A_83, %mul3A_800 : i32
      %dma_start3A_814 = tpu.memref_slice %arg2[%add3A_813] : memref<7962624xf32, #tpu.memory_space<hbm>> -> memref<1536xf32, #tpu.memory_space<hbm>>
      %dma_start3A_815 = tpu.memref_slice %arg2[%add3A_813] : memref<7962624xf32, #tpu.memory_space<hbm>> -> memref<1536xf32, #tpu.memory_space<hbm>>
      tpu.enqueue_dma source(%dma_start3A_815 : memref<1536xf32, #tpu.memory_space<hbm>>) target(%arg17 : memref<1536xf32, #tpu.memory_space<vmem>>) target_semaphore(%arg27 : memref<!tpu.dma_semaphore, #tpu.memory_space<semaphore_mem>>)
      %ge3A_816 = arith.constant 2 : i32
      %ge3A_817 = arith.cmpi sge, %add3A_732, %ge3A_816 : i32
      %convert_element_type3A_818 = arith.extui %ge3A_817 : i1 to i32
      %cond3A_819 = arith.constant 0 : i32
      %cond3A_820 = arith.cmpi ne, %convert_element_type3A_818, %cond3A_819 : i32
      scf.if %cond3A_820 {
        %mul3A_844 = arith.constant 384 : i32
        %mul3A_845 = arith.muli %mul3A_734, %mul3A_844 : i32
        %add3A_846 = arith.addi %mul3A_87, %mul3A_845 : i32
        %dma_wait3A_847 = tpu.memref_slice %arg4[%add3A_846] : memref<14155776xf32, #tpu.memory_space<hbm>> -> memref<1536xf32, #tpu.memory_space<hbm>>
        %dma_wait3A_848 = tpu.memref_slice %arg4[%add3A_846] : memref<14155776xf32, #tpu.memory_space<hbm>> -> memref<1536xf32, #tpu.memory_space<hbm>>
        tpu.wait_dma2 semaphore(%arg28 : memref<!tpu.dma_semaphore, #tpu.memory_space<semaphore_mem>>) src(%arg18 : memref<1536xf32, #tpu.memory_space<vmem>>) dst(%dma_wait3A_848 : memref<1536xf32, #tpu.memory_space<hbm>>)
        %mul3A_849 = arith.constant 384 : i32
        %mul3A_850 = arith.muli %mul3A_734, %mul3A_849 : i32
        %add3A_851 = arith.addi %mul3A_91, %mul3A_850 : i32
        %dma_wait3A_852 = tpu.memref_slice %arg4[%add3A_851] : memref<14155776xf32, #tpu.memory_space<hbm>> -> memref<1536xf32, #tpu.memory_space<hbm>>
        %dma_wait3A_853 = tpu.memref_slice %arg4[%add3A_851] : memref<14155776xf32, #tpu.memory_space<hbm>> -> memref<1536xf32, #tpu.memory_space<hbm>>
        tpu.wait_dma2 semaphore(%arg28 : memref<!tpu.dma_semaphore, #tpu.memory_space<semaphore_mem>>) src(%arg19 : memref<1536xf32, #tpu.memory_space<vmem>>) dst(%dma_wait3A_853 : memref<1536xf32, #tpu.memory_space<hbm>>)
        %mul3A_854 = arith.constant 384 : i32
        %mul3A_855 = arith.muli %mul3A_734, %mul3A_854 : i32
        %add3A_856 = arith.addi %mul3A_95, %mul3A_855 : i32
        %dma_wait3A_857 = tpu.memref_slice %arg4[%add3A_856] : memref<14155776xf32, #tpu.memory_space<hbm>> -> memref<1536xf32, #tpu.memory_space<hbm>>
        %dma_wait3A_858 = tpu.memref_slice %arg4[%add3A_856] : memref<14155776xf32, #tpu.memory_space<hbm>> -> memref<1536xf32, #tpu.memory_space<hbm>>
        tpu.wait_dma2 semaphore(%arg28 : memref<!tpu.dma_semaphore, #tpu.memory_space<semaphore_mem>>) src(%arg20 : memref<1536xf32, #tpu.memory_space<vmem>>) dst(%dma_wait3A_858 : memref<1536xf32, #tpu.memory_space<hbm>>)
      } else {
      }
      %scan3A_821 = arith.constant 0 : i32
      %scan3A_822 = arith.constant 0 : i32
      %scan3A_823 = arith.constant 4 : i32
      %scan3A_824 = arith.addi %scan3A_822, %scan3A_823 : i32
      %scan3A_825 = arith.constant 1 : i32
      %scan3A_826 = scf.for %scan3A_844 = %scan3A_822 to %scan3A_824 step %scan3A_825 iter_args(%scan3A_845 = %scan3A_821) -> (i32)  : i32 {
        %convert_element_type3A_846 = arith.sitofp %scan3A_844 : i32 to f32
        %add3A_847 = arith.addf %convert_element_type3A_751, %convert_element_type3A_846 : f32
        %mul3A_848 = arith.constant 384 : i32
        %mul3A_849 = arith.muli %scan3A_844, %mul3A_848 : i32
        %broadcast_in_dim3A = arith.constant 3.840000e+02 : f32
        %broadcast_in_dim3A_850 = vector.broadcast %broadcast_in_dim3A : f32 to vector<16xf32>
        %broadcast_in_dim3A_851 = arith.constant -1.000000e+00 : f32
        %broadcast_in_dim3A_852 = vector.broadcast %broadcast_in_dim3A_851 : f32 to vector<16xf32>
        %parallel_loop3A = arith.constant 0 : i32
        %parallel_loop3A_853 = arith.constant 24 : i32
        %parallel_loop3A_854 = arith.constant 1 : i32
        %parallel_loop3A_855:2 = scf.for %parallel_loop3A_867 = %parallel_loop3A to %parallel_loop3A_853 step %parallel_loop3A_854 iter_args(%parallel_loop3A_868 = %broadcast_in_dim3A_850, %parallel_loop3A_869 = %broadcast_in_dim3A_852) -> (vector<16xf32>, vector<16xf32>)  : i32 {
          %parallel_loop3A_870 = arith.constant 16 : i32
          %parallel_loop3A_871 = arith.muli %parallel_loop3A_867, %parallel_loop3A_870 : i32
          %parallel_loop3A_872 = arith.addi %mul3A_849, %parallel_loop3A_871 : i32
          %parallel_loop3A_873 = arith.index_cast %parallel_loop3A_872 : i32 to index
          %parallel_loop3A_874 = tpu.vector_load %arg8[%parallel_loop3A_873] {strides = array<i32>} : memref<1536xf32, #tpu.memory_space<vmem>>, vector<16xf32>,
          %parallel_loop3A_875 = arith.index_cast %parallel_loop3A_872 : i32 to index
          %parallel_loop3A_876 = tpu.vector_load %arg10[%parallel_loop3A_875] {strides = array<i32>} : memref<1536xf32, #tpu.memory_space<vmem>>, vector<16xf32>,
          %parallel_loop3A_877 = vector.broadcast %add3A_847 : f32 to vector<16xf32>
          %parallel_loop3A_878 = arith.addf %parallel_loop3A_874, %parallel_loop3A_877 : vector<16xf32>
          %parallel_loop3A_879 = arith.constant 0.000000e+00 : f32
          %parallel_loop3A_880 = vector.broadcast %parallel_loop3A_879 : f32 to vector<16xf32>
          %parallel_loop3A_881 = arith.maximumf %parallel_loop3A_878, %parallel_loop3A_880 : vector<16xf32>
          %parallel_loop3A_882 = arith.constant 3.830000e+02 : f32
          %parallel_loop3A_883 = vector.broadcast %parallel_loop3A_882 : f32 to vector<16xf32>
          %parallel_loop3A_884 = arith.minimumf %parallel_loop3A_881, %parallel_loop3A_883 : vector<16xf32>
          %parallel_loop3A_885 = arith.constant 0x4B000000 : f32
          %parallel_loop3A_886 = vector.broadcast %parallel_loop3A_885 : f32 to vector<16xf32>
          %parallel_loop3A_887 = arith.addf %parallel_loop3A_884, %parallel_loop3A_886 : vector<16xf32>
          %parallel_loop3A_888 = arith.constant 0x4B000000 : f32
          %parallel_loop3A_889 = vector.broadcast %parallel_loop3A_888 : f32 to vector<16xf32>
          %parallel_loop3A_890 = arith.subf %parallel_loop3A_887, %parallel_loop3A_889 : vector<16xf32>
          %parallel_loop3A_891 = arith.constant 16 : i32
          %parallel_loop3A_892 = arith.muli %parallel_loop3A_867, %parallel_loop3A_891 : i32
          %parallel_loop3A_893 = arith.sitofp %parallel_loop3A_892 : i32 to f32
          %parallel_loop3A_894 = vector.broadcast %parallel_loop3A_893 : f32 to vector<16xf32>
          %parallel_loop3A_895 = arith.addf %convert_element_type3A, %parallel_loop3A_894 : vector<16xf32>
          %parallel_loop3A_896 = arith.addf %parallel_loop3A_876, %parallel_loop3A_895 : vector<16xf32>
          %parallel_loop3A_897 = arith.constant 0.000000e+00 : f32
          %parallel_loop3A_898 = vector.broadcast %parallel_loop3A_897 : f32 to vector<16xf32>
          %parallel_loop3A_899 = arith.maximumf %parallel_loop3A_896, %parallel_loop3A_898 : vector<16xf32>
          %parallel_loop3A_900 = arith.constant 3.830000e+02 : f32
          %parallel_loop3A_901 = vector.broadcast %parallel_loop3A_900 : f32 to vector<16xf32>
          %parallel_loop3A_902 = arith.minimumf %parallel_loop3A_899, %parallel_loop3A_901 : vector<16xf32>
          %parallel_loop3A_903 = arith.constant 0x4B000000 : f32
          %parallel_loop3A_904 = vector.broadcast %parallel_loop3A_903 : f32 to vector<16xf32>
          %parallel_loop3A_905 = arith.addf %parallel_loop3A_902, %parallel_loop3A_904 : vector<16xf32>
          %parallel_loop3A_906 = arith.constant 0x4B000000 : f32
          %parallel_loop3A_907 = vector.broadcast %parallel_loop3A_906 : f32 to vector<16xf32>
          %parallel_loop3A_908 = arith.subf %parallel_loop3A_905, %parallel_loop3A_907 : vector<16xf32>
          %parallel_loop3A_909 = arith.fptosi %parallel_loop3A_908 : vector<16xf32> to vector<16xi32>
          %parallel_loop3A_910 = vector.broadcast %convert_element_type3A_749 : f32 to vector<16xf32>
          %parallel_loop3A_911 = arith.maximumf %parallel_loop3A_890, %parallel_loop3A_910 : vector<16xf32>
          %parallel_loop3A_912 = vector.broadcast %convert_element_type3A_750 : f32 to vector<16xf32>
          %parallel_loop3A_913 = arith.minimumf %parallel_loop3A_911, %parallel_loop3A_912 : vector<16xf32>
          %parallel_loop3A_914 = arith.fptosi %parallel_loop3A_913 : vector<16xf32> to vector<16xi32>
          %parallel_loop3A_915 = arith.constant 45591 : i32
          %parallel_loop3A_916 = vector.broadcast %parallel_loop3A_915 : i32 to vector<16xi32>
          %parallel_loop3A_917 = arith.muli %parallel_loop3A_914, %parallel_loop3A_916 : vector<16xi32>
          %parallel_loop3A_918 = arith.constant 22 : i32
          %parallel_loop3A_919 = vector.broadcast %parallel_loop3A_918 : i32 to vector<16xi32>
          %parallel_loop3A_920 = arith.shrsi %parallel_loop3A_917, %parallel_loop3A_919 : vector<16xi32>
          %parallel_loop3A_921 = arith.constant 92 : i32
          %parallel_loop3A_922 = vector.broadcast %parallel_loop3A_921 : i32 to vector<16xi32>
          %parallel_loop3A_923 = arith.muli %parallel_loop3A_920, %parallel_loop3A_922 : vector<16xi32>
          %parallel_loop3A_924 = arith.subi %parallel_loop3A_914, %parallel_loop3A_923 : vector<16xi32>
          %parallel_loop3A_925 = arith.constant 384 : i32
          %parallel_loop3A_926 = vector.broadcast %parallel_loop3A_925 : i32 to vector<16xi32>
          %parallel_loop3A_927 = arith.muli %parallel_loop3A_924, %parallel_loop3A_926 : vector<16xi32>
          %parallel_loop3A_928 = arith.addi %parallel_loop3A_927, %parallel_loop3A_909 : vector<16xi32>
          %parallel_loop3A_929 = tpu.vector_load_idx %arg5[%parallel_loop3A_928] : memref<35328xf32, #tpu.memory_space<vmem>>[vector<16xi32>], vector<16xf32>,
          %parallel_loop3A_930 = arith.index_cast %parallel_loop3A_872 : i32 to index
          %parallel_loop3A_931 = tpu.vector_load %arg12[%parallel_loop3A_930] {strides = array<i32>} : memref<1536xf32, #tpu.memory_space<vmem>>, vector<16xf32>,
          %parallel_loop3A_932 = arith.subf %parallel_loop3A_931, %parallel_loop3A_929 : vector<16xf32>
          %parallel_loop3A_933 = arith.index_cast %parallel_loop3A_872 : i32 to index
          %parallel_loop3A_934 = tpu.vector_load %arg18[%parallel_loop3A_933] {strides = array<i32>} : memref<1536xf32, #tpu.memory_space<vmem>>, vector<16xf32>,
          tpu.vector_store %arg18[%parallel_loop3A_933], %parallel_loop3A_932 {strides = array<i32>} : memref<1536xf32, #tpu.memory_space<vmem>>, vector<16xf32>,
          %parallel_loop3A_935 = tpu.vector_load_idx %arg6[%parallel_loop3A_928] : memref<35328xf32, #tpu.memory_space<vmem>>[vector<16xi32>], vector<16xf32>,
          %parallel_loop3A_936 = arith.index_cast %parallel_loop3A_872 : i32 to index
          %parallel_loop3A_937 = tpu.vector_load %arg13[%parallel_loop3A_936] {strides = array<i32>} : memref<1536xf32, #tpu.memory_space<vmem>>, vector<16xf32>,
          %parallel_loop3A_938 = arith.subf %parallel_loop3A_937, %parallel_loop3A_935 : vector<16xf32>
          %parallel_loop3A_939 = arith.index_cast %parallel_loop3A_872 : i32 to index
          %parallel_loop3A_940 = tpu.vector_load %arg19[%parallel_loop3A_939] {strides = array<i32>} : memref<1536xf32, #tpu.memory_space<vmem>>, vector<16xf32>,
          tpu.vector_store %arg19[%parallel_loop3A_939], %parallel_loop3A_938 {strides = array<i32>} : memref<1536xf32, #tpu.memory_space<vmem>>, vector<16xf32>,
          %parallel_loop3A_941 = tpu.vector_load_idx %arg7[%parallel_loop3A_928] : memref<35328xf32, #tpu.memory_space<vmem>>[vector<16xi32>], vector<16xf32>,
          %parallel_loop3A_942 = arith.index_cast %parallel_loop3A_872 : i32 to index
          %parallel_loop3A_943 = tpu.vector_load %arg14[%parallel_loop3A_942] {strides = array<i32>} : memref<1536xf32, #tpu.memory_space<vmem>>, vector<16xf32>,
          %parallel_loop3A_944 = arith.subf %parallel_loop3A_943, %parallel_loop3A_941 : vector<16xf32>
          %parallel_loop3A_945 = arith.index_cast %parallel_loop3A_872 : i32 to index
          %parallel_loop3A_946 = tpu.vector_load %arg20[%parallel_loop3A_945] {strides = array<i32>} : memref<1536xf32, #tpu.memory_space<vmem>>, vector<16xf32>,
          tpu.vector_store %arg20[%parallel_loop3A_945], %parallel_loop3A_944 {strides = array<i32>} : memref<1536xf32, #tpu.memory_space<vmem>>, vector<16xf32>,
          %parallel_loop3A_947 = arith.minimumf %parallel_loop3A_868, %parallel_loop3A_890 : vector<16xf32>
          %parallel_loop3A_948 = arith.maximumf %parallel_loop3A_869, %parallel_loop3A_890 : vector<16xf32>
          scf.yield %parallel_loop3A_947, %parallel_loop3A_948 : vector<16xf32>, vector<16xf32>
        } {sc.loop_unroll_factor = 6 : i64, sc.parallel_access}
        %reduce_min3A = arith.constant true
        %reduce_min3A_856 = vector.broadcast %reduce_min3A : i1 to vector<16xi1>
        %reduce_min3A_857 = tpu.scan <min>, %parallel_loop3A_855#0 masked %reduce_min3A_856 : vector<16xf32>, vector<16xi1> -> vector<16xf32>
        %reduce_min3A_858 = vector.extract %reduce_min3A_857[15] : f32 from vector<16xf32>
        %lt3A_859 = arith.cmpf olt, %reduce_min3A_858, %convert_element_type3A_749 : f32
        %reduce_max3A = arith.constant true
        %reduce_max3A_860 = vector.broadcast %reduce_max3A : i1 to vector<16xi1>
        %reduce_max3A_861 = tpu.scan <max>, %parallel_loop3A_855#1 masked %reduce_max3A_860 : vector<16xf32>, vector<16xi1> -> vector<16xf32>
        %reduce_max3A_862 = vector.extract %reduce_max3A_861[15] : f32 from vector<16xf32>
        %gt3A = arith.cmpf ogt, %reduce_max3A_862, %convert_element_type3A_750 : f32
        %or3A = arith.ori %lt3A_859, %gt3A : i1
        %convert_element_type3A_863 = arith.extui %or3A : i1 to i32
        %cond3A_864 = arith.constant 0 : i32
        %cond3A_865 = arith.cmpi ne, %convert_element_type3A_863, %cond3A_864 : i32
        scf.if %cond3A_865 {
          %scan3A_867 = arith.constant 0 : i32
          %scan3A_868 = arith.constant 0 : i32
          %scan3A_869 = arith.constant 24 : i32
          %scan3A_870 = arith.addi %scan3A_868, %scan3A_869 : i32
          %scan3A_871 = arith.constant 1 : i32
          %scan3A_872 = scf.for %scan3A_911 = %scan3A_868 to %scan3A_870 step %scan3A_871 iter_args(%scan3A_912 = %scan3A_867) -> (i32)  : i32 {
            %mul3A_913 = arith.constant 16 : i32
            %mul3A_914 = arith.muli %scan3A_911, %mul3A_913 : i32
            %add3A_915 = arith.addi %mul3A_849, %mul3A_914 : i32
            %get3A = arith.index_cast %add3A_915 : i32 to index
            %get3A_916 = tpu.vector_load %arg8[%get3A] {strides = array<i32>} : memref<1536xf32, #tpu.memory_space<vmem>>, vector<16xf32>,
            %get3A_917 = arith.index_cast %add3A_915 : i32 to index
            %get3A_918 = tpu.vector_load %arg10[%get3A_917] {strides = array<i32>} : memref<1536xf32, #tpu.memory_space<vmem>>, vector<16xf32>,
            %add3A_919 = vector.broadcast %add3A_847 : f32 to vector<16xf32>
            %add3A_920 = arith.addf %get3A_916, %add3A_919 : vector<16xf32>
            %max3A = arith.constant 0.000000e+00 : f32
            %max3A_921 = vector.broadcast %max3A : f32 to vector<16xf32>
            %max3A_922 = arith.maximumf %add3A_920, %max3A_921 : vector<16xf32>
            %min3A = arith.constant 3.830000e+02 : f32
            %min3A_923 = vector.broadcast %min3A : f32 to vector<16xf32>
            %min3A_924 = arith.minimumf %max3A_922, %min3A_923 : vector<16xf32>
            %add3A_925 = arith.constant 0x4B000000 : f32
            %add3A_926 = vector.broadcast %add3A_925 : f32 to vector<16xf32>
            %add3A_927 = arith.addf %min3A_924, %add3A_926 : vector<16xf32>
            %sub3A_928 = arith.constant 0x4B000000 : f32
            %sub3A_929 = vector.broadcast %sub3A_928 : f32 to vector<16xf32>
            %sub3A_930 = arith.subf %add3A_927, %sub3A_929 : vector<16xf32>
            %mul3A_931 = arith.constant 16 : i32
            %mul3A_932 = arith.muli %scan3A_911, %mul3A_931 : i32
            %convert_element_type3A_933 = arith.sitofp %mul3A_932 : i32 to f32
            %add3A_934 = vector.broadcast %convert_element_type3A_933 : f32 to vector<16xf32>
            %add3A_935 = arith.addf %convert_element_type3A, %add3A_934 : vector<16xf32>
            %add3A_936 = arith.addf %get3A_918, %add3A_935 : vector<16xf32>
            %max3A_937 = arith.constant 0.000000e+00 : f32
            %max3A_938 = vector.broadcast %max3A_937 : f32 to vector<16xf32>
            %max3A_939 = arith.maximumf %add3A_936, %max3A_938 : vector<16xf32>
            %min3A_940 = arith.constant 3.830000e+02 : f32
            %min3A_941 = vector.broadcast %min3A_940 : f32 to vector<16xf32>
            %min3A_942 = arith.minimumf %max3A_939, %min3A_941 : vector<16xf32>
            %add3A_943 = arith.constant 0x4B000000 : f32
            %add3A_944 = vector.broadcast %add3A_943 : f32 to vector<16xf32>
            %add3A_945 = arith.addf %min3A_942, %add3A_944 : vector<16xf32>
            %sub3A_946 = arith.constant 0x4B000000 : f32
            %sub3A_947 = vector.broadcast %sub3A_946 : f32 to vector<16xf32>
            %sub3A_948 = arith.subf %add3A_945, %sub3A_947 : vector<16xf32>
            %mul3A_949 = arith.constant 3.840000e+02 : f32
            %mul3A_950 = vector.broadcast %mul3A_949 : f32 to vector<16xf32>
            %mul3A_951 = arith.mulf %sub3A_930, %mul3A_950 : vector<16xf32>
            %add3A_952 = arith.addf %mul3A_951, %sub3A_948 : vector<16xf32>
            %convert_element_type3A_953 = arith.fptosi %add3A_952 : vector<16xf32> to vector<16xi32>
            %mul3A_954 = arith.constant 16 : i32
            %mul3A_955 = arith.muli %scan3A_911, %mul3A_954 : i32
            %swap3A = arith.index_cast %mul3A_955 : i32 to index
            %swap3A_956 = tpu.vector_load %arg24[%swap3A] {strides = array<i32>} : memref<384xi32, #tpu.memory_space<vmem>>, vector<16xi32>,
            tpu.vector_store %arg24[%swap3A], %convert_element_type3A_953 {strides = array<i32>} : memref<384xi32, #tpu.memory_space<vmem>>, vector<16xi32>,
            %scan3A_957 = arith.constant 0 : i32
            scf.yield %scan3A_957 : i32
          }
          %scan3A_873 = arith.constant 24 : i32
          %dma_start3A_874 = tpu.memref_slice %arg18[%mul3A_849] : memref<1536xf32, #tpu.memory_space<vmem>> -> memref<384xf32, #tpu.memory_space<vmem>>
          %dma_start3A_875 = tpu.memref_slice %arg2[%mul3A_53] : memref<7962624xf32, #tpu.memory_space<hbm>> -> memref<147456xf32, #tpu.memory_space<hbm>>
          %dma_start3A_876 = arith.constant 0 : i32
          %dma_start3A_877 = tpu.memref_slice %dma_start3A_875[%dma_start3A_876] : memref<147456xf32, #tpu.memory_space<hbm>> -> memref<147456xf32, #tpu.memory_space<hbm>>
          tpu.enqueue_indirect_dma source(%dma_start3A_877 : memref<147456xf32, #tpu.memory_space<hbm>>) target(%dma_start3A_874 : memref<384xf32, #tpu.memory_space<vmem>>) offsets(%arg24 : memref<384xi32, #tpu.memory_space<vmem>>) semaphore(%arg30 : memref<!tpu.dma_semaphore, #tpu.memory_space<semaphore_mem>>)
          %dma_start3A_878 = tpu.memref_slice %arg19[%mul3A_849] : memref<1536xf32, #tpu.memory_space<vmem>> -> memref<384xf32, #tpu.memory_space<vmem>>
          %dma_start3A_879 = tpu.memref_slice %arg2[%mul3A_59] : memref<7962624xf32, #tpu.memory_space<hbm>> -> memref<147456xf32, #tpu.memory_space<hbm>>
          %dma_start3A_880 = arith.constant 0 : i32
          %dma_start3A_881 = tpu.memref_slice %dma_start3A_879[%dma_start3A_880] : memref<147456xf32, #tpu.memory_space<hbm>> -> memref<147456xf32, #tpu.memory_space<hbm>>
          tpu.enqueue_indirect_dma source(%dma_start3A_881 : memref<147456xf32, #tpu.memory_space<hbm>>) target(%dma_start3A_878 : memref<384xf32, #tpu.memory_space<vmem>>) offsets(%arg24 : memref<384xi32, #tpu.memory_space<vmem>>) semaphore(%arg30 : memref<!tpu.dma_semaphore, #tpu.memory_space<semaphore_mem>>)
          %dma_start3A_882 = tpu.memref_slice %arg20[%mul3A_849] : memref<1536xf32, #tpu.memory_space<vmem>> -> memref<384xf32, #tpu.memory_space<vmem>>
          %dma_start3A_883 = tpu.memref_slice %arg2[%mul3A_65] : memref<7962624xf32, #tpu.memory_space<hbm>> -> memref<147456xf32, #tpu.memory_space<hbm>>
          %dma_start3A_884 = arith.constant 0 : i32
          %dma_start3A_885 = tpu.memref_slice %dma_start3A_883[%dma_start3A_884] : memref<147456xf32, #tpu.memory_space<hbm>> -> memref<147456xf32, #tpu.memory_space<hbm>>
          tpu.enqueue_indirect_dma source(%dma_start3A_885 : memref<147456xf32, #tpu.memory_space<hbm>>) target(%dma_start3A_882 : memref<384xf32, #tpu.memory_space<vmem>>) offsets(%arg24 : memref<384xi32, #tpu.memory_space<vmem>>) semaphore(%arg30 : memref<!tpu.dma_semaphore, #tpu.memory_space<semaphore_mem>>)
          %dma_wait3A_886 = tpu.memref_slice %arg18[%mul3A_849] : memref<1536xf32, #tpu.memory_space<vmem>> -> memref<384xf32, #tpu.memory_space<vmem>>
          %dma_wait3A_887 = arith.constant 0 : i32
          %dma_wait3A_888 = tpu.memref_slice %arg2[%dma_wait3A_887] : memref<7962624xf32, #tpu.memory_space<hbm>> -> memref<384xf32, #tpu.memory_space<hbm>>
          %dma_wait3A_889 = tpu.memref_slice %arg18[%mul3A_849] : memref<1536xf32, #tpu.memory_space<vmem>> -> memref<384xf32, #tpu.memory_space<vmem>>
          %dma_wait3A_890 = arith.constant 0 : i32
          %dma_wait3A_891 = tpu.memref_slice %arg2[%dma_wait3A_890] : memref<7962624xf32, #tpu.memory_space<hbm>> -> memref<384xf32, #tpu.memory_space<hbm>>
          tpu.wait_dma2 semaphore(%arg30 : memref<!tpu.dma_semaphore, #tpu.memory_space<semaphore_mem>>) src(%dma_wait3A_891 : memref<384xf32, #tpu.memory_space<hbm>>) dst(%dma_wait3A_889 : memref<384xf32, #tpu.memory_space<vmem>>)
          %dma_wait3A_892 = tpu.memref_slice %arg19[%mul3A_849] : memref<1536xf32, #tpu.memory_space<vmem>> -> memref<384xf32, #tpu.memory_space<vmem>>
          %dma_wait3A_893 = arith.constant 0 : i32
          %dma_wait3A_894 = tpu.memref_slice %arg2[%dma_wait3A_893] : memref<7962624xf32, #tpu.memory_space<hbm>> -> memref<384xf32, #tpu.memory_space<hbm>>
          %dma_wait3A_895 = tpu.memref_slice %arg19[%mul3A_849] : memref<1536xf32, #tpu.memory_space<vmem>> -> memref<384xf32, #tpu.memory_space<vmem>>
          %dma_wait3A_896 = arith.constant 0 : i32
          %dma_wait3A_897 = tpu.memref_slice %arg2[%dma_wait3A_896] : memref<7962624xf32, #tpu.memory_space<hbm>> -> memref<384xf32, #tpu.memory_space<hbm>>
          tpu.wait_dma2 semaphore(%arg30 : memref<!tpu.dma_semaphore, #tpu.memory_space<semaphore_mem>>) src(%dma_wait3A_897 : memref<384xf32, #tpu.memory_space<hbm>>) dst(%dma_wait3A_895 : memref<384xf32, #tpu.memory_space<vmem>>)
          %dma_wait3A_898 = tpu.memref_slice %arg20[%mul3A_849] : memref<1536xf32, #tpu.memory_space<vmem>> -> memref<384xf32, #tpu.memory_space<vmem>>
          %dma_wait3A_899 = arith.constant 0 : i32
          %dma_wait3A_900 = tpu.memref_slice %arg2[%dma_wait3A_899] : memref<7962624xf32, #tpu.memory_space<hbm>> -> memref<384xf32, #tpu.memory_space<hbm>>
          %dma_wait3A_901 = tpu.memref_slice %arg20[%mul3A_849] : memref<1536xf32, #tpu.memory_space<vmem>> -> memref<384xf32, #tpu.memory_space<vmem>>
          %dma_wait3A_902 = arith.constant 0 : i32
          %dma_wait3A_903 = tpu.memref_slice %arg2[%dma_wait3A_902] : memref<7962624xf32, #tpu.memory_space<hbm>> -> memref<384xf32, #tpu.memory_space<hbm>>
          tpu.wait_dma2 semaphore(%arg30 : memref<!tpu.dma_semaphore, #tpu.memory_space<semaphore_mem>>) src(%dma_wait3A_903 : memref<384xf32, #tpu.memory_space<hbm>>) dst(%dma_wait3A_901 : memref<384xf32, #tpu.memory_space<vmem>>)
          %scan3A_904 = arith.constant 0 : i32
          %scan3A_905 = arith.constant 0 : i32
          %scan3A_906 = arith.constant 24 : i32
          %scan3A_907 = arith.addi %scan3A_905, %scan3A_906 : i32
          %scan3A_908 = arith.constant 1 : i32
          %scan3A_909 = scf.for %scan3A_911 = %scan3A_905 to %scan3A_907 step %scan3A_908 iter_args(%scan3A_912 = %scan3A_904) -> (i32)  : i32 {
            %mul3A_913 = arith.constant 16 : i32
            %mul3A_914 = arith.muli %scan3A_911, %mul3A_913 : i32
            %add3A_915 = arith.addi %mul3A_849, %mul3A_914 : i32
            %get3A = arith.index_cast %add3A_915 : i32 to index
            %get3A_916 = tpu.vector_load %arg12[%get3A] {strides = array<i32>} : memref<1536xf32, #tpu.memory_space<vmem>>, vector<16xf32>,
            %get3A_917 = arith.index_cast %add3A_915 : i32 to index
            %get3A_918 = tpu.vector_load %arg18[%get3A_917] {strides = array<i32>} : memref<1536xf32, #tpu.memory_space<vmem>>, vector<16xf32>,
            %sub3A_919 = arith.subf %get3A_916, %get3A_918 : vector<16xf32>
            %swap3A = arith.index_cast %add3A_915 : i32 to index
            %swap3A_920 = tpu.vector_load %arg18[%swap3A] {strides = array<i32>} : memref<1536xf32, #tpu.memory_space<vmem>>, vector<16xf32>,
            tpu.vector_store %arg18[%swap3A], %sub3A_919 {strides = array<i32>} : memref<1536xf32, #tpu.memory_space<vmem>>, vector<16xf32>,
            %get3A_921 = arith.index_cast %add3A_915 : i32 to index
            %get3A_922 = tpu.vector_load %arg13[%get3A_921] {strides = array<i32>} : memref<1536xf32, #tpu.memory_space<vmem>>, vector<16xf32>,
            %get3A_923 = arith.index_cast %add3A_915 : i32 to index
            %get3A_924 = tpu.vector_load %arg19[%get3A_923] {strides = array<i32>} : memref<1536xf32, #tpu.memory_space<vmem>>, vector<16xf32>,
            %sub3A_925 = arith.subf %get3A_922, %get3A_924 : vector<16xf32>
            %swap3A_926 = arith.index_cast %add3A_915 : i32 to index
            %swap3A_927 = tpu.vector_load %arg19[%swap3A_926] {strides = array<i32>} : memref<1536xf32, #tpu.memory_space<vmem>>, vector<16xf32>,
            tpu.vector_store %arg19[%swap3A_926], %sub3A_925 {strides = array<i32>} : memref<1536xf32, #tpu.memory_space<vmem>>, vector<16xf32>,
            %get3A_928 = arith.index_cast %add3A_915 : i32 to index
            %get3A_929 = tpu.vector_load %arg14[%get3A_928] {strides = array<i32>} : memref<1536xf32, #tpu.memory_space<vmem>>, vector<16xf32>,
            %get3A_930 = arith.index_cast %add3A_915 : i32 to index
            %get3A_931 = tpu.vector_load %arg20[%get3A_930] {strides = array<i32>} : memref<1536xf32, #tpu.memory_space<vmem>>, vector<16xf32>,
            %sub3A_932 = arith.subf %get3A_929, %get3A_931 : vector<16xf32>
            %swap3A_933 = arith.index_cast %add3A_915 : i32 to index
            %swap3A_934 = tpu.vector_load %arg20[%swap3A_933] {strides = array<i32>} : memref<1536xf32, #tpu.memory_space<vmem>>, vector<16xf32>,
            tpu.vector_store %arg20[%swap3A_933], %sub3A_932 {strides = array<i32>} : memref<1536xf32, #tpu.memory_space<vmem>>, vector<16xf32>,
            %scan3A_935 = arith.constant 0 : i32
            scf.yield %scan3A_935 : i32
          }
          %scan3A_910 = arith.constant 24 : i32
        } else {
        }
        %scan3A_866 = arith.constant 0 : i32
        scf.yield %scan3A_866 : i32
      }
      %scan3A_827 = arith.constant 4 : i32
      %mul3A_828 = arith.constant 384 : i32
      %mul3A_829 = arith.muli %mul3A_734, %mul3A_828 : i32
      %add3A_830 = arith.addi %mul3A_87, %mul3A_829 : i32
      %dma_start3A_831 = tpu.memref_slice %arg4[%add3A_830] : memref<14155776xf32, #tpu.memory_space<hbm>> -> memref<1536xf32, #tpu.memory_space<hbm>>
      %dma_start3A_832 = tpu.memref_slice %arg4[%add3A_830] : memref<14155776xf32, #tpu.memory_space<hbm>> -> memref<1536xf32, #tpu.memory_space<hbm>>
      tpu.enqueue_dma source(%arg18 : memref<1536xf32, #tpu.memory_space<vmem>>) target(%dma_start3A_832 : memref<1536xf32, #tpu.memory_space<hbm>>) target_semaphore(%arg28 : memref<!tpu.dma_semaphore, #tpu.memory_space<semaphore_mem>>)
      %mul3A_833 = arith.constant 384 : i32
      %mul3A_834 = arith.muli %mul3A_734, %mul3A_833 : i32
      %add3A_835 = arith.addi %mul3A_91, %mul3A_834 : i32
      %dma_start3A_836 = tpu.memref_slice %arg4[%add3A_835] : memref<14155776xf32, #tpu.memory_space<hbm>> -> memref<1536xf32, #tpu.memory_space<hbm>>
      %dma_start3A_837 = tpu.memref_slice %arg4[%add3A_835] : memref<14155776xf32, #tpu.memory_space<hbm>> -> memref<1536xf32, #tpu.memory_space<hbm>>
      tpu.enqueue_dma source(%arg19 : memref<1536xf32, #tpu.memory_space<vmem>>) target(%dma_start3A_837 : memref<1536xf32, #tpu.memory_space<hbm>>) target_semaphore(%arg28 : memref<!tpu.dma_semaphore, #tpu.memory_space<semaphore_mem>>)
      %mul3A_838 = arith.constant 384 : i32
      %mul3A_839 = arith.muli %mul3A_734, %mul3A_838 : i32
      %add3A_840 = arith.addi %mul3A_95, %mul3A_839 : i32
      %dma_start3A_841 = tpu.memref_slice %arg4[%add3A_840] : memref<14155776xf32, #tpu.memory_space<hbm>> -> memref<1536xf32, #tpu.memory_space<hbm>>
      %dma_start3A_842 = tpu.memref_slice %arg4[%add3A_840] : memref<14155776xf32, #tpu.memory_space<hbm>> -> memref<1536xf32, #tpu.memory_space<hbm>>
      tpu.enqueue_dma source(%arg20 : memref<1536xf32, #tpu.memory_space<vmem>>) target(%dma_start3A_842 : memref<1536xf32, #tpu.memory_space<hbm>>) target_semaphore(%arg28 : memref<!tpu.dma_semaphore, #tpu.memory_space<semaphore_mem>>)
      %scan3A_843 = arith.constant 0 : i32
      scf.yield %scan3A_843 : i32
    }
    %scan3A_301 = arith.constant 47 : i32
    %dma_wait3A_302 = arith.constant 0 : i32
    %dma_wait3A_303 = tpu.memref_slice %arg5[%dma_wait3A_302] : memref<35328xf32, #tpu.memory_space<vmem>> -> memref<1536xf32, #tpu.memory_space<vmem>>
    %dma_wait3A_304 = arith.constant 0 : i32
    %dma_wait3A_305 = tpu.memref_slice %arg2[%dma_wait3A_304] : memref<7962624xf32, #tpu.memory_space<hbm>> -> memref<1536xf32, #tpu.memory_space<hbm>>
    %dma_wait3A_306 = arith.constant 0 : i32
    %dma_wait3A_307 = tpu.memref_slice %arg5[%dma_wait3A_306] : memref<35328xf32, #tpu.memory_space<vmem>> -> memref<1536xf32, #tpu.memory_space<vmem>>
    %dma_wait3A_308 = arith.constant 0 : i32
    %dma_wait3A_309 = tpu.memref_slice %arg2[%dma_wait3A_308] : memref<7962624xf32, #tpu.memory_space<hbm>> -> memref<1536xf32, #tpu.memory_space<hbm>>
    tpu.wait_dma2 semaphore(%arg25 : memref<!tpu.dma_semaphore, #tpu.memory_space<semaphore_mem>>) src(%dma_wait3A_309 : memref<1536xf32, #tpu.memory_space<hbm>>) dst(%dma_wait3A_307 : memref<1536xf32, #tpu.memory_space<vmem>>)
    %dma_wait3A_310 = arith.constant 0 : i32
    %dma_wait3A_311 = tpu.memref_slice %arg6[%dma_wait3A_310] : memref<35328xf32, #tpu.memory_space<vmem>> -> memref<1536xf32, #tpu.memory_space<vmem>>
    %dma_wait3A_312 = arith.constant 0 : i32
    %dma_wait3A_313 = tpu.memref_slice %arg2[%dma_wait3A_312] : memref<7962624xf32, #tpu.memory_space<hbm>> -> memref<1536xf32, #tpu.memory_space<hbm>>
    %dma_wait3A_314 = arith.constant 0 : i32
    %dma_wait3A_315 = tpu.memref_slice %arg6[%dma_wait3A_314] : memref<35328xf32, #tpu.memory_space<vmem>> -> memref<1536xf32, #tpu.memory_space<vmem>>
    %dma_wait3A_316 = arith.constant 0 : i32
    %dma_wait3A_317 = tpu.memref_slice %arg2[%dma_wait3A_316] : memref<7962624xf32, #tpu.memory_space<hbm>> -> memref<1536xf32, #tpu.memory_space<hbm>>
    tpu.wait_dma2 semaphore(%arg25 : memref<!tpu.dma_semaphore, #tpu.memory_space<semaphore_mem>>) src(%dma_wait3A_317 : memref<1536xf32, #tpu.memory_space<hbm>>) dst(%dma_wait3A_315 : memref<1536xf32, #tpu.memory_space<vmem>>)
    %dma_wait3A_318 = arith.constant 0 : i32
    %dma_wait3A_319 = tpu.memref_slice %arg7[%dma_wait3A_318] : memref<35328xf32, #tpu.memory_space<vmem>> -> memref<1536xf32, #tpu.memory_space<vmem>>
    %dma_wait3A_320 = arith.constant 0 : i32
    %dma_wait3A_321 = tpu.memref_slice %arg2[%dma_wait3A_320] : memref<7962624xf32, #tpu.memory_space<hbm>> -> memref<1536xf32, #tpu.memory_space<hbm>>
    %dma_wait3A_322 = arith.constant 0 : i32
    %dma_wait3A_323 = tpu.memref_slice %arg7[%dma_wait3A_322] : memref<35328xf32, #tpu.memory_space<vmem>> -> memref<1536xf32, #tpu.memory_space<vmem>>
    %dma_wait3A_324 = arith.constant 0 : i32
    %dma_wait3A_325 = tpu.memref_slice %arg2[%dma_wait3A_324] : memref<7962624xf32, #tpu.memory_space<hbm>> -> memref<1536xf32, #tpu.memory_space<hbm>>
    tpu.wait_dma2 semaphore(%arg25 : memref<!tpu.dma_semaphore, #tpu.memory_space<semaphore_mem>>) src(%dma_wait3A_325 : memref<1536xf32, #tpu.memory_space<hbm>>) dst(%dma_wait3A_323 : memref<1536xf32, #tpu.memory_space<vmem>>)
    %dma_wait3A_326 = arith.constant 0 : i32
    %dma_wait3A_327 = tpu.memref_slice %arg3[%dma_wait3A_326] : memref<9437184xf32, #tpu.memory_space<hbm>> -> memref<1536xf32, #tpu.memory_space<hbm>>
    %dma_wait3A_328 = arith.constant 0 : i32
    %dma_wait3A_329 = tpu.memref_slice %arg3[%dma_wait3A_328] : memref<9437184xf32, #tpu.memory_space<hbm>> -> memref<1536xf32, #tpu.memory_space<hbm>>
    tpu.wait_dma2 semaphore(%arg26 : memref<!tpu.dma_semaphore, #tpu.memory_space<semaphore_mem>>) src(%dma_wait3A_329 : memref<1536xf32, #tpu.memory_space<hbm>>) dst(%arg9 : memref<1536xf32, #tpu.memory_space<vmem>>)
    %dma_wait3A_330 = arith.constant 0 : i32
    %dma_wait3A_331 = tpu.memref_slice %arg3[%dma_wait3A_330] : memref<9437184xf32, #tpu.memory_space<hbm>> -> memref<1536xf32, #tpu.memory_space<hbm>>
    %dma_wait3A_332 = arith.constant 0 : i32
    %dma_wait3A_333 = tpu.memref_slice %arg3[%dma_wait3A_332] : memref<9437184xf32, #tpu.memory_space<hbm>> -> memref<1536xf32, #tpu.memory_space<hbm>>
    tpu.wait_dma2 semaphore(%arg26 : memref<!tpu.dma_semaphore, #tpu.memory_space<semaphore_mem>>) src(%dma_wait3A_333 : memref<1536xf32, #tpu.memory_space<hbm>>) dst(%arg11 : memref<1536xf32, #tpu.memory_space<vmem>>)
    %dma_wait3A_334 = arith.constant 0 : i32
    %dma_wait3A_335 = tpu.memref_slice %arg2[%dma_wait3A_334] : memref<7962624xf32, #tpu.memory_space<hbm>> -> memref<1536xf32, #tpu.memory_space<hbm>>
    %dma_wait3A_336 = arith.constant 0 : i32
    %dma_wait3A_337 = tpu.memref_slice %arg2[%dma_wait3A_336] : memref<7962624xf32, #tpu.memory_space<hbm>> -> memref<1536xf32, #tpu.memory_space<hbm>>
    tpu.wait_dma2 semaphore(%arg27 : memref<!tpu.dma_semaphore, #tpu.memory_space<semaphore_mem>>) src(%dma_wait3A_337 : memref<1536xf32, #tpu.memory_space<hbm>>) dst(%arg15 : memref<1536xf32, #tpu.memory_space<vmem>>)
    %dma_wait3A_338 = arith.constant 0 : i32
    %dma_wait3A_339 = tpu.memref_slice %arg2[%dma_wait3A_338] : memref<7962624xf32, #tpu.memory_space<hbm>> -> memref<1536xf32, #tpu.memory_space<hbm>>
    %dma_wait3A_340 = arith.constant 0 : i32
    %dma_wait3A_341 = tpu.memref_slice %arg2[%dma_wait3A_340] : memref<7962624xf32, #tpu.memory_space<hbm>> -> memref<1536xf32, #tpu.memory_space<hbm>>
    tpu.wait_dma2 semaphore(%arg27 : memref<!tpu.dma_semaphore, #tpu.memory_space<semaphore_mem>>) src(%dma_wait3A_341 : memref<1536xf32, #tpu.memory_space<hbm>>) dst(%arg16 : memref<1536xf32, #tpu.memory_space<vmem>>)
    %dma_wait3A_342 = arith.constant 0 : i32
    %dma_wait3A_343 = tpu.memref_slice %arg2[%dma_wait3A_342] : memref<7962624xf32, #tpu.memory_space<hbm>> -> memref<1536xf32, #tpu.memory_space<hbm>>
    %dma_wait3A_344 = arith.constant 0 : i32
    %dma_wait3A_345 = tpu.memref_slice %arg2[%dma_wait3A_344] : memref<7962624xf32, #tpu.memory_space<hbm>> -> memref<1536xf32, #tpu.memory_space<hbm>>
    tpu.wait_dma2 semaphore(%arg27 : memref<!tpu.dma_semaphore, #tpu.memory_space<semaphore_mem>>) src(%dma_wait3A_345 : memref<1536xf32, #tpu.memory_space<hbm>>) dst(%arg17 : memref<1536xf32, #tpu.memory_space<vmem>>)
    %mul3A_346 = arith.constant 95 : i32
    %mul3A_347 = arith.constant 4 : i32
    %mul3A_348 = arith.muli %mul3A_346, %mul3A_347 : i32
    %ge3A_349 = arith.constant 40 : i32
    %ge3A_350 = arith.cmpi sge, %mul3A_348, %ge3A_349 : i32
    %sub3A_351 = arith.constant 40 : i32
    %sub3A_352 = arith.subi %mul3A_348, %sub3A_351 : i32
    %jit3A_353 = arith.constant 0 : i32
    %select_n3A_354 = arith.select %ge3A_350, %sub3A_352, %jit3A_353 : i32
    %add3A_355 = arith.constant 47 : i32
    %add3A_356 = arith.addi %mul3A_348, %add3A_355 : i32
    %le3A_357 = arith.constant 383 : i32
    %le3A_358 = arith.cmpi sle, %add3A_356, %le3A_357 : i32
    %add3A_359 = arith.constant 47 : i32
    %add3A_360 = arith.addi %mul3A_348, %add3A_359 : i32
    %jit3A_361 = arith.constant 383 : i32
    %select_n3A_362 = arith.select %le3A_358, %add3A_360, %jit3A_361 : i32
    %convert_element_type3A_363 = arith.sitofp %select_n3A_354 : i32 to f32
    %convert_element_type3A_364 = arith.sitofp %select_n3A_362 : i32 to f32
    %convert_element_type3A_365 = arith.sitofp %mul3A_348 : i32 to f32
    %mul3A_366 = arith.constant 95 : i32
    %mul3A_367 = arith.constant 4 : i32
    %mul3A_368 = arith.muli %mul3A_366, %mul3A_367 : i32
    %add3A_369 = arith.constant 48 : i32
    %add3A_370 = arith.addi %mul3A_368, %add3A_369 : i32
    %le3A_371 = arith.constant 380 : i32
    %le3A_372 = arith.cmpi sle, %add3A_370, %le3A_371 : i32
    %add3A_373 = arith.constant 48 : i32
    %add3A_374 = arith.addi %mul3A_368, %add3A_373 : i32
    %jit3A_375 = arith.constant 380 : i32
    %select_n3A_376 = arith.select %le3A_372, %add3A_374, %jit3A_375 : i32
    %rem3A_377 = arith.constant 92 : i32
    %rem3A_378 = arith.remsi %select_n3A_376, %rem3A_377 : i32
    %mul3A_379 = arith.constant 384 : i32
    %mul3A_380 = arith.muli %select_n3A_376, %mul3A_379 : i32
    %add3A_381 = arith.addi %mul3A_53, %mul3A_380 : i32
    %mul3A_382 = arith.constant 384 : i32
    %mul3A_383 = arith.muli %rem3A_378, %mul3A_382 : i32
    %dma_start3A_384 = tpu.memref_slice %arg5[%mul3A_383] : memref<35328xf32, #tpu.memory_space<vmem>> -> memref<1536xf32, #tpu.memory_space<vmem>>
    %dma_start3A_385 = tpu.memref_slice %arg2[%add3A_381] : memref<7962624xf32, #tpu.memory_space<hbm>> -> memref<1536xf32, #tpu.memory_space<hbm>>
    %dma_start3A_386 = tpu.memref_slice %arg5[%mul3A_383] : memref<35328xf32, #tpu.memory_space<vmem>> -> memref<1536xf32, #tpu.memory_space<vmem>>
    %dma_start3A_387 = tpu.memref_slice %arg2[%add3A_381] : memref<7962624xf32, #tpu.memory_space<hbm>> -> memref<1536xf32, #tpu.memory_space<hbm>>
    tpu.enqueue_dma source(%dma_start3A_387 : memref<1536xf32, #tpu.memory_space<hbm>>) target(%dma_start3A_386 : memref<1536xf32, #tpu.memory_space<vmem>>) target_semaphore(%arg25 : memref<!tpu.dma_semaphore, #tpu.memory_space<semaphore_mem>>)
    %mul3A_388 = arith.constant 384 : i32
    %mul3A_389 = arith.muli %select_n3A_376, %mul3A_388 : i32
    %add3A_390 = arith.addi %mul3A_59, %mul3A_389 : i32
    %mul3A_391 = arith.constant 384 : i32
    %mul3A_392 = arith.muli %rem3A_378, %mul3A_391 : i32
    %dma_start3A_393 = tpu.memref_slice %arg6[%mul3A_392] : memref<35328xf32, #tpu.memory_space<vmem>> -> memref<1536xf32, #tpu.memory_space<vmem>>
    %dma_start3A_394 = tpu.memref_slice %arg2[%add3A_390] : memref<7962624xf32, #tpu.memory_space<hbm>> -> memref<1536xf32, #tpu.memory_space<hbm>>
    %dma_start3A_395 = tpu.memref_slice %arg6[%mul3A_392] : memref<35328xf32, #tpu.memory_space<vmem>> -> memref<1536xf32, #tpu.memory_space<vmem>>
    %dma_start3A_396 = tpu.memref_slice %arg2[%add3A_390] : memref<7962624xf32, #tpu.memory_space<hbm>> -> memref<1536xf32, #tpu.memory_space<hbm>>
    tpu.enqueue_dma source(%dma_start3A_396 : memref<1536xf32, #tpu.memory_space<hbm>>) target(%dma_start3A_395 : memref<1536xf32, #tpu.memory_space<vmem>>) target_semaphore(%arg25 : memref<!tpu.dma_semaphore, #tpu.memory_space<semaphore_mem>>)
    %mul3A_397 = arith.constant 384 : i32
    %mul3A_398 = arith.muli %select_n3A_376, %mul3A_397 : i32
    %add3A_399 = arith.addi %mul3A_65, %mul3A_398 : i32
    %mul3A_400 = arith.constant 384 : i32
    %mul3A_401 = arith.muli %rem3A_378, %mul3A_400 : i32
    %dma_start3A_402 = tpu.memref_slice %arg7[%mul3A_401] : memref<35328xf32, #tpu.memory_space<vmem>> -> memref<1536xf32, #tpu.memory_space<vmem>>
    %dma_start3A_403 = tpu.memref_slice %arg2[%add3A_399] : memref<7962624xf32, #tpu.memory_space<hbm>> -> memref<1536xf32, #tpu.memory_space<hbm>>
    %dma_start3A_404 = tpu.memref_slice %arg7[%mul3A_401] : memref<35328xf32, #tpu.memory_space<vmem>> -> memref<1536xf32, #tpu.memory_space<vmem>>
    %dma_start3A_405 = tpu.memref_slice %arg2[%add3A_399] : memref<7962624xf32, #tpu.memory_space<hbm>> -> memref<1536xf32, #tpu.memory_space<hbm>>
    tpu.enqueue_dma source(%dma_start3A_405 : memref<1536xf32, #tpu.memory_space<hbm>>) target(%dma_start3A_404 : memref<1536xf32, #tpu.memory_space<vmem>>) target_semaphore(%arg25 : memref<!tpu.dma_semaphore, #tpu.memory_space<semaphore_mem>>)
    %add3A_406 = arith.constant 95 : i32
    %add3A_407 = arith.constant 1 : i32
    %add3A_408 = arith.addi %add3A_406, %add3A_407 : i32
    %mul3A_409 = arith.constant 4 : i32
    %mul3A_410 = arith.muli %add3A_408, %mul3A_409 : i32
    %le3A_411 = arith.constant 380 : i32
    %le3A_412 = arith.cmpi sle, %mul3A_410, %le3A_411 : i32
    %jit3A_413 = arith.constant 380 : i32
    %select_n3A_414 = arith.select %le3A_412, %mul3A_410, %jit3A_413 : i32
    %mul3A_415 = arith.constant 384 : i32
    %mul3A_416 = arith.muli %select_n3A_414, %mul3A_415 : i32
    %add3A_417 = arith.addi %mul3A_99, %mul3A_416 : i32
    %dma_start3A_418 = tpu.memref_slice %arg3[%add3A_417] : memref<9437184xf32, #tpu.memory_space<hbm>> -> memref<1536xf32, #tpu.memory_space<hbm>>
    %dma_start3A_419 = tpu.memref_slice %arg3[%add3A_417] : memref<9437184xf32, #tpu.memory_space<hbm>> -> memref<1536xf32, #tpu.memory_space<hbm>>
    tpu.enqueue_dma source(%dma_start3A_419 : memref<1536xf32, #tpu.memory_space<hbm>>) target(%arg8 : memref<1536xf32, #tpu.memory_space<vmem>>) target_semaphore(%arg26 : memref<!tpu.dma_semaphore, #tpu.memory_space<semaphore_mem>>)
    %add3A_420 = arith.addi %mul3A_105, %mul3A_416 : i32
    %dma_start3A_421 = tpu.memref_slice %arg3[%add3A_420] : memref<9437184xf32, #tpu.memory_space<hbm>> -> memref<1536xf32, #tpu.memory_space<hbm>>
    %dma_start3A_422 = tpu.memref_slice %arg3[%add3A_420] : memref<9437184xf32, #tpu.memory_space<hbm>> -> memref<1536xf32, #tpu.memory_space<hbm>>
    tpu.enqueue_dma source(%dma_start3A_422 : memref<1536xf32, #tpu.memory_space<hbm>>) target(%arg10 : memref<1536xf32, #tpu.memory_space<vmem>>) target_semaphore(%arg26 : memref<!tpu.dma_semaphore, #tpu.memory_space<semaphore_mem>>)
    %add3A_423 = arith.addi %mul3A_71, %mul3A_416 : i32
    %dma_start3A_424 = tpu.memref_slice %arg2[%add3A_423] : memref<7962624xf32, #tpu.memory_space<hbm>> -> memref<1536xf32, #tpu.memory_space<hbm>>
    %dma_start3A_425 = tpu.memref_slice %arg2[%add3A_423] : memref<7962624xf32, #tpu.memory_space<hbm>> -> memref<1536xf32, #tpu.memory_space<hbm>>
    tpu.enqueue_dma source(%dma_start3A_425 : memref<1536xf32, #tpu.memory_space<hbm>>) target(%arg12 : memref<1536xf32, #tpu.memory_space<vmem>>) target_semaphore(%arg27 : memref<!tpu.dma_semaphore, #tpu.memory_space<semaphore_mem>>)
    %add3A_426 = arith.addi %mul3A_77, %mul3A_416 : i32
    %dma_start3A_427 = tpu.memref_slice %arg2[%add3A_426] : memref<7962624xf32, #tpu.memory_space<hbm>> -> memref<1536xf32, #tpu.memory_space<hbm>>
    %dma_start3A_428 = tpu.memref_slice %arg2[%add3A_426] : memref<7962624xf32, #tpu.memory_space<hbm>> -> memref<1536xf32, #tpu.memory_space<hbm>>
    tpu.enqueue_dma source(%dma_start3A_428 : memref<1536xf32, #tpu.memory_space<hbm>>) target(%arg13 : memref<1536xf32, #tpu.memory_space<vmem>>) target_semaphore(%arg27 : memref<!tpu.dma_semaphore, #tpu.memory_space<semaphore_mem>>)
    %add3A_429 = arith.addi %mul3A_83, %mul3A_416 : i32
    %dma_start3A_430 = tpu.memref_slice %arg2[%add3A_429] : memref<7962624xf32, #tpu.memory_space<hbm>> -> memref<1536xf32, #tpu.memory_space<hbm>>
    %dma_start3A_431 = tpu.memref_slice %arg2[%add3A_429] : memref<7962624xf32, #tpu.memory_space<hbm>> -> memref<1536xf32, #tpu.memory_space<hbm>>
    tpu.enqueue_dma source(%dma_start3A_431 : memref<1536xf32, #tpu.memory_space<hbm>>) target(%arg14 : memref<1536xf32, #tpu.memory_space<vmem>>) target_semaphore(%arg27 : memref<!tpu.dma_semaphore, #tpu.memory_space<semaphore_mem>>)
    %ge3A_432 = arith.constant 95 : i32
    %ge3A_433 = arith.constant 2 : i32
    %ge3A_434 = arith.cmpi sge, %ge3A_432, %ge3A_433 : i32
    %convert_element_type3A_435 = arith.extui %ge3A_434 : i1 to i32
    %cond3A = arith.constant 0 : i32
    %cond3A_436 = arith.cmpi ne, %convert_element_type3A_435, %cond3A : i32
    scf.if %cond3A_436 {
      %mul3A_527 = arith.constant 384 : i32
      %mul3A_528 = arith.muli %mul3A_348, %mul3A_527 : i32
      %add3A_529 = arith.addi %mul3A_87, %mul3A_528 : i32
      %dma_wait3A_530 = tpu.memref_slice %arg4[%add3A_529] : memref<14155776xf32, #tpu.memory_space<hbm>> -> memref<1536xf32, #tpu.memory_space<hbm>>
      %dma_wait3A_531 = tpu.memref_slice %arg4[%add3A_529] : memref<14155776xf32, #tpu.memory_space<hbm>> -> memref<1536xf32, #tpu.memory_space<hbm>>
      tpu.wait_dma2 semaphore(%arg29 : memref<!tpu.dma_semaphore, #tpu.memory_space<semaphore_mem>>) src(%arg21 : memref<1536xf32, #tpu.memory_space<vmem>>) dst(%dma_wait3A_531 : memref<1536xf32, #tpu.memory_space<hbm>>)
      %mul3A_532 = arith.constant 384 : i32
      %mul3A_533 = arith.muli %mul3A_348, %mul3A_532 : i32
      %add3A_534 = arith.addi %mul3A_91, %mul3A_533 : i32
      %dma_wait3A_535 = tpu.memref_slice %arg4[%add3A_534] : memref<14155776xf32, #tpu.memory_space<hbm>> -> memref<1536xf32, #tpu.memory_space<hbm>>
      %dma_wait3A_536 = tpu.memref_slice %arg4[%add3A_534] : memref<14155776xf32, #tpu.memory_space<hbm>> -> memref<1536xf32, #tpu.memory_space<hbm>>
      tpu.wait_dma2 semaphore(%arg29 : memref<!tpu.dma_semaphore, #tpu.memory_space<semaphore_mem>>) src(%arg22 : memref<1536xf32, #tpu.memory_space<vmem>>) dst(%dma_wait3A_536 : memref<1536xf32, #tpu.memory_space<hbm>>)
      %mul3A_537 = arith.constant 384 : i32
      %mul3A_538 = arith.muli %mul3A_348, %mul3A_537 : i32
      %add3A_539 = arith.addi %mul3A_95, %mul3A_538 : i32
      %dma_wait3A_540 = tpu.memref_slice %arg4[%add3A_539] : memref<14155776xf32, #tpu.memory_space<hbm>> -> memref<1536xf32, #tpu.memory_space<hbm>>
      %dma_wait3A_541 = tpu.memref_slice %arg4[%add3A_539] : memref<14155776xf32, #tpu.memory_space<hbm>> -> memref<1536xf32, #tpu.memory_space<hbm>>
      tpu.wait_dma2 semaphore(%arg29 : memref<!tpu.dma_semaphore, #tpu.memory_space<semaphore_mem>>) src(%arg23 : memref<1536xf32, #tpu.memory_space<vmem>>) dst(%dma_wait3A_541 : memref<1536xf32, #tpu.memory_space<hbm>>)
    } else {
    }
    %scan3A_437 = arith.constant 0 : i32
    %scan3A_438 = arith.constant 0 : i32
    %scan3A_439 = arith.constant 4 : i32
    %scan3A_440 = arith.addi %scan3A_438, %scan3A_439 : i32
    %scan3A_441 = arith.constant 1 : i32
    %scan3A_442 = scf.for %scan3A_527 = %scan3A_438 to %scan3A_440 step %scan3A_441 iter_args(%scan3A_528 = %scan3A_437) -> (i32)  : i32 {
      %convert_element_type3A_529 = arith.sitofp %scan3A_527 : i32 to f32
      %add3A_530 = arith.addf %convert_element_type3A_365, %convert_element_type3A_529 : f32
      %mul3A_531 = arith.constant 384 : i32
      %mul3A_532 = arith.muli %scan3A_527, %mul3A_531 : i32
      %broadcast_in_dim3A = arith.constant 3.840000e+02 : f32
      %broadcast_in_dim3A_533 = vector.broadcast %broadcast_in_dim3A : f32 to vector<16xf32>
      %broadcast_in_dim3A_534 = arith.constant -1.000000e+00 : f32
      %broadcast_in_dim3A_535 = vector.broadcast %broadcast_in_dim3A_534 : f32 to vector<16xf32>
      %parallel_loop3A = arith.constant 0 : i32
      %parallel_loop3A_536 = arith.constant 24 : i32
      %parallel_loop3A_537 = arith.constant 1 : i32
      %parallel_loop3A_538:2 = scf.for %parallel_loop3A_550 = %parallel_loop3A to %parallel_loop3A_536 step %parallel_loop3A_537 iter_args(%parallel_loop3A_551 = %broadcast_in_dim3A_533, %parallel_loop3A_552 = %broadcast_in_dim3A_535) -> (vector<16xf32>, vector<16xf32>)  : i32 {
        %parallel_loop3A_553 = arith.constant 16 : i32
        %parallel_loop3A_554 = arith.muli %parallel_loop3A_550, %parallel_loop3A_553 : i32
        %parallel_loop3A_555 = arith.addi %mul3A_532, %parallel_loop3A_554 : i32
        %parallel_loop3A_556 = arith.index_cast %parallel_loop3A_555 : i32 to index
        %parallel_loop3A_557 = tpu.vector_load %arg9[%parallel_loop3A_556] {strides = array<i32>} : memref<1536xf32, #tpu.memory_space<vmem>>, vector<16xf32>,
        %parallel_loop3A_558 = arith.index_cast %parallel_loop3A_555 : i32 to index
        %parallel_loop3A_559 = tpu.vector_load %arg11[%parallel_loop3A_558] {strides = array<i32>} : memref<1536xf32, #tpu.memory_space<vmem>>, vector<16xf32>,
        %parallel_loop3A_560 = vector.broadcast %add3A_530 : f32 to vector<16xf32>
        %parallel_loop3A_561 = arith.addf %parallel_loop3A_557, %parallel_loop3A_560 : vector<16xf32>
        %parallel_loop3A_562 = arith.constant 0.000000e+00 : f32
        %parallel_loop3A_563 = vector.broadcast %parallel_loop3A_562 : f32 to vector<16xf32>
        %parallel_loop3A_564 = arith.maximumf %parallel_loop3A_561, %parallel_loop3A_563 : vector<16xf32>
        %parallel_loop3A_565 = arith.constant 3.830000e+02 : f32
        %parallel_loop3A_566 = vector.broadcast %parallel_loop3A_565 : f32 to vector<16xf32>
        %parallel_loop3A_567 = arith.minimumf %parallel_loop3A_564, %parallel_loop3A_566 : vector<16xf32>
        %parallel_loop3A_568 = arith.constant 0x4B000000 : f32
        %parallel_loop3A_569 = vector.broadcast %parallel_loop3A_568 : f32 to vector<16xf32>
        %parallel_loop3A_570 = arith.addf %parallel_loop3A_567, %parallel_loop3A_569 : vector<16xf32>
        %parallel_loop3A_571 = arith.constant 0x4B000000 : f32
        %parallel_loop3A_572 = vector.broadcast %parallel_loop3A_571 : f32 to vector<16xf32>
        %parallel_loop3A_573 = arith.subf %parallel_loop3A_570, %parallel_loop3A_572 : vector<16xf32>
        %parallel_loop3A_574 = arith.constant 16 : i32
        %parallel_loop3A_575 = arith.muli %parallel_loop3A_550, %parallel_loop3A_574 : i32
        %parallel_loop3A_576 = arith.sitofp %parallel_loop3A_575 : i32 to f32
        %parallel_loop3A_577 = vector.broadcast %parallel_loop3A_576 : f32 to vector<16xf32>
        %parallel_loop3A_578 = arith.addf %convert_element_type3A, %parallel_loop3A_577 : vector<16xf32>
        %parallel_loop3A_579 = arith.addf %parallel_loop3A_559, %parallel_loop3A_578 : vector<16xf32>
        %parallel_loop3A_580 = arith.constant 0.000000e+00 : f32
        %parallel_loop3A_581 = vector.broadcast %parallel_loop3A_580 : f32 to vector<16xf32>
        %parallel_loop3A_582 = arith.maximumf %parallel_loop3A_579, %parallel_loop3A_581 : vector<16xf32>
        %parallel_loop3A_583 = arith.constant 3.830000e+02 : f32
        %parallel_loop3A_584 = vector.broadcast %parallel_loop3A_583 : f32 to vector<16xf32>
        %parallel_loop3A_585 = arith.minimumf %parallel_loop3A_582, %parallel_loop3A_584 : vector<16xf32>
        %parallel_loop3A_586 = arith.constant 0x4B000000 : f32
        %parallel_loop3A_587 = vector.broadcast %parallel_loop3A_586 : f32 to vector<16xf32>
        %parallel_loop3A_588 = arith.addf %parallel_loop3A_585, %parallel_loop3A_587 : vector<16xf32>
        %parallel_loop3A_589 = arith.constant 0x4B000000 : f32
        %parallel_loop3A_590 = vector.broadcast %parallel_loop3A_589 : f32 to vector<16xf32>
        %parallel_loop3A_591 = arith.subf %parallel_loop3A_588, %parallel_loop3A_590 : vector<16xf32>
        %parallel_loop3A_592 = arith.fptosi %parallel_loop3A_591 : vector<16xf32> to vector<16xi32>
        %parallel_loop3A_593 = vector.broadcast %convert_element_type3A_363 : f32 to vector<16xf32>
        %parallel_loop3A_594 = arith.maximumf %parallel_loop3A_573, %parallel_loop3A_593 : vector<16xf32>
        %parallel_loop3A_595 = vector.broadcast %convert_element_type3A_364 : f32 to vector<16xf32>
        %parallel_loop3A_596 = arith.minimumf %parallel_loop3A_594, %parallel_loop3A_595 : vector<16xf32>
        %parallel_loop3A_597 = arith.fptosi %parallel_loop3A_596 : vector<16xf32> to vector<16xi32>
        %parallel_loop3A_598 = arith.constant 45591 : i32
        %parallel_loop3A_599 = vector.broadcast %parallel_loop3A_598 : i32 to vector<16xi32>
        %parallel_loop3A_600 = arith.muli %parallel_loop3A_597, %parallel_loop3A_599 : vector<16xi32>
        %parallel_loop3A_601 = arith.constant 22 : i32
        %parallel_loop3A_602 = vector.broadcast %parallel_loop3A_601 : i32 to vector<16xi32>
        %parallel_loop3A_603 = arith.shrsi %parallel_loop3A_600, %parallel_loop3A_602 : vector<16xi32>
        %parallel_loop3A_604 = arith.constant 92 : i32
        %parallel_loop3A_605 = vector.broadcast %parallel_loop3A_604 : i32 to vector<16xi32>
        %parallel_loop3A_606 = arith.muli %parallel_loop3A_603, %parallel_loop3A_605 : vector<16xi32>
        %parallel_loop3A_607 = arith.subi %parallel_loop3A_597, %parallel_loop3A_606 : vector<16xi32>
        %parallel_loop3A_608 = arith.constant 384 : i32
        %parallel_loop3A_609 = vector.broadcast %parallel_loop3A_608 : i32 to vector<16xi32>
        %parallel_loop3A_610 = arith.muli %parallel_loop3A_607, %parallel_loop3A_609 : vector<16xi32>
        %parallel_loop3A_611 = arith.addi %parallel_loop3A_610, %parallel_loop3A_592 : vector<16xi32>
        %parallel_loop3A_612 = tpu.vector_load_idx %arg5[%parallel_loop3A_611] : memref<35328xf32, #tpu.memory_space<vmem>>[vector<16xi32>], vector<16xf32>,
        %parallel_loop3A_613 = arith.index_cast %parallel_loop3A_555 : i32 to index
        %parallel_loop3A_614 = tpu.vector_load %arg15[%parallel_loop3A_613] {strides = array<i32>} : memref<1536xf32, #tpu.memory_space<vmem>>, vector<16xf32>,
        %parallel_loop3A_615 = arith.subf %parallel_loop3A_614, %parallel_loop3A_612 : vector<16xf32>
        %parallel_loop3A_616 = arith.index_cast %parallel_loop3A_555 : i32 to index
        %parallel_loop3A_617 = tpu.vector_load %arg21[%parallel_loop3A_616] {strides = array<i32>} : memref<1536xf32, #tpu.memory_space<vmem>>, vector<16xf32>,
        tpu.vector_store %arg21[%parallel_loop3A_616], %parallel_loop3A_615 {strides = array<i32>} : memref<1536xf32, #tpu.memory_space<vmem>>, vector<16xf32>,
        %parallel_loop3A_618 = tpu.vector_load_idx %arg6[%parallel_loop3A_611] : memref<35328xf32, #tpu.memory_space<vmem>>[vector<16xi32>], vector<16xf32>,
        %parallel_loop3A_619 = arith.index_cast %parallel_loop3A_555 : i32 to index
        %parallel_loop3A_620 = tpu.vector_load %arg16[%parallel_loop3A_619] {strides = array<i32>} : memref<1536xf32, #tpu.memory_space<vmem>>, vector<16xf32>,
        %parallel_loop3A_621 = arith.subf %parallel_loop3A_620, %parallel_loop3A_618 : vector<16xf32>
        %parallel_loop3A_622 = arith.index_cast %parallel_loop3A_555 : i32 to index
        %parallel_loop3A_623 = tpu.vector_load %arg22[%parallel_loop3A_622] {strides = array<i32>} : memref<1536xf32, #tpu.memory_space<vmem>>, vector<16xf32>,
        tpu.vector_store %arg22[%parallel_loop3A_622], %parallel_loop3A_621 {strides = array<i32>} : memref<1536xf32, #tpu.memory_space<vmem>>, vector<16xf32>,
        %parallel_loop3A_624 = tpu.vector_load_idx %arg7[%parallel_loop3A_611] : memref<35328xf32, #tpu.memory_space<vmem>>[vector<16xi32>], vector<16xf32>,
        %parallel_loop3A_625 = arith.index_cast %parallel_loop3A_555 : i32 to index
        %parallel_loop3A_626 = tpu.vector_load %arg17[%parallel_loop3A_625] {strides = array<i32>} : memref<1536xf32, #tpu.memory_space<vmem>>, vector<16xf32>,
        %parallel_loop3A_627 = arith.subf %parallel_loop3A_626, %parallel_loop3A_624 : vector<16xf32>
        %parallel_loop3A_628 = arith.index_cast %parallel_loop3A_555 : i32 to index
        %parallel_loop3A_629 = tpu.vector_load %arg23[%parallel_loop3A_628] {strides = array<i32>} : memref<1536xf32, #tpu.memory_space<vmem>>, vector<16xf32>,
        tpu.vector_store %arg23[%parallel_loop3A_628], %parallel_loop3A_627 {strides = array<i32>} : memref<1536xf32, #tpu.memory_space<vmem>>, vector<16xf32>,
        %parallel_loop3A_630 = arith.minimumf %parallel_loop3A_551, %parallel_loop3A_573 : vector<16xf32>
        %parallel_loop3A_631 = arith.maximumf %parallel_loop3A_552, %parallel_loop3A_573 : vector<16xf32>
        scf.yield %parallel_loop3A_630, %parallel_loop3A_631 : vector<16xf32>, vector<16xf32>
      } {sc.loop_unroll_factor = 6 : i64, sc.parallel_access}
      %reduce_min3A = arith.constant true
      %reduce_min3A_539 = vector.broadcast %reduce_min3A : i1 to vector<16xi1>
      %reduce_min3A_540 = tpu.scan <min>, %parallel_loop3A_538#0 masked %reduce_min3A_539 : vector<16xf32>, vector<16xi1> -> vector<16xf32>
      %reduce_min3A_541 = vector.extract %reduce_min3A_540[15] : f32 from vector<16xf32>
      %lt3A_542 = arith.cmpf olt, %reduce_min3A_541, %convert_element_type3A_363 : f32
      %reduce_max3A = arith.constant true
      %reduce_max3A_543 = vector.broadcast %reduce_max3A : i1 to vector<16xi1>
      %reduce_max3A_544 = tpu.scan <max>, %parallel_loop3A_538#1 masked %reduce_max3A_543 : vector<16xf32>, vector<16xi1> -> vector<16xf32>
      %reduce_max3A_545 = vector.extract %reduce_max3A_544[15] : f32 from vector<16xf32>
      %gt3A = arith.cmpf ogt, %reduce_max3A_545, %convert_element_type3A_364 : f32
      %or3A = arith.ori %lt3A_542, %gt3A : i1
      %convert_element_type3A_546 = arith.extui %or3A : i1 to i32
      %cond3A_547 = arith.constant 0 : i32
      %cond3A_548 = arith.cmpi ne, %convert_element_type3A_546, %cond3A_547 : i32
      scf.if %cond3A_548 {
        %scan3A_550 = arith.constant 0 : i32
        %scan3A_551 = arith.constant 0 : i32
        %scan3A_552 = arith.constant 24 : i32
        %scan3A_553 = arith.addi %scan3A_551, %scan3A_552 : i32
        %scan3A_554 = arith.constant 1 : i32
        %scan3A_555 = scf.for %scan3A_594 = %scan3A_551 to %scan3A_553 step %scan3A_554 iter_args(%scan3A_595 = %scan3A_550) -> (i32)  : i32 {
          %mul3A_596 = arith.constant 16 : i32
          %mul3A_597 = arith.muli %scan3A_594, %mul3A_596 : i32
          %add3A_598 = arith.addi %mul3A_532, %mul3A_597 : i32
          %get3A = arith.index_cast %add3A_598 : i32 to index
          %get3A_599 = tpu.vector_load %arg9[%get3A] {strides = array<i32>} : memref<1536xf32, #tpu.memory_space<vmem>>, vector<16xf32>,
          %get3A_600 = arith.index_cast %add3A_598 : i32 to index
          %get3A_601 = tpu.vector_load %arg11[%get3A_600] {strides = array<i32>} : memref<1536xf32, #tpu.memory_space<vmem>>, vector<16xf32>,
          %add3A_602 = vector.broadcast %add3A_530 : f32 to vector<16xf32>
          %add3A_603 = arith.addf %get3A_599, %add3A_602 : vector<16xf32>
          %max3A = arith.constant 0.000000e+00 : f32
          %max3A_604 = vector.broadcast %max3A : f32 to vector<16xf32>
          %max3A_605 = arith.maximumf %add3A_603, %max3A_604 : vector<16xf32>
          %min3A = arith.constant 3.830000e+02 : f32
          %min3A_606 = vector.broadcast %min3A : f32 to vector<16xf32>
          %min3A_607 = arith.minimumf %max3A_605, %min3A_606 : vector<16xf32>
          %add3A_608 = arith.constant 0x4B000000 : f32
          %add3A_609 = vector.broadcast %add3A_608 : f32 to vector<16xf32>
          %add3A_610 = arith.addf %min3A_607, %add3A_609 : vector<16xf32>
          %sub3A_611 = arith.constant 0x4B000000 : f32
          %sub3A_612 = vector.broadcast %sub3A_611 : f32 to vector<16xf32>
          %sub3A_613 = arith.subf %add3A_610, %sub3A_612 : vector<16xf32>
          %mul3A_614 = arith.constant 16 : i32
          %mul3A_615 = arith.muli %scan3A_594, %mul3A_614 : i32
          %convert_element_type3A_616 = arith.sitofp %mul3A_615 : i32 to f32
          %add3A_617 = vector.broadcast %convert_element_type3A_616 : f32 to vector<16xf32>
          %add3A_618 = arith.addf %convert_element_type3A, %add3A_617 : vector<16xf32>
          %add3A_619 = arith.addf %get3A_601, %add3A_618 : vector<16xf32>
          %max3A_620 = arith.constant 0.000000e+00 : f32
          %max3A_621 = vector.broadcast %max3A_620 : f32 to vector<16xf32>
          %max3A_622 = arith.maximumf %add3A_619, %max3A_621 : vector<16xf32>
          %min3A_623 = arith.constant 3.830000e+02 : f32
          %min3A_624 = vector.broadcast %min3A_623 : f32 to vector<16xf32>
          %min3A_625 = arith.minimumf %max3A_622, %min3A_624 : vector<16xf32>
          %add3A_626 = arith.constant 0x4B000000 : f32
          %add3A_627 = vector.broadcast %add3A_626 : f32 to vector<16xf32>
          %add3A_628 = arith.addf %min3A_625, %add3A_627 : vector<16xf32>
          %sub3A_629 = arith.constant 0x4B000000 : f32
          %sub3A_630 = vector.broadcast %sub3A_629 : f32 to vector<16xf32>
          %sub3A_631 = arith.subf %add3A_628, %sub3A_630 : vector<16xf32>
          %mul3A_632 = arith.constant 3.840000e+02 : f32
          %mul3A_633 = vector.broadcast %mul3A_632 : f32 to vector<16xf32>
          %mul3A_634 = arith.mulf %sub3A_613, %mul3A_633 : vector<16xf32>
          %add3A_635 = arith.addf %mul3A_634, %sub3A_631 : vector<16xf32>
          %convert_element_type3A_636 = arith.fptosi %add3A_635 : vector<16xf32> to vector<16xi32>
          %mul3A_637 = arith.constant 16 : i32
          %mul3A_638 = arith.muli %scan3A_594, %mul3A_637 : i32
          %swap3A = arith.index_cast %mul3A_638 : i32 to index
          %swap3A_639 = tpu.vector_load %arg24[%swap3A] {strides = array<i32>} : memref<384xi32, #tpu.memory_space<vmem>>, vector<16xi32>,
          tpu.vector_store %arg24[%swap3A], %convert_element_type3A_636 {strides = array<i32>} : memref<384xi32, #tpu.memory_space<vmem>>, vector<16xi32>,
          %scan3A_640 = arith.constant 0 : i32
          scf.yield %scan3A_640 : i32
        }
        %scan3A_556 = arith.constant 24 : i32
        %dma_start3A_557 = tpu.memref_slice %arg21[%mul3A_532] : memref<1536xf32, #tpu.memory_space<vmem>> -> memref<384xf32, #tpu.memory_space<vmem>>
        %dma_start3A_558 = tpu.memref_slice %arg2[%mul3A_53] : memref<7962624xf32, #tpu.memory_space<hbm>> -> memref<147456xf32, #tpu.memory_space<hbm>>
        %dma_start3A_559 = arith.constant 0 : i32
        %dma_start3A_560 = tpu.memref_slice %dma_start3A_558[%dma_start3A_559] : memref<147456xf32, #tpu.memory_space<hbm>> -> memref<147456xf32, #tpu.memory_space<hbm>>
        tpu.enqueue_indirect_dma source(%dma_start3A_560 : memref<147456xf32, #tpu.memory_space<hbm>>) target(%dma_start3A_557 : memref<384xf32, #tpu.memory_space<vmem>>) offsets(%arg24 : memref<384xi32, #tpu.memory_space<vmem>>) semaphore(%arg30 : memref<!tpu.dma_semaphore, #tpu.memory_space<semaphore_mem>>)
        %dma_start3A_561 = tpu.memref_slice %arg22[%mul3A_532] : memref<1536xf32, #tpu.memory_space<vmem>> -> memref<384xf32, #tpu.memory_space<vmem>>
        %dma_start3A_562 = tpu.memref_slice %arg2[%mul3A_59] : memref<7962624xf32, #tpu.memory_space<hbm>> -> memref<147456xf32, #tpu.memory_space<hbm>>
        %dma_start3A_563 = arith.constant 0 : i32
        %dma_start3A_564 = tpu.memref_slice %dma_start3A_562[%dma_start3A_563] : memref<147456xf32, #tpu.memory_space<hbm>> -> memref<147456xf32, #tpu.memory_space<hbm>>
        tpu.enqueue_indirect_dma source(%dma_start3A_564 : memref<147456xf32, #tpu.memory_space<hbm>>) target(%dma_start3A_561 : memref<384xf32, #tpu.memory_space<vmem>>) offsets(%arg24 : memref<384xi32, #tpu.memory_space<vmem>>) semaphore(%arg30 : memref<!tpu.dma_semaphore, #tpu.memory_space<semaphore_mem>>)
        %dma_start3A_565 = tpu.memref_slice %arg23[%mul3A_532] : memref<1536xf32, #tpu.memory_space<vmem>> -> memref<384xf32, #tpu.memory_space<vmem>>
        %dma_start3A_566 = tpu.memref_slice %arg2[%mul3A_65] : memref<7962624xf32, #tpu.memory_space<hbm>> -> memref<147456xf32, #tpu.memory_space<hbm>>
        %dma_start3A_567 = arith.constant 0 : i32
        %dma_start3A_568 = tpu.memref_slice %dma_start3A_566[%dma_start3A_567] : memref<147456xf32, #tpu.memory_space<hbm>> -> memref<147456xf32, #tpu.memory_space<hbm>>
        tpu.enqueue_indirect_dma source(%dma_start3A_568 : memref<147456xf32, #tpu.memory_space<hbm>>) target(%dma_start3A_565 : memref<384xf32, #tpu.memory_space<vmem>>) offsets(%arg24 : memref<384xi32, #tpu.memory_space<vmem>>) semaphore(%arg30 : memref<!tpu.dma_semaphore, #tpu.memory_space<semaphore_mem>>)
        %dma_wait3A_569 = tpu.memref_slice %arg21[%mul3A_532] : memref<1536xf32, #tpu.memory_space<vmem>> -> memref<384xf32, #tpu.memory_space<vmem>>
        %dma_wait3A_570 = arith.constant 0 : i32
        %dma_wait3A_571 = tpu.memref_slice %arg2[%dma_wait3A_570] : memref<7962624xf32, #tpu.memory_space<hbm>> -> memref<384xf32, #tpu.memory_space<hbm>>
        %dma_wait3A_572 = tpu.memref_slice %arg21[%mul3A_532] : memref<1536xf32, #tpu.memory_space<vmem>> -> memref<384xf32, #tpu.memory_space<vmem>>
        %dma_wait3A_573 = arith.constant 0 : i32
        %dma_wait3A_574 = tpu.memref_slice %arg2[%dma_wait3A_573] : memref<7962624xf32, #tpu.memory_space<hbm>> -> memref<384xf32, #tpu.memory_space<hbm>>
        tpu.wait_dma2 semaphore(%arg30 : memref<!tpu.dma_semaphore, #tpu.memory_space<semaphore_mem>>) src(%dma_wait3A_574 : memref<384xf32, #tpu.memory_space<hbm>>) dst(%dma_wait3A_572 : memref<384xf32, #tpu.memory_space<vmem>>)
        %dma_wait3A_575 = tpu.memref_slice %arg22[%mul3A_532] : memref<1536xf32, #tpu.memory_space<vmem>> -> memref<384xf32, #tpu.memory_space<vmem>>
        %dma_wait3A_576 = arith.constant 0 : i32
        %dma_wait3A_577 = tpu.memref_slice %arg2[%dma_wait3A_576] : memref<7962624xf32, #tpu.memory_space<hbm>> -> memref<384xf32, #tpu.memory_space<hbm>>
        %dma_wait3A_578 = tpu.memref_slice %arg22[%mul3A_532] : memref<1536xf32, #tpu.memory_space<vmem>> -> memref<384xf32, #tpu.memory_space<vmem>>
        %dma_wait3A_579 = arith.constant 0 : i32
        %dma_wait3A_580 = tpu.memref_slice %arg2[%dma_wait3A_579] : memref<7962624xf32, #tpu.memory_space<hbm>> -> memref<384xf32, #tpu.memory_space<hbm>>
        tpu.wait_dma2 semaphore(%arg30 : memref<!tpu.dma_semaphore, #tpu.memory_space<semaphore_mem>>) src(%dma_wait3A_580 : memref<384xf32, #tpu.memory_space<hbm>>) dst(%dma_wait3A_578 : memref<384xf32, #tpu.memory_space<vmem>>)
        %dma_wait3A_581 = tpu.memref_slice %arg23[%mul3A_532] : memref<1536xf32, #tpu.memory_space<vmem>> -> memref<384xf32, #tpu.memory_space<vmem>>
        %dma_wait3A_582 = arith.constant 0 : i32
        %dma_wait3A_583 = tpu.memref_slice %arg2[%dma_wait3A_582] : memref<7962624xf32, #tpu.memory_space<hbm>> -> memref<384xf32, #tpu.memory_space<hbm>>
        %dma_wait3A_584 = tpu.memref_slice %arg23[%mul3A_532] : memref<1536xf32, #tpu.memory_space<vmem>> -> memref<384xf32, #tpu.memory_space<vmem>>
        %dma_wait3A_585 = arith.constant 0 : i32
        %dma_wait3A_586 = tpu.memref_slice %arg2[%dma_wait3A_585] : memref<7962624xf32, #tpu.memory_space<hbm>> -> memref<384xf32, #tpu.memory_space<hbm>>
        tpu.wait_dma2 semaphore(%arg30 : memref<!tpu.dma_semaphore, #tpu.memory_space<semaphore_mem>>) src(%dma_wait3A_586 : memref<384xf32, #tpu.memory_space<hbm>>) dst(%dma_wait3A_584 : memref<384xf32, #tpu.memory_space<vmem>>)
        %scan3A_587 = arith.constant 0 : i32
        %scan3A_588 = arith.constant 0 : i32
        %scan3A_589 = arith.constant 24 : i32
        %scan3A_590 = arith.addi %scan3A_588, %scan3A_589 : i32
        %scan3A_591 = arith.constant 1 : i32
        %scan3A_592 = scf.for %scan3A_594 = %scan3A_588 to %scan3A_590 step %scan3A_591 iter_args(%scan3A_595 = %scan3A_587) -> (i32)  : i32 {
          %mul3A_596 = arith.constant 16 : i32
          %mul3A_597 = arith.muli %scan3A_594, %mul3A_596 : i32
          %add3A_598 = arith.addi %mul3A_532, %mul3A_597 : i32
          %get3A = arith.index_cast %add3A_598 : i32 to index
          %get3A_599 = tpu.vector_load %arg15[%get3A] {strides = array<i32>} : memref<1536xf32, #tpu.memory_space<vmem>>, vector<16xf32>,
          %get3A_600 = arith.index_cast %add3A_598 : i32 to index
          %get3A_601 = tpu.vector_load %arg21[%get3A_600] {strides = array<i32>} : memref<1536xf32, #tpu.memory_space<vmem>>, vector<16xf32>,
          %sub3A_602 = arith.subf %get3A_599, %get3A_601 : vector<16xf32>
          %swap3A = arith.index_cast %add3A_598 : i32 to index
          %swap3A_603 = tpu.vector_load %arg21[%swap3A] {strides = array<i32>} : memref<1536xf32, #tpu.memory_space<vmem>>, vector<16xf32>,
          tpu.vector_store %arg21[%swap3A], %sub3A_602 {strides = array<i32>} : memref<1536xf32, #tpu.memory_space<vmem>>, vector<16xf32>,
          %get3A_604 = arith.index_cast %add3A_598 : i32 to index
          %get3A_605 = tpu.vector_load %arg16[%get3A_604] {strides = array<i32>} : memref<1536xf32, #tpu.memory_space<vmem>>, vector<16xf32>,
          %get3A_606 = arith.index_cast %add3A_598 : i32 to index
          %get3A_607 = tpu.vector_load %arg22[%get3A_606] {strides = array<i32>} : memref<1536xf32, #tpu.memory_space<vmem>>, vector<16xf32>,
          %sub3A_608 = arith.subf %get3A_605, %get3A_607 : vector<16xf32>
          %swap3A_609 = arith.index_cast %add3A_598 : i32 to index
          %swap3A_610 = tpu.vector_load %arg22[%swap3A_609] {strides = array<i32>} : memref<1536xf32, #tpu.memory_space<vmem>>, vector<16xf32>,
          tpu.vector_store %arg22[%swap3A_609], %sub3A_608 {strides = array<i32>} : memref<1536xf32, #tpu.memory_space<vmem>>, vector<16xf32>,
          %get3A_611 = arith.index_cast %add3A_598 : i32 to index
          %get3A_612 = tpu.vector_load %arg17[%get3A_611] {strides = array<i32>} : memref<1536xf32, #tpu.memory_space<vmem>>, vector<16xf32>,
          %get3A_613 = arith.index_cast %add3A_598 : i32 to index
          %get3A_614 = tpu.vector_load %arg23[%get3A_613] {strides = array<i32>} : memref<1536xf32, #tpu.memory_space<vmem>>, vector<16xf32>,
          %sub3A_615 = arith.subf %get3A_612, %get3A_614 : vector<16xf32>
          %swap3A_616 = arith.index_cast %add3A_598 : i32 to index
          %swap3A_617 = tpu.vector_load %arg23[%swap3A_616] {strides = array<i32>} : memref<1536xf32, #tpu.memory_space<vmem>>, vector<16xf32>,
          tpu.vector_store %arg23[%swap3A_616], %sub3A_615 {strides = array<i32>} : memref<1536xf32, #tpu.memory_space<vmem>>, vector<16xf32>,
          %scan3A_618 = arith.constant 0 : i32
          scf.yield %scan3A_618 : i32
        }
        %scan3A_593 = arith.constant 24 : i32
      } else {
      }
      %scan3A_549 = arith.constant 0 : i32
      scf.yield %scan3A_549 : i32
    }
    %scan3A_443 = arith.constant 4 : i32
    %mul3A_444 = arith.constant 384 : i32
    %mul3A_445 = arith.muli %mul3A_348, %mul3A_444 : i32
    %add3A_446 = arith.addi %mul3A_87, %mul3A_445 : i32
    %dma_start3A_447 = tpu.memref_slice %arg4[%add3A_446] : memref<14155776xf32, #tpu.memory_space<hbm>> -> memref<1536xf32, #tpu.memory_space<hbm>>
    %dma_start3A_448 = tpu.memref_slice %arg4[%add3A_446] : memref<14155776xf32, #tpu.memory_space<hbm>> -> memref<1536xf32, #tpu.memory_space<hbm>>
    tpu.enqueue_dma source(%arg21 : memref<1536xf32, #tpu.memory_space<vmem>>) target(%dma_start3A_448 : memref<1536xf32, #tpu.memory_space<hbm>>) target_semaphore(%arg29 : memref<!tpu.dma_semaphore, #tpu.memory_space<semaphore_mem>>)
    %mul3A_449 = arith.constant 384 : i32
    %mul3A_450 = arith.muli %mul3A_348, %mul3A_449 : i32
    %add3A_451 = arith.addi %mul3A_91, %mul3A_450 : i32
    %dma_start3A_452 = tpu.memref_slice %arg4[%add3A_451] : memref<14155776xf32, #tpu.memory_space<hbm>> -> memref<1536xf32, #tpu.memory_space<hbm>>
    %dma_start3A_453 = tpu.memref_slice %arg4[%add3A_451] : memref<14155776xf32, #tpu.memory_space<hbm>> -> memref<1536xf32, #tpu.memory_space<hbm>>
    tpu.enqueue_dma source(%arg22 : memref<1536xf32, #tpu.memory_space<vmem>>) target(%dma_start3A_453 : memref<1536xf32, #tpu.memory_space<hbm>>) target_semaphore(%arg29 : memref<!tpu.dma_semaphore, #tpu.memory_space<semaphore_mem>>)
    %mul3A_454 = arith.constant 384 : i32
    %mul3A_455 = arith.muli %mul3A_348, %mul3A_454 : i32
    %add3A_456 = arith.addi %mul3A_95, %mul3A_455 : i32
    %dma_start3A_457 = tpu.memref_slice %arg4[%add3A_456] : memref<14155776xf32, #tpu.memory_space<hbm>> -> memref<1536xf32, #tpu.memory_space<hbm>>
    %dma_start3A_458 = tpu.memref_slice %arg4[%add3A_456] : memref<14155776xf32, #tpu.memory_space<hbm>> -> memref<1536xf32, #tpu.memory_space<hbm>>
    tpu.enqueue_dma source(%arg23 : memref<1536xf32, #tpu.memory_space<vmem>>) target(%dma_start3A_458 : memref<1536xf32, #tpu.memory_space<hbm>>) target_semaphore(%arg29 : memref<!tpu.dma_semaphore, #tpu.memory_space<semaphore_mem>>)
    %dma_wait3A_459 = arith.constant 0 : i32
    %dma_wait3A_460 = tpu.memref_slice %arg5[%dma_wait3A_459] : memref<35328xf32, #tpu.memory_space<vmem>> -> memref<1536xf32, #tpu.memory_space<vmem>>
    %dma_wait3A_461 = arith.constant 0 : i32
    %dma_wait3A_462 = tpu.memref_slice %arg2[%dma_wait3A_461] : memref<7962624xf32, #tpu.memory_space<hbm>> -> memref<1536xf32, #tpu.memory_space<hbm>>
    %dma_wait3A_463 = arith.constant 0 : i32
    %dma_wait3A_464 = tpu.memref_slice %arg5[%dma_wait3A_463] : memref<35328xf32, #tpu.memory_space<vmem>> -> memref<1536xf32, #tpu.memory_space<vmem>>
    %dma_wait3A_465 = arith.constant 0 : i32
    %dma_wait3A_466 = tpu.memref_slice %arg2[%dma_wait3A_465] : memref<7962624xf32, #tpu.memory_space<hbm>> -> memref<1536xf32, #tpu.memory_space<hbm>>
    tpu.wait_dma2 semaphore(%arg25 : memref<!tpu.dma_semaphore, #tpu.memory_space<semaphore_mem>>) src(%dma_wait3A_466 : memref<1536xf32, #tpu.memory_space<hbm>>) dst(%dma_wait3A_464 : memref<1536xf32, #tpu.memory_space<vmem>>)
    %dma_wait3A_467 = arith.constant 0 : i32
    %dma_wait3A_468 = tpu.memref_slice %arg6[%dma_wait3A_467] : memref<35328xf32, #tpu.memory_space<vmem>> -> memref<1536xf32, #tpu.memory_space<vmem>>
    %dma_wait3A_469 = arith.constant 0 : i32
    %dma_wait3A_470 = tpu.memref_slice %arg2[%dma_wait3A_469] : memref<7962624xf32, #tpu.memory_space<hbm>> -> memref<1536xf32, #tpu.memory_space<hbm>>
    %dma_wait3A_471 = arith.constant 0 : i32
    %dma_wait3A_472 = tpu.memref_slice %arg6[%dma_wait3A_471] : memref<35328xf32, #tpu.memory_space<vmem>> -> memref<1536xf32, #tpu.memory_space<vmem>>
    %dma_wait3A_473 = arith.constant 0 : i32
    %dma_wait3A_474 = tpu.memref_slice %arg2[%dma_wait3A_473] : memref<7962624xf32, #tpu.memory_space<hbm>> -> memref<1536xf32, #tpu.memory_space<hbm>>
    tpu.wait_dma2 semaphore(%arg25 : memref<!tpu.dma_semaphore, #tpu.memory_space<semaphore_mem>>) src(%dma_wait3A_474 : memref<1536xf32, #tpu.memory_space<hbm>>) dst(%dma_wait3A_472 : memref<1536xf32, #tpu.memory_space<vmem>>)
    %dma_wait3A_475 = arith.constant 0 : i32
    %dma_wait3A_476 = tpu.memref_slice %arg7[%dma_wait3A_475] : memref<35328xf32, #tpu.memory_space<vmem>> -> memref<1536xf32, #tpu.memory_space<vmem>>
    %dma_wait3A_477 = arith.constant 0 : i32
    %dma_wait3A_478 = tpu.memref_slice %arg2[%dma_wait3A_477] : memref<7962624xf32, #tpu.memory_space<hbm>> -> memref<1536xf32, #tpu.memory_space<hbm>>
    %dma_wait3A_479 = arith.constant 0 : i32
    %dma_wait3A_480 = tpu.memref_slice %arg7[%dma_wait3A_479] : memref<35328xf32, #tpu.memory_space<vmem>> -> memref<1536xf32, #tpu.memory_space<vmem>>
    %dma_wait3A_481 = arith.constant 0 : i32
    %dma_wait3A_482 = tpu.memref_slice %arg2[%dma_wait3A_481] : memref<7962624xf32, #tpu.memory_space<hbm>> -> memref<1536xf32, #tpu.memory_space<hbm>>
    tpu.wait_dma2 semaphore(%arg25 : memref<!tpu.dma_semaphore, #tpu.memory_space<semaphore_mem>>) src(%dma_wait3A_482 : memref<1536xf32, #tpu.memory_space<hbm>>) dst(%dma_wait3A_480 : memref<1536xf32, #tpu.memory_space<vmem>>)
    %dma_wait3A_483 = arith.constant 0 : i32
    %dma_wait3A_484 = tpu.memref_slice %arg3[%dma_wait3A_483] : memref<9437184xf32, #tpu.memory_space<hbm>> -> memref<1536xf32, #tpu.memory_space<hbm>>
    %dma_wait3A_485 = arith.constant 0 : i32
    %dma_wait3A_486 = tpu.memref_slice %arg3[%dma_wait3A_485] : memref<9437184xf32, #tpu.memory_space<hbm>> -> memref<1536xf32, #tpu.memory_space<hbm>>
    tpu.wait_dma2 semaphore(%arg26 : memref<!tpu.dma_semaphore, #tpu.memory_space<semaphore_mem>>) src(%dma_wait3A_486 : memref<1536xf32, #tpu.memory_space<hbm>>) dst(%arg8 : memref<1536xf32, #tpu.memory_space<vmem>>)
    %dma_wait3A_487 = arith.constant 0 : i32
    %dma_wait3A_488 = tpu.memref_slice %arg3[%dma_wait3A_487] : memref<9437184xf32, #tpu.memory_space<hbm>> -> memref<1536xf32, #tpu.memory_space<hbm>>
    %dma_wait3A_489 = arith.constant 0 : i32
    %dma_wait3A_490 = tpu.memref_slice %arg3[%dma_wait3A_489] : memref<9437184xf32, #tpu.memory_space<hbm>> -> memref<1536xf32, #tpu.memory_space<hbm>>
    tpu.wait_dma2 semaphore(%arg26 : memref<!tpu.dma_semaphore, #tpu.memory_space<semaphore_mem>>) src(%dma_wait3A_490 : memref<1536xf32, #tpu.memory_space<hbm>>) dst(%arg10 : memref<1536xf32, #tpu.memory_space<vmem>>)
    %dma_wait3A_491 = arith.constant 0 : i32
    %dma_wait3A_492 = tpu.memref_slice %arg2[%dma_wait3A_491] : memref<7962624xf32, #tpu.memory_space<hbm>> -> memref<1536xf32, #tpu.memory_space<hbm>>
    %dma_wait3A_493 = arith.constant 0 : i32
    %dma_wait3A_494 = tpu.memref_slice %arg2[%dma_wait3A_493] : memref<7962624xf32, #tpu.memory_space<hbm>> -> memref<1536xf32, #tpu.memory_space<hbm>>
    tpu.wait_dma2 semaphore(%arg27 : memref<!tpu.dma_semaphore, #tpu.memory_space<semaphore_mem>>) src(%dma_wait3A_494 : memref<1536xf32, #tpu.memory_space<hbm>>) dst(%arg12 : memref<1536xf32, #tpu.memory_space<vmem>>)
    %dma_wait3A_495 = arith.constant 0 : i32
    %dma_wait3A_496 = tpu.memref_slice %arg2[%dma_wait3A_495] : memref<7962624xf32, #tpu.memory_space<hbm>> -> memref<1536xf32, #tpu.memory_space<hbm>>
    %dma_wait3A_497 = arith.constant 0 : i32
    %dma_wait3A_498 = tpu.memref_slice %arg2[%dma_wait3A_497] : memref<7962624xf32, #tpu.memory_space<hbm>> -> memref<1536xf32, #tpu.memory_space<hbm>>
    tpu.wait_dma2 semaphore(%arg27 : memref<!tpu.dma_semaphore, #tpu.memory_space<semaphore_mem>>) src(%dma_wait3A_498 : memref<1536xf32, #tpu.memory_space<hbm>>) dst(%arg13 : memref<1536xf32, #tpu.memory_space<vmem>>)
    %dma_wait3A_499 = arith.constant 0 : i32
    %dma_wait3A_500 = tpu.memref_slice %arg2[%dma_wait3A_499] : memref<7962624xf32, #tpu.memory_space<hbm>> -> memref<1536xf32, #tpu.memory_space<hbm>>
    %dma_wait3A_501 = arith.constant 0 : i32
    %dma_wait3A_502 = tpu.memref_slice %arg2[%dma_wait3A_501] : memref<7962624xf32, #tpu.memory_space<hbm>> -> memref<1536xf32, #tpu.memory_space<hbm>>
    tpu.wait_dma2 semaphore(%arg27 : memref<!tpu.dma_semaphore, #tpu.memory_space<semaphore_mem>>) src(%dma_wait3A_502 : memref<1536xf32, #tpu.memory_space<hbm>>) dst(%arg14 : memref<1536xf32, #tpu.memory_space<vmem>>)
    %add3A_503 = arith.constant 144384 : i32
    %add3A_504 = arith.addi %mul3A_87, %add3A_503 : i32
    %dma_wait3A_505 = tpu.memref_slice %arg4[%add3A_504] : memref<14155776xf32, #tpu.memory_space<hbm>> -> memref<1536xf32, #tpu.memory_space<hbm>>
    %dma_wait3A_506 = tpu.memref_slice %arg4[%add3A_504] : memref<14155776xf32, #tpu.memory_space<hbm>> -> memref<1536xf32, #tpu.memory_space<hbm>>
    tpu.wait_dma2 semaphore(%arg28 : memref<!tpu.dma_semaphore, #tpu.memory_space<semaphore_mem>>) src(%arg18 : memref<1536xf32, #tpu.memory_space<vmem>>) dst(%dma_wait3A_506 : memref<1536xf32, #tpu.memory_space<hbm>>)
    %add3A_507 = arith.constant 144384 : i32
    %add3A_508 = arith.addi %mul3A_91, %add3A_507 : i32
    %dma_wait3A_509 = tpu.memref_slice %arg4[%add3A_508] : memref<14155776xf32, #tpu.memory_space<hbm>> -> memref<1536xf32, #tpu.memory_space<hbm>>
    %dma_wait3A_510 = tpu.memref_slice %arg4[%add3A_508] : memref<14155776xf32, #tpu.memory_space<hbm>> -> memref<1536xf32, #tpu.memory_space<hbm>>
    tpu.wait_dma2 semaphore(%arg28 : memref<!tpu.dma_semaphore, #tpu.memory_space<semaphore_mem>>) src(%arg19 : memref<1536xf32, #tpu.memory_space<vmem>>) dst(%dma_wait3A_510 : memref<1536xf32, #tpu.memory_space<hbm>>)
    %add3A_511 = arith.constant 144384 : i32
    %add3A_512 = arith.addi %mul3A_95, %add3A_511 : i32
    %dma_wait3A_513 = tpu.memref_slice %arg4[%add3A_512] : memref<14155776xf32, #tpu.memory_space<hbm>> -> memref<1536xf32, #tpu.memory_space<hbm>>
    %dma_wait3A_514 = tpu.memref_slice %arg4[%add3A_512] : memref<14155776xf32, #tpu.memory_space<hbm>> -> memref<1536xf32, #tpu.memory_space<hbm>>
    tpu.wait_dma2 semaphore(%arg28 : memref<!tpu.dma_semaphore, #tpu.memory_space<semaphore_mem>>) src(%arg20 : memref<1536xf32, #tpu.memory_space<vmem>>) dst(%dma_wait3A_514 : memref<1536xf32, #tpu.memory_space<hbm>>)
    %add3A_515 = arith.constant 145920 : i32
    %add3A_516 = arith.addi %mul3A_87, %add3A_515 : i32
    %dma_wait3A_517 = tpu.memref_slice %arg4[%add3A_516] : memref<14155776xf32, #tpu.memory_space<hbm>> -> memref<1536xf32, #tpu.memory_space<hbm>>
    %dma_wait3A_518 = tpu.memref_slice %arg4[%add3A_516] : memref<14155776xf32, #tpu.memory_space<hbm>> -> memref<1536xf32, #tpu.memory_space<hbm>>
    tpu.wait_dma2 semaphore(%arg29 : memref<!tpu.dma_semaphore, #tpu.memory_space<semaphore_mem>>) src(%arg21 : memref<1536xf32, #tpu.memory_space<vmem>>) dst(%dma_wait3A_518 : memref<1536xf32, #tpu.memory_space<hbm>>)
    %add3A_519 = arith.constant 145920 : i32
    %add3A_520 = arith.addi %mul3A_91, %add3A_519 : i32
    %dma_wait3A_521 = tpu.memref_slice %arg4[%add3A_520] : memref<14155776xf32, #tpu.memory_space<hbm>> -> memref<1536xf32, #tpu.memory_space<hbm>>
    %dma_wait3A_522 = tpu.memref_slice %arg4[%add3A_520] : memref<14155776xf32, #tpu.memory_space<hbm>> -> memref<1536xf32, #tpu.memory_space<hbm>>
    tpu.wait_dma2 semaphore(%arg29 : memref<!tpu.dma_semaphore, #tpu.memory_space<semaphore_mem>>) src(%arg22 : memref<1536xf32, #tpu.memory_space<vmem>>) dst(%dma_wait3A_522 : memref<1536xf32, #tpu.memory_space<hbm>>)
    %add3A_523 = arith.constant 145920 : i32
    %add3A_524 = arith.addi %mul3A_95, %add3A_523 : i32
    %dma_wait3A_525 = tpu.memref_slice %arg4[%add3A_524] : memref<14155776xf32, #tpu.memory_space<hbm>> -> memref<1536xf32, #tpu.memory_space<hbm>>
    %dma_wait3A_526 = tpu.memref_slice %arg4[%add3A_524] : memref<14155776xf32, #tpu.memory_space<hbm>> -> memref<1536xf32, #tpu.memory_space<hbm>>
    tpu.wait_dma2 semaphore(%arg29 : memref<!tpu.dma_semaphore, #tpu.memory_space<semaphore_mem>>) src(%arg23 : memref<1536xf32, #tpu.memory_space<vmem>>) dst(%dma_wait3A_526 : memref<1536xf32, #tpu.memory_space<hbm>>)
    return
  }
}

</mosaic_0001>

<sc_bundles>
// kernel: kernel.3.cloned.1.call-start
scs
__scs_entry_jumppad:
0x0: {  	(pc) =	sbr.rel $0x88, $3  }
0x1: {  	(tag) =	ssettag $0x0;
	lr =	simm.s32 $0x1  }
0x2: {  	[smem:$0x3F9F] =	sst lr;
	_ =	strace $0xD0000000  }
0x3: {  	_ = 	snop  }
0x4: {  	_ = 	snop  }
0x5: {  	_ = 	snop  }
0x6: {  	_ = 	snop  }
0x7: {  	_ = 	snop  }
__scs_overlays_trampoline_lowered:
0x8: {  	[smem:$0x3FAE] =	sst s0  }
0x9: {  	[smem:$0x3FAF] =	sst s1  }
0xa: {  	[smem:$0x3FB0] =	sst s2  }
0xb: {  	[smem:$0x3FB1] =	sst s3  }
0xc: {  	[smem:$0x3FB2] =	sst s4  }
0xd: {  	[smem:$0x3FB3] =	sst s5  }
0xe: {  	[smem:$0x3FB4] =	sst s6  }
0xf: {  	[smem:$0x3FB5] =	sst s7  }
0x10: {  	[smem:$0x3FB6] =	sst s8  }
0x11: {  	[smem:$0x3FB7] =	sst s9;
	s0 =	simm.s32 @!p0 $0x0  }
0x12: {  	s1 =	sld [smem:$0x3F9D];
	s0 =	simm.s32 @p0 $0x1  }
0x13: {  	[smem:$0x3FB8] =	sst s0;
	s0 =	simm.s32 @!p1 $0x0  }
0x14: {  	s2 =	sld [smem:$0x3F9C];
	s0 =	simm.s32 @p1 $0x1  }
0x15: {  	[smem:$0x3FB9] =	sst s0;
	s0 =	simm.s32 @!p2 $0x0  }
0x16: {  	s3 =	sld [smem:$0x3FDB];
	s0 =	simm.s32 @p2 $0x1  }
0x17: {  	s4 =	simm.s32 $0x1BF5;
	[smem:$0x3FBB] =	sst s0  }
0x18: {  	s0 =	sld [smem:$0x3F9E];
	_ =	swait.ge [sflag:s4], $0x0  }
0x19: {  	s7 =	sld [smem:$0x3F9F]  }
0x1a: {  	s8 =	sadd.s32 $0xFFFFE003, lr  }
0x1b: {  	s9 =	sadd.s32 $0xFFFFFEF7, lr;
	s5 =	simm.s32 $0xFFFFFFFF;
	p2 =	slt.u32 s8, $0xFFFFF086  }
0x1c: {  	p1 =	slt.u32 s9, $0xF7A;
	s5 =	simm.s32 @!p2 $0x0  }
0x1d: {  	s5 =	simm.s32 @p1 $0x1;
	p0 =	seq.s32 s7, s2  }
0x1e: {  	s7 =	smul.u32 @!p0 $0xF7A, s2;
	p2 =	seq.s32 @!p0 s5, $0x0  }
0x1f: {  	s9 =	smul.u32 $0xF7A, s1;
	s8 =	simm.s32 @!p0 $0x1BF5;
	p2 =	por !p2, p0  }
0x20: {  	[sflag:s8] =	ssyncset.s32 @!p0 $0xFFFFF086;
	s6 =	sadd.s32 @!p0 s3, s7;
	s7 =	simm.s32 @!p0 $0x108  }
0x21: {  	s3 =	sadd.s32 s3, s9;
	s6 =	sadd.s32 @!p0 $0x88, s6;
	s7 =	simm.s32 @p2 $0x1082  }
0x22: {  	[simem:s7], [sflag:s8] =	dma.local @!p0 [hbm:s6], $0xF7A  }
0x23: {  	s9 =	sor.u32 $0xD0000000, s2;
	s6 =	simm.s32 $0x108;
	_ =	swait.ge @!p0 [sflag:s8], $0x0  }
0x24: {  	s3 =	sadd.s32 $0x88, s3;
	s6 =	simm.s32 @!p1 $0x1082;
	[sflag:s4] =	ssyncset.s32 $0xFFFFF086  }
0x25: {  	[simem:s6], [sflag:s4] =	dma.local [hbm:s3], $0xF7A  }
0x26: {  	[smem:$0x3F9F] =	sst s1;
	(tag) =	ssettag s2;
	_ =	strace s9  }
0x27: {  	s1 =	sld [smem:$0x3FAF]  }
0x28: {  	s2 =	sld [smem:$0x3FB0]  }
0x29: {  	s4 =	sld [smem:$0x3FB2]  }
0x2a: {  	p0 =	seq.s32 s5, $0x0;
	s5 =	sld [smem:$0x3FB3]  }
0x2b: {  	s6 =	sld [smem:$0x3FB4]  }
0x2c: {  	s7 =	sld [smem:$0x3FB5]  }
0x2d: {  	s3 =	simm.s32 $0x108;
	s8 =	sld [smem:$0x3FB6]  }
0x2e: {  	s3 =	simm.s32 @!p0 $0x1082;
	s9 =	sld [smem:$0x3FB7]  }
0x2f: {  	lr =	sadd.s32 s0, s3;
	s0 =	sld [smem:$0x3FAE]  }
0x30: {  	s3 =	sld [smem:$0x3FB1]  }
0x31: {  	[smem:$0x3FBA] =	sst s10  }
0x32: {  	s10 =	sld [smem:$0x3FB8];
	_ =	sdelay $0x3  }
0x33: {  	p0 =	seq.s32 s10, $0x1;
	s10 =	sld [smem:$0x3FBA];
	_ =	sdelay $0x3  }
0x34: {  	[smem:$0x3FBA] =	sst s10  }
0x35: {  	s10 =	sld [smem:$0x3FB9];
	_ =	sdelay $0x3  }
0x36: {  	p1 =	seq.s32 s10, $0x1;
	s10 =	sld [smem:$0x3FBA];
	_ =	sdelay $0x3  }
0x37: {  	[smem:$0x3FBA] =	sst s10  }
0x38: {  	s10 =	sld [smem:$0x3FBB]  }
0x39: {  	_ = 	snop;
	(pc) =	sbr.ind lr, $3  }
0x3a: {  	_ = 	snop  }
0x3b: {  	_ = 	snop  }
0x3c: {  	p2 =	seq.s32 s10, $0x1;
	s10 =	sld [smem:$0x3FBA]  }
0x3d: {  	_ =	shalt  }
0x3e: {  	_ =	shalt  }
0x3f: {  	_ =	shalt  }
0x40: {  	_ =	shalt  }
0x41: {  	_ =	shalt  }
0x42: {  	_ =	shalt  }
0x43: {  	_ =	shalt  }
0x44: {  	_ =	shalt  }
0x45: {  	_ =	shalt  }
0x46: {  	_ =	shalt  }
0x47: {  	_ =	shalt  }
0x48: {  	_ =	shalt  }
0x49: {  	_ =	shalt  }
0x4a: {  	_ =	shalt  }
0x4b: {  	_ =	shalt  }
0x4c: {  	_ =	shalt  }
0x4d: {  	_ =	shalt  }
0x4e: {  	_ =	shalt  }
0x4f: {  	_ =	shalt  }
0x50: {  	_ =	shalt  }
0x51: {  	_ =	shalt  }
0x52: {  	_ =	shalt  }
0x53: {  	_ =	shalt  }
0x54: {  	_ =	shalt  }
0x55: {  	_ =	shalt  }
0x56: {  	_ =	shalt  }
0x57: {  	_ =	shalt  }
0x58: {  	_ =	shalt  }
0x59: {  	_ =	shalt  }
0x5a: {  	_ =	shalt  }
0x5b: {  	_ =	shalt  }
0x5c: {  	_ =	shalt  }
0x5d: {  	_ =	shalt  }
0x5e: {  	_ =	shalt  }
0x5f: {  	_ =	shalt  }
0x60: {  	_ =	shalt  }
0x61: {  	_ =	shalt  }
0x62: {  	_ =	shalt  }
0x63: {  	_ =	shalt  }
0x64: {  	_ =	shalt  }
0x65: {  	_ =	shalt  }
0x66: {  	_ =	shalt  }
0x67: {  	_ =	shalt  }
0x68: {  	_ =	shalt  }
0x69: {  	_ =	shalt  }
0x6a: {  	_ =	shalt  }
0x6b: {  	_ =	shalt  }
0x6c: {  	_ =	shalt  }
0x6d: {  	_ =	shalt  }
0x6e: {  	_ =	shalt  }
0x6f: {  	_ =	shalt  }
0x70: {  	_ =	shalt  }
0x71: {  	_ =	shalt  }
0x72: {  	_ =	shalt  }
0x73: {  	_ =	shalt  }
0x74: {  	_ =	shalt  }
0x75: {  	_ =	shalt  }
0x76: {  	_ =	shalt  }
0x77: {  	_ =	shalt  }
0x78: {  	_ =	shalt  }
0x79: {  	_ =	shalt  }
0x7a: {  	_ =	shalt  }
0x7b: {  	_ =	shalt  }
0x7c: {  	_ =	shalt  }
0x7d: {  	_ =	shalt  }
0x7e: {  	_ =	shalt  }
0x7f: {  	_ =	shalt  }
0x80: {  	_ =	shalt  }
0x81: {  	_ =	shalt  }
0x82: {  	_ =	shalt  }
0x83: {  	_ =	shalt  }
0x84: {  	_ =	shalt  }
0x85: {  	_ =	shalt  }
0x86: {  	_ =	shalt  }
0x87: {  	_ =	shalt  }
.Lfunc_end0:
.L_simem_size_0:
called_computation_lowered:
.L_overlay_start_0:
0x88: {  	s2 =	sld [smem:$0x3FD9]  }
0x89: {  	s3 =	sld [smem:$0x3FFE];
	_ =	sdelay $0x1  }
0x8a: {  	s1 =	srdreg.scid  }
0x8b: {  	s0 =	sand.u32 $0x1, s1  }
0x8c: {  	s17 =	sshll.u32 s0, $0xA;
	s2 =	sadd.s32 s3, s2  }
0x8d: {  	s2 =	sadd.s32 s2, s17  }
0x8e: {  	[smem:$0x3FC6] =	sst s2  }
0x8f: {  	_ = 	snop  }
0x90: {  	s2 =	sld [smem:$0x3FD0];
	(tm) =	ssettm $0x1  }
0x91: {  	s18 =	sld [smem:$0x3FFB];
	_ =	sdelay $0x3  }
0x92: {  	_ =	strace s18  }
0x93: {  	s3 =	sld [smem:$0x3FFC];
	_ =	sdelay $0x3  }
0x94: {  	_ =	strace s3  }
0x95: {  	s3 =	sld [smem:$0x3FFD];
	_ =	sdelay $0x3  }
0x96: {  	_ =	strace s3  }
0x97: {  	_ =	strace $0x8FFFFFFF  }
0x98: {  	s19 =	sld [smem:$0x3FDB];
	_ =	sdelay $0x1  }
0x99: {  	s4 =	simm.s32 $_scs_section_size  }
0x9a: {  	s5 =	simm.s32 $_size__tile_overlayer_lowered;
	s6 =	simm.s32 $_tile_overlayer_lowered  }
0x9b: {  	s22 =	simm.s32 $0x1BFF;
	s21 =	sshll.u32 s6, $0x1;
	s3 =	sadd.s32 s4, s19  }
0x9c: {  	s7 =	simm.s32 $0x0;
	s20 =	sshll.u32 s5, $0x1;
	s5 =	sadd.s32 s21, s3  }
0x9d: {  	[timem:s7], [sflag:s22] =	dma.local [hbm:s5], s20  }
0x9e: {  	_ =	swait.ge [sflag:s22], s20  }
0x9f: {  	s4 =	ssub.s32 $0x0, s20;
	[sflag:s22] =	ssyncset.done $0x0  }
0xa0: {  	[sflag:s22] =	ssyncadd.s32 s4;
	_ =	sdelay $0x1  }
0xa1: {  	s23 =	simm.s32 $0x1B8B  }
0xa2: {  	_ =	swait.ge [sflag:s23], $0x1  }
0xa3: {  	[sflag:s23] =	ssyncset.done $0x0  }
0xa4: {  	s25 =	simm.s32 $0x1B8E;
	s24 =	sld [smem:$0x3FFE];
	[sflag:s23] =	ssyncadd.s32 $0xFFFFFFFF  }
0xa5: {  	s26 =	simm.s32 $execute0_lowered;
	[smem:$0x3FD2] =	sst s25  }
0xa6: {  	s5 =	sshll.u32 s26, $0x1;
	_ =	strace $0x80000046;
	[dreg:$0x1] =	wrdreg $0xFFFFFFFF  }
0xa7: {  	s28 =	simm.s32 $_size_execute0_lowered;
	s3 =	sadd.s32 s3, s5;
	[dreg:$0x0] =	wrdreg $0x0  }
0xa8: {  	s5 =	sshll.u32 s28, $0x1;
	[dreg:$0x2] =	wrdreg s3  }
0xa9: {  	[dreg:$0x3] =	wrdreg s5  }
0xaa: {  	[dreg:$0x4] =	wrdreg $0xC0  }
0xab: {  	_ =	task [dreg:s7], $0x5FFFF  }
0xac: {  	[dreg:$0x1] =	wrdreg $0xFFFFFFFF  }
0xad: {  	[dreg:$0x0] =	wrdreg $0x60  }
0xae: {  	[dreg:$0x2] =	wrdreg s24  }
0xaf: {  	[dreg:$0x3] =	wrdreg s2  }
0xb0: {  	[dreg:$0x4] =	wrdreg $0x9  }
0xb1: {  	_ =	task.clear_ibuf [dreg:s7], $0x5FFFF;
	_ =	strace $0x90000046  }
0xb2: {  	s29 =	simm.s32 $0x9;
	_ =	strace $0x80000048  }
0xb3: {  	_ =	swait.ge [sflag:s29], $0x1  }
0xb4: {  	[sflag:s29] =	ssyncadd.s32 $0xFFFFFFFF  }
0xb5: {  	_ =	strace $0x90000048  }
0xb6: {  	_ =	sfence  }
0xb7: {  	s30 =	sld [smem:$0x0];
	_ =	sdelay $0x2  }
0xb8: {  	s31 =	sshll.u32 s1, $0xD;
	s1 =	sshrl.u32 s1, $0x2  }
0xb9: {  	s3 =	sand.u32 $0x4000, s31;
	s1 =	sadd.s32 s1, s30  }
0xba: {  	s0 =	sor.u32 s3, s0;
	s1 =	sshll.u32 s1, $0x11  }
0xbb: {  	s0 =	sor.u32 s1, s0  }
0xbc: {  	s0 =	sadd.s32 $0x8F2B, s0  }
0xbd: {  	[sflag:s0] =	ssyncadd.remote.s32 $0x1  }
0xbe: {  	_ =	sfence.sel $0xFFFF  }
0xbf: {  	[dreg:$0x0] =	wrdreg $0xFFFFFFFF;
	(pc) =	sbr.abs _section_cstart, $3  }
0xc0: {  	[dreg:$0x1] =	wrdreg $0xFFFFFFFF  }
0xc1: {  	_ =	task.clear_ibuf [dreg:s7], $0x2FFFF;
	_ =	strace $0x9FFFFFFF  }
0xc2: {  	(tm) =	ssettm $0x7FFFFFFF  }
0xc3: {  	_ =	shalt  }
tec
execute0_lowered:
.L_overlay_start_1:
0x0: {  	(tag) =	ssettag $0x1  }
0x1: {  	s1 =	rddreg [dreg:$0x0]  }
0x2: {  	s0 =	srdreg.scid;
	s8 =	rddreg [dreg:$0x1];
	s3 =	simm.s32 $0x0  }
0x3: {  	s4 =	stileid.u32;
	s0 =	sand.u32 $0x1, s0;
	[smem:$0x7FF] =	sst s3  }
0x4: {  	s9 =	sadd.s32 $0x400, s1;
	s10 =	sadd.s32 $0xF3400, s1;
	s2 =	sor.u32 s0, s4  }
0x5: {  	p1 =	seq.s32 s0, $0x1;
	_ =	strace $0x80000047;
	p0 =	seq.s32 s2, $0x0  }
0x6: {  	s7 =	ssub.s32 $0x2, s0;
	s21 =	smul.u32 $0x6C000, s0;
	p0 =	por !p0, !p1  }
0x7: {  	[dreg:$0x3] =	wrdreg s9;
	s2 =	simm.s32 $0x1;
	p0 =	por !p0, !p0  }
0x8: {  	[dreg:$0x4] =	wrdreg s10;
	s22 =	sshrl.u32 s7, $0x1;
	s2 =	simm.s32 @!p0 $0x0  }
0x9: {  	p0 =	seq.s32 s0, $0x0;
	s0 =	ssub.s32 s7, s22;
	s2 =	ssub.s32 s4, s2  }
0xa: {  	s4 =	sadd.s32 $0x2, s2;
	s5 =	smov.u32 s2;
	s6 =	smul.u32 $0xD8000, s2  }
0xb: {  	s0 =	smax.u32 s0, $0x1;
	s1 =	smul.u32 $0x6C000, s2;
	s5 =	smov.u32 @p0 s4  }
0xc: {  	[smem:$0x7FB] =	sst s0;
	s11 =	smul.u32 $0x6C000, s5  }
0xd: {  	s5 =	ssub.s32 $0x1F, s2;
	s6 =	sadd.s32 s21, s6;
	s12 =	sadd.s32 $0x6C000, s1  }
0xe: {  	s25 =	sadd.s32 $0x90000, s1;
	s14 =	sadd.s32 $0xB4000, s1;
	[dreg:$0x9] =	wrdreg s12  }
0xf: {  	s22 =	sadd.s32 $0x90600, s1;
	s5 =	smov.u32 @p0 s2;
	[dreg:$0xb] =	wrdreg s25  }
0x10: {  	s4 =	sshrl.u32 s12, $0x3;
	[dreg:$0xc] =	wrdreg s14;
	s17 =	sshrl.u32 s14, $0x3  }
0x11: {  	[dreg:$0x6] =	wrdreg s6;
	s23 =	sadd.s32 $0x24000, s11;
	s24 =	sadd.s32 $0x48000, s11  }
0x12: {  	s13 =	smul.u32 $0x48000, s5;
	s26 =	sshrl.u32 s11, $0x3;
	s5 =	sshrl.u32 s25, $0x3  }
0x13: {  	s12 =	sadd.s32 s9, s4;
	s16 =	sadd.s32 $0x4800, s11;
	[dreg:$0x5] =	wrdreg s11  }
0x14: {  	s18 =	sadd.s32 $0x28800, s11;
	s4 =	sadd.s32 s9, s17;
	[dreg:$0x7] =	wrdreg s23  }
0x15: {  	s20 =	sadd.s32 $0x4C800, s11;
	s25 =	sadd.s32 $0x24000, s6;
	[dreg:$0x8] =	wrdreg s24  }
0x16: {  	s14 =	sadd.s32 $0x47A00, s11;
	s2 =	sadd.s32 s9, s26;
	[dreg:$0x15] =	wrdreg s4  }
0x17: {  	s28 =	sshrl.u32 s23, $0x3;
	s29 =	sshrl.u32 s24, $0x3;
	[dreg:$0x1b] =	wrdreg s25  }
0x18: {  	s19 =	sshrl.u32 s18, $0x3;
	s24 =	sshrl.u32 s22, $0x3;
	[dreg:$0x13] =	wrdreg s12  }
0x19: {  	s26 =	sadd.s32 $0xB4600, s1;
	s22 =	sadd.s32 $0xB3A00, s1;
	[dreg:$0xe] =	wrdreg s2  }
0x1a: {  	s15 =	sadd.s32 $0x24000, s13;
	s2 =	sadd.s32 s9, s28;
	[dreg:$0xa] =	wrdreg s13  }
0x1b: {  	s30 =	sshrl.u32 s13, $0x3;
	s21 =	sadd.s32 $0x24600, s13;
	[dreg:$0xf] =	wrdreg s2  }
0x1c: {  	s28 =	sshrl.u32 s6, $0x3;
	s2 =	sadd.s32 s9, s29;
	[dreg:$0xd] =	wrdreg s15  }
0x1d: {  	s31 =	sshrl.u32 s15, $0x3;
	s15 =	sadd.s32 s9, s5;
	[dreg:$0x10] =	wrdreg s2  }
0x1e: {  	s17 =	sadd.s32 $0x23A00, s13;
	s29 =	sadd.s32 s10, s28;
	[dreg:$0x14] =	wrdreg s15  }
0x1f: {  	s7 =	sadd.s32 s8, s30;
	s4 =	sshrl.u32 s21, $0x3;
	[dreg:$0x1d] =	wrdreg s29  }
0x20: {  	s5 =	sshrl.u32 s25, $0x3;
	s2 =	sadd.s32 s8, s31;
	[dreg:$0x11] =	wrdreg s7  }
0x21: {  	s21 =	sadd.s32 $0x8FA00, s1;
	s23 =	sadd.s32 s8, s4;
	[dreg:$0x12] =	wrdreg s2  }
0x22: {  	s1 =	sadd.s32 $0xD7A00, s1;
	s30 =	sadd.s32 s10, s5;
	[dreg:$0x19] =	wrdreg s23  }
0x23: {  	s31 =	sadd.s32 $0x48000, s6;
	s1 =	sshrl.u32 s1, $0x3;
	[dreg:$0x1e] =	wrdreg s30  }
0x24: {  	s18 =	sadd.s32 $0x47A00, s13;
	[dreg:$0x1f] =	wrdreg s31;
	s1 =	sadd.s32 s9, s1  }
0x25: {  	s2 =	sshrl.u32 s16, $0x3;
	s30 =	sadd.s32 $0xC0, s7;
	[smem:$0x7F7] =	sst s1  }
0x26: {  	s5 =	sshrl.u32 s31, $0x3;
	s31 =	sadd.s32 $0xC0, s12;
	[smem:$0x7FC] =	sst s30  }
0x27: {  	s25 =	sadd.s32 $0x47A00, s6;
	s2 =	sadd.s32 s9, s2;
	[smem:$0x7FD] =	sst s31  }
0x28: {  	s4 =	sadd.s32 $0x23A00, s11;
	s5 =	sadd.s32 s10, s5;
	[dreg:$0x16] =	wrdreg s2  }
0x29: {  	s2 =	sadd.s32 s9, s19;
	[smem:$0x7EF] =	sst s5;
	s5 =	sshrl.u32 s18, $0x3  }
0x2a: {  	v0 =	vimm.f32 $1.500000000e+01;
	vm0 =	vcmask $0x300;
	[dreg:$0x17] =	wrdreg s2;
	s2 =	sshrl.u32 s20, $0x3;
	s20 =	sadd.s32 s8, s5  }
0x2b: {  	vm14 =	vcmask $0x704;
	v0 =	vsel vm0, $0x0, v0;
	s16 =	sadd.s32 $0x6BA00, s11;
	s2 =	sadd.s32 s9, s2;
	[smem:$0x7F4] =	sst s20  }
0x2c: {  	vm15 =	vcmask $0xB08;
	v0 =	vsel vm14, $0x3F800000, v0;
	s5 =	simm.s32 $0x3;
	[dreg:$0x18] =	wrdreg s2;
	s2 =	sadd.s32 s9, s24  }
0x2d: {  	vm4 =	vcmask $0xF0C;
	v0 =	vsel vm15, $0x40000000, v0;
	s24 =	sadd.s32 $0x23A00, s6;
	[dreg:$0x1a] =	wrdreg s2;
	s2 =	sshrl.u32 s26, $0x3  }
0x2e: {  	vm5 =	vcmask $0x1310;
	v0 =	vsel vm4, $0x40400000, v0;
	s26 =	sadd.s32 $0x6BA00, s6;
	s1 =	sshrl.u32 s24, $0x3;
	s2 =	sadd.s32 s9, s2  }
0x2f: {  	vm6 =	vcmask $0x1714;
	v0 =	vsel vm5, $0x40800000, v0;
	s1 =	sadd.s32 s10, s1;
	[dreg:$0x1c] =	wrdreg s2;
	s2 =	sshrl.u32 s4, $0x3  }
0x30: {  	vm7 =	vcmask $0x1B18;
	v0 =	vsel vm6, $0x40A00000, v0;
	s4 =	sshrl.u32 s14, $0x3;
	[smem:$0x7F8] =	sst s1;
	s2 =	sadd.s32 s9, s2  }
0x31: {  	vm8 =	vcmask $0x1F1C;
	v0 =	vsel vm7, $0x40C00000, v0;
	s6 =	simm.s32 $0x0;
	s15 =	sadd.s32 s9, s4;
	[smem:$0x7F0] =	sst s2  }
0x32: {  	vm9 =	vcmask $0x2320;
	v0 =	vsel vm8, $0x40E00000, v0;
	s1 =	simm.s32 $0x1;
	s4 =	sshrl.u32 s17, $0x3;
	[smem:$0x7F1] =	sst s15  }
0x33: {  	vm10 =	vcmask $0x2724;
	v0 =	vsel vm9, $0x41000000, v0;
	s2 =	sshrl.u32 s16, $0x3;
	s19 =	sadd.s32 s8, s4;
	s4 =	sshrl.u32 s22, $0x3  }
0x34: {  	vm11 =	vcmask $0x2B28;
	v0 =	vsel vm10, $0x41100000, v0;
	s2 =	sadd.s32 s9, s2;
	[smem:$0x7F3] =	sst s19;
	s23 =	sadd.s32 s9, s4  }
.Ltmp0:
0x35: {  	vm12 =	vcmask $0x2F2C;
	v0 =	vsel vm11, $0x41200000, v0;
	[smem:$0x7F2] =	sst s2;
	s2 =	sshrl.u32 s21, $0x3;
	(pc) =	sbr.rel .LBB2_1-.Ltmp0, $4  }
0x36: {  	vm13 =	vcmask $0x3330;
	v0 =	vsel vm12, $0x41300000, v0;
	s4 =	sshrl.u32 s26, $0x3;
	[smem:$0x7F6] =	sst s23;
	s2 =	sadd.s32 s9, s2  }
0x37: {  	vm14 =	vcmask $0x3734;
	v0 =	vsel vm13, $0x41400000, v0;
	s29 =	sadd.s32 s10, s4;
	[smem:$0x7F5] =	sst s2;
	s2 =	sshrl.u32 s25, $0x3  }
0x38: {  	vm15 =	vcmask $0x3B38;
	v0 =	vsel vm14, $0x41500000, v0;
	s26 =	simm.s32 $0x11400;
	[smem:$0x7FA] =	sst s29;
	s28 =	sadd.s32 s10, s2  }
0x39: {  	v0 =	vsel vm15, $0x41600000, v0;
	s4 =	simm.s32 $0x2;
	s25 =	simm.s32 $0x8A00;
	[smem:$0x7F9] =	sst s28  }
.LBB2_59:
0x3a: {  	s0 =	sld [smem:$0x7F8];
	_ =	sdelay $0x1  }
0x3b: {  	s1 =	simm.s32 $0x1EC00;
	s23 =	sld [smem:$0x7F9]  }
0x3c: {  	[hbm4b:s0+s3] =	stream.linear.scatter [tilespmem:s1], [sflag:$0x5], $0x600, $0x38;
	[tilespmem:$0x1FF80] =	vst v63  }
0x3d: {  	s24 =	simm.s32 $0x1F200;
	s28 =	sld [smem:$0x7FA]  }
0x3e: {  	[hbm4b:s23+s3] =	stream.linear.scatter [tilespmem:s24], [sflag:$0x5], $0x600, $0x38;
	[tilespmem:$0x1FF80] =	vst v63  }
0x3f: {  	s29 =	simm.s32 $0x1F800;
	s1 =	simm.s32 $0x1  }
0x40: {  	[hbm4b:s28+s3] =	stream.linear.scatter [tilespmem:s29], [sflag:$0x5], $0x600, $0x38;
	[tilespmem:$0x1FF80] =	vst v63  }
0x41: {  	_ =	swait.ge [sflag:s1], $0x600  }
0x42: {  	[sflag:s1] =	ssyncset.done $0x0  }
0x43: {  	[sflag:s1] =	ssyncadd.s32 $0xFFFFFA00  }
0x44: {  	_ =	swait.ge [sflag:s1], $0x600  }
0x45: {  	[sflag:s1] =	ssyncset.done $0x0  }
0x46: {  	[sflag:s1] =	ssyncadd.s32 $0xFFFFFA00  }
0x47: {  	_ =	swait.ge [sflag:s1], $0x600  }
0x48: {  	[sflag:s1] =	ssyncset.done $0x0  }
0x49: {  	s4 =	simm.s32 $0x2;
	[sflag:s1] =	ssyncadd.s32 $0xFFFFFA00  }
0x4a: {  	_ =	swait.ge [sflag:s4], $0x600  }
0x4b: {  	[sflag:s4] =	ssyncset.done $0x0  }
0x4c: {  	[sflag:s4] =	ssyncadd.s32 $0xFFFFFA00  }
0x4d: {  	_ =	swait.ge [sflag:s4], $0x600  }
0x4e: {  	[sflag:s4] =	ssyncset.done $0x0  }
0x4f: {  	s5 =	simm.s32 $0x3;
	[sflag:s4] =	ssyncadd.s32 $0xFFFFFA00  }
0x50: {  	_ =	swait.ge [sflag:s5], $0x600  }
0x51: {  	[sflag:s5] =	ssyncset.done $0x0  }
0x52: {  	[sflag:s5] =	ssyncadd.s32 $0xFFFFFA00  }
0x53: {  	_ =	swait.ge [sflag:s5], $0x600  }
0x54: {  	[sflag:s5] =	ssyncset.done $0x0  }
0x55: {  	[sflag:s5] =	ssyncadd.s32 $0xFFFFFA00  }
0x56: {  	_ =	swait.ge [sflag:s5], $0x600  }
0x57: {  	[sflag:s5] =	ssyncset.done $0x0  }
0x58: {  	s30 =	simm.s32 $0x4;
	[sflag:s5] =	ssyncadd.s32 $0xFFFFFA00  }
0x59: {  	_ =	swait.ge [sflag:s30], $0x600  }
0x5a: {  	[sflag:s30] =	ssyncset.done $0x0  }
0x5b: {  	[sflag:s30] =	ssyncadd.s32 $0xFFFFFA00  }
0x5c: {  	_ =	swait.ge [sflag:s30], $0x600  }
0x5d: {  	[sflag:s30] =	ssyncset.done $0x0  }
0x5e: {  	[sflag:s30] =	ssyncadd.s32 $0xFFFFFA00  }
0x5f: {  	_ =	swait.ge [sflag:s30], $0x600  }
0x60: {  	[sflag:s30] =	ssyncset.done $0x0  }
0x61: {  	s2 =	simm.s32 $0x5;
	[sflag:s30] =	ssyncadd.s32 $0xFFFFFA00  }
0x62: {  	_ =	swait.ge [sflag:s2], $0x600  }
0x63: {  	[sflag:s2] =	ssyncset.done $0x0  }
0x64: {  	[sflag:s2] =	ssyncadd.s32 $0xFFFFFA00  }
0x65: {  	_ =	swait.ge [sflag:s2], $0x600  }
0x66: {  	[sflag:s2] =	ssyncset.done $0x0  }
0x67: {  	[sflag:s2] =	ssyncadd.s32 $0xFFFFFA00  }
0x68: {  	_ =	swait.ge [sflag:s2], $0x600  }
0x69: {  	s6 =	sld [smem:$0x7EE]  }
0x6a: {  	s31 =	sld [smem:$0x7FB];
	_ =	sdelay $0x1  }
0x6b: {  	s6 =	sadd.s32 $0x1, s6  }
0x6c: {  	p0 =	sne.s32 s6, s31  }
.Ltmp1:
0x6d: {  	_ = 	snop;
	(pc) =	sbr.rel @!p0 .LBB2_60-.Ltmp1, $3  }
0x6e: {  	_ =	sdelay $0x1  }
0x6f: {  	[sflag:s2] =	ssyncset.done $0x0  }
0x70: {  	[sflag:s2] =	ssyncadd.s32 $0xFFFFFA00  }
.LBB2_1:
0x71: {  	[smem:$0x7EE] =	sst s6  }
0x72: {  	s0 =	rddreg [dreg:$0xe]  }
0x73: {  	[tilespmem:s3], [sflag:$0x1] =	stream.linear.gather [hbm4b:s0+s3], $0x4E00, $0x38;
	[tilespmem:$0x1FF80] =	vst v63  }
0x74: {  	s29 =	rddreg [dreg:$0xf]  }
0x75: {  	[tilespmem:s25], [sflag:$0x1] =	stream.linear.gather [hbm4b:s29+s3], $0x4E00, $0x38;
	[tilespmem:$0x1FF80] =	vst v63  }
0x76: {  	s30 =	rddreg [dreg:$0x10]  }
0x77: {  	[tilespmem:s26], [sflag:$0x1] =	stream.linear.gather [hbm4b:s30+s3], $0x4E00, $0x38;
	[tilespmem:$0x1FF80] =	vst v63  }
0x78: {  	s31 =	rddreg [dreg:$0x11];
	s2 =	simm.s32 $0x19E00  }
0x79: {  	[tilespmem:s2], [sflag:$0x2] =	stream.linear.gather [hbm4b:s31+s3], $0x600, $0x38;
	[tilespmem:$0x1FF80] =	vst v63  }
0x7a: {  	s6 =	simm.s32 $0x1AA00;
	s2 =	rddreg [dreg:$0x12]  }
0x7b: {  	[tilespmem:s6], [sflag:$0x2] =	stream.linear.gather [hbm4b:s2+s3], $0x600, $0x38;
	[tilespmem:$0x1FF80] =	vst v63  }
0x7c: {  	s7 =	rddreg [dreg:$0x13];
	s8 =	simm.s32 $0x1B600  }
0x7d: {  	[tilespmem:s8], [sflag:$0x3] =	stream.linear.gather [hbm4b:s7+s3], $0x600, $0x38;
	[tilespmem:$0x1FF80] =	vst v63  }
0x7e: {  	s9 =	rddreg [dreg:$0x14];
	s10 =	simm.s32 $0x1BC00  }
0x7f: {  	[tilespmem:s10], [sflag:$0x3] =	stream.linear.gather [hbm4b:s9+s3], $0x600, $0x38;
	[tilespmem:$0x1FF80] =	vst v63  }
0x80: {  	s11 =	rddreg [dreg:$0x15];
	s12 =	simm.s32 $0x1C200  }
0x81: {  	[tilespmem:s12], [sflag:$0x3] =	stream.linear.gather [hbm4b:s11+s3], $0x600, $0x38;
	[tilespmem:$0x1FF80] =	vst v63  }
0x82: {  	_ =	swait.ge [sflag:s1], $0x4E00  }
0x83: {  	[sflag:s1] =	ssyncset.done $0x0  }
0x84: {  	[sflag:s1] =	ssyncadd.s32 $0xFFFFB200  }
0x85: {  	_ =	swait.ge [sflag:s1], $0x4E00  }
0x86: {  	[sflag:s1] =	ssyncset.done $0x0  }
0x87: {  	[sflag:s1] =	ssyncadd.s32 $0xFFFFB200  }
0x88: {  	_ =	swait.ge [sflag:s1], $0x4E00  }
0x89: {  	[sflag:s1] =	ssyncset.done $0x0  }
0x8a: {  	[sflag:s1] =	ssyncadd.s32 $0xFFFFB200  }
0x8b: {  	_ =	swait.ge [sflag:s4], $0x600  }
0x8c: {  	[sflag:s4] =	ssyncset.done $0x0  }
0x8d: {  	[sflag:s4] =	ssyncadd.s32 $0xFFFFFA00  }
0x8e: {  	_ =	swait.ge [sflag:s4], $0x600  }
0x8f: {  	[sflag:s4] =	ssyncset.done $0x0  }
0x90: {  	[sflag:s4] =	ssyncadd.s32 $0xFFFFFA00  }
0x91: {  	_ =	swait.ge [sflag:s5], $0x600  }
0x92: {  	[sflag:s5] =	ssyncset.done $0x0  }
0x93: {  	[sflag:s5] =	ssyncadd.s32 $0xFFFFFA00  }
0x94: {  	_ =	swait.ge [sflag:s5], $0x600  }
0x95: {  	[sflag:s5] =	ssyncset.done $0x0  }
0x96: {  	[sflag:s5] =	ssyncadd.s32 $0xFFFFFA00  }
0x97: {  	_ =	swait.ge [sflag:s5], $0x600  }
0x98: {  	[sflag:s5] =	ssyncset.done $0x0;
	s13 =	rddreg [dreg:$0x16]  }
0x99: {  	s14 =	simm.s32 $0x4800;
	s15 =	rddreg [dreg:$0x17];
	[sflag:s5] =	ssyncadd.s32 $0xFFFFFA00  }
0x9a: {  	[tilespmem:s14], [sflag:$0x1] =	stream.linear.gather [hbm4b:s13+s3], $0x600, $0x38;
	[tilespmem:$0x1FF80] =	vst v63  }
0x9b: {  	s16 =	simm.s32 $0xD200;
	s17 =	rddreg [dreg:$0x18]  }
0x9c: {  	[tilespmem:s16], [sflag:$0x1] =	stream.linear.gather [hbm4b:s15+s3], $0x600, $0x38;
	[tilespmem:$0x1FF80] =	vst v63  }
0x9d: {  	s18 =	simm.s32 $0x15C00;
	s19 =	sld [smem:$0x7FC]  }
0x9e: {  	[tilespmem:s18], [sflag:$0x1] =	stream.linear.gather [hbm4b:s17+s3], $0x600, $0x38;
	[tilespmem:$0x1FF80] =	vst v63  }
0x9f: {  	s20 =	simm.s32 $0x1A400;
	s21 =	rddreg [dreg:$0x19]  }
0xa0: {  	[tilespmem:s20], [sflag:$0x2] =	stream.linear.gather [hbm4b:s19+s3], $0x600, $0x38;
	[tilespmem:$0x1FF80] =	vst v63  }
0xa1: {  	s22 =	simm.s32 $0x1B000;
	s23 =	sld [smem:$0x7FD]  }
0xa2: {  	[tilespmem:s22], [sflag:$0x2] =	stream.linear.gather [hbm4b:s21+s3], $0x600, $0x38;
	[tilespmem:$0x1FF80] =	vst v63  }
0xa3: {  	s24 =	simm.s32 $0x1C800  }
0xa4: {  	[tilespmem:s24], [sflag:$0x3] =	stream.linear.gather [hbm4b:s23+s3], $0x600, $0x38;
	[tilespmem:$0x1FF80] =	vst v63  }
.Ltmp2:
0xa5: {  	_ = 	snop;
	(pc) =	sbr.rel .LBB2_2-.Ltmp2, $4  }
0xa6: {  	s29 =	simm.s32 $0x1CE00;
	s31 =	simm.s32 $0x1D400;
	s28 =	rddreg [dreg:$0x1a]  }
0xa7: {  	[tilespmem:s29], [sflag:$0x3] =	stream.linear.gather [hbm4b:s28+s3], $0x600, $0x38;
	[tilespmem:$0x1FF80] =	vst v63  }
0xa8: {  	s1 =	simm.s32 $0x0;
	s30 =	rddreg [dreg:$0x1c];
	s18 =	simm.s32 $0x0  }
0xa9: {  	[tilespmem:s31], [sflag:$0x3] =	stream.linear.gather [hbm4b:s30+s3], $0x600, $0x38;
	[tilespmem:$0x1FF80] =	vst v63  }
.LBB2_14:
0xaa: {  	s18 =	sadd.s32 $0x1, s18  }
0xab: {  	p0 =	sne.s32 s18, $0x4  }
.Ltmp3:
0xac: {  	_ = 	snop;
	(pc) =	sbr.rel @!p0 .LBB2_15-.Ltmp3, $2  }
0xad: {  	_ =	sdelay $0x2  }
0xae: {  	s1 =	sadd.s32 $0x180, s1  }
.LBB2_2:
0xaf: {  	s0 =	sadd.s32 $0x50, s1;
	s4 =	simm.s32 $0x0;
	s30 =	simm.s32 $0x50  }
0xb0: {  	s5 =	sadd.s32 $0xFFFFFFB0, s0;
	s10 =	sand.u32 $0x70, s30;
	s11 =	sand.u32 $0xF80, s0  }
0xb1: {  	s6 =	sand.u32 $0x60, s4;
	s5 =	sand.u32 $0xF80, s5;
	s10 =	sor.u32 s10, s11  }
0xb2: {  	s7 =	simm.s32 $0x10;
	s31 =	scvt.s32.f32 s18;
	s8 =	sor.u32 s6, s5;
	v5 =	vld [tilespmem:s10+$0x19E00]  }
0xb3: {  	s12 =	simm.s32 $0x20;
	s9 =	sand.u32 $0x70, s7;
	s2 =	sadd.s32 $0xFFFFFFD0, s0;
	v2 =	vld [tilespmem:s8+$0x1AA00]  }
0xb4: {  	s14 =	sand.u32 $0x60, s12;
	s13 =	sand.u32 $0xF80, s2;
	s9 =	sor.u32 s9, s5;
	v3 =	vld [tilespmem:s8+$0x19E00]  }
0xb5: {  	s4 =	scvt.s32.f32 s4;
	s15 =	scvt.s32.f32 s7;
	s7 =	sor.u32 s14, s13;
	v4 =	vld [tilespmem:s9+$0x19E00]  }
0xb6: {  	s16 =	simm.s32 $0x30;
	s22 =	simm.s32 $0x40;
	s21 =	scvt.s32.f32 s12;
	v8 =	vld [tilespmem:s7+$0x1AA00]  }
0xb7: {  	s17 =	sadd.s32 $0xFFFFFFE0, s0;
	s0 =	sadd.s32 $0xFFFFFFF0, s0;
	v6 =	vadd.f32 s4, v0;
	s4 =	scvt.s32.f32 s16;
	v14 =	vld [tilespmem:s9+$0x1AA00]  }
0xb8: {  	s23 =	sand.u32 $0x60, s22;
	v1 =	vmov s31;
	s0 =	sand.u32 $0xF80, s0;
	s6 =	scvt.s32.f32 s30;
	v10 =	vadd.f32 s15, v0;
	v11 =	vadd.f32 s21, v0  }
0xb9: {  	v18 =	vld [tilespmem:s10+$0x1AA00];
	s12 =	sor.u32 s23, s0;
	v13 =	vadd.f32 s4, v0;
	v5 =	vadd.f32 v5, v1  }
0xba: {  	v20 =	vld [tilespmem:s12+$0x19E00];
	v2 =	vadd.f32 v2, v6;
	v6 =	vadd.f32 s6, v0  }
0xbb: {  	v4 =	vadd.f32 v4, v1;
	v3 =	vadd.f32 v3, v1  }
0xbc: {  	v8 =	vadd.f32 v8, v11;
	v10 =	vadd.f32 v14, v10  }
0xbd: {  	v5 =	vmax.f32 v5, $0.0e+00;
	v2 =	vmax.f32 v2, $0.0e+00;
	v4 =	vmax.f32 v4, $0.0e+00  }
0xbe: {  	s20 =	sand.u32 $0x70, s16;
	s19 =	sand.u32 $0xF80, s17;
	v3 =	vmax.f32 v3, $0.0e+00;
	v5 =	vmin.f32 v5, $3.830000000e+02;
	v8 =	vmax.f32 v8, $0.0e+00  }
0xbf: {  	s11 =	sor.u32 s20, s19;
	v11 =	vld [tilespmem:s7+$0x19E00];
	v10 =	vmax.f32 v10, $0.0e+00;
	v6 =	vadd.f32 v18, v6;
	v18 =	vadd.f32 v20, v1  }
0xc0: {  	v12 =	vld [tilespmem:s11+$0x19E00];
	v2 =	vmin.f32 v2, $3.830000000e+02;
	v4 =	vmin.f32 v4, $3.830000000e+02;
	v5 =	vadd.f32 $8.388608000e+06, v5  }
0xc1: {  	v3 =	vmin.f32 v3, $3.830000000e+02;
	v10 =	vmin.f32 v10, $3.830000000e+02;
	v2 =	vadd.f32 $8.388608000e+06, v2  }
0xc2: {  	v8 =	vmin.f32 v8, $3.830000000e+02;
	v4 =	vadd.f32 $8.388608000e+06, v4;
	v10 =	vadd.f32 $8.388608000e+06, v10  }
0xc3: {  	v8 =	vadd.f32 $8.388608000e+06, v8;
	v3 =	vadd.f32 $8.388608000e+06, v3  }
0xc4: {  	v7 =	vimm.f32 $3.840000000e+02;
	v11 =	vadd.f32 v11, v1;
	v2 =	vadd.f32 $-8.388608000e+06, v2  }
0xc5: {  	v6 =	vmax.f32 v6, $0.0e+00;
	v16 =	vadd.f32 $-8.388608000e+06, v4;
	v4 =	vadd.f32 v12, v1  }
0xc6: {  	v15 =	vld [tilespmem:s11+$0x1AA00];
	v6 =	vmin.f32 v6, $3.830000000e+02;
	v10 =	vadd.f32 $-8.388608000e+06, v10;
	v8 =	vadd.f32 $-8.388608000e+06, v8  }
0xc7: {  	v9 =	vimm.f32 $-1.000000000e+00;
	v3 =	vadd.f32 $-8.388608000e+06, v3;
	v6 =	vadd.f32 $8.388608000e+06, v6  }
0xc8: {  	v17 =	vtrunc.f32 v2;
	v12 =	vmax.f32 v16, $0.0e+00;
	v4 =	vmax.f32 v4, $0.0e+00  }
0xc9: {  	v2 =	vadd.f32 $-8.388608000e+06, v5;
	v5 =	vmin.f32 v12, $4.700000000e+01;
	v4 =	vmin.f32 v4, $3.830000000e+02  }
0xca: {  	v11 =	vmax.f32 v11, $0.0e+00;
	v5 =	vtrunc.f32 v5;
	v4 =	vadd.f32 $8.388608000e+06, v4  }
0xcb: {  	v10 =	vtrunc.f32 v10;
	v12 =	vadd.f32 v15, v13;
	v5 =	vcvt.f32.s32 v5  }
0xcc: {  	v9 =	vmax.f32 v9, v3;
	v6 =	vadd.f32 $-8.388608000e+06, v6;
	v15 =	vadd.f32 $-8.388608000e+06, v4  }
0xcd: {  	v4 =	vmin.f32 v11, $3.830000000e+02;
	v11 =	vmax.f32 v12, $0.0e+00;
	v14 =	vmul.u32 $0xB217, v5  }
0xce: {  	v10 =	vcvt.f32.s32 v10;
	v9 =	vmax.f32 v9, v16;
	v11 =	vmin.f32 v11, $3.830000000e+02  }
0xcf: {  	v11 =	vadd.f32 $8.388608000e+06, v11;
	v12 =	vshra.s32 v14, $0x16;
	v14 =	vmax.f32 v15, $0.0e+00  }
0xd0: {  	v17 =	vcvt.f32.s32 v17;
	v12 =	vmul.u32 $0xFFFFFFA4, v12;
	v14 =	vmin.f32 v14, $4.700000000e+01  }
0xd1: {  	v13 =	vmax.f32 v2, $0.0e+00;
	v11 =	vadd.f32 $-8.388608000e+06, v11;
	v14 =	vtrunc.f32 v14  }
0xd2: {  	v6 =	vtrunc.f32 v6;
	v5 =	vadd.s32 v5, v12;
	v12 =	vcvt.f32.s32 v14  }
0xd3: {  	v13 =	vmin.f32 v13, $4.700000000e+01;
	v11 =	vtrunc.f32 v11;
	v5 =	vmul.u32 $0x180, v5  }
0xd4: {  	v14 =	vadd.f32 $8.388608000e+06, v4;
	v11 =	vcvt.f32.s32 v11;
	v19 =	vmul.u32 $0xB217, v12  }
0xd5: {  	v4 =	vadd.s32 v10, v5;
	v5 =	vtrunc.f32 v8;
	v8 =	vtrunc.f32 v13  }
0xd6: {  	v13 =	vadd.f32 $-8.388608000e+06, v14;
	v14 =	vmax.f32 v3, $0.0e+00;
	v3 =	vmin.f32 v7, v3  }
0xd7: {  	v7 =	vmax.f32 v18, $0.0e+00;
	v10 =	vshra.s32 v19, $0x16;
	v8 =	vcvt.f32.s32 v8  }
0xd8: {  	v14 =	vmin.f32 v14, $4.700000000e+01;
	v3 =	vmin.f32 v3, v16;
	v7 =	vmin.f32 v7, $3.830000000e+02  }
0xd9: {  	v10 =	vmul.u32 $0xFFFFFFA4, v10;
	v14 =	vtrunc.f32 v14;
	v3 =	vmin.f32 v3, v13  }
0xda: {  	v9 =	vmax.f32 v9, v13;
	v13 =	vmax.f32 v13, $0.0e+00;
	v14 =	vcvt.f32.s32 v14  }
0xdb: {  	v20 =	vld [tilespmem:s9+$0x1B600];
	v7 =	vadd.f32 $8.388608000e+06, v7;
	v3 =	vmin.f32 v3, v15;
	v13 =	vmin.f32 v13, $4.700000000e+01  }
0xdc: {  	v10 =	vadd.s32 v12, v10;
	v12 =	vmul.u32 $0xB217, v8;
	v19 =	vld.idx.msk [tilespmem:v4+s3+$0x0], $0xffff;
	v16 =	vmul.u32 $0xB217, v14  }
0xdd: {  	v9 =	vmax.f32 v9, v15;
	v7 =	vadd.f32 $-8.388608000e+06, v7;
	v13 =	vtrunc.f32 v13  }
0xde: {  	s4 =	sadd.s32 $0xB0, s1;
	v13 =	vcvt.f32.s32 v13;
	v12 =	vshra.s32 v12, $0x16;
	v16 =	vshra.s32 v16, $0x16  }
0xdf: {  	s28 =	simm.s32 $0x60;
	s29 =	sadd.s32 $0xFFFFFFB0, s4;
	v9 =	vmax.f32 v9, v7;
	v12 =	vmul.u32 $0xFFFFFFA4, v12;
	v16 =	vmul.u32 $0xFFFFFFA4, v16  }
0xe0: {  	s24 =	scvt.s32.f32 s22;
	s30 =	sand.u32 $0x60, s28;
	s5 =	sand.u32 $0xF80, s29;
	v10 =	vmul.u32 $0x180, v10;
	v15 =	vmax.f32 v9, v2;
	v9 =	vmul.u32 $0xB217, v13  }
0xe1: {  	s13 =	sor.u32 s30, s5;
	v8 =	vadd.s32 v8, v12;
	v19 =	vsub.f32 v20, v19;
	v20 =	vld [tilespmem:s12+$0x1AA00];
	v12 =	vadd.s32 v14, v16  }
0xe2: {  	s19 =	simm.s32 $0x90;
	v18 =	vadd.f32 s24, v0;
	v10 =	vadd.s32 v11, v10;
	v11 =	vld [tilespmem:s13+$0x1AA00];
	v12 =	vmul.u32 $0x180, v12  }
0xe3: {  	s14 =	simm.s32 $0xB0;
	s23 =	scvt.s32.f32 s19;
	v21 =	vmax.f32 v7, $0.0e+00;
	v3 =	vmin.f32 v3, v7;
	v9 =	vshra.s32 v9, $0x16;
	v16 =	vld [tilespmem:s9+$0x1BC00];
	[tilespmem:s9+$0x1DA00] =	vst v19  }
0xe4: {  	s0 =	scvt.s32.f32 s28;
	s31 =	sand.u32 $0x70, s14;
	s15 =	sand.u32 $0xF80, s4;
	v19 =	vld.idx.msk [tilespmem:v4+s25+$0x0], $0xffff;
	v12 =	vadd.s32 v17, v12;
	v17 =	vmin.f32 v3, v2;
	v2 =	vmul.u32 $0xFFFFFFA4, v9  }
0xe5: {  	s2 =	simm.s32 $0x70;
	v25 =	vadd.f32 s23, v0;
	s6 =	sor.u32 s31, s15;
	v6 =	vcvt.f32.s32 v6;
	v14 =	vmin.f32 v21, $4.700000000e+01;
	v21 =	vld [tilespmem:s11+$0x1B600]  }
0xe6: {  	s16 =	sand.u32 $0x70, s2;
	s14 =	scvt.s32.f32 s14;
	v7 =	vadd.f32 v20, v18;
	v20 =	vld [tilespmem:s6+$0x19E00];
	v18 =	vadd.f32 s0, v0;
	v2 =	vadd.s32 v13, v2  }
0xe7: {  	s15 =	scvt.s32.f32 s2;
	v5 =	vcvt.f32.s32 v5;
	v8 =	vmul.u32 $0x180, v8;
	s0 =	sor.u32 s16, s5;
	v13 =	vld.idx.msk [tilespmem:v10+s3+$0x0], $0xffff;
	v2 =	vmul.u32 $0x180, v2  }
0xe8: {  	s17 =	simm.s32 $0x80;
	s20 =	sadd.s32 $0xFFFFFFD0, s4;
	v9 =	vld [tilespmem:s0+$0x19E00];
	v3 =	vmax.f32 v7, $0.0e+00;
	v11 =	vadd.f32 v11, v18;
	v18 =	vadd.f32 s14, v0  }
0xe9: {  	s22 =	sand.u32 $0x60, s17;
	s21 =	sand.u32 $0xF80, s20;
	s24 =	scvt.s32.f32 s17;
	v7 =	vtrunc.f32 v14;
	v14 =	vadd.f32 s15, v0;
	v19 =	vsub.f32 v16, v19;
	v16 =	vld [tilespmem:s13+$0x19E00]  }
0xea: {  	s14 =	sor.u32 s22, s21;
	v3 =	vmin.f32 v3, $3.830000000e+02;
	v23 =	vcvt.f32.s32 v7;
	v7 =	vadd.s32 v5, v2  }
0xeb: {  	s28 =	sadd.s32 $0xFFFFFFE0, s4;
	v24 =	vld [tilespmem:s14+$0x1AA00];
	v2 =	vadd.f32 $8.388608000e+06, v3;
	v5 =	vmax.f32 v11, $0.0e+00;
	v11 =	vadd.f32 s24, v0  }
0xec: {  	s5 =	sand.u32 $0xF80, s28;
	s15 =	sand.u32 $0x70, s19;
	v20 =	vadd.f32 v20, v1;
	v5 =	vmin.f32 v5, $3.830000000e+02;
	v13 =	vsub.f32 v21, v13  }
0xed: {  	v26 =	vld [tilespmem:s0+$0x1AA00];
	s5 =	sor.u32 s15, s5;
	v28 =	vmul.u32 $0xB217, v23;
	v2 =	vadd.f32 $-8.388608000e+06, v2;
	v9 =	vadd.f32 v9, v1  }
0xee: {  	v27 =	vld [tilespmem:s5+$0x19E00];
	v5 =	vadd.f32 $8.388608000e+06, v5;
	v22 =	vadd.f32 v16, v1;
	v16 =	vadd.s32 v6, v8  }
0xef: {  	v3 =	vld.idx.msk [tilespmem:v12+s3+$0x0], $0xffff;
	v8 =	vmax.f32 v20, $0.0e+00;
	v2 =	vtrunc.f32 v2;
	v9 =	vmax.f32 v9, $0.0e+00  }
0xf0: {  	v6 =	vld [tilespmem:s14+$0x19E00];
	v11 =	vadd.f32 v24, v11;
	v5 =	vadd.f32 $-8.388608000e+06, v5;
	v8 =	vmin.f32 v8, $3.830000000e+02  }
0xf1: {  	v20 =	vld [tilespmem:s8+$0x1B600];
	v9 =	vmin.f32 v9, $3.830000000e+02;
	v29 =	vcvt.f32.s32 v2;
	v22 =	vmax.f32 v22, $0.0e+00  }
0xf2: {  	v24 =	vld [tilespmem:s5+$0x1AA00];
	v8 =	vadd.f32 $8.388608000e+06, v8;
	v9 =	vadd.f32 $8.388608000e+06, v9;
	v11 =	vmax.f32 v11, $0.0e+00  }
0xf3: {  	v21 =	vtrunc.f32 v5;
	v5 =	vadd.f32 v27, v1;
	v22 =	vmin.f32 v22, $3.830000000e+02  }
0xf4: {  	v11 =	vmin.f32 v11, $3.830000000e+02;
	v30 =	vadd.f32 $-8.388608000e+06, v9;
	v9 =	vadd.f32 v26, v14  }
0xf5: {  	v39 =	vld [tilespmem:s12+$0x1BC00];
	v8 =	vadd.f32 $-8.388608000e+06, v8;
	v14 =	vshra.s32 v28, $0x16;
	v11 =	vadd.f32 $8.388608000e+06, v11  }
0xf6: {  	v58 =	vld [tilespmem:s6+$0x1AA00];
	[tilespmem:s9+$0x1E000] =	vst v19;
	v20 =	vsub.f32 v20, v3;
	v6 =	vadd.f32 v6, v1;
	v19 =	vmax.f32 v30, $0.0e+00  }
0xf7: {  	v4 =	vld.idx.msk [tilespmem:v4+s26+$0x0], $0xffff;
	v24 =	vadd.f32 v24, v25;
	v25 =	vmax.f32 v5, $0.0e+00;
	v19 =	vmin.f32 v19, $4.700000000e+01  }
0xf8: {  	[tilespmem:s11+$0x1DA00] =	vst v13;
	v2 =	vld [tilespmem:s7+$0x1C200];
	v14 =	vmul.u32 $0xFFFFFFA4, v14;
	v26 =	vmax.f32 v8, $0.0e+00;
	v13 =	vtrunc.f32 v19  }
0xf9: {  	v27 =	vld.idx.msk [tilespmem:v10+s25+$0x0], $0xffff;
	v9 =	vmax.f32 v9, $0.0e+00;
	v6 =	vmax.f32 v6, $0.0e+00;
	v13 =	vcvt.f32.s32 v13  }
0xfa: {  	v3 =	vld [tilespmem:s8+$0x1C200];
	v28 =	vmin.f32 v9, $3.830000000e+02;
	v14 =	vadd.s32 v23, v14;
	v19 =	vmin.f32 v25, $3.830000000e+02  }
0xfb: {  	v5 =	vld [tilespmem:s14+$0x1C200];
	v6 =	vmin.f32 v6, $3.830000000e+02;
	v19 =	vadd.f32 $8.388608000e+06, v19;
	v31 =	vmul.u32 $0xB217, v13  }
0xfc: {  	v25 =	vmin.f32 v26, $4.700000000e+01;
	v26 =	vld [tilespmem:s11+$0x1BC00];
	v32 =	vadd.f32 $8.388608000e+06, v6;
	v6 =	vmax.f32 v24, $0.0e+00  }
0xfd: {  	v23 =	vld.idx.msk [tilespmem:v16+s3+$0x0], $0xffff;
	v24 =	vadd.f32 $8.388608000e+06, v28;
	v9 =	vadd.f32 $-8.388608000e+06, v19;
	v28 =	vshra.s32 v31, $0x16  }
0xfe: {  	v22 =	vadd.f32 $8.388608000e+06, v22;
	[tilespmem:s8+$0x1DA00] =	vst v20;
	v20 =	vld [tilespmem:s7+$0x1B600];
	v6 =	vmin.f32 v6, $3.830000000e+02;
	v28 =	vmul.u32 $0xFFFFFFA4, v28  }
0xff: {  	v14 =	vmul.u32 $0x180, v14;
	v19 =	vld.idx.msk [tilespmem:v7+s3+$0x0], $0xffff;
	v34 =	vadd.f32 $8.388608000e+06, v6;
	v33 =	vmax.f32 v9, $0.0e+00  }
0x100: {  	v35 =	vld.idx.msk [tilespmem:v12+s25+$0x0], $0xffff;
	v24 =	vadd.f32 $-8.388608000e+06, v24;
	v33 =	vmin.f32 v33, $4.700000000e+01;
	v13 =	vadd.s32 v13, v28  }
0x101: {  	v31 =	vld [tilespmem:s10+$0x1B600];
	v26 =	vsub.f32 v26, v27;
	v33 =	vtrunc.f32 v33;
	v27 =	vmul.u32 $0x180, v13  }
0x102: {  	v6 =	vld [tilespmem:s13+$0x1C200];
	v13 =	vadd.s32 v29, v14;
	v14 =	vadd.f32 $-8.388608000e+06, v11;
	v29 =	vcvt.f32.s32 v33  }
0x103: {  	s4 =	sadd.s32 $0xFFFFFFF0, s4;
	s29 =	simm.s32 $0xA0;
	v61 =	vadd.f32 v58, v18;
	v22 =	vadd.f32 $-8.388608000e+06, v22;
	v24 =	vtrunc.f32 v24;
	[tilespmem:s11+$0x1E000] =	vst v26;
	v28 =	vld [tilespmem:s8+$0x1BC00]  }
0x104: {  	s4 =	sand.u32 $0xF80, s4;
	s30 =	sand.u32 $0x60, s29;
	v19 =	vsub.f32 v20, v19;
	v11 =	vld.idx.msk [tilespmem:v10+s26+$0x0], $0xffff;
	v10 =	vtrunc.f32 v14;
	v14 =	vmul.u32 $0xB217, v29  }
0x105: {  	s21 =	sor.u32 s30, s4;
	v18 =	vmax.f32 v22, $0.0e+00;
	v24 =	vcvt.f32.s32 v24;
	v20 =	vtrunc.f32 v25;
	v25 =	vld [tilespmem:s12+$0x1B600]  }
0x106: {  	v18 =	vmin.f32 v18, $4.700000000e+01;
	v23 =	vsub.f32 v31, v23;
	v31 =	vld [tilespmem:s21+$0x19E00];
	[tilespmem:s7+$0x1DA00] =	vst v19;
	v14 =	vshra.s32 v14, $0x16  }
0x107: {  	v59 =	vcvt.f32.s32 v20;
	v62 =	vld.idx.msk [tilespmem:v7+s25+$0x0], $0xffff;
	v20 =	vmul.u32 $0xFFFFFFA4, v14;
	v14 =	vadd.s32 v24, v27  }
0x108: {  	v17 =	vmin.f32 v17, v22;
	v18 =	vtrunc.f32 v18;
	v19 =	vmax.f32 v15, v22;
	[tilespmem:s10+$0x1DA00] =	vst v23;
	v23 =	vld.idx.msk [tilespmem:v13+s3+$0x0], $0xffff  }
0x109: {  	v37 =	vcvt.f32.s32 v18;
	v26 =	vadd.f32 $-8.388608000e+06, v34;
	v18 =	vmax.f32 v19, v30;
	v19 =	vld [tilespmem:s0+$0x1B600]  }
0x10a: {  	v17 =	vmin.f32 v17, v30;
	v28 =	vsub.f32 v28, v35;
	v60 =	vld.idx.msk [tilespmem:v16+s25+$0x0], $0xffff;
	v27 =	vadd.s32 v29, v20  }
0x10b: {  	s31 =	scvt.s32.f32 s29;
	v26 =	vtrunc.f32 v26;
	v29 =	vld [tilespmem:s10+$0x1BC00];
	v15 =	vmul.u32 $0x180, v27;
	v27 =	vadd.f32 v31, v1  }
0x10c: {  	v33 =	vmax.f32 v61, $0.0e+00;
	v24 =	vadd.f32 $-8.388608000e+06, v32;
	[tilespmem:s8+$0x1E000] =	vst v28;
	v28 =	vmul.u32 $0xB217, v59;
	v36 =	vld.idx.msk [tilespmem:v14+s3+$0x0], $0xffff  }
0x10d: {  	v22 =	vadd.f32 s31, v0;
	v30 =	vld [tilespmem:s7+$0x1BC00];
	v27 =	vmax.f32 v27, $0.0e+00;
	v23 =	vsub.f32 v25, v23  }
0x10e: {  	v12 =	vld.idx.msk [tilespmem:v12+s26+$0x0], $0xffff;
	v31 =	vshra.s32 v28, $0x16;
	v25 =	vmin.f32 v17, v24;
	v27 =	vmin.f32 v27, $3.830000000e+02  }
0x10f: {  	v20 =	vld [tilespmem:s21+$0x1AA00];
	v17 =	vcvt.f32.s32 v26;
	[tilespmem:s12+$0x1DA00] =	vst v23;
	v23 =	vmul.u32 $0xB217, v37;
	v26 =	vadd.f32 $8.388608000e+06, v27  }
0x110: {  	v28 =	vmax.f32 v18, v24;
	v27 =	vmul.u32 $0xFFFFFFA4, v31;
	v29 =	vsub.f32 v29, v60;
	v38 =	vld.idx.msk [tilespmem:v13+s25+$0x0], $0xffff  }
0x111: {  	v18 =	vld [tilespmem:s9+$0x1C200];
	v31 =	vshra.s32 v23, $0x16;
	v23 =	vadd.f32 $-8.388608000e+06, v26;
	v36 =	vsub.f32 v19, v36  }
0x112: {  	s2 =	smul.u32 $0x180, s18;
	v10 =	vcvt.f32.s32 v10;
	v32 =	vcvt.f32.s32 v21;
	[tilespmem:s10+$0x1E000] =	vst v29;
	v26 =	vld [tilespmem:s11+$0x1C200];
	v63 =	vmul.u32 $0xFFFFFFA4, v31  }
0x113: {  	v30 =	vsub.f32 v30, v62;
	v31 =	vmax.f32 v24, $0.0e+00;
	v19 =	vld.idx.msk [tilespmem:v16+s26+$0x0], $0xffff;
	v24 =	vmax.f32 v23, $0.0e+00;
	[tilespmem:s0+$0x1DA00] =	vst v36  }
0x114: {  	v25 =	vmin.f32 v25, v9;
	v16 =	vadd.s32 v37, v63;
	v29 =	vmin.f32 v24, $4.700000000e+01;
	v24 =	vld [tilespmem:s10+$0x1C200];
	[smem:$0x7ED] =	sst s2  }
0x115: {  	s22 =	simm.s32 $0x6;
	s4 =	simm.s32 $0x110;
	v27 =	vadd.s32 v59, v27;
	v34 =	vmul.u32 $0x180, v16;
	v16 =	vsub.f32 v39, v38;
	v21 =	vld [tilespmem:s0+$0x1BC00]  }
.LBB2_3:
0x116: {  	s15 =	sadd.s32 $0xFFFFFFB0, s4;
	s16 =	sadd.s32 s4, s1;
	s28 =	sadd.s32 $0xFFFFFFE0, s4;
	v35 =	vld.idx.msk [tilespmem:v14+s25+$0x0], $0xffff;
	v31 =	vmin.f32 v31, $4.700000000e+01;
	v17 =	vadd.s32 v17, v15;
	v33 =	vmin.f32 v33, $3.830000000e+02;
	[tilespmem:s7+$0x1E000] =	vst v30  }
0x117: {  	s30 =	sadd.s32 $0xFFFFFFC0, s4;
	s17 =	scvt.s32.f32 s4;
	v9 =	vmax.f32 v28, v9;
	s20 =	sadd.s32 $0xFFFFFFB0, s16;
	v15 =	vadd.s32 v32, v34;
	v7 =	vld.idx.msk [tilespmem:v7+s26+$0x0], $0xffff;
	v11 =	vsub.f32 v26, v11  }
0x118: {  	s23 =	sand.u32 $0x60, s15;
	s31 =	scvt.s32.f32 s15;
	v26 =	vtrunc.f32 v31;
	v9 =	vmax.f32 v9, v23;
	v28 =	vadd.f32 $8.388608000e+06, v33;
	s20 =	sand.u32 $0xF80, s20;
	[tilespmem:s12+$0x1E000] =	vst v16;
	v30 =	vld [tilespmem:s12+$0x1C200]  }
0x119: {  	s15 =	sand.u32 $0x70, s30;
	v26 =	vcvt.f32.s32 v26;
	v16 =	vmax.f32 v9, v8;
	s29 =	sor.u32 s23, s20;
	s23 =	sand.u32 $0x70, s4;
	[tilespmem:s11+$0x1E600] =	vst v11;
	v9 =	vld.idx.msk [tilespmem:v13+s26+$0x0], $0xffff;
	v11 =	vsub.f32 v24, v19  }
0x11a: {  	s19 =	sadd.s32 $0xFFFFFFF0, s4;
	v4 =	vsub.f32 v18, v4;
	s24 =	sadd.s32 $0xFFFFFFF0, s16;
	s11 =	sand.u32 $0xF80, s16;
	v19 =	vmin.f32 v25, v23;
	v23 =	vadd.f32 $-8.388608000e+06, v28;
	v13 =	vld [tilespmem:s29+$0x1AA00]  }
0x11b: {  	v20 =	vadd.f32 v20, v22;
	v12 =	vsub.f32 v3, v12;
	v3 =	vmovc v6;
	s20 =	sor.u32 s15, s20;
	s15 =	sadd.s32 $0xFFFFFFE0, s16;
	s11 =	sor.u32 s23, s11;
	v25 =	vmul.u32 $0xB217, v26;
	v24 =	vld [tilespmem:s29+$0x19E00];
	[tilespmem:s10+$0x1E600] =	vst v11  }
0x11c: {  	s2 =	sand.u32 $0xF80, s15;
	s15 =	sand.u32 $0xF80, s24;
	v18 =	vmin.f32 v19, v8;
	s10 =	sadd.s32 $0xFFFFFFD0, s16;
	v11 =	vsub.f32 v21, v35;
	v21 =	vtrunc.f32 v23;
	v6 =	vld [tilespmem:s11+$0x19E00];
	[tilespmem:s9+$0x1E600] =	vst v4  }
0x11d: {  	s24 =	sadd.s32 $0xFFFFFFD0, s4;
	s16 =	sand.u32 $0x60, s19;
	v4 =	vadd.f32 s31, v0;
	s9 =	sand.u32 $0xF80, s10;
	v19 =	vshra.s32 v25, $0x16;
	v7 =	vsub.f32 v2, v7;
	v2 =	vmovc v5;
	v8 =	vld [tilespmem:s20+$0x19E00];
	[tilespmem:s8+$0x1E600] =	vst v12  }
0x11e: {  	s22 =	sadd.s32 $0x6, s22;
	s23 =	scvt.s32.f32 s19;
	s8 =	sand.u32 $0x60, s24;
	v5 =	vmul.u32 $0xFFFFFFA4, v19;
	v12 =	vmax.f32 v20, $0.0e+00;
	v19 =	vmul.u32 $0x180, v27;
	[tilespmem:s0+$0x1E000] =	vst v11;
	v11 =	vld [tilespmem:s5+$0x1B600]  }
0x11f: {  	s10 =	scvt.s32.f32 s30;
	v20 =	vtrunc.f32 v29;
	s19 =	sor.u32 s8, s9;
	s8 =	sand.u32 $0x70, s28;
	v13 =	vadd.f32 v13, v4;
	v4 =	vld.idx.msk [tilespmem:v14+s26+$0x0], $0xffff;
	v14 =	vmin.f32 v12, $3.830000000e+02;
	[tilespmem:s7+$0x1E600] =	vst v7  }
0x120: {  	p0 =	slt.u32 s22, $0x12;
	s2 =	sor.u32 s8, s2;
	v12 =	vadd.f32 s17, v0;
	v5 =	vadd.s32 v26, v5;
	v7 =	vsub.f32 v30, v9;
	s8 =	smov.u32 s13;
	v22 =	vld.idx.msk [tilespmem:v17+s3+$0x0], $0xffff  }
0x121: {  	s9 =	smov.u32 s0;
	v9 =	vadd.f32 s10, v0;
	s7 =	scvt.s32.f32 s28;
	s13 =	smov.u32 s29;
	v5 =	vmul.u32 $0x180, v5;
	v6 =	vadd.f32 v6, v1;
	v23 =	vld.idx.msk [tilespmem:v15+s3+$0x0], $0xffff  }
0x122: {  	v21 =	vcvt.f32.s32 v21;
	v20 =	vcvt.f32.s32 v20;
	s0 =	smov.u32 s20;
	s17 =	scvt.s32.f32 s24;
	s10 =	smov.u32 s6;
	v24 =	vadd.f32 v24, v1;
	v25 =	vld [tilespmem:s19+$0x19E00];
	[tilespmem:s12+$0x1E600] =	vst v7  }
0x123: {  	s6 =	smov.u32 s11;
	v27 =	vadd.f32 s7, v0;
	s7 =	smov.u32 s14;
	s14 =	smov.u32 s19;
	v7 =	vadd.s32 v10, v5;
	v5 =	vadd.f32 $8.388608000e+06, v14;
	v26 =	vld [tilespmem:s19+$0x1AA00]  }
0x124: {  	v19 =	vadd.s32 v21, v19;
	s11 =	smov.u32 s5;
	s5 =	smov.u32 s2;
	v10 =	vmax.f32 v13, $0.0e+00;
	v13 =	vadd.f32 s17, v0;
	s12 =	smov.u32 s21;
	v14 =	vld [tilespmem:s8+$0x1B600]  }
0x125: {  	v10 =	vmin.f32 v10, $3.830000000e+02;
	v6 =	vmax.f32 v6, $0.0e+00;
	v5 =	vadd.f32 $-8.388608000e+06, v5;
	v28 =	vld [tilespmem:s5+$0x1AA00]  }
0x126: {  	v21 =	vmax.f32 v24, $0.0e+00;
	v8 =	vadd.f32 v8, v1;
	v11 =	vsub.f32 v11, v22;
	v24 =	vld [tilespmem:s0+$0x1AA00]  }
0x127: {  	v10 =	vadd.f32 $8.388608000e+06, v10;
	v6 =	vmin.f32 v6, $3.830000000e+02;
	v29 =	vtrunc.f32 v5;
	v22 =	vld [tilespmem:s5+$0x19E00]  }
0x128: {  	v8 =	vmax.f32 v8, $0.0e+00;
	v13 =	vadd.f32 v26, v13;
	v5 =	vld [tilespmem:s14+$0x1C200];
	v26 =	vadd.f32 $8.388608000e+06, v6;
	[tilespmem:s11+$0x1DA00] =	vst v11  }
0x129: {  	v8 =	vmin.f32 v8, $3.830000000e+02;
	v10 =	vadd.f32 $-8.388608000e+06, v10;
	v11 =	vmul.u32 $0xB217, v20;
	v6 =	vld [tilespmem:s13+$0x1C200]  }
0x12a: {  	v8 =	vadd.f32 $8.388608000e+06, v8;
	v29 =	vcvt.f32.s32 v29;
	v13 =	vmax.f32 v13, $0.0e+00  }
0x12b: {  	v30 =	vmin.f32 v21, $3.830000000e+02;
	v21 =	vtrunc.f32 v10;
	v10 =	vsub.f32 v14, v23  }
0x12c: {  	v23 =	vadd.f32 $-8.388608000e+06, v8;
	v9 =	vadd.f32 v24, v9;
	v13 =	vmin.f32 v13, $3.830000000e+02  }
0x12d: {  	v8 =	vadd.f32 $-8.388608000e+06, v26;
	v11 =	vshra.s32 v11, $0x16;
	v14 =	vadd.f32 v22, v1  }
0x12e: {  	v24 =	vadd.f32 v25, v1;
	v25 =	vadd.f32 v28, v27;
	v22 =	vmax.f32 v23, $0.0e+00  }
0x12f: {  	v26 =	vmax.f32 v8, $0.0e+00;
	v22 =	vmin.f32 v22, $4.700000000e+01;
	v14 =	vmax.f32 v14, $0.0e+00  }
0x130: {  	v11 =	vmul.u32 $0xFFFFFFA4, v11;
	v24 =	vmax.f32 v24, $0.0e+00;
	v22 =	vtrunc.f32 v22  }
0x131: {  	v26 =	vmin.f32 v26, $4.700000000e+01;
	v22 =	vcvt.f32.s32 v22;
	v14 =	vmin.f32 v14, $3.830000000e+02;
	v27 =	vld [tilespmem:s11+$0x1BC00]  }
0x132: {  	v9 =	vmax.f32 v9, $0.0e+00;
	v24 =	vmin.f32 v24, $3.830000000e+02;
	v14 =	vadd.f32 $8.388608000e+06, v14;
	v28 =	vld.idx.msk [tilespmem:v17+s25+$0x0], $0xffff  }
0x133: {  	v11 =	vadd.s32 v20, v11;
	v31 =	vmin.f32 v9, $3.830000000e+02;
	v32 =	vmul.u32 $0xB217, v22;
	v20 =	vld.idx.msk [tilespmem:v19+s3+$0x0], $0xffff  }
0x134: {  	v24 =	vadd.f32 $8.388608000e+06, v24;
	v9 =	vadd.f32 $-8.388608000e+06, v14;
	v14 =	vmax.f32 v25, $0.0e+00;
	v25 =	vld.idx.msk [tilespmem:v7+s3+$0x0], $0xffff  }
0x135: {  	v31 =	vadd.f32 $8.388608000e+06, v31;
	v32 =	vshra.s32 v32, $0x16;
	v14 =	vmin.f32 v14, $3.830000000e+02;
	v33 =	vld [tilespmem:s10+$0x1B600]  }
0x136: {  	v11 =	vmul.u32 $0x180, v11;
	v32 =	vmul.u32 $0xFFFFFFA4, v32;
	v34 =	vmax.f32 v9, $0.0e+00;
	[tilespmem:s8+$0x1DA00] =	vst v10;
	v10 =	vld [tilespmem:s7+$0x1B600]  }
0x137: {  	v35 =	vadd.f32 $8.388608000e+06, v13;
	v14 =	vadd.f32 $8.388608000e+06, v14;
	v13 =	vmin.f32 v34, $4.700000000e+01;
	v34 =	vld.idx.msk [tilespmem:v15+s25+$0x0], $0xffff  }
0x138: {  	v31 =	vadd.f32 $-8.388608000e+06, v31;
	v22 =	vadd.s32 v22, v32;
	v27 =	vsub.f32 v27, v28;
	v32 =	vld [tilespmem:s8+$0x1BC00]  }
0x139: {  	v22 =	vmul.u32 $0x180, v22;
	v28 =	vtrunc.f32 v13;
	v13 =	vadd.s32 v29, v11  }
0x13a: {  	v29 =	vadd.f32 $-8.388608000e+06, v35;
	v28 =	vcvt.f32.s32 v28;
	v35 =	vld [tilespmem:s6+$0x1AA00];
	[tilespmem:s11+$0x1E000] =	vst v27;
	v20 =	vsub.f32 v33, v20  }
0x13b: {  	v27 =	vtrunc.f32 v31;
	v31 =	vadd.f32 $-8.388608000e+06, v14;
	v10 =	vsub.f32 v10, v25;
	v11 =	vld.idx.msk [tilespmem:v17+s26+$0x0], $0xffff  }
0x13c: {  	s21 =	sor.u32 s16, s15;
	v14 =	vtrunc.f32 v29;
	v17 =	vmul.u32 $0xB217, v28;
	v25 =	vtrunc.f32 v26;
	v26 =	vld [tilespmem:s12+$0x1B600];
	[tilespmem:s10+$0x1DA00] =	vst v20  }
0x13d: {  	v27 =	vcvt.f32.s32 v27;
	v20 =	vadd.f32 $8.388608000e+06, v30;
	v29 =	vld [tilespmem:s21+$0x19E00];
	v30 =	vsub.f32 v32, v34;
	[tilespmem:s7+$0x1DA00] =	vst v10  }
0x13e: {  	v10 =	vcvt.f32.s32 v14;
	v14 =	vshra.s32 v17, $0x16;
	v32 =	vcvt.f32.s32 v25;
	v17 =	vld.idx.msk [tilespmem:v13+s3+$0x0], $0xffff  }
0x13f: {  	v24 =	vadd.f32 $-8.388608000e+06, v24;
	v25 =	vadd.f32 $-8.388608000e+06, v20;
	v20 =	vmul.u32 $0xFFFFFFA4, v14;
	[tilespmem:s8+$0x1E000] =	vst v30;
	v30 =	vld.idx.msk [tilespmem:v19+s25+$0x0], $0xffff  }
0x140: {  	v14 =	vadd.s32 v27, v22;
	v27 =	vtrunc.f32 v31;
	v33 =	vadd.f32 v35, v12;
	v12 =	vld.idx.msk [tilespmem:v15+s26+$0x0], $0xffff  }
0x141: {  	v22 =	vmax.f32 v25, $0.0e+00;
	v15 =	vadd.s32 v28, v20;
	v28 =	vmul.u32 $0xB217, v32;
	v20 =	vld [tilespmem:s21+$0x1AA00]  }
0x142: {  	v16 =	vmax.f32 v16, v25;
	v15 =	vmul.u32 $0x180, v15;
	v29 =	vadd.f32 v29, v1;
	v31 =	vld [tilespmem:s10+$0x1BC00]  }
0x143: {  	v18 =	vmin.f32 v18, v25;
	v34 =	vmin.f32 v22, $4.700000000e+01;
	v22 =	vadd.f32 s23, v0;
	v35 =	vld.idx.msk [tilespmem:v7+s25+$0x0], $0xffff  }
0x144: {  	v25 =	vtrunc.f32 v34;
	v17 =	vsub.f32 v26, v17;
	v29 =	vmax.f32 v29, $0.0e+00;
	v34 =	vld [tilespmem:s7+$0x1BC00]  }
0x145: {  	v18 =	vmin.f32 v18, v23;
	v16 =	vmax.f32 v16, v23;
	v36 =	vcvt.f32.s32 v25;
	v37 =	vld.idx.msk [tilespmem:v14+s3+$0x0], $0xffff  }
0x146: {  	v18 =	vmin.f32 v18, v24;
	v25 =	vshra.s32 v28, $0x16;
	v23 =	vmin.f32 v29, $3.830000000e+02;
	v38 =	vld [tilespmem:s0+$0x1B600];
	[tilespmem:s12+$0x1DA00] =	vst v17  }
0x147: {  	v26 =	vmul.u32 $0xB217, v36;
	v17 =	vcvt.f32.s32 v27;
	v23 =	vadd.f32 $8.388608000e+06, v23;
	v39 =	vld.idx.msk [tilespmem:v13+s25+$0x0], $0xffff  }
0x148: {  	v28 =	vmax.f32 v16, v24;
	v16 =	vmul.u32 $0xFFFFFFA4, v25;
	v29 =	vsub.f32 v31, v30;
	v40 =	vld [tilespmem:s12+$0x1BC00]  }
.Ltmp4:
0x149: {  	v25 =	vmin.f32 v18, v9;
	v26 =	vshra.s32 v26, $0x16;
	v23 =	vadd.f32 $-8.388608000e+06, v23;
	v18 =	vld [tilespmem:s9+$0x1C200];
	(pc) =	sbr.rel @p0 .LBB2_3-.Ltmp4, $4  }
0x14a: {  	v27 =	vadd.s32 v32, v16;
	v31 =	vmax.f32 v24, $0.0e+00;
	v41 =	vmul.u32 $0xFFFFFFA4, v26;
	v26 =	vld [tilespmem:s11+$0x1C200];
	[tilespmem:s10+$0x1E000] =	vst v29  }
0x14b: {  	v30 =	vsub.f32 v34, v35;
	v24 =	vmax.f32 v23, $0.0e+00;
	v16 =	vsub.f32 v38, v37;
	v19 =	vld.idx.msk [tilespmem:v19+s26+$0x0], $0xffff  }
0x14c: {  	v33 =	vmax.f32 v33, $0.0e+00;
	v34 =	vadd.s32 v36, v41;
	v29 =	vmin.f32 v24, $4.700000000e+01;
	v24 =	vld [tilespmem:s10+$0x1C200]  }
0x14d: {  	s4 =	sadd.s32 $0x60, s4;
	v32 =	vcvt.f32.s32 v21;
	v34 =	vmul.u32 $0x180, v34;
	[tilespmem:s0+$0x1DA00] =	vst v16;
	v21 =	vld [tilespmem:s0+$0x1BC00];
	v16 =	vsub.f32 v40, v39  }
0x14e: {  	_ =	sdelay $0x1  }
0x14f: {  	v31 =	vmin.f32 v31, $4.700000000e+01;
	v15 =	vadd.s32 v17, v15  }
0x150: {  	v45 =	vmin.f32 v33, $3.830000000e+02;
	v20 =	vadd.f32 v20, v22;
	v31 =	vtrunc.f32 v31  }
0x151: {  	v35 =	vld.idx.msk [tilespmem:v14+s25+$0x0], $0xffff;
	v47 =	vtrunc.f32 v29;
	v27 =	vmul.u32 $0x180, v27;
	v31 =	vcvt.f32.s32 v31  }
0x152: {  	v49 =	vld [tilespmem:s5+$0x1B600];
	v25 =	vmin.f32 v25, v23;
	v9 =	vmax.f32 v28, v9;
	v17 =	vadd.f32 $8.388608000e+06, v45  }
0x153: {  	v58 =	vld [tilespmem:s13+$0x1B600];
	v32 =	vadd.s32 v32, v34;
	v22 =	vcvt.f32.s32 v47;
	v46 =	vmul.u32 $0xB217, v31  }
0x154: {  	v59 =	vld [tilespmem:s5+$0x1BC00];
	v61 =	vmin.f32 v25, v8;
	v20 =	vmax.f32 v20, $0.0e+00;
	v17 =	vadd.f32 $-8.388608000e+06, v17  }
0x155: {  	v62 =	vld [tilespmem:s6+$0x1B600];
	v20 =	vmin.f32 v20, $3.830000000e+02;
	v51 =	vmul.u32 $0xB217, v22;
	v48 =	vshra.s32 v46, $0x16  }
0x156: {  	v36 =	vld [tilespmem:s21+$0x1B600];
	v20 =	vadd.f32 $8.388608000e+06, v20;
	v17 =	vtrunc.f32 v17;
	v29 =	vmul.u32 $0xFFFFFFA4, v48  }
0x157: {  	[tilespmem:s7+$0x1E000] =	vst v30;
	v42 =	vld [tilespmem:s13+$0x1BC00];
	v9 =	vmax.f32 v9, v23;
	v30 =	vshra.s32 v51, $0x16;
	v17 =	vcvt.f32.s32 v17  }
0x158: {  	v43 =	vld [tilespmem:s6+$0x1BC00];
	v20 =	vadd.f32 $-8.388608000e+06, v20;
	v53 =	vmul.u32 $0xFFFFFFA4, v30;
	v52 =	vadd.s32 v31, v29  }
0x159: {  	v7 =	vld.idx.msk [tilespmem:v7+s26+$0x0], $0xffff;
	[tilespmem:s12+$0x1E000] =	vst v16;
	(xrf0) =	vmin.scan.msk.f32 $0xffff, v61;
	v33 =	vmax.f32 v9, v8;
	v16 =	vmul.u32 $0x180, v52  }
0x15a: {  	v34 =	vld [tilespmem:s14+$0x1B600];
	v17 =	vadd.s32 v17, v27;
	v56 =	vtrunc.f32 v20;
	v57 =	vadd.s32 v22, v53  }
0x15b: {  	v47 =	vld [tilespmem:s14+$0x1BC00];
	(xrf0) =	vmax.scan.msk.f32 $0xffff, v33;
	v20 =	vmul.u32 $0x180, v57;
	v10 =	vadd.s32 v10, v16;
	v16 =	vcvt.f32.s32 v56  }
0x15c: {  	v13 =	vld.idx.msk [tilespmem:v13+s26+$0x0], $0xffff  }
0x15d: {  	v50 =	vld.idx.msk [tilespmem:v15+s3+$0x0], $0xffff;
	v16 =	vadd.s32 v16, v20  }
0x15e: {  	v55 =	vld.idx.msk [tilespmem:v32+s3+$0x0], $0xffff  }
0x15f: {  	v61 =	vld [tilespmem:s21+$0x1C200];
	v41, _, _ =	vpop (xrf0)  }
0x160: {  	v21 =	vsub.f32 v21, v35;
	(v2sf) =	vpush v41, $0xF;
	v60 =	vld.idx.msk [tilespmem:v17+s3+$0x0], $0xffff  }
0x161: {  	v44, _, _ =	vpop (xrf0);
	v63 =	vld.idx.msk [tilespmem:v10+s3+$0x0], $0xffff  }
0x162: {  	[tilespmem:s0+$0x1E000] =	vst v21;
	v54 =	vsub.f32 v49, v50;
	(v2sf) =	vpush v44, $0xF;
	v37 =	vld.idx.msk [tilespmem:v16+s3+$0x0], $0xffff  }
0x163: {  	v14 =	vld.idx.msk [tilespmem:v14+s26+$0x0], $0xffff;
	v35 =	vsub.f32 v58, v55  }
0x164: {  	v4 =	vsub.f32 v18, v4;
	v29 =	vld [tilespmem:s12+$0x1C200];
	[tilespmem:s5+$0x1DA00] =	vst v54  }
0x165: {  	v38 =	vld.idx.msk [tilespmem:v15+s25+$0x0], $0xffff;
	[tilespmem:s13+$0x1DA00] =	vst v35;
	v39 =	vsub.f32 v62, v60  }
0x166: {  	[tilespmem:s9+$0x1E600] =	vst v4;
	v40 =	vld.idx.msk [tilespmem:v32+s25+$0x0], $0xffff;
	v9 =	vsub.f32 v34, v63  }
0x167: {  	v50 =	vld [tilespmem:s21+$0x1BC00];
	[tilespmem:s6+$0x1DA00] =	vst v39;
	v8 =	vsub.f32 v36, v37  }
0x168: {  	v3 =	vsub.f32 v3, v12;
	v20 =	vld.idx.msk [tilespmem:v17+s25+$0x0], $0xffff;
	[tilespmem:s14+$0x1DA00] =	vst v9  }
0x169: {  	v11 =	vsub.f32 v26, v11;
	v45 =	vld.idx.msk [tilespmem:v10+s25+$0x0], $0xffff;
	[tilespmem:s21+$0x1DA00] =	vst v8  }
0x16a: {  	[tilespmem:s8+$0x1E600] =	vst v3;
	v46 =	vsub.f32 v59, v38;
	v49 =	vld.idx.msk [tilespmem:v16+s25+$0x0], $0xffff  }
0x16b: {  	[tilespmem:s11+$0x1E600] =	vst v11;
	v57 =	vld [tilespmem:s6+$0x1C200];
	v48 =	vsub.f32 v42, v40  }
0x16c: {  	v2 =	vsub.f32 v2, v7;
	v54 =	vld [tilespmem:s5+$0x1C200];
	[tilespmem:s5+$0x1E000] =	vst v46  }
0x16d: {  	v15 =	vld.idx.msk [tilespmem:v15+s26+$0x0], $0xffff;
	[tilespmem:s13+$0x1E000] =	vst v48;
	v51 =	vsub.f32 v43, v20  }
0x16e: {  	[tilespmem:s7+$0x1E600] =	vst v2;
	v53 =	vld.idx.msk [tilespmem:v32+s26+$0x0], $0xffff;
	v55 =	vsub.f32 v47, v45  }
0x16f: {  	v59 =	vld [tilespmem:s0+$0x1C200];
	s2 =	spop (v2sf);
	[tilespmem:s6+$0x1E000] =	vst v51;
	v58 =	vsub.f32 v50, v49  }
0x170: {  	v52 =	vsub.f32 v24, v19;
	p0 =	slt.f32 s2, $0.0e+00;
	v56 =	vld.idx.msk [tilespmem:v17+s26+$0x0], $0xffff;
	[tilespmem:s14+$0x1E000] =	vst v55  }
0x171: {  	v3 =	vsub.f32 v29, v13;
	s2 =	spop (v2sf);
	v60 =	vld.idx.msk [tilespmem:v10+s26+$0x0], $0xffff;
	[tilespmem:s21+$0x1E000] =	vst v58  }
0x172: {  	[tilespmem:s10+$0x1E600] =	vst v52;
	v2 =	vsub.f32 v54, v15;
	p1 =	sgt.f32 @!p0 s2, $4.700000000e+01;
	v62 =	vld.idx.msk [tilespmem:v16+s26+$0x0], $0xffff  }
0x173: {  	[tilespmem:s12+$0x1E600] =	vst v3;
	v63 =	vsub.f32 v6, v53  }
0x174: {  	[tilespmem:s5+$0x1E600] =	vst v2;
	v2 =	vsub.f32 v59, v14;
	p1 =	por p0, p1  }
.Ltmp5:
0x175: {  	[tilespmem:s13+$0x1E600] =	vst v63;
	v3 =	vsub.f32 v57, v56;
	(pc) =	sbr.rel @!p1 .LBB2_14-.Ltmp5, $4  }
0x176: {  	[tilespmem:s0+$0x1E600] =	vst v2;
	v2 =	vsub.f32 v5, v60  }
0x177: {  	[tilespmem:s6+$0x1E600] =	vst v3;
	v3 =	vsub.f32 v61, v62  }
0x178: {  	[tilespmem:s14+$0x1E600] =	vst v2  }
0x179: {  	[tilespmem:s21+$0x1E600] =	vst v3  }
0x17a: {  	s6 =	simm.s32 $0x0  }
0x17b: {  	s6 =	simm.s32 @p0 $0x0  }
0x17c: {  	p1 =	sne.s32 s6, $0x170  }
.Ltmp6:
0x17d: {  	_ = 	snop;
	(pc) =	sbr.rel @!p1 .LBB2_6-.Ltmp6, $4  }
0x17e: {  	_ = 	snop  }
0x17f: {  	s0 =	simm.s32 $0x1FE00  }
0x180: {  	s0 =	simm.s32 @p0 $0x1FE00  }
0x181: {  	p0 =	por $0x0, $0x0;
	s7 =	sadd.s32 s6, s1;
	s4 =	sadd.s32 $0x10, s6  }
0x182: {  	s2 =	sand.u32 $0xF80, s7;
	s5 =	sand.u32 $0x70, s6  }
0x183: {  	s2 =	sor.u32 s5, s2  }
0x184: {  	v2 =	vld [tilespmem:s2+$0x19E00];
	_ =	sdelay $0x1  }
0x185: {  	v3 =	vld [tilespmem:s2+$0x1AA00]  }
0x186: {  	s31 =	scvt.s32.f32 s6;
	_ =	sdelay $0x1  }
0x187: {  	v4 =	vadd.f32 s31, v0;
	v2 =	vadd.f32 v2, v1;
	_ =	sdelay $0x1  }
0x188: {  	v3 =	vadd.f32 v3, v4;
	v2 =	vmax.f32 v2, $0.0e+00  }
0x189: {  	v2 =	vmin.f32 v2, $3.830000000e+02  }
0x18a: {  	v3 =	vmax.f32 v3, $0.0e+00;
	v2 =	vadd.f32 $8.388608000e+06, v2  }
0x18b: {  	v3 =	vmin.f32 v3, $3.830000000e+02  }
0x18c: {  	v3 =	vadd.f32 $8.388608000e+06, v3;
	v2 =	vadd.f32 $-8.388608000e+06, v2;
	_ =	sdelay $0x1  }
0x18d: {  	p1 =	sne.s32 s4, $0x170;
	v3 =	vadd.f32 $-8.388608000e+06, v3;
	v2 =	vmul.f32 $3.840000000e+02, v2  }
.Ltmp7:
0x18e: {  	_ = 	snop;
	(pc) =	sbr.rel @!p1 .LBB2_8-.Ltmp7, $3  }
0x18f: {  	v2 =	vadd.f32 v3, v2;
	_ =	sdelay $0x1  }
0x190: {  	s7 =	sadd.s32 s4, s1;
	v2 =	vtrunc.f32 v2  }
0x191: {  	s6 =	sadd.s32 $0x10, s4;
	p0 =	por $0x1, $0x1;
	s5 =	smov.u32 s0;
	v2 =	vcvt.f32.s32 v2  }
.LBB2_9:
0x192: {  	p1 =	sne.s32 s6, $0x170;
	s2 =	sand.u32 $0xF80, s7;
	s7 =	sand.u32 $0x70, s4  }
0x193: {  	s2 =	sor.u32 s7, s2;
	[tilespmem:s5+$0x0] =	vst v2  }
0x194: {  	v2 =	vld [tilespmem:s2+$0x19E00];
	_ =	sdelay $0x1  }
0x195: {  	v3 =	vld [tilespmem:s2+$0x1AA00]  }
0x196: {  	s2 =	scvt.s32.f32 s4;
	s4 =	smov.u32 s6;
	_ =	sdelay $0x1  }
0x197: {  	v4 =	vadd.f32 s2, v0;
	v2 =	vadd.f32 v2, v1;
	_ =	sdelay $0x1  }
0x198: {  	v2 =	vmax.f32 v2, $0.0e+00;
	v3 =	vadd.f32 v3, v4  }
0x199: {  	v2 =	vmin.f32 v2, $3.830000000e+02  }
0x19a: {  	v2 =	vadd.f32 $8.388608000e+06, v2;
	v3 =	vmax.f32 v3, $0.0e+00  }
0x19b: {  	v3 =	vmin.f32 v3, $3.830000000e+02  }
0x19c: {  	v2 =	vadd.f32 $-8.388608000e+06, v2;
	v3 =	vadd.f32 $8.388608000e+06, v3;
	_ =	sdelay $0x1  }
0x19d: {  	v3 =	vadd.f32 $-8.388608000e+06, v3;
	v2 =	vmul.f32 $3.840000000e+02, v2  }
.Ltmp8:
0x19e: {  	(pc) =	sbr.rel @p1 .LBB2_9-.Ltmp8, $3  }
0x19f: {  	v2 =	vadd.f32 v3, v2;
	_ =	sdelay $0x1  }
0x1a0: {  	v2 =	vtrunc.f32 v2  }
0x1a1: {  	s5 =	sadd.s32 $0x10, s5;
	s6 =	sadd.s32 $0x10, s6;
	s7 =	sadd.s32 s4, s1;
	v2 =	vcvt.f32.s32 v2  }
0x1a2: {  	s6 =	smov.u32 s4  }
.LBB2_11:
0x1a3: {  	s2 =	sand.u32 $0xF80, s7;
	s4 =	sand.u32 $0x70, s6  }
0x1a4: {  	[tilespmem:s5+$0x0] =	vst @p0 v2;
	s2 =	sor.u32 s4, s2  }
0x1a5: {  	v2 =	vld [tilespmem:s2+$0x19E00];
	_ =	sdelay $0x1  }
0x1a6: {  	v3 =	vld [tilespmem:s2+$0x1AA00]  }
0x1a7: {  	s13 =	scvt.s32.f32 s6;
	_ =	sdelay $0x1  }
0x1a8: {  	v1 =	vadd.f32 v2, v1;
	v2 =	vadd.f32 s13, v0;
	_ =	sdelay $0x1  }
0x1a9: {  	v1 =	vmax.f32 v1, $0.0e+00;
	v2 =	vadd.f32 v3, v2  }
0x1aa: {  	v1 =	vmin.f32 v1, $3.830000000e+02  }
0x1ab: {  	v1 =	vadd.f32 $8.388608000e+06, v1;
	v2 =	vmax.f32 v2, $0.0e+00  }
0x1ac: {  	v2 =	vmin.f32 v2, $3.830000000e+02  }
0x1ad: {  	v1 =	vadd.f32 $-8.388608000e+06, v1;
	v2 =	vadd.f32 $8.388608000e+06, v2;
	_ =	sdelay $0x1  }
0x1ae: {  	v2 =	vadd.f32 $-8.388608000e+06, v2;
	v1 =	vmul.f32 $3.840000000e+02, v1;
	_ =	sdelay $0x1  }
0x1af: {  	v1 =	vadd.f32 v2, v1;
	_ =	sdelay $0x1  }
0x1b0: {  	s14 =	sld [smem:$0x7ED];
	v1 =	vtrunc.f32 v1  }
0x1b1: {  	s2 =	sadd.s32 @p0 $0x10, s5;
	v1 =	vcvt.f32.s32 v1  }
0x1b2: {  	s16 =	rddreg [dreg:$0xe];
	s0 =	smov.u32 @p0 s2  }
0x1b3: {  	s17 =	simm.s32 $0x1FE00;
	s19 =	simm.s32 $0x180;
	s15 =	sadd.s32 $0x1DA00, s14;
	[tilespmem:s0+$0x0] =	vst v1  }
0x1b4: {  	[tilespmem:s15], [sflag:$0x6] =	stream.indirect.gather [hbm4b:s16+s19], $0x1, s17, s19, $0xb8;
	[tilespmem:$0x1FF80] =	vst v63  }
0x1b5: {  	s21 =	rddreg [dreg:$0xf];
	s20 =	sadd.s32 $0x1E000, s14  }
0x1b6: {  	[tilespmem:s20], [sflag:$0x6] =	stream.indirect.gather [hbm4b:s21+s19], $0x1, s17, s19, $0xb8;
	[tilespmem:$0x1FF80] =	vst v63  }
0x1b7: {  	s23 =	rddreg [dreg:$0x10];
	s24 =	simm.s32 $0x6;
	s22 =	sadd.s32 $0x1E600, s14  }
0x1b8: {  	[tilespmem:s22], [sflag:$0x6] =	stream.indirect.gather [hbm4b:s23+s19], $0x1, s17, s19, $0xb8;
	[tilespmem:$0x1FF80] =	vst v63  }
0x1b9: {  	_ =	swait.ge [sflag:s24], $0x180  }
0x1ba: {  	[sflag:s24] =	ssyncset.done $0x0  }
0x1bb: {  	[sflag:s24] =	ssyncadd.s32 $0xFFFFFE80  }
0x1bc: {  	_ =	swait.ge [sflag:s24], $0x180  }
0x1bd: {  	[sflag:s24] =	ssyncset.done $0x0  }
0x1be: {  	[sflag:s24] =	ssyncadd.s32 $0xFFFFFE80  }
0x1bf: {  	s28 =	simm.s32 $0x0;
	s29 =	sadd.s32 $0x0, s1;
	_ =	swait.ge [sflag:s24], $0x180  }
0x1c0: {  	s2 =	sand.u32 $0xF80, s29;
	s0 =	sand.u32 $0x70, s28;
	[sflag:s24] =	ssyncset.done $0x0  }
0x1c1: {  	s0 =	sor.u32 s0, s2;
	[sflag:s24] =	ssyncadd.s32 $0xFFFFFE80  }
0x1c2: {  	v2 =	vld [tilespmem:s0+$0x1B600]  }
0x1c3: {  	v4 =	vld [tilespmem:s0+$0x1BC00]  }
0x1c4: {  	v5 =	vld [tilespmem:s0+$0x1C200]  }
0x1c5: {  	v3 =	vld [tilespmem:s0+$0x1DA00]  }
0x1c6: {  	v6 =	vld [tilespmem:s0+$0x1E000]  }
0x1c7: {  	s30 =	simm.s32 $0x10;
	s31 =	sadd.s32 $0x10, s1;
	v7 =	vld [tilespmem:s0+$0x1E600]  }
0x1c8: {  	s4 =	sand.u32 $0xF80, s31;
	s2 =	sand.u32 $0x70, s30  }
0x1c9: {  	s4 =	sor.u32 s2, s4  }
0x1ca: {  	v1 =	vld [tilespmem:s4+$0x1B600];
	v8 =	vsub.f32 v2, v3  }
0x1cb: {  	v3 =	vld [tilespmem:s4+$0x1BC00];
	v4 =	vsub.f32 v4, v6  }
0x1cc: {  	s5 =	simm.s32 $0x20;
	v2 =	vld [tilespmem:s4+$0x1C200];
	v5 =	vsub.f32 v5, v7;
	[tilespmem:s0+$0x1DA00] =	vst v8  }
.LBB2_12:
0x1cd: {  	p0 =	sne.s32 s5, $0x170;
	v6 =	vld [tilespmem:s4+$0x1DA00];
	[tilespmem:s0+$0x1E000] =	vst v4  }
0x1ce: {  	v4 =	vld [tilespmem:s4+$0x1E000];
	[tilespmem:s0+$0x1E600] =	vst v5;
	s0 =	smov.u32 s4  }
0x1cf: {  	s2 =	sadd.s32 s5, s1;
	v5 =	vld [tilespmem:s0+$0x1E600]  }
.Ltmp9:
0x1d0: {  	s2 =	sand.u32 $0xF80, s2;
	s4 =	sand.u32 $0x70, s5;
	(pc) =	sbr.rel @p0 .LBB2_12-.Ltmp9, $4  }
0x1d1: {  	s4 =	sor.u32 s4, s2  }
0x1d2: {  	v6 =	vsub.f32 v1, v6;
	v1 =	vld [tilespmem:s4+$0x1B600]  }
0x1d3: {  	v4 =	vsub.f32 v3, v4;
	v3 =	vld [tilespmem:s4+$0x1BC00]  }
0x1d4: {  	s5 =	sadd.s32 $0x10, s5;
	[tilespmem:s0+$0x1DA00] =	vst v6;
	v5 =	vsub.f32 v2, v5;
	v2 =	vld [tilespmem:s4+$0x1C200]  }
0x1d5: {  	v6 =	vld [tilespmem:s4+$0x1DA00];
	[tilespmem:s0+$0x1E000] =	vst v4  }
0x1d6: {  	v4 =	vld [tilespmem:s4+$0x1E000];
	[tilespmem:s0+$0x1E600] =	vst v5  }
0x1d7: {  	v5 =	vld [tilespmem:s4+$0x1E600];
	_ =	sdelay $0x2  }
.Ltmp10:
0x1d8: {  	v1 =	vsub.f32 v1, v6;
	(pc) =	sbr.rel .LBB2_14-.Ltmp10, $4  }
0x1d9: {  	v3 =	vsub.f32 v3, v4  }
0x1da: {  	[tilespmem:s4+$0x1DA00] =	vst v1;
	v1 =	vsub.f32 v2, v5  }
0x1db: {  	[tilespmem:s4+$0x1E000] =	vst v3  }
0x1dc: {  	[tilespmem:s4+$0x1E600] =	vst v1  }
.LBB2_6:
.Ltmp11:
0x1dd: {  	(pc) =	sbr.rel .LBB2_11-.Ltmp11, $2  }
0x1de: {  	_ =	sdelay $0x2  }
0x1df: {  	s5 =	smov.u32 s0  }
.LBB2_8:
.Ltmp12:
0x1e0: {  	(pc) =	sbr.rel .LBB2_11-.Ltmp12, $2  }
0x1e1: {  	_ =	sdelay $0x2  }
0x1e2: {  	s6 =	smov.u32 s4;
	s5 =	smov.u32 s0  }
.LBB2_15:
0x1e3: {  	s7 =	simm.s32 $0x0;
	s0 =	rddreg [dreg:$0x1d];
	s1 =	simm.s32 $0x1DA00  }
0x1e4: {  	[hbm4b:s0+s7] =	stream.linear.scatter [tilespmem:s1], [sflag:$0x4], $0x600, $0x38;
	[tilespmem:$0x1FF80] =	vst v63  }
.Ltmp13:
0x1e5: {  	s28 =	rddreg [dreg:$0x1e];
	(pc) =	sbr.rel .LBB2_16-.Ltmp13, $4  }
0x1e6: {  	s29 =	simm.s32 $0x1E000;
	s30 =	sld [smem:$0x7EF]  }
0x1e7: {  	[hbm4b:s28+s7] =	stream.linear.scatter [tilespmem:s29], [sflag:$0x4], $0x600, $0x38;
	[tilespmem:$0x1FF80] =	vst v63  }
0x1e8: {  	s31 =	simm.s32 $0x1E600;
	s2 =	simm.s32 $0x3;
	s1 =	simm.s32 $0x2  }
0x1e9: {  	[hbm4b:s30+s7] =	stream.linear.scatter [tilespmem:s31], [sflag:$0x4], $0x600, $0x38;
	[tilespmem:$0x1FF80] =	vst v63  }
.LBB2_44:
0x1ea: {  	s4 =	sld [smem:$0x7E8];
	_ =	sdelay $0x1  }
0x1eb: {  	s0 =	rddreg [dreg:$0x6]  }
0x1ec: {  	s1 =	rddreg [dreg:$0x4];
	s0 =	sadd.s32 s0, s4  }
0x1ed: {  	s28 =	rddreg [dreg:$0x1b];
	s0 =	sshrl.u32 s0, $0x3  }
0x1ee: {  	s2 =	simm.s32 $0x1DA00;
	s7 =	sld [smem:$0x7E9];
	s0 =	sadd.s32 s1, s0  }
0x1ef: {  	[hbm4b:s0+s3] =	stream.linear.scatter [tilespmem:s2], [sflag:$0x4], $0x600, $0x38;
	[tilespmem:$0x1FF80] =	vst v63  }
0x1f0: {  	s0 =	sadd.s32 s28, s4  }
0x1f1: {  	s7 =	sadd.s32 $0x1, s7;
	s0 =	sshrl.u32 s0, $0x3  }
0x1f2: {  	s29 =	simm.s32 $0x1E000;
	p0 =	sne.s32 s7, $0x2F;
	s0 =	sadd.s32 s1, s0  }
0x1f3: {  	[hbm4b:s0+s3] =	stream.linear.scatter [tilespmem:s29], [sflag:$0x4], $0x600, $0x38;
	[tilespmem:$0x1FF80] =	vst v63  }
.Ltmp14:
0x1f4: {  	s30 =	rddreg [dreg:$0x1f];
	(pc) =	sbr.rel @!p0 .LBB2_45-.Ltmp14, $4  }
0x1f5: {  	s0 =	sadd.s32 s30, s4  }
0x1f6: {  	s31 =	simm.s32 $0x1E600;
	s0 =	sshrl.u32 s0, $0x3  }
0x1f7: {  	s2 =	simm.s32 $0x3;
	s0 =	sadd.s32 s1, s0;
	s1 =	simm.s32 $0x2  }
0x1f8: {  	[hbm4b:s0+s3] =	stream.linear.scatter [tilespmem:s31], [sflag:$0x4], $0x600, $0x38;
	[tilespmem:$0x1FF80] =	vst v63  }
.LBB2_16:
0x1f9: {  	s0 =	simm.s32 $0x1  }
0x1fa: {  	_ =	swait.ge [sflag:s0], $0x600  }
0x1fb: {  	[sflag:s0] =	ssyncset.done $0x0  }
0x1fc: {  	[sflag:s0] =	ssyncadd.s32 $0xFFFFFA00  }
0x1fd: {  	_ =	swait.ge [sflag:s0], $0x600  }
0x1fe: {  	[sflag:s0] =	ssyncset.done $0x0  }
0x1ff: {  	[sflag:s0] =	ssyncadd.s32 $0xFFFFFA00  }
0x200: {  	_ =	swait.ge [sflag:s0], $0x600  }
0x201: {  	[sflag:s0] =	ssyncset.done $0x0  }
0x202: {  	[sflag:s0] =	ssyncadd.s32 $0xFFFFFA00  }
0x203: {  	_ =	swait.ge [sflag:s1], $0x600  }
0x204: {  	[sflag:s1] =	ssyncset.done $0x0  }
0x205: {  	[sflag:s1] =	ssyncadd.s32 $0xFFFFFA00  }
0x206: {  	_ =	swait.ge [sflag:s1], $0x600  }
0x207: {  	s8 =	sshllo.u32 s7, $0x1;
	[sflag:s1] =	ssyncset.done $0x0  }
0x208: {  	[smem:$0x7E7] =	sst s8;
	s8 =	sshll.u32 s8, $0x2;
	[sflag:s1] =	ssyncadd.s32 $0xFFFFFA00  }
0x209: {  	s0 =	smin.u32 s8, $0x14C;
	_ =	swait.ge [sflag:s2], $0x600  }
0x20a: {  	s0 =	sadd.s32 $0x30, s0;
	[sflag:s2] =	ssyncset.done $0x0  }
0x20b: {  	s9 =	smul.u32 $0x2C9, s0;
	[sflag:s2] =	ssyncadd.s32 $0xFFFFFA00  }
0x20c: {  	_ =	swait.ge [sflag:s2], $0x600  }
0x20d: {  	s1 =	sshrl.u32 s9, $0x10;
	[sflag:s2] =	ssyncset.done $0x0  }
0x20e: {  	s1 =	smul.u32 $0x5C, s1;
	[sflag:s2] =	ssyncadd.s32 $0xFFFFFA00  }
0x20f: {  	s4 =	smul.u32 $0x180, s0;
	_ =	swait.ge [sflag:s2], $0x600  }
0x210: {  	s0 =	ssub.s32 s0, s1;
	s10 =	rddreg [dreg:$0x5]  }
0x211: {  	s0 =	smul.u32 $0x180, s0;
	s6 =	rddreg [dreg:$0x3];
	s1 =	sadd.s32 s10, s4  }
0x212: {  	[sflag:s2] =	ssyncset.done $0x0;
	s11 =	rddreg [dreg:$0x7];
	s1 =	sshrl.u32 s1, $0x3  }
0x213: {  	[sflag:s2] =	ssyncadd.s32 $0xFFFFFA00;
	s0 =	sand.u32 $0xFE00, s0;
	s1 =	sadd.s32 s6, s1  }
0x214: {  	[tilespmem:s0], [sflag:$0x1] =	stream.linear.gather [hbm4b:s1+s3], $0x600, $0x38;
	[tilespmem:$0x1FF80] =	vst v63  }
0x215: {  	s1 =	sadd.s32 s11, s4  }
0x216: {  	s12 =	sshll.u32 s7, $0x1;
	s13 =	rddreg [dreg:$0x8];
	s1 =	sshrl.u32 s1, $0x3  }
0x217: {  	s5 =	sadd.s32 $0x8A00, s0;
	s4 =	sadd.s32 s13, s4;
	s1 =	sadd.s32 s6, s1  }
0x218: {  	[tilespmem:s5], [sflag:$0x1] =	stream.linear.gather [hbm4b:s1+s3], $0x600, $0x38;
	[tilespmem:$0x1FF80] =	vst v63  }
0x219: {  	s15 =	rddreg [dreg:$0xa];
	s4 =	sshrl.u32 s4, $0x3;
	s1 =	sadd.s32 $0x2, s12  }
0x21a: {  	s0 =	sadd.s32 $0x11400, s0;
	s4 =	sadd.s32 s6, s4;
	s14 =	smul.u32 $0x600, s1  }
0x21b: {  	[tilespmem:s0], [sflag:$0x1] =	stream.linear.gather [hbm4b:s4+s3], $0x600, $0x38;
	[tilespmem:$0x1FF80] =	vst v63  }
0x21c: {  	s0 =	sadd.s32 s15, s14  }
0x21d: {  	s16 =	rddreg [dreg:$0x1];
	s0 =	sshrl.u32 s0, $0x3  }
0x21e: {  	s17 =	simm.s32 $0x19E00;
	s18 =	rddreg [dreg:$0xd];
	s0 =	sadd.s32 s16, s0  }
0x21f: {  	[tilespmem:s17], [sflag:$0x2] =	stream.linear.gather [hbm4b:s0+s3], $0x600, $0x38;
	[tilespmem:$0x1FF80] =	vst v63  }
0x220: {  	s0 =	sadd.s32 s18, s14  }
0x221: {  	s0 =	sshrl.u32 s0, $0x3  }
0x222: {  	s19 =	simm.s32 $0x1AA00;
	s20 =	rddreg [dreg:$0x9];
	s0 =	sadd.s32 s16, s0  }
0x223: {  	[tilespmem:s19], [sflag:$0x2] =	stream.linear.gather [hbm4b:s0+s3], $0x600, $0x38;
	[tilespmem:$0x1FF80] =	vst v63  }
0x224: {  	s0 =	sadd.s32 s20, s14  }
0x225: {  	s0 =	sshrl.u32 s0, $0x3  }
0x226: {  	s21 =	simm.s32 $0x1B600;
	s22 =	rddreg [dreg:$0xb];
	s0 =	sadd.s32 s6, s0  }
0x227: {  	[tilespmem:s21], [sflag:$0x3] =	stream.linear.gather [hbm4b:s0+s3], $0x600, $0x38;
	[tilespmem:$0x1FF80] =	vst v63  }
0x228: {  	s0 =	sadd.s32 s22, s14  }
0x229: {  	s0 =	sshrl.u32 s0, $0x3  }
0x22a: {  	s23 =	simm.s32 $0x1BC00;
	s24 =	rddreg [dreg:$0xc];
	s0 =	sadd.s32 s6, s0  }
0x22b: {  	[tilespmem:s23], [sflag:$0x3] =	stream.linear.gather [hbm4b:s0+s3], $0x600, $0x38;
	[tilespmem:$0x1FF80] =	vst v63  }
0x22c: {  	s0 =	sadd.s32 s24, s14  }
0x22d: {  	s28 =	simm.s32 $0x1C200;
	s0 =	sshrl.u32 s0, $0x3  }
0x22e: {  	p0 =	seq.s32 s7, $0x0;
	[smem:$0x7E9] =	sst s7;
	s0 =	sadd.s32 s6, s0  }
0x22f: {  	[tilespmem:s28], [sflag:$0x3] =	stream.linear.gather [hbm4b:s0+s3], $0x600, $0x38;
	[tilespmem:$0x1FF80] =	vst v63  }
0x230: {  	[smem:$0x7E8] =	sst s14;
	s0 =	simm.s32 @!p0 $0x5  }
0x231: {  	_ =	swait.ge @!p0 [sflag:s0], $0x600  }
0x232: {  	[sflag:s0] =	ssyncset.done @!p0 $0x0  }
0x233: {  	s30 =	smin.u32 s8, $0x150;
	[sflag:s0] =	ssyncadd.s32 @!p0 $0xFFFFFA00  }
0x234: {  	s29 =	smax.u32 s8, $0x28;
	s5 =	sadd.s32 $0x2F, s30;
	_ =	swait.ge @!p0 [sflag:s0], $0x600  }
.Ltmp15:
0x235: {  	s9 =	scvt.s32.f32 s5;
	[sflag:s0] =	ssyncset.done @!p0 $0x0;
	(pc) =	sbr.rel .LBB2_17-.Ltmp15, $4  }
0x236: {  	s4 =	sadd.s32 $0xFFFFFFD8, s29;
	[smem:$0x7EA] =	sst s8;
	[sflag:s0] =	ssyncadd.s32 @!p0 $0xFFFFFA00  }
0x237: {  	s1 =	sshll.u32 s1, $0x2;
	s31 =	scvt.s32.f32 s4;
	_ =	swait.ge @!p0 [sflag:s0], $0x600  }
0x238: {  	s10 =	simm.s32 $0x0;
	[smem:$0x7EB] =	sst s1;
	[sflag:s0] =	ssyncset.done @!p0 $0x0  }
0x239: {  	s12 =	simm.s32 $0x0;
	v2 =	vmov s9;
	v1 =	vmov s31;
	[smem:$0x7EC] =	sst s31;
	[sflag:s0] =	ssyncadd.s32 @!p0 $0xFFFFFA00  }
.LBB2_29:
0x23a: {  	s12 =	sadd.s32 $0x1, s12  }
0x23b: {  	p0 =	sne.s32 s12, $0x4  }
.Ltmp16:
0x23c: {  	_ = 	snop;
	(pc) =	sbr.rel @!p0 .LBB2_30-.Ltmp16, $2  }
0x23d: {  	_ =	sdelay $0x2  }
0x23e: {  	s10 =	sadd.s32 $0x180, s10  }
.LBB2_17:
0x23f: {  	s0 =	sadd.s32 $0x50, s10;
	s4 =	simm.s32 $0x0;
	s6 =	simm.s32 $0x10  }
0x240: {  	s1 =	sld [smem:$0x7EA];
	s13 =	simm.s32 $0x50;
	s2 =	simm.s32 $0x30  }
0x241: {  	s5 =	sadd.s32 $0xFFFFFFB0, s0;
	s7 =	sand.u32 $0x60, s4;
	s20 =	sand.u32 $0x70, s6  }
0x242: {  	s21 =	scvt.s32.f32 s4;
	s23 =	sand.u32 $0x70, s13;
	s24 =	sand.u32 $0xF80, s0  }
0x243: {  	s15 =	scvt.s32.f32 s13;
	s5 =	sand.u32 $0xF80, s5;
	s13 =	sor.u32 s23, s24  }
0x244: {  	s31 =	sadd.s32 $0xFFFFFFD0, s0;
	s6 =	scvt.s32.f32 s6;
	s22 =	sor.u32 s7, s5;
	v7 =	vld [tilespmem:s13+$0x1A400]  }
0x245: {  	s11 =	sadd.s32 s12, s1;
	s14 =	sor.u32 s20, s5;
	s1 =	simm.s32 $0x20;
	v4 =	vld [tilespmem:s22+$0x1B000]  }
0x246: {  	s7 =	sand.u32 $0xF80, s31;
	v5 =	vld [tilespmem:s14+$0x1A400];
	s11 =	scvt.s32.f32 s11;
	s16 =	sand.u32 $0x60, s1  }
0x247: {  	v6 =	vld [tilespmem:s22+$0x1A400];
	s5 =	scvt.s32.f32 s1;
	s7 =	sor.u32 s16, s7;
	s16 =	scvt.s32.f32 s2  }
0x248: {  	s30 =	simm.s32 $0x40;
	v8 =	vadd.f32 s21, v0;
	v9 =	vadd.f32 s6, v0;
	v16 =	vld [tilespmem:s14+$0x1B000]  }
0x249: {  	s18 =	simm.s32 $0xB0;
	s17 =	scvt.s32.f32 s30;
	s8 =	sadd.s32 $0xFFFFFFE0, s0;
	v3 =	vmov s11;
	v14 =	vadd.f32 s5, v0;
	v13 =	vadd.f32 s16, v0  }
0x24a: {  	s4 =	sand.u32 $0x60, s30;
	v10 =	vld [tilespmem:s7+$0x1B000];
	s11 =	sand.u32 $0x70, s2;
	s2 =	simm.s32 $0x90;
	v7 =	vadd.f32 v7, v3;
	v4 =	vadd.f32 v4, v8  }
0x24b: {  	s30 =	scvt.s32.f32 s18;
	s5 =	sand.u32 $0x70, s18;
	s18 =	scvt.s32.f32 s2;
	v8 =	vadd.f32 s15, v0;
	v11 =	vadd.f32 v5, v3  }
0x24c: {  	v12 =	vimm.f32 $3.840000000e+02;
	s15 =	sand.u32 $0xF80, s8;
	v5 =	vadd.f32 s17, v0;
	v6 =	vadd.f32 v6, v3  }
0x24d: {  	v9 =	vadd.f32 v16, v9;
	v27 =	vadd.f32 s18, v0;
	s11 =	sor.u32 s11, s15;
	v7 =	vmax.f32 v7, $0.0e+00  }
0x24e: {  	v11 =	vmax.f32 v11, $0.0e+00;
	v4 =	vmax.f32 v4, $0.0e+00;
	v15 =	vld [tilespmem:s11+$0x1A400];
	v7 =	vmin.f32 v7, $3.830000000e+02  }
0x24f: {  	v10 =	vadd.f32 v10, v14;
	v14 =	vimm.f32 $-1.000000000e+00;
	v11 =	vmin.f32 v11, $3.830000000e+02  }
0x250: {  	v4 =	vmin.f32 v4, $3.830000000e+02;
	v7 =	vadd.f32 $8.388608000e+06, v7;
	v11 =	vadd.f32 $8.388608000e+06, v11  }
0x251: {  	v19 =	vmax.f32 v6, $0.0e+00;
	v9 =	vmax.f32 v9, $0.0e+00;
	v4 =	vadd.f32 $8.388608000e+06, v4  }
0x252: {  	v19 =	vmin.f32 v19, $3.830000000e+02;
	v6 =	vadd.f32 $-8.388608000e+06, v7;
	v11 =	vadd.f32 $-8.388608000e+06, v11  }
0x253: {  	v18 =	vld [tilespmem:s11+$0x1B000];
	v9 =	vmin.f32 v9, $3.830000000e+02;
	v4 =	vadd.f32 $-8.388608000e+06, v4;
	v7 =	vadd.f32 v15, v3  }
0x254: {  	v17 =	vld [tilespmem:s7+$0x1A400];
	v10 =	vmax.f32 v10, $0.0e+00;
	v9 =	vadd.f32 $8.388608000e+06, v9;
	v15 =	vmax.f32 v11, v1  }
0x255: {  	v20 =	vtrunc.f32 v4;
	v4 =	vmin.f32 v15, v2;
	v7 =	vmax.f32 v7, $0.0e+00  }
0x256: {  	v19 =	vadd.f32 $8.388608000e+06, v19;
	v4 =	vtrunc.f32 v4;
	v7 =	vmin.f32 v7, $3.830000000e+02  }
0x257: {  	v10 =	vmin.f32 v10, $3.830000000e+02;
	v4 =	vcvt.f32.s32 v4;
	v7 =	vadd.f32 $8.388608000e+06, v7  }
0x258: {  	v9 =	vadd.f32 $-8.388608000e+06, v9;
	v13 =	vadd.f32 v18, v13;
	v16 =	vmax.f32 v6, v1  }
0x259: {  	v15 =	vadd.f32 v17, v3;
	v17 =	vmul.u32 $0xB217, v4;
	v18 =	vadd.f32 $-8.388608000e+06, v7  }
0x25a: {  	v10 =	vadd.f32 $8.388608000e+06, v10;
	v9 =	vtrunc.f32 v9;
	v16 =	vmin.f32 v16, v2  }
0x25b: {  	v7 =	vmax.f32 v13, $0.0e+00;
	v13 =	vshra.s32 v17, $0x16;
	v17 =	vmax.f32 v18, v1  }
0x25c: {  	v15 =	vmax.f32 v15, $0.0e+00;
	v13 =	vmul.u32 $0xFFFFFFA4, v13;
	v17 =	vmin.f32 v17, v2  }
0x25d: {  	v9 =	vcvt.f32.s32 v9;
	v15 =	vmin.f32 v15, $3.830000000e+02;
	v17 =	vtrunc.f32 v17  }
0x25e: {  	v7 =	vmin.f32 v7, $3.830000000e+02;
	v4 =	vadd.s32 v4, v13;
	v13 =	vcvt.f32.s32 v17;
	v17 =	vld [tilespmem:s13+$0x1B000]  }
0x25f: {  	v15 =	vadd.f32 $8.388608000e+06, v15;
	v7 =	vadd.f32 $8.388608000e+06, v7;
	v4 =	vmul.u32 $0x180, v4  }
0x260: {  	s0 =	sadd.s32 $0xFFFFFFF0, s0;
	v10 =	vadd.f32 $-8.388608000e+06, v10;
	v16 =	vtrunc.f32 v16;
	v21 =	vmul.u32 $0xB217, v13  }
0x261: {  	s0 =	sand.u32 $0xF80, s0;
	v15 =	vadd.f32 $-8.388608000e+06, v15;
	v22 =	vadd.f32 $-8.388608000e+06, v7;
	v7 =	vadd.s32 v9, v4  }
0x262: {  	s0 =	sor.u32 s4, s0;
	v4 =	vtrunc.f32 v10;
	v10 =	vadd.f32 $-8.388608000e+06, v19;
	v9 =	vshra.s32 v21, $0x16  }
0x263: {  	s4 =	sadd.s32 $0xB0, s10;
	v23 =	vld [tilespmem:s0+$0x1A400];
	v21 =	vcvt.f32.s32 v4;
	v4 =	vmul.u32 $0xFFFFFFA4, v9;
	v8 =	vadd.f32 v17, v8  }
0x264: {  	s24 =	simm.s32 $0x70;
	s21 =	simm.s32 $0x60;
	s23 =	sadd.s32 $0xFFFFFFB0, s4;
	v17 =	vmax.f32 v10, v1;
	v14 =	vmax.f32 v14, v10;
	v10 =	vmin.f32 v12, v10  }
0x265: {  	s31 =	sand.u32 $0x60, s21;
	s19 =	sand.u32 $0xF80, s23;
	s16 =	sand.u32 $0x70, s24;
	v9 =	vtrunc.f32 v22;
	v22 =	vcvt.f32.s32 v16;
	v10 =	vmin.f32 v10, v11  }
0x266: {  	s6 =	sor.u32 s31, s19;
	s28 =	sor.u32 s16, s19;
	s19 =	simm.s32 $0x80;
	v11 =	vmax.f32 v14, v11;
	v14 =	vmax.f32 v15, v1;
	v4 =	vadd.s32 v13, v4  }
0x267: {  	s23 =	scvt.s32.f32 s19;
	v13 =	vmin.f32 v17, v2;
	v10 =	vmin.f32 v10, v15;
	v11 =	vmax.f32 v11, v15;
	v15 =	vld [tilespmem:s0+$0x1B000]  }
0x268: {  	v17 =	vmul.u32 $0x180, v4;
	v4 =	vadd.f32 v23, v3;
	v13 =	vtrunc.f32 v13  }
0x269: {  	v28 =	vadd.f32 s23, v0;
	v9 =	vcvt.f32.s32 v9;
	v19 =	vld.idx.msk [tilespmem:v7+s3+$0x0], $0xffff;
	v12 =	vcvt.f32.s32 v13  }
0x26a: {  	v8 =	vmax.f32 v8, $0.0e+00;
	v14 =	vmin.f32 v14, v2;
	v13 =	vld [tilespmem:s14+$0x1C800];
	v4 =	vmax.f32 v4, $0.0e+00  }
0x26b: {  	v23 =	vmul.u32 $0xB217, v22;
	v4 =	vmin.f32 v4, $3.830000000e+02;
	v16 =	vmul.u32 $0xB217, v12  }
0x26c: {  	v10 =	vmin.f32 v10, v18;
	v4 =	vadd.f32 $8.388608000e+06, v4;
	v5 =	vadd.f32 v15, v5  }
0x26d: {  	v8 =	vmin.f32 v8, $3.830000000e+02;
	v11 =	vmax.f32 v11, v18;
	v16 =	vshra.s32 v16, $0x16  }
0x26e: {  	v24 =	vadd.f32 $-8.388608000e+06, v4;
	v16 =	vmul.u32 $0xFFFFFFA4, v16;
	v5 =	vmax.f32 v5, $0.0e+00  }
0x26f: {  	v13 =	vsub.f32 v13, v19;
	v19 =	vshra.s32 v23, $0x16;
	v5 =	vmin.f32 v5, $3.830000000e+02  }
0x270: {  	v23 =	vmax.f32 v24, v1;
	v12 =	vadd.s32 v12, v16;
	v16 =	vadd.s32 v9, v17  }
0x271: {  	v9 =	vtrunc.f32 v14;
	v14 =	vadd.f32 $8.388608000e+06, v8;
	v11 =	vmax.f32 v11, v24  }
0x272: {  	[tilespmem:s14+$0x1EC00] =	vst v13;
	v13 =	vmin.f32 v23, v2;
	v23 =	vmul.u32 $0xFFFFFFA4, v19;
	v19 =	vcvt.f32.s32 v20;
	v20 =	vld [tilespmem:s14+$0x1CE00]  }
0x273: {  	v10 =	vmin.f32 v10, v24;
	v12 =	vmul.u32 $0x180, v12;
	v25 =	vld.idx.msk [tilespmem:v7+s25+$0x0], $0xffff;
	v9 =	vcvt.f32.s32 v9  }
0x274: {  	s1 =	scvt.s32.f32 s24;
	v5 =	vadd.f32 $8.388608000e+06, v5;
	v18 =	vmax.f32 v11, v6;
	v17 =	vmin.f32 v10, v6;
	v10 =	vld [tilespmem:s6+$0x1A400]  }
0x275: {  	v11 =	vadd.f32 $-8.388608000e+06, v14;
	v14 =	vld [tilespmem:s6+$0x1B000];
	v8 =	vadd.s32 v19, v12;
	v12 =	vmul.u32 $0xB217, v9  }
0x276: {  	s20 =	scvt.s32.f32 s21;
	s21 =	sand.u32 $0xF80, s4;
	v24 =	vadd.f32 s1, v0;
	v13 =	vtrunc.f32 v13;
	v5 =	vadd.f32 $-8.388608000e+06, v5  }
0x277: {  	s29 =	sor.u32 s5, s21;
	v19 =	vadd.f32 s30, v0;
	v22 =	vadd.s32 v22, v23;
	v23 =	vld [tilespmem:s11+$0x1C800];
	v6 =	vshra.s32 v12, $0x16  }
0x278: {  	v12 =	vld [tilespmem:s29+$0x1A400];
	v15 =	vsub.f32 v20, v25;
	v20 =	vadd.f32 s20, v0;
	v26 =	vmul.u32 $0xFFFFFFA4, v6;
	s20 =	sadd.s32 $0xFFFFFFD0, s4  }
0x279: {  	s16 =	sand.u32 $0x60, s19;
	s15 =	simm.s32 $0xA0;
	v13 =	vcvt.f32.s32 v13;
	v11 =	vtrunc.f32 v11;
	v25 =	vld [tilespmem:s28+$0x1A400];
	v10 =	vadd.f32 v10, v3;
	s24 =	sand.u32 $0xF80, s20  }
0x27a: {  	s8 =	scvt.s32.f32 s15;
	v5 =	vtrunc.f32 v5;
	v14 =	vadd.f32 v14, v20;
	v9 =	vadd.s32 v9, v26;
	v20 =	vld.idx.msk [tilespmem:v16+s3+$0x0], $0xffff;
	s5 =	sor.u32 s16, s24  }
0x27b: {  	v30 =	vcvt.f32.s32 v5;
	v5 =	vmax.f32 v10, $0.0e+00;
	v9 =	vmul.u32 $0x180, v9;
	v29 =	vld [tilespmem:s5+$0x1B000]  }
0x27c: {  	s30 =	sadd.s32 $0xFFFFFFE0, s4;
	v11 =	vcvt.f32.s32 v11;
	v6 =	vadd.f32 s8, v0;
	v26 =	vld.idx.msk [tilespmem:v8+s3+$0x0], $0xffff;
	v34 =	vmin.f32 v5, $3.830000000e+02  }
0x27d: {  	s31 =	sand.u32 $0x70, s2;
	s16 =	sand.u32 $0xF80, s30;
	v12 =	vadd.f32 v12, v3;
	v14 =	vmax.f32 v14, $0.0e+00;
	v9 =	vadd.s32 v21, v9;
	v21 =	vld [tilespmem:s22+$0x1C800]  }
0x27e: {  	s21 =	sor.u32 s31, s16;
	v55 =	vadd.f32 $8.388608000e+06, v34;
	v14 =	vmin.f32 v14, $3.830000000e+02;
	v10 =	vadd.f32 v25, v3  }
0x27f: {  	v31 =	vld [tilespmem:s21+$0x1B000];
	v12 =	vmax.f32 v12, $0.0e+00;
	v14 =	vadd.f32 $8.388608000e+06, v14;
	v20 =	vsub.f32 v23, v20  }
0x280: {  	v23 =	vld [tilespmem:s28+$0x1B000];
	v12 =	vmin.f32 v12, $3.830000000e+02;
	v10 =	vmax.f32 v10, $0.0e+00;
	v28 =	vadd.f32 v29, v28  }
0x281: {  	v32 =	vld [tilespmem:s21+$0x1A400];
	v12 =	vadd.f32 $8.388608000e+06, v12;
	v14 =	vadd.f32 $-8.388608000e+06, v14;
	v10 =	vmin.f32 v10, $3.830000000e+02  }
0x282: {  	v25 =	vmul.u32 $0xB217, v13;
	v33 =	vadd.f32 $8.388608000e+06, v10;
	v26 =	vsub.f32 v21, v26  }
0x283: {  	v29 =	vld [tilespmem:s5+$0x1A400];
	v28 =	vmax.f32 v28, $0.0e+00;
	v10 =	vadd.f32 $-8.388608000e+06, v12;
	v21 =	vtrunc.f32 v14  }
0x284: {  	v57 =	vld [tilespmem:s13+$0x1CE00];
	v12 =	vmul.u32 $0x180, v22;
	v22 =	vadd.f32 $-8.388608000e+06, v33;
	v28 =	vmin.f32 v28, $3.830000000e+02  }
0x285: {  	v49 =	vld [tilespmem:s22+$0x1CE00];
	v21 =	vcvt.f32.s32 v21;
	v14 =	vadd.f32 v23, v24;
	v23 =	vshra.s32 v25, $0x16  }
0x286: {  	v53 =	vld [tilespmem:s0+$0x1C800];
	v24 =	vadd.f32 v32, v3;
	v25 =	vadd.f32 v31, v27;
	v31 =	vmax.f32 v10, v1  }
0x287: {  	v59 =	vld [tilespmem:s0+$0x1CE00];
	v12 =	vadd.s32 v11, v12;
	v28 =	vadd.f32 $8.388608000e+06, v28;
	v23 =	vmul.u32 $0xFFFFFFA4, v23  }
0x288: {  	v58 =	vld [tilespmem:s7+$0x1CE00];
	[tilespmem:s22+$0x1EC00] =	vst v26;
	v27 =	vmax.f32 v22, v1;
	v29 =	vadd.f32 v29, v3;
	v31 =	vmin.f32 v31, v2  }
0x289: {  	v26 =	vld.idx.msk [tilespmem:v8+s25+$0x0], $0xffff;
	v27 =	vmin.f32 v27, v2;
	v24 =	vmax.f32 v24, $0.0e+00;
	v14 =	vmax.f32 v14, $0.0e+00  }
0x28a: {  	v54 =	vld [tilespmem:s29+$0x1B000];
	v11 =	vtrunc.f32 v27;
	v27 =	vmax.f32 v29, $0.0e+00;
	v13 =	vadd.s32 v13, v23  }
0x28b: {  	v35 =	vld [tilespmem:s11+$0x1CE00];
	[tilespmem:s11+$0x1EC00] =	vst v20;
	v20 =	vmin.f32 v24, $3.830000000e+02;
	v11 =	vcvt.f32.s32 v11;
	v13 =	vmul.u32 $0x180, v13  }
0x28c: {  	v23 =	vld [tilespmem:s13+$0x1C800];
	v14 =	vmin.f32 v14, $3.830000000e+02;
	v24 =	vmin.f32 v27, $3.830000000e+02;
	v20 =	vadd.f32 $8.388608000e+06, v20  }
0x28d: {  	v14 =	vadd.f32 $8.388608000e+06, v14;
	v51 =	vld.idx.msk [tilespmem:v12+s3+$0x0], $0xffff;
	v50 =	vmul.u32 $0xB217, v11;
	v36 =	vadd.s32 v30, v13  }
0x28e: {  	v27 =	vld.idx.msk [tilespmem:v16+s25+$0x0], $0xffff;
	v13 =	vadd.f32 $-8.388608000e+06, v20;
	v20 =	vmax.f32 v25, $0.0e+00;
	v25 =	vsub.f32 v49, v26  }
0x28f: {  	v24 =	vadd.f32 $8.388608000e+06, v24;
	v26 =	vld.idx.msk [tilespmem:v9+s3+$0x0], $0xffff;
	v20 =	vmin.f32 v20, $3.830000000e+02;
	v30 =	vshra.s32 v50, $0x16  }
0x290: {  	v52 =	vmax.f32 v13, v1;
	[tilespmem:s22+$0x1F200] =	vst v25;
	v25 =	vld [tilespmem:s7+$0x1C800];
	v20 =	vadd.f32 $8.388608000e+06, v20;
	v30 =	vmul.u32 $0xFFFFFFA4, v30  }
0x291: {  	v33 =	vmin.f32 v52, v2;
	v37 =	vld.idx.msk [tilespmem:v8+s26+$0x0], $0xffff;
	v8 =	vadd.f32 $-8.388608000e+06, v14;
	v14 =	vadd.f32 $-8.388608000e+06, v28  }
0x292: {  	v29 =	vld [tilespmem:s22+$0x1D400];
	v20 =	vadd.f32 $-8.388608000e+06, v20;
	v23 =	vsub.f32 v23, v51;
	v11 =	vadd.s32 v11, v30  }
0x293: {  	s4 =	sadd.s32 $0xFFFFFFF0, s4;
	[tilespmem:s14+$0x1F200] =	vst v15;
	v30 =	vsub.f32 v35, v27;
	v27 =	vld.idx.msk [tilespmem:v36+s3+$0x0], $0xffff;
	v15 =	vmul.u32 $0x180, v11;
	v11 =	vtrunc.f32 v33  }
0x294: {  	v40 =	vld [tilespmem:s28+$0x1C800];
	s15 =	sand.u32 $0x60, s15;
	s4 =	sand.u32 $0xF80, s4;
	v24 =	vadd.f32 $-8.388608000e+06, v24;
	v14 =	vtrunc.f32 v14;
	v28 =	vcvt.f32.s32 v11  }
0x295: {  	v4 =	vld [tilespmem:s14+$0x1D400];
	s23 =	sor.u32 s15, s4;
	v14 =	vcvt.f32.s32 v14;
	[tilespmem:s13+$0x1EC00] =	vst v23;
	v23 =	vadd.f32 $-8.388608000e+06, v55;
	v20 =	vtrunc.f32 v20  }
0x296: {  	v38 =	vld [tilespmem:s23+$0x1A400];
	v11 =	vtrunc.f32 v8;
	v25 =	vsub.f32 v25, v26;
	v26 =	vmul.u32 $0xB217, v28  }
0x297: {  	v5 =	vld [tilespmem:s7+$0x1D400];
	v56 =	vcvt.f32.s32 v11;
	v37 =	vsub.f32 v29, v37;
	v29 =	vadd.f32 v54, v19  }
0x298: {  	v7 =	vld.idx.msk [tilespmem:v7+s26+$0x0], $0xffff;
	[tilespmem:s11+$0x1F200] =	vst v30;
	v32 =	vmax.f32 v23, v1;
	v27 =	vsub.f32 v53, v27;
	v26 =	vshra.s32 v26, $0x16  }
0x299: {  	v8 =	vld [tilespmem:s5+$0x1D400];
	v18 =	vmax.f32 v18, v23;
	[tilespmem:s7+$0x1EC00] =	vst v25;
	v15 =	vadd.s32 v56, v15;
	v25 =	vmul.u32 $0xFFFFFFA4, v26  }
0x29a: {  	v11 =	vld [tilespmem:s28+$0x1D400];
	v17 =	vmin.f32 v17, v23;
	v23 =	vtrunc.f32 v31;
	[tilespmem:s0+$0x1EC00] =	vst v27;
	v27 =	vmax.f32 v29, $0.0e+00  }
0x29b: {  	v30 =	vld.idx.msk [tilespmem:v9+s25+$0x0], $0xffff;
	v29 =	vmin.f32 v32, v2;
	v19 =	vadd.s32 v28, v25;
	v28 =	vadd.f32 v38, v3  }
0x29c: {  	v31 =	vmax.f32 v24, v1;
	v17 =	vmin.f32 v17, v22;
	v26 =	vld.idx.msk [tilespmem:v12+s25+$0x0], $0xffff;
	v29 =	vtrunc.f32 v29  }
0x29d: {  	v22 =	vmax.f32 v18, v22;
	v25 =	vld.idx.msk [tilespmem:v36+s25+$0x0], $0xffff;
	v39 =	vcvt.f32.s32 v29;
	v28 =	vmax.f32 v28, $0.0e+00  }
0x29e: {  	v23 =	vcvt.f32.s32 v23;
	v29 =	vmin.f32 v17, v24;
	v60 =	vld.idx.msk [tilespmem:v15+s3+$0x0], $0xffff;
	v17 =	vmin.f32 v28, $3.830000000e+02  }
0x29f: {  	v18 =	vld.idx.msk [tilespmem:v16+s26+$0x0], $0xffff;
	v32 =	vcvt.f32.s32 v20;
	v16 =	vmul.u32 $0xB217, v39;
	v17 =	vadd.f32 $8.388608000e+06, v17  }
0x2a0: {  	v20 =	vld [tilespmem:s13+$0x1D400];
	v19 =	vmul.u32 $0x180, v19;
	v29 =	vmin.f32 v29, v13;
	v28 =	vmax.f32 v22, v24  }
0x2a1: {  	v24 =	vld [tilespmem:s23+$0x1B000];
	v33 =	vsub.f32 v57, v26;
	v16 =	vshra.s32 v16, $0x16;
	v17 =	vadd.f32 $-8.388608000e+06, v17  }
0x2a2: {  	[tilespmem:s22+$0x1F800] =	vst v37;
	v22 =	vsub.f32 v59, v25;
	v25 =	vmul.u32 $0xB217, v23;
	v26 =	vmul.u32 $0xFFFFFFA4, v16;
	v16 =	vld [tilespmem:s11+$0x1D400]  }
0x2a3: {  	v34 =	vsub.f32 v58, v30;
	[tilespmem:s13+$0x1F200] =	vst v33;
	v33 =	vld [tilespmem:s28+$0x1CE00];
	v61 =	vsub.f32 v40, v60;
	v62 =	vmax.f32 v17, v1  }
0x2a4: {  	[tilespmem:s0+$0x1F200] =	vst v22;
	v22 =	vshra.s32 v25, $0x16;
	v25 =	vld [tilespmem:s0+$0x1D400];
	v63 =	vadd.s32 v39, v26;
	v37 =	vmin.f32 v62, v2  }
0x2a5: {  	s19 =	simm.s32 $0x110;
	s4 =	simm.s32 $0x6;
	s22 =	smul.u32 $0x180, s12;
	v30 =	vmul.u32 $0xFFFFFFA4, v22;
	v26 =	vld.idx.msk [tilespmem:v36+s26+$0x0], $0xffff;
	[tilespmem:s28+$0x1EC00] =	vst v61;
	v35 =	vmul.u32 $0x180, v63;
	v22 =	vtrunc.f32 v37  }
.LBB2_18:
0x2a6: {  	s15 =	sadd.s32 $0xFFFFFFB0, s19;
	s16 =	sadd.s32 s19, s10;
	s17 =	sadd.s32 $0xFFFFFFE0, s19;
	v36 =	vld.idx.msk [tilespmem:v15+s25+$0x0], $0xffff;
	v31 =	vmin.f32 v31, v2;
	v19 =	vadd.s32 v32, v19;
	v27 =	vmin.f32 v27, $3.830000000e+02;
	[tilespmem:s7+$0x1F200] =	vst v34  }
0x2a7: {  	s20 =	sadd.s32 $0xFFFFFFC0, s19;
	s30 =	scvt.s32.f32 s19;
	v13 =	vmax.f32 v28, v13;
	s24 =	sadd.s32 $0xFFFFFFB0, s16;
	v21 =	vadd.s32 v21, v35;
	v9 =	vld.idx.msk [tilespmem:v9+s26+$0x0], $0xffff;
	v16 =	vsub.f32 v16, v18  }
0x2a8: {  	s31 =	sand.u32 $0x60, s15;
	s1 =	scvt.s32.f32 s15;
	v18 =	vtrunc.f32 v31;
	v13 =	vmax.f32 v13, v17;
	v27 =	vadd.f32 $8.388608000e+06, v27;
	s24 =	sand.u32 $0xF80, s24;
	v12 =	vld.idx.msk [tilespmem:v12+s26+$0x0], $0xffff  }
0x2a9: {  	s18 =	sand.u32 $0x70, s19;
	v28 =	vmin.f32 v29, v17;
	s15 =	sand.u32 $0x70, s20;
	v18 =	vcvt.f32.s32 v18;
	v17 =	vmax.f32 v13, v10;
	s31 =	sor.u32 s31, s24;
	[tilespmem:s11+$0x1F800] =	vst v16  }
0x2aa: {  	s2 =	sadd.s32 $0xFFFFFFF0, s19;
	s8 =	sadd.s32 $0xFFFFFFF0, s16;
	s11 =	sand.u32 $0xF80, s16;
	v27 =	vadd.f32 $-8.388608000e+06, v27;
	v16 =	vmin.f32 v28, v10;
	v10 =	vsub.f32 v25, v26;
	v13 =	vld [tilespmem:s31+$0x1B000]  }
0x2ab: {  	v6 =	vadd.f32 v24, v6;
	v7 =	vsub.f32 v4, v7;
	v4 =	vmovc v11;
	s24 =	sor.u32 s15, s24;
	s15 =	sadd.s32 $0xFFFFFFE0, s16;
	s11 =	sor.u32 s18, s11;
	v26 =	vmul.u32 $0xB217, v18;
	v25 =	vld [tilespmem:s31+$0x1A400]  }
0x2ac: {  	v23 =	vadd.s32 v23, v30;
	s16 =	sadd.s32 $0xFFFFFFD0, s16;
	s18 =	sand.u32 $0xF80, s15;
	s15 =	sand.u32 $0xF80, s8;
	v24 =	vsub.f32 v33, v36;
	v27 =	vtrunc.f32 v27;
	v11 =	vld [tilespmem:s11+$0x1A400];
	[tilespmem:s0+$0x1F800] =	vst v10  }
0x2ad: {  	v10 =	vadd.f32 s1, v0;
	s0 =	sadd.s32 $0xFFFFFFD0, s19;
	s1 =	sand.u32 $0xF80, s16;
	s16 =	sand.u32 $0x60, s2;
	v26 =	vshra.s32 v26, $0x16;
	v9 =	vsub.f32 v5, v9;
	v5 =	vmovc v8;
	v28 =	vld [tilespmem:s24+$0x1A400];
	[tilespmem:s14+$0x1F800] =	vst v7  }
0x2ae: {  	s4 =	sadd.s32 $0x6, s4;
	v6 =	vmax.f32 v6, $0.0e+00;
	s2 =	scvt.s32.f32 s2;
	s8 =	sand.u32 $0x60, s0;
	v8 =	vmul.u32 $0xFFFFFFA4, v26;
	v12 =	vsub.f32 v20, v12;
	[tilespmem:s28+$0x1F200] =	vst v24;
	v24 =	vld [tilespmem:s21+$0x1C800]  }
0x2af: {  	s20 =	scvt.s32.f32 s20;
	v6 =	vmin.f32 v6, $3.830000000e+02;
	s1 =	sor.u32 s8, s1;
	s8 =	sand.u32 $0x70, s17;
	v10 =	vadd.f32 v13, v10;
	v7 =	vld.idx.msk [tilespmem:v15+s26+$0x0], $0xffff;
	v13 =	vcvt.f32.s32 v22;
	[tilespmem:s7+$0x1F800] =	vst v9  }
0x2b0: {  	p0 =	slt.u32 s4, $0x12;
	v20 =	vadd.f32 s30, v0;
	s14 =	smov.u32 s28;
	s8 =	sor.u32 s8, s18;
	v8 =	vadd.s32 v18, v8;
	v9 =	vadd.f32 $8.388608000e+06, v6;
	v15 =	vld.idx.msk [tilespmem:v19+s3+$0x0], $0xffff;
	[tilespmem:s13+$0x1F800] =	vst v12  }
0x2b1: {  	s17 =	scvt.s32.f32 s17;
	s28 =	smov.u32 s24;
	v6 =	vadd.f32 s2, v0;
	v12 =	vadd.f32 s20, v0;
	v8 =	vmul.u32 $0x180, v8;
	s13 =	smov.u32 s29;
	v18 =	vld.idx.msk [tilespmem:v21+s3+$0x0], $0xffff  }
0x2b2: {  	v27 =	vcvt.f32.s32 v27;
	s0 =	scvt.s32.f32 s0;
	s7 =	smov.u32 s5;
	v22 =	vadd.f32 v25, v3;
	s29 =	smov.u32 s11;
	v26 =	vadd.f32 $-8.388608000e+06, v9;
	v25 =	vld [tilespmem:s1+$0x1A400]  }
0x2b3: {  	s5 =	smov.u32 s1;
	v30 =	vadd.f32 s17, v0;
	s11 =	smov.u32 s21;
	s21 =	smov.u32 s8;
	v11 =	vadd.f32 v11, v3;
	v9 =	vadd.s32 v14, v8;
	v29 =	vld [tilespmem:s1+$0x1B000]  }
0x2b4: {  	v8 =	vmax.f32 v10, $0.0e+00;
	v10 =	vadd.f32 s0, v0;
	s0 =	smov.u32 s23;
	v26 =	vtrunc.f32 v26;
	v14 =	vld [tilespmem:s6+$0x1C800]  }
0x2b5: {  	v8 =	vmin.f32 v8, $3.830000000e+02;
	v11 =	vmax.f32 v11, $0.0e+00;
	v26 =	vcvt.f32.s32 v26;
	v31 =	vld [tilespmem:s21+$0x1B000]  }
0x2b6: {  	v22 =	vmax.f32 v22, $0.0e+00;
	v28 =	vadd.f32 v28, v3;
	v15 =	vsub.f32 v24, v15;
	v32 =	vld [tilespmem:s28+$0x1B000]  }
0x2b7: {  	v34 =	vmul.u32 $0xB217, v13;
	v11 =	vmin.f32 v11, $3.830000000e+02;
	v24 =	vadd.f32 $8.388608000e+06, v8;
	v33 =	vld [tilespmem:s21+$0x1A400]  }
0x2b8: {  	v28 =	vmax.f32 v28, $0.0e+00;
	v10 =	vadd.f32 v29, v10;
	v8 =	vld [tilespmem:s5+$0x1D400];
	v29 =	vadd.f32 $8.388608000e+06, v11;
	[tilespmem:s11+$0x1EC00] =	vst v15  }
0x2b9: {  	v15 =	vadd.f32 $-8.388608000e+06, v24;
	v24 =	vmin.f32 v28, $3.830000000e+02;
	v11 =	vld [tilespmem:s28+$0x1D400];
	v14 =	vsub.f32 v14, v18  }
0x2ba: {  	v18 =	vadd.f32 $8.388608000e+06, v24;
	v24 =	vmax.f32 v10, $0.0e+00;
	v10 =	vadd.f32 $-8.388608000e+06, v29  }
0x2bb: {  	v28 =	vmin.f32 v22, $3.830000000e+02;
	v22 =	vtrunc.f32 v15;
	[tilespmem:s6+$0x1EC00] =	vst v14;
	v14 =	vmul.u32 $0x180, v23  }
0x2bc: {  	v23 =	vadd.f32 $-8.388608000e+06, v18;
	v15 =	vadd.f32 v32, v12;
	v12 =	vshra.s32 v34, $0x16  }
0x2bd: {  	v29 =	vadd.f32 v31, v30;
	v18 =	vadd.f32 v33, v3;
	v31 =	vmul.u32 $0xFFFFFFA4, v12;
	v30 =	vld.idx.msk [tilespmem:v21+s25+$0x0], $0xffff  }
0x2be: {  	v25 =	vadd.f32 v25, v3;
	v32 =	vmax.f32 v10, v1;
	v12 =	vmax.f32 v23, v1  }
0x2bf: {  	v33 =	vmin.f32 v12, v2;
	v18 =	vmax.f32 v18, $0.0e+00;
	v12 =	vadd.s32 v27, v14;
	v34 =	vld [tilespmem:s6+$0x1CE00]  }
0x2c0: {  	v25 =	vmax.f32 v25, $0.0e+00;
	v13 =	vadd.s32 v13, v31;
	v14 =	vtrunc.f32 v33;
	v27 =	vld [tilespmem:s6+$0x1D400]  }
0x2c1: {  	v18 =	vmin.f32 v18, $3.830000000e+02;
	v13 =	vmul.u32 $0x180, v13;
	v14 =	vcvt.f32.s32 v14;
	v31 =	vld [tilespmem:s13+$0x1C800]  }
0x2c2: {  	v25 =	vmin.f32 v25, $3.830000000e+02;
	v15 =	vmax.f32 v15, $0.0e+00;
	v18 =	vadd.f32 $8.388608000e+06, v18;
	v33 =	vld.idx.msk [tilespmem:v19+s25+$0x0], $0xffff  }
0x2c3: {  	v15 =	vmin.f32 v15, $3.830000000e+02;
	v26 =	vadd.s32 v26, v13;
	v35 =	vmul.u32 $0xB217, v14;
	v36 =	vld [tilespmem:s11+$0x1CE00]  }
0x2c4: {  	v13 =	vadd.f32 $-8.388608000e+06, v18;
	v18 =	vmax.f32 v29, $0.0e+00;
	v29 =	vsub.f32 v34, v30;
	v30 =	vld.idx.msk [tilespmem:v9+s3+$0x0], $0xffff  }
0x2c5: {  	v15 =	vadd.f32 $8.388608000e+06, v15;
	v18 =	vmin.f32 v18, $3.830000000e+02;
	v34 =	vshra.s32 v35, $0x16;
	v35 =	vld.idx.msk [tilespmem:v12+s3+$0x0], $0xffff  }
0x2c6: {  	v24 =	vmin.f32 v24, $3.830000000e+02;
	v37 =	vmax.f32 v13, v1;
	v34 =	vmul.u32 $0xFFFFFFA4, v34;
	[tilespmem:s6+$0x1F200] =	vst v29;
	v29 =	vld [tilespmem:s7+$0x1C800]  }
0x2c7: {  	v24 =	vadd.f32 $8.388608000e+06, v24;
	v18 =	vadd.f32 $8.388608000e+06, v18;
	v37 =	vmin.f32 v37, v2;
	v21 =	vld.idx.msk [tilespmem:v21+s26+$0x0], $0xffff  }
0x2c8: {  	v15 =	vadd.f32 $-8.388608000e+06, v15;
	v14 =	vadd.s32 v14, v34;
	v33 =	vsub.f32 v36, v33;
	v34 =	vld.idx.msk [tilespmem:v26+s3+$0x0], $0xffff  }
0x2c9: {  	v32 =	vmin.f32 v32, v2;
	v36 =	vmul.u32 $0x180, v14;
	v14 =	vtrunc.f32 v37;
	v37 =	vld [tilespmem:s0+$0x1C800]  }
0x2ca: {  	v25 =	vadd.f32 $8.388608000e+06, v25;
	v24 =	vadd.f32 $-8.388608000e+06, v24;
	v38 =	vcvt.f32.s32 v14;
	v39 =	vld [tilespmem:s29+$0x1B000];
	[tilespmem:s11+$0x1F200] =	vst v33  }
0x2cb: {  	v14 =	vtrunc.f32 v15;
	v33 =	vadd.f32 $-8.388608000e+06, v18;
	v15 =	vsub.f32 v29, v30;
	v18 =	vld.idx.msk [tilespmem:v19+s26+$0x0], $0xffff  }
0x2cc: {  	s23 =	sor.u32 s16, s15;
	v19 =	vtrunc.f32 v24;
	v24 =	vmul.u32 $0xB217, v38;
	v29 =	vsub.f32 v31, v35  }
0x2cd: {  	v28 =	vadd.f32 $8.388608000e+06, v28;
	v30 =	vcvt.f32.s32 v14;
	v21 =	vsub.f32 v27, v21;
	v31 =	vld [tilespmem:s23+$0x1A400];
	[tilespmem:s7+$0x1EC00] =	vst v15  }
0x2ce: {  	v14 =	vcvt.f32.s32 v19;
	v15 =	vshra.s32 v24, $0x16;
	v24 =	vld [tilespmem:s23+$0x1B000];
	v19 =	vsub.f32 v37, v34;
	[tilespmem:s13+$0x1EC00] =	vst v29  }
0x2cf: {  	v28 =	vadd.f32 $-8.388608000e+06, v28;
	v25 =	vadd.f32 $-8.388608000e+06, v25;
	v27 =	vmul.u32 $0xFFFFFFA4, v15;
	[tilespmem:s6+$0x1F800] =	vst v21;
	v21 =	vld.idx.msk [tilespmem:v12+s25+$0x0], $0xffff;
	s6 =	smov.u32 s31  }
0x2d0: {  	v15 =	vadd.s32 v30, v36;
	v29 =	vtrunc.f32 v33;
	v20 =	vadd.f32 v39, v20;
	[tilespmem:s0+$0x1EC00] =	vst v19;
	v30 =	vld [tilespmem:s13+$0x1CE00]  }
0x2d1: {  	v17 =	vmax.f32 v17, v28;
	v33 =	vmax.f32 v28, v1;
	v19 =	vadd.s32 v38, v27;
	v34 =	vld.idx.msk [tilespmem:v26+s25+$0x0], $0xffff  }
0x2d2: {  	v19 =	vmul.u32 $0x180, v19;
	v27 =	vmax.f32 v20, $0.0e+00;
	v31 =	vadd.f32 v31, v3;
	v35 =	vld [tilespmem:s7+$0x1CE00]  }
0x2d3: {  	v16 =	vmin.f32 v16, v28;
	v28 =	vtrunc.f32 v32;
	v20 =	vmin.f32 v33, v2;
	v33 =	vld [tilespmem:s0+$0x1CE00]  }
0x2d4: {  	v16 =	vmin.f32 v16, v23;
	v20 =	vtrunc.f32 v20;
	v32 =	vmax.f32 v31, $0.0e+00;
	v36 =	vld.idx.msk [tilespmem:v9+s25+$0x0], $0xffff  }
0x2d5: {  	v17 =	vmax.f32 v17, v23;
	v37 =	vcvt.f32.s32 v20;
	v31 =	vmax.f32 v25, v1;
	v38 =	vld.idx.msk [tilespmem:v15+s3+$0x0], $0xffff  }
0x2d6: {  	v16 =	vmin.f32 v16, v25;
	v23 =	vcvt.f32.s32 v28;
	v20 =	vmin.f32 v32, $3.830000000e+02;
	v39 =	vld [tilespmem:s28+$0x1C800]  }
0x2d7: {  	v40 =	vmul.u32 $0xB217, v37;
	v32 =	vcvt.f32.s32 v29;
	v20 =	vadd.f32 $8.388608000e+06, v20  }
0x2d8: {  	v28 =	vmax.f32 v17, v25;
	v25 =	vmul.u32 $0xB217, v23;
	v21 =	vsub.f32 v30, v21  }
.Ltmp17:
0x2d9: {  	v29 =	vshra.s32 v40, $0x16;
	v17 =	vadd.f32 $-8.388608000e+06, v20;
	v30 =	vsub.f32 v33, v34;
	v20 =	vld [tilespmem:s13+$0x1D400];
	(pc) =	sbr.rel @p0 .LBB2_18-.Ltmp17, $4  }
0x2da: {  	v40 =	vshra.s32 v25, $0x16;
	v33 =	vmul.u32 $0xFFFFFFA4, v29;
	v29 =	vmin.f32 v16, v13;
	v16 =	vld [tilespmem:s11+$0x1D400];
	[tilespmem:s13+$0x1F200] =	vst v21  }
0x2db: {  	v34 =	vsub.f32 v35, v36;
	v21 =	vmax.f32 v17, v1;
	v38 =	vsub.f32 v39, v38;
	[tilespmem:s0+$0x1F200] =	vst v30;
	v25 =	vld [tilespmem:s0+$0x1D400]  }
0x2dc: {  	v33 =	vadd.s32 v37, v33;
	v36 =	vmin.f32 v21, v2;
	v30 =	vmul.u32 $0xFFFFFFA4, v40;
	v26 =	vld.idx.msk [tilespmem:v26+s26+$0x0], $0xffff  }
0x2dd: {  	s19 =	sadd.s32 $0x60, s19;
	v21 =	vcvt.f32.s32 v22;
	v35 =	vmul.u32 $0x180, v33;
	v22 =	vtrunc.f32 v36;
	[tilespmem:s28+$0x1EC00] =	vst v38;
	v33 =	vld [tilespmem:s28+$0x1CE00]  }
0x2de: {  	_ =	sdelay $0x1  }
0x2df: {  	v6 =	vadd.f32 v24, v6  }
0x2e0: {  	v54 =	vmin.f32 v31, v2;
	v22 =	vcvt.f32.s32 v22  }
0x2e1: {  	v56 =	vld.idx.msk [tilespmem:v15+s25+$0x0], $0xffff;
	v21 =	vadd.s32 v21, v35;
	v24 =	vtrunc.f32 v54;
	v6 =	vmax.f32 v6, $0.0e+00  }
0x2e2: {  	v38 =	vld [tilespmem:s6+$0x1C800];
	v24 =	vcvt.f32.s32 v24;
	v55 =	vmul.u32 $0xB217, v22;
	v6 =	vmin.f32 v6, $3.830000000e+02  }
0x2e3: {  	v27 =	vmin.f32 v27, $3.830000000e+02;
	v12 =	vld.idx.msk [tilespmem:v12+s26+$0x0], $0xffff;
	v6 =	vadd.f32 $8.388608000e+06, v6  }
0x2e4: {  	v59 =	vld [tilespmem:s21+$0x1C800];
	v27 =	vadd.f32 $8.388608000e+06, v27;
	v36 =	vmul.u32 $0xB217, v24;
	v31 =	vshra.s32 v55, $0x16  }
0x2e5: {  	v19 =	vadd.s32 v32, v19;
	v39 =	vld [tilespmem:s23+$0x1C800];
	v31 =	vmul.u32 $0xFFFFFFA4, v31;
	v6 =	vadd.f32 $-8.388608000e+06, v6  }
0x2e6: {  	v23 =	vadd.s32 v23, v30;
	v27 =	vadd.f32 $-8.388608000e+06, v27;
	v37 =	vld.idx.msk [tilespmem:v21+s3+$0x0], $0xffff;
	v57 =	vshra.s32 v36, $0x16  }
0x2e7: {  	v44 =	vld [tilespmem:s5+$0x1C800];
	v32 =	vmul.u32 $0xFFFFFFA4, v57;
	v22 =	vadd.s32 v22, v31;
	v6 =	vtrunc.f32 v6  }
0x2e8: {  	v45 =	vld [tilespmem:s6+$0x1CE00];
	v27 =	vtrunc.f32 v27;
	v22 =	vmul.u32 $0x180, v22;
	v6 =	vcvt.f32.s32 v6  }
0x2e9: {  	v46 =	vld [tilespmem:s6+$0x1D400];
	v23 =	vmul.u32 $0x180, v23;
	v61 =	vcvt.f32.s32 v27;
	v24 =	vadd.s32 v24, v32  }
0x2ea: {  	v49 =	vld [tilespmem:s21+$0x1CE00];
	v24 =	vmul.u32 $0x180, v24;
	v6 =	vadd.s32 v6, v22  }
0x2eb: {  	v51 =	vld [tilespmem:s23+$0x1CE00];
	v36 =	vmin.f32 v29, v17;
	v60 =	vsub.f32 v38, v37;
	v22 =	vadd.s32 v61, v23  }
0x2ec: {  	v13 =	vmax.f32 v28, v13;
	v62 =	vld.idx.msk [tilespmem:v19+s3+$0x0], $0xffff;
	v23 =	vmin.f32 v36, v10;
	v14 =	vadd.s32 v14, v24  }
0x2ed: {  	v13 =	vmax.f32 v13, v17;
	v37 =	vld [tilespmem:s29+$0x1C800];
	(xrf0) =	vmin.scan.msk.f32 $0xffff, v23;
	[tilespmem:s6+$0x1EC00] =	vst v60  }
0x2ee: {  	v40 =	vmax.f32 v13, v10;
	v63 =	vld.idx.msk [tilespmem:v21+s25+$0x0], $0xffff  }
0x2ef: {  	v4 =	vsub.f32 v4, v7;
	(xrf0) =	vmax.scan.msk.f32 $0xffff, v40;
	v38 =	vld.idx.msk [tilespmem:v6+s3+$0x0], $0xffff  }
0x2f0: {  	[tilespmem:s7+$0x1F200] =	vst v34;
	v16 =	vsub.f32 v16, v18;
	v42 =	vld.idx.msk [tilespmem:v22+s3+$0x0], $0xffff  }
0x2f1: {  	[tilespmem:s14+$0x1F800] =	vst v4;
	v58 =	vsub.f32 v33, v56;
	v41 =	vld.idx.msk [tilespmem:v14+s3+$0x0], $0xffff  }
0x2f2: {  	v53 =	vld [tilespmem:s5+$0x1CE00];
	[tilespmem:s11+$0x1F800] =	vst v16;
	v43 =	vsub.f32 v59, v62  }
0x2f3: {  	v9 =	vld.idx.msk [tilespmem:v9+s26+$0x0], $0xffff;
	[tilespmem:s28+$0x1F200] =	vst v58;
	v47, _, _ =	vpop (xrf0);
	v24 =	vsub.f32 v45, v63  }
0x2f4: {  	v56 =	vld [tilespmem:s29+$0x1CE00];
	[tilespmem:s21+$0x1EC00] =	vst v43;
	(v2sf) =	vpush v47, $0xF;
	v17 =	vsub.f32 v39, v38  }
0x2f5: {  	v48 =	vld.idx.msk [tilespmem:v19+s25+$0x0], $0xffff;
	v50, _, _ =	vpop (xrf0);
	v23 =	vsub.f32 v37, v42;
	[tilespmem:s6+$0x1F200] =	vst v24  }
0x2f6: {  	(v2sf) =	vpush v50, $0xF;
	v13 =	vsub.f32 v44, v41;
	v21 =	vld.idx.msk [tilespmem:v21+s26+$0x0], $0xffff;
	[tilespmem:s23+$0x1EC00] =	vst v17  }
0x2f7: {  	v12 =	vsub.f32 v20, v12;
	[tilespmem:s29+$0x1EC00] =	vst v23;
	v17 =	vld.idx.msk [tilespmem:v6+s25+$0x0], $0xffff  }
0x2f8: {  	v5 =	vsub.f32 v5, v9;
	[tilespmem:s5+$0x1EC00] =	vst v13;
	v52 =	vld.idx.msk [tilespmem:v22+s25+$0x0], $0xffff  }
0x2f9: {  	v57 =	vsub.f32 v25, v26;
	[tilespmem:s13+$0x1F800] =	vst v12;
	v55 =	vld.idx.msk [tilespmem:v14+s25+$0x0], $0xffff  }
0x2fa: {  	[tilespmem:s7+$0x1F800] =	vst v5;
	v54 =	vsub.f32 v49, v48  }
0x2fb: {  	[tilespmem:s0+$0x1F800] =	vst v57;
	v5 =	vsub.f32 v46, v21  }
0x2fc: {  	[tilespmem:s21+$0x1F200] =	vst v54;
	v17 =	vsub.f32 v51, v17  }
0x2fd: {  	v4 =	vsub.f32 v56, v52;
	[tilespmem:s6+$0x1F800] =	vst v5  }
0x2fe: {  	v59 =	vsub.f32 v53, v55;
	[tilespmem:s23+$0x1F200] =	vst v17  }
0x2ff: {  	v58 =	vld [tilespmem:s21+$0x1D400];
	[tilespmem:s29+$0x1F200] =	vst v4  }
0x300: {  	v15 =	vld.idx.msk [tilespmem:v15+s26+$0x0], $0xffff;
	[tilespmem:s5+$0x1F200] =	vst v59  }
0x301: {  	v61 =	vld [tilespmem:s29+$0x1D400];
	s1 =	sld [smem:$0x7EC]  }
0x302: {  	v19 =	vld.idx.msk [tilespmem:v19+s26+$0x0], $0xffff  }
0x303: {  	v60 =	vld [tilespmem:s23+$0x1D400];
	s31 =	spop (v2sf)  }
0x304: {  	v6 =	vld.idx.msk [tilespmem:v6+s26+$0x0], $0xffff;
	p0 =	slt.f32 s31, s1  }
0x305: {  	v4 =	vld.idx.msk [tilespmem:v14+s26+$0x0], $0xffff;
	s0 =	spop (v2sf)  }
0x306: {  	v62 =	vld.idx.msk [tilespmem:v22+s26+$0x0], $0xffff;
	p1 =	sgt.f32 @!p0 s0, s9  }
0x307: {  	v7 =	vsub.f32 v58, v19  }
0x308: {  	v63 =	vsub.f32 v11, v15;
	p1 =	por p0, p1  }
.Ltmp18:
0x309: {  	[tilespmem:s21+$0x1F800] =	vst v7;
	v5 =	vsub.f32 v60, v6;
	(pc) =	sbr.rel @!p1 .LBB2_29-.Ltmp18, $4  }
0x30a: {  	[tilespmem:s28+$0x1F800] =	vst v63;
	v4 =	vsub.f32 v8, v4  }
0x30b: {  	[tilespmem:s23+$0x1F800] =	vst v5;
	v5 =	vsub.f32 v61, v62  }
0x30c: {  	[tilespmem:s5+$0x1F800] =	vst v4  }
0x30d: {  	[tilespmem:s29+$0x1F800] =	vst v5  }
0x30e: {  	s6 =	simm.s32 $0x0  }
0x30f: {  	s6 =	simm.s32 @p0 $0x0  }
0x310: {  	p1 =	sne.s32 s6, $0x170  }
.Ltmp19:
0x311: {  	_ = 	snop;
	(pc) =	sbr.rel @!p1 .LBB2_21-.Ltmp19, $4  }
0x312: {  	_ = 	snop  }
0x313: {  	s0 =	simm.s32 $0x1FE00  }
0x314: {  	s0 =	simm.s32 @p0 $0x1FE00  }
0x315: {  	p0 =	por $0x0, $0x0;
	s7 =	sadd.s32 s6, s10;
	s4 =	sadd.s32 $0x10, s6  }
0x316: {  	s1 =	sand.u32 $0xF80, s7;
	s2 =	sand.u32 $0x70, s6  }
0x317: {  	s1 =	sor.u32 s2, s1  }
0x318: {  	v4 =	vld [tilespmem:s1+$0x1A400];
	_ =	sdelay $0x1  }
0x319: {  	v5 =	vld [tilespmem:s1+$0x1B000]  }
0x31a: {  	s31 =	scvt.s32.f32 s6;
	_ =	sdelay $0x1  }
0x31b: {  	v6 =	vadd.f32 s31, v0;
	v4 =	vadd.f32 v4, v3;
	_ =	sdelay $0x1  }
0x31c: {  	v5 =	vadd.f32 v5, v6;
	v4 =	vmax.f32 v4, $0.0e+00  }
0x31d: {  	v4 =	vmin.f32 v4, $3.830000000e+02  }
0x31e: {  	v5 =	vmax.f32 v5, $0.0e+00;
	v4 =	vadd.f32 $8.388608000e+06, v4  }
0x31f: {  	v5 =	vmin.f32 v5, $3.830000000e+02  }
0x320: {  	v5 =	vadd.f32 $8.388608000e+06, v5;
	v4 =	vadd.f32 $-8.388608000e+06, v4;
	_ =	sdelay $0x1  }
0x321: {  	p1 =	sne.s32 s4, $0x170;
	v5 =	vadd.f32 $-8.388608000e+06, v5;
	v4 =	vmul.f32 $3.840000000e+02, v4  }
.Ltmp20:
0x322: {  	_ = 	snop;
	(pc) =	sbr.rel @!p1 .LBB2_23-.Ltmp20, $3  }
0x323: {  	v4 =	vadd.f32 v5, v4;
	_ =	sdelay $0x1  }
0x324: {  	s7 =	sadd.s32 s4, s10;
	v4 =	vtrunc.f32 v4  }
0x325: {  	s6 =	sadd.s32 $0x10, s4;
	p0 =	por $0x1, $0x1;
	s5 =	smov.u32 s0;
	v4 =	vcvt.f32.s32 v4  }
.LBB2_24:
0x326: {  	p1 =	sne.s32 s6, $0x170;
	s1 =	sand.u32 $0xF80, s7;
	s2 =	sand.u32 $0x70, s4  }
0x327: {  	s1 =	sor.u32 s2, s1;
	[tilespmem:s5+$0x0] =	vst v4  }
0x328: {  	v4 =	vld [tilespmem:s1+$0x1A400];
	_ =	sdelay $0x1  }
0x329: {  	v5 =	vld [tilespmem:s1+$0x1B000]  }
0x32a: {  	s1 =	scvt.s32.f32 s4;
	s4 =	smov.u32 s6;
	_ =	sdelay $0x1  }
0x32b: {  	v6 =	vadd.f32 s1, v0;
	v4 =	vadd.f32 v4, v3;
	_ =	sdelay $0x1  }
0x32c: {  	v4 =	vmax.f32 v4, $0.0e+00;
	v5 =	vadd.f32 v5, v6  }
0x32d: {  	v4 =	vmin.f32 v4, $3.830000000e+02  }
0x32e: {  	v4 =	vadd.f32 $8.388608000e+06, v4;
	v5 =	vmax.f32 v5, $0.0e+00  }
0x32f: {  	v5 =	vmin.f32 v5, $3.830000000e+02  }
0x330: {  	v4 =	vadd.f32 $-8.388608000e+06, v4;
	v5 =	vadd.f32 $8.388608000e+06, v5;
	_ =	sdelay $0x1  }
0x331: {  	v5 =	vadd.f32 $-8.388608000e+06, v5;
	v4 =	vmul.f32 $3.840000000e+02, v4  }
.Ltmp21:
0x332: {  	(pc) =	sbr.rel @p1 .LBB2_24-.Ltmp21, $3  }
0x333: {  	v4 =	vadd.f32 v5, v4;
	_ =	sdelay $0x1  }
0x334: {  	v4 =	vtrunc.f32 v4  }
0x335: {  	s5 =	sadd.s32 $0x10, s5;
	s6 =	sadd.s32 $0x10, s6;
	s7 =	sadd.s32 s4, s10;
	v4 =	vcvt.f32.s32 v4  }
0x336: {  	s6 =	smov.u32 s4  }
.LBB2_26:
0x337: {  	s1 =	sand.u32 $0xF80, s7;
	s2 =	sand.u32 $0x70, s6  }
0x338: {  	[tilespmem:s5+$0x0] =	vst @p0 v4;
	s1 =	sor.u32 s2, s1  }
0x339: {  	v4 =	vld [tilespmem:s1+$0x1A400];
	_ =	sdelay $0x1  }
0x33a: {  	v5 =	vld [tilespmem:s1+$0x1B000]  }
0x33b: {  	s16 =	scvt.s32.f32 s6;
	_ =	sdelay $0x1  }
0x33c: {  	v3 =	vadd.f32 v4, v3;
	v4 =	vadd.f32 s16, v0;
	_ =	sdelay $0x1  }
0x33d: {  	v3 =	vmax.f32 v3, $0.0e+00;
	v4 =	vadd.f32 v5, v4  }
0x33e: {  	v3 =	vmin.f32 v3, $3.830000000e+02  }
0x33f: {  	v3 =	vadd.f32 $8.388608000e+06, v3;
	v4 =	vmax.f32 v4, $0.0e+00  }
0x340: {  	v4 =	vmin.f32 v4, $3.830000000e+02  }
0x341: {  	v3 =	vadd.f32 $-8.388608000e+06, v3;
	v4 =	vadd.f32 $8.388608000e+06, v4;
	_ =	sdelay $0x1  }
0x342: {  	v4 =	vadd.f32 $-8.388608000e+06, v4;
	v3 =	vmul.f32 $3.840000000e+02, v3;
	_ =	sdelay $0x1  }
0x343: {  	v3 =	vadd.f32 v4, v3;
	_ =	sdelay $0x1  }
0x344: {  	v3 =	vtrunc.f32 v3  }
0x345: {  	s1 =	sadd.s32 @p0 $0x10, s5;
	v3 =	vcvt.f32.s32 v3  }
0x346: {  	s17 =	sadd.s32 $0x1EC00, s22;
	s0 =	smov.u32 @p0 s1  }
0x347: {  	s18 =	rddreg [dreg:$0xe];
	s19 =	simm.s32 $0x1FE00;
	s4 =	simm.s32 $0x180;
	[tilespmem:s0+$0x0] =	vst v3  }
0x348: {  	[tilespmem:s17], [sflag:$0x6] =	stream.indirect.gather [hbm4b:s18+s4], $0x1, s19, s4, $0xb8;
	[tilespmem:$0x1FF80] =	vst v63  }
0x349: {  	s20 =	sadd.s32 $0x1F200, s22;
	s21 =	rddreg [dreg:$0xf]  }
0x34a: {  	[tilespmem:s20], [sflag:$0x6] =	stream.indirect.gather [hbm4b:s21+s4], $0x1, s19, s4, $0xb8;
	[tilespmem:$0x1FF80] =	vst v63  }
0x34b: {  	s22 =	sadd.s32 $0x1F800, s22;
	s23 =	rddreg [dreg:$0x10];
	s24 =	simm.s32 $0x6  }
0x34c: {  	[tilespmem:s22], [sflag:$0x6] =	stream.indirect.gather [hbm4b:s23+s4], $0x1, s19, s4, $0xb8;
	[tilespmem:$0x1FF80] =	vst v63  }
0x34d: {  	_ =	swait.ge [sflag:s24], $0x180  }
0x34e: {  	[sflag:s24] =	ssyncset.done $0x0  }
0x34f: {  	[sflag:s24] =	ssyncadd.s32 $0xFFFFFE80  }
0x350: {  	_ =	swait.ge [sflag:s24], $0x180  }
0x351: {  	[sflag:s24] =	ssyncset.done $0x0  }
0x352: {  	[sflag:s24] =	ssyncadd.s32 $0xFFFFFE80  }
0x353: {  	s28 =	simm.s32 $0x0;
	s29 =	sadd.s32 $0x0, s10;
	_ =	swait.ge [sflag:s24], $0x180  }
0x354: {  	s1 =	sand.u32 $0xF80, s29;
	s0 =	sand.u32 $0x70, s28;
	[sflag:s24] =	ssyncset.done $0x0  }
0x355: {  	s0 =	sor.u32 s0, s1;
	[sflag:s24] =	ssyncadd.s32 $0xFFFFFE80  }
0x356: {  	v4 =	vld [tilespmem:s0+$0x1C800]  }
0x357: {  	v6 =	vld [tilespmem:s0+$0x1CE00]  }
0x358: {  	v7 =	vld [tilespmem:s0+$0x1D400]  }
0x359: {  	v5 =	vld [tilespmem:s0+$0x1EC00]  }
0x35a: {  	v8 =	vld [tilespmem:s0+$0x1F200]  }
0x35b: {  	s30 =	simm.s32 $0x10;
	s31 =	sadd.s32 $0x10, s10;
	v9 =	vld [tilespmem:s0+$0x1F800]  }
0x35c: {  	s2 =	sand.u32 $0xF80, s31;
	s1 =	sand.u32 $0x70, s30  }
0x35d: {  	s4 =	sor.u32 s1, s2  }
0x35e: {  	v3 =	vld [tilespmem:s4+$0x1C800];
	v10 =	vsub.f32 v4, v5  }
0x35f: {  	v5 =	vld [tilespmem:s4+$0x1CE00];
	v6 =	vsub.f32 v6, v8  }
0x360: {  	s5 =	simm.s32 $0x20;
	v4 =	vld [tilespmem:s4+$0x1D400];
	v7 =	vsub.f32 v7, v9;
	[tilespmem:s0+$0x1EC00] =	vst v10  }
.LBB2_27:
0x361: {  	p0 =	sne.s32 s5, $0x170;
	v8 =	vld [tilespmem:s4+$0x1EC00];
	[tilespmem:s0+$0x1F200] =	vst v6  }
0x362: {  	v6 =	vld [tilespmem:s4+$0x1F200];
	[tilespmem:s0+$0x1F800] =	vst v7;
	s0 =	smov.u32 s4  }
0x363: {  	s1 =	sadd.s32 s5, s10;
	v7 =	vld [tilespmem:s0+$0x1F800]  }
.Ltmp22:
0x364: {  	s2 =	sand.u32 $0x70, s5;
	s1 =	sand.u32 $0xF80, s1;
	(pc) =	sbr.rel @p0 .LBB2_27-.Ltmp22, $4  }
0x365: {  	s4 =	sor.u32 s2, s1  }
0x366: {  	v8 =	vsub.f32 v3, v8;
	v3 =	vld [tilespmem:s4+$0x1C800]  }
0x367: {  	v6 =	vsub.f32 v5, v6;
	v5 =	vld [tilespmem:s4+$0x1CE00]  }
0x368: {  	s5 =	sadd.s32 $0x10, s5;
	[tilespmem:s0+$0x1EC00] =	vst v8;
	v7 =	vsub.f32 v4, v7;
	v4 =	vld [tilespmem:s4+$0x1D400]  }
0x369: {  	v8 =	vld [tilespmem:s4+$0x1EC00];
	[tilespmem:s0+$0x1F200] =	vst v6  }
0x36a: {  	v6 =	vld [tilespmem:s4+$0x1F200];
	[tilespmem:s0+$0x1F800] =	vst v7  }
0x36b: {  	v7 =	vld [tilespmem:s4+$0x1F800];
	_ =	sdelay $0x2  }
.Ltmp23:
0x36c: {  	v3 =	vsub.f32 v3, v8;
	(pc) =	sbr.rel .LBB2_29-.Ltmp23, $4  }
0x36d: {  	v5 =	vsub.f32 v5, v6  }
0x36e: {  	[tilespmem:s4+$0x1EC00] =	vst v3;
	v3 =	vsub.f32 v4, v7  }
0x36f: {  	[tilespmem:s4+$0x1F200] =	vst v5  }
0x370: {  	[tilespmem:s4+$0x1F800] =	vst v3  }
.LBB2_21:
.Ltmp24:
0x371: {  	(pc) =	sbr.rel .LBB2_26-.Ltmp24, $2  }
0x372: {  	_ =	sdelay $0x2  }
0x373: {  	s5 =	smov.u32 s0  }
.LBB2_23:
.Ltmp25:
0x374: {  	(pc) =	sbr.rel .LBB2_26-.Ltmp25, $2  }
0x375: {  	_ =	sdelay $0x2  }
0x376: {  	s6 =	smov.u32 s4;
	s5 =	smov.u32 s0  }
.LBB2_30:
0x377: {  	s0 =	sld [smem:$0x7E7];
	_ =	sdelay $0x2  }
0x378: {  	s0 =	smul.u32 $0x600, s0  }
0x379: {  	s1 =	rddreg [dreg:$0x6]  }
0x37a: {  	s1 =	sadd.s32 s1, s0  }
0x37b: {  	s2 =	rddreg [dreg:$0x4];
	s19 =	simm.s32 $0x0;
	s1 =	sshrl.u32 s1, $0x3  }
0x37c: {  	s4 =	simm.s32 $0x1EC00;
	s23 =	rddreg [dreg:$0x1b];
	s1 =	sadd.s32 s2, s1  }
0x37d: {  	[hbm4b:s1+s19] =	stream.linear.scatter [tilespmem:s4], [sflag:$0x5], $0x600, $0x38;
	[tilespmem:$0x1FF80] =	vst v63  }
0x37e: {  	s28 =	rddreg [dreg:$0x1f];
	s1 =	sadd.s32 s23, s0  }
0x37f: {  	s0 =	sadd.s32 s28, s0;
	s1 =	sshrl.u32 s1, $0x3  }
0x380: {  	s24 =	simm.s32 $0x1F200;
	s0 =	sshrl.u32 s0, $0x3;
	s1 =	sadd.s32 s2, s1  }
0x381: {  	[hbm4b:s1+s19] =	stream.linear.scatter [tilespmem:s24], [sflag:$0x5], $0x600, $0x38;
	[tilespmem:$0x1FF80] =	vst v63  }
0x382: {  	s29 =	simm.s32 $0x1F800;
	s30 =	simm.s32 $0x1;
	s0 =	sadd.s32 s2, s0  }
0x383: {  	[hbm4b:s0+s19] =	stream.linear.scatter [tilespmem:s29], [sflag:$0x5], $0x600, $0x38;
	[tilespmem:$0x1FF80] =	vst v63  }
0x384: {  	_ =	swait.ge [sflag:s30], $0x600  }
0x385: {  	[sflag:s30] =	ssyncset.done $0x0  }
0x386: {  	[sflag:s30] =	ssyncadd.s32 $0xFFFFFA00  }
0x387: {  	_ =	swait.ge [sflag:s30], $0x600  }
0x388: {  	[sflag:s30] =	ssyncset.done $0x0  }
0x389: {  	[sflag:s30] =	ssyncadd.s32 $0xFFFFFA00  }
0x38a: {  	_ =	swait.ge [sflag:s30], $0x600  }
0x38b: {  	[sflag:s30] =	ssyncset.done $0x0  }
0x38c: {  	s31 =	simm.s32 $0x2;
	[sflag:s30] =	ssyncadd.s32 $0xFFFFFA00  }
0x38d: {  	_ =	swait.ge [sflag:s31], $0x600  }
0x38e: {  	[sflag:s31] =	ssyncset.done $0x0  }
0x38f: {  	[sflag:s31] =	ssyncadd.s32 $0xFFFFFA00  }
0x390: {  	_ =	swait.ge [sflag:s31], $0x600  }
0x391: {  	[sflag:s31] =	ssyncset.done $0x0  }
0x392: {  	s2 =	simm.s32 $0x3;
	s6 =	sld [smem:$0x7EB];
	[sflag:s31] =	ssyncadd.s32 $0xFFFFFA00  }
0x393: {  	_ =	swait.ge [sflag:s2], $0x600  }
0x394: {  	[sflag:s2] =	ssyncset.done $0x0  }
0x395: {  	s1 =	smin.u32 s6, $0x14C;
	[sflag:s2] =	ssyncadd.s32 $0xFFFFFA00  }
0x396: {  	s0 =	sadd.s32 $0x30, s1;
	_ =	swait.ge [sflag:s2], $0x600  }
0x397: {  	s5 =	smulhi.u32 $0x2C8590C, s0;
	[sflag:s2] =	ssyncset.done $0x0  }
0x398: {  	s7 =	smul.u32 $0x180, s0;
	[sflag:s2] =	ssyncadd.s32 $0xFFFFFA00  }
0x399: {  	s1 =	smul.u32 $0x5C, s5;
	_ =	swait.ge [sflag:s2], $0x600  }
0x39a: {  	s8 =	rddreg [dreg:$0x5]  }
0x39b: {  	s0 =	ssub.s32 s0, s1;
	[sflag:s2] =	ssyncset.done $0x0;
	s1 =	sadd.s32 s8, s7  }
0x39c: {  	s5 =	rddreg [dreg:$0x3];
	s0 =	smul.u32 $0x180, s0;
	s1 =	sshrl.u32 s1, $0x3  }
0x39d: {  	s9 =	rddreg [dreg:$0x7];
	[sflag:s2] =	ssyncadd.s32 $0xFFFFFA00;
	s1 =	sadd.s32 s5, s1  }
0x39e: {  	[tilespmem:s0], [sflag:$0x1] =	stream.linear.gather [hbm4b:s1+s19], $0x600, $0x38;
	[tilespmem:$0x1FF80] =	vst v63  }
0x39f: {  	s1 =	sadd.s32 s9, s7  }
0x3a0: {  	s12 =	sld [smem:$0x7E9];
	s1 =	sshrl.u32 s1, $0x3  }
0x3a1: {  	s11 =	rddreg [dreg:$0x8];
	s10 =	sadd.s32 $0x8A00, s0;
	s1 =	sadd.s32 s5, s1  }
0x3a2: {  	[tilespmem:s10], [sflag:$0x1] =	stream.linear.gather [hbm4b:s1+s19], $0x600, $0x38;
	[tilespmem:$0x1FF80] =	vst v63  }
0x3a3: {  	s2 =	smul.u32 $0xC00, s12;
	s1 =	sadd.s32 s11, s7  }
0x3a4: {  	s14 =	rddreg [dreg:$0xa];
	s1 =	sshrl.u32 s1, $0x3  }
0x3a5: {  	s0 =	sadd.s32 $0x11400, s0;
	s13 =	sadd.s32 $0x1200, s2;
	s1 =	sadd.s32 s5, s1  }
0x3a6: {  	[tilespmem:s0], [sflag:$0x1] =	stream.linear.gather [hbm4b:s1+s19], $0x600, $0x38;
	[tilespmem:$0x1FF80] =	vst v63  }
0x3a7: {  	s1 =	sadd.s32 s14, s13  }
0x3a8: {  	s15 =	rddreg [dreg:$0x1];
	s1 =	sshrl.u32 s1, $0x3  }
0x3a9: {  	s16 =	simm.s32 $0x1A400;
	s17 =	rddreg [dreg:$0xd];
	s1 =	sadd.s32 s15, s1  }
0x3aa: {  	[tilespmem:s16], [sflag:$0x2] =	stream.linear.gather [hbm4b:s1+s19], $0x600, $0x38;
	[tilespmem:$0x1FF80] =	vst v63  }
0x3ab: {  	s1 =	sadd.s32 s17, s13  }
0x3ac: {  	s1 =	sshrl.u32 s1, $0x3  }
0x3ad: {  	s18 =	simm.s32 $0x1B000;
	s20 =	rddreg [dreg:$0x9];
	s1 =	sadd.s32 s15, s1  }
0x3ae: {  	[tilespmem:s18], [sflag:$0x2] =	stream.linear.gather [hbm4b:s1+s19], $0x600, $0x38;
	[tilespmem:$0x1FF80] =	vst v63  }
0x3af: {  	s1 =	sadd.s32 s20, s13  }
0x3b0: {  	s1 =	sshrl.u32 s1, $0x3  }
0x3b1: {  	s21 =	simm.s32 $0x1C800;
	s22 =	rddreg [dreg:$0xb];
	s1 =	sadd.s32 s5, s1  }
0x3b2: {  	[tilespmem:s21], [sflag:$0x3] =	stream.linear.gather [hbm4b:s1+s19], $0x600, $0x38;
	[tilespmem:$0x1FF80] =	vst v63  }
0x3b3: {  	s24 =	rddreg [dreg:$0xc];
	s1 =	sadd.s32 s22, s13  }
0x3b4: {  	s0 =	sadd.s32 s24, s13;
	s1 =	sshrl.u32 s1, $0x3  }
0x3b5: {  	s23 =	simm.s32 $0x1CE00;
	s0 =	sshrl.u32 s0, $0x3;
	s1 =	sadd.s32 s5, s1  }
0x3b6: {  	[tilespmem:s23], [sflag:$0x3] =	stream.linear.gather [hbm4b:s1+s19], $0x600, $0x38;
	[tilespmem:$0x1FF80] =	vst v63  }
0x3b7: {  	s28 =	simm.s32 $0x1D400;
	s29 =	simm.s32 $0x4;
	s0 =	sadd.s32 s5, s0  }
0x3b8: {  	[tilespmem:s28], [sflag:$0x3] =	stream.linear.gather [hbm4b:s0+s19], $0x600, $0x38;
	[tilespmem:$0x1FF80] =	vst v63  }
0x3b9: {  	_ =	swait.ge [sflag:s29], $0x600  }
0x3ba: {  	[sflag:s29] =	ssyncset.done $0x0  }
0x3bb: {  	[sflag:s29] =	ssyncadd.s32 $0xFFFFFA00  }
0x3bc: {  	s30 =	smax.u32 s6, $0x28;
	s31 =	smin.u32 s6, $0x150;
	_ =	swait.ge [sflag:s29], $0x600  }
.Ltmp26:
0x3bd: {  	s0 =	sadd.s32 $0xFFFFFFD8, s30;
	[sflag:s29] =	ssyncset.done $0x0;
	(pc) =	sbr.rel .LBB2_31-.Ltmp26, $4  }
0x3be: {  	s1 =	sadd.s32 $0x2F, s31;
	s0 =	scvt.s32.f32 s0;
	[sflag:s29] =	ssyncadd.s32 $0xFFFFFA00  }
0x3bf: {  	s1 =	scvt.s32.f32 s1;
	_ =	swait.ge [sflag:s29], $0x600  }
0x3c0: {  	[sflag:s29] =	ssyncset.done $0x0;
	[smem:$0x7E5] =	sst s0  }
0x3c1: {  	s9 =	simm.s32 $0x0;
	v2 =	vmov s1;
	v1 =	vmov s0;
	[smem:$0x7E6] =	sst s1;
	[sflag:s29] =	ssyncadd.s32 $0xFFFFFA00  }
.LBB2_43:
0x3c2: {  	s9 =	sadd.s32 $0x1, s9  }
0x3c3: {  	p0 =	sne.s32 s9, $0x4  }
.Ltmp27:
0x3c4: {  	_ = 	snop;
	(pc) =	sbr.rel @!p0 .LBB2_44-.Ltmp27, $2  }
0x3c5: {  	_ =	sdelay $0x2  }
0x3c6: {  	s19 =	sadd.s32 $0x180, s19  }
.LBB2_31:
0x3c7: {  	s0 =	sadd.s32 $0x50, s19;
	s1 =	simm.s32 $0x0;
	s5 =	simm.s32 $0x10  }
0x3c8: {  	s2 =	sld [smem:$0x7EB];
	s10 =	simm.s32 $0x50;
	s4 =	sadd.s32 $0xFFFFFFB0, s0  }
0x3c9: {  	s6 =	sand.u32 $0x60, s1;
	s20 =	sand.u32 $0x70, s10;
	s21 =	sand.u32 $0xF80, s0  }
0x3ca: {  	s11 =	scvt.s32.f32 s10;
	s4 =	sand.u32 $0xF80, s4;
	s10 =	sor.u32 s20, s21  }
0x3cb: {  	s29 =	simm.s32 $0x20;
	s18 =	sand.u32 $0x70, s5;
	s22 =	sor.u32 s6, s4;
	v7 =	vld [tilespmem:s10+$0x19E00]  }
0x3cc: {  	s14 =	simm.s32 $0x30;
	s1 =	scvt.s32.f32 s1;
	s12 =	sor.u32 s18, s4;
	v4 =	vld [tilespmem:s22+$0x1AA00]  }
0x3cd: {  	s5 =	scvt.s32.f32 s5;
	s31 =	scvt.s32.f32 s14;
	s7 =	sadd.s32 s9, s2;
	v5 =	vld [tilespmem:s12+$0x19E00]  }
0x3ce: {  	s24 =	sadd.s32 $0xFFFFFFD0, s0;
	v8 =	vadd.f32 s1, v0;
	s1 =	scvt.s32.f32 s29;
	s7 =	scvt.s32.f32 s7;
	v16 =	vld [tilespmem:s12+$0x1AA00]  }
0x3cf: {  	s13 =	sand.u32 $0x60, s29;
	s6 =	sand.u32 $0xF80, s24;
	v9 =	vadd.f32 s5, v0;
	v6 =	vld [tilespmem:s22+$0x19E00]  }
0x3d0: {  	s23 =	simm.s32 $0x40;
	v13 =	vadd.f32 s31, v0;
	v14 =	vadd.f32 s1, v0;
	v3 =	vmov s7;
	s7 =	sor.u32 s13, s6  }
0x3d1: {  	s15 =	scvt.s32.f32 s23;
	v10 =	vld [tilespmem:s7+$0x1AA00];
	v7 =	vadd.f32 v7, v3;
	v4 =	vadd.f32 v4, v8  }
0x3d2: {  	s30 =	sadd.s32 $0xFFFFFFE0, s0;
	v8 =	vadd.f32 s11, v0;
	v11 =	vadd.f32 v5, v3  }
0x3d3: {  	v12 =	vimm.f32 $3.840000000e+02;
	s2 =	sand.u32 $0x70, s14;
	s6 =	sand.u32 $0xF80, s30;
	v5 =	vadd.f32 s15, v0;
	v9 =	vadd.f32 v16, v9  }
0x3d4: {  	v6 =	vadd.f32 v6, v3;
	s11 =	sor.u32 s2, s6;
	v7 =	vmax.f32 v7, $0.0e+00;
	v11 =	vmax.f32 v11, $0.0e+00  }
0x3d5: {  	v15 =	vld [tilespmem:s11+$0x19E00];
	v4 =	vmax.f32 v4, $0.0e+00;
	v7 =	vmin.f32 v7, $3.830000000e+02;
	v9 =	vmax.f32 v9, $0.0e+00  }
0x3d6: {  	v11 =	vmin.f32 v11, $3.830000000e+02;
	v4 =	vmin.f32 v4, $3.830000000e+02;
	v10 =	vadd.f32 v10, v14  }
0x3d7: {  	s15 =	sadd.s32 $0xB0, s19;
	v7 =	vadd.f32 $8.388608000e+06, v7;
	v9 =	vmin.f32 v9, $3.830000000e+02;
	v11 =	vadd.f32 $8.388608000e+06, v11  }
0x3d8: {  	s8 =	sand.u32 $0x60, s23;
	s20 =	simm.s32 $0x80;
	s23 =	sadd.s32 $0xFFFFFFB0, s15;
	v19 =	vmax.f32 v6, $0.0e+00;
	v4 =	vadd.f32 $8.388608000e+06, v4;
	v9 =	vadd.f32 $8.388608000e+06, v9  }
0x3d9: {  	v18 =	vld [tilespmem:s11+$0x1AA00];
	s17 =	sand.u32 $0xF80, s23;
	s23 =	scvt.s32.f32 s20;
	v14 =	vimm.f32 $-1.000000000e+00;
	v6 =	vadd.f32 $-8.388608000e+06, v7;
	v11 =	vadd.f32 $-8.388608000e+06, v11  }
0x3da: {  	v19 =	vmin.f32 v19, $3.830000000e+02;
	v4 =	vadd.f32 $-8.388608000e+06, v4;
	v7 =	vadd.f32 v15, v3  }
0x3db: {  	v17 =	vld [tilespmem:s7+$0x19E00];
	v19 =	vadd.f32 $8.388608000e+06, v19;
	v28 =	vadd.f32 s23, v0;
	v15 =	vmax.f32 v11, v1  }
0x3dc: {  	v20 =	vtrunc.f32 v4;
	v7 =	vmax.f32 v7, $0.0e+00;
	v4 =	vmin.f32 v15, v2  }
0x3dd: {  	v10 =	vmax.f32 v10, $0.0e+00;
	v7 =	vmin.f32 v7, $3.830000000e+02;
	v4 =	vtrunc.f32 v4  }
0x3de: {  	v13 =	vadd.f32 v18, v13;
	v7 =	vadd.f32 $8.388608000e+06, v7;
	v4 =	vcvt.f32.s32 v4  }
0x3df: {  	v10 =	vmin.f32 v10, $3.830000000e+02;
	v9 =	vadd.f32 $-8.388608000e+06, v9;
	v16 =	vmax.f32 v6, v1  }
0x3e0: {  	v15 =	vadd.f32 v17, v3;
	v18 =	vadd.f32 $-8.388608000e+06, v7;
	v17 =	vmul.u32 $0xB217, v4  }
0x3e1: {  	v10 =	vadd.f32 $8.388608000e+06, v10;
	v9 =	vtrunc.f32 v9;
	v16 =	vmin.f32 v16, v2  }
0x3e2: {  	v7 =	vmax.f32 v13, $0.0e+00;
	v13 =	vshra.s32 v17, $0x16;
	v17 =	vmax.f32 v18, v1  }
0x3e3: {  	v15 =	vmax.f32 v15, $0.0e+00;
	v13 =	vmul.u32 $0xFFFFFFA4, v13;
	v17 =	vmin.f32 v17, v2  }
0x3e4: {  	v9 =	vcvt.f32.s32 v9;
	v15 =	vmin.f32 v15, $3.830000000e+02;
	v17 =	vtrunc.f32 v17  }
0x3e5: {  	v7 =	vmin.f32 v7, $3.830000000e+02;
	v4 =	vadd.s32 v4, v13;
	v13 =	vcvt.f32.s32 v17;
	v17 =	vld [tilespmem:s10+$0x1AA00]  }
0x3e6: {  	v15 =	vadd.f32 $8.388608000e+06, v15;
	v7 =	vadd.f32 $8.388608000e+06, v7;
	v4 =	vmul.u32 $0x180, v4  }
0x3e7: {  	s0 =	sadd.s32 $0xFFFFFFF0, s0;
	v10 =	vadd.f32 $-8.388608000e+06, v10;
	v16 =	vtrunc.f32 v16;
	v21 =	vmul.u32 $0xB217, v13  }
0x3e8: {  	s0 =	sand.u32 $0xF80, s0;
	v15 =	vadd.f32 $-8.388608000e+06, v15;
	v22 =	vadd.f32 $-8.388608000e+06, v7;
	v7 =	vadd.s32 v9, v4  }
0x3e9: {  	s0 =	sor.u32 s8, s0;
	v4 =	vtrunc.f32 v10;
	v10 =	vadd.f32 $-8.388608000e+06, v19;
	v9 =	vshra.s32 v21, $0x16  }
0x3ea: {  	v23 =	vld [tilespmem:s0+$0x19E00];
	v21 =	vcvt.f32.s32 v4;
	v4 =	vmul.u32 $0xFFFFFFA4, v9;
	v8 =	vadd.f32 v17, v8  }
0x3eb: {  	v17 =	vmax.f32 v10, v1;
	v14 =	vmax.f32 v14, v10;
	v10 =	vmin.f32 v12, v10  }
0x3ec: {  	s14 =	simm.s32 $0x60;
	s24 =	simm.s32 $0x70;
	s18 =	simm.s32 $0x90;
	v9 =	vtrunc.f32 v22;
	v22 =	vcvt.f32.s32 v16;
	v10 =	vmin.f32 v10, v11  }
0x3ed: {  	s29 =	sand.u32 $0x60, s14;
	s5 =	scvt.s32.f32 s14;
	s14 =	sand.u32 $0x70, s24;
	v11 =	vmax.f32 v14, v11;
	v14 =	vmax.f32 v15, v1;
	v4 =	vadd.s32 v13, v4  }
0x3ee: {  	s6 =	sor.u32 s29, s17;
	s14 =	sor.u32 s14, s17;
	s17 =	scvt.s32.f32 s18;
	v13 =	vmin.f32 v17, v2;
	v10 =	vmin.f32 v10, v15;
	v11 =	vmax.f32 v11, v15;
	v15 =	vld [tilespmem:s0+$0x1AA00]  }
0x3ef: {  	v17 =	vmul.u32 $0x180, v4;
	v4 =	vadd.f32 v23, v3;
	v13 =	vtrunc.f32 v13  }
0x3f0: {  	v27 =	vadd.f32 s17, v0;
	v9 =	vcvt.f32.s32 v9;
	v19 =	vld.idx.msk [tilespmem:v7+s3+$0x0], $0xffff;
	v12 =	vcvt.f32.s32 v13  }
0x3f1: {  	v8 =	vmax.f32 v8, $0.0e+00;
	v14 =	vmin.f32 v14, v2;
	v13 =	vld [tilespmem:s12+$0x1B600];
	v4 =	vmax.f32 v4, $0.0e+00  }
0x3f2: {  	v23 =	vmul.u32 $0xB217, v22;
	v4 =	vmin.f32 v4, $3.830000000e+02;
	v16 =	vmul.u32 $0xB217, v12  }
0x3f3: {  	v10 =	vmin.f32 v10, v18;
	v4 =	vadd.f32 $8.388608000e+06, v4;
	v5 =	vadd.f32 v15, v5  }
0x3f4: {  	v8 =	vmin.f32 v8, $3.830000000e+02;
	v11 =	vmax.f32 v11, v18;
	v16 =	vshra.s32 v16, $0x16  }
0x3f5: {  	v24 =	vadd.f32 $-8.388608000e+06, v4;
	v16 =	vmul.u32 $0xFFFFFFA4, v16;
	v5 =	vmax.f32 v5, $0.0e+00  }
0x3f6: {  	v13 =	vsub.f32 v13, v19;
	v19 =	vshra.s32 v23, $0x16;
	v5 =	vmin.f32 v5, $3.830000000e+02  }
0x3f7: {  	v23 =	vmax.f32 v24, v1;
	v12 =	vadd.s32 v12, v16;
	v16 =	vadd.s32 v9, v17  }
0x3f8: {  	s2 =	scvt.s32.f32 s24;
	v9 =	vtrunc.f32 v14;
	v14 =	vadd.f32 $8.388608000e+06, v8;
	v11 =	vmax.f32 v11, v24  }
0x3f9: {  	[tilespmem:s12+$0x1DA00] =	vst v13;
	v13 =	vmin.f32 v23, v2;
	v23 =	vmul.u32 $0xFFFFFFA4, v19;
	v19 =	vcvt.f32.s32 v20;
	v20 =	vld [tilespmem:s12+$0x1BC00]  }
0x3fa: {  	v10 =	vmin.f32 v10, v24;
	v24 =	vadd.f32 s2, v0;
	v5 =	vadd.f32 $8.388608000e+06, v5;
	v25 =	vld.idx.msk [tilespmem:v7+s25+$0x0], $0xffff  }
0x3fb: {  	s13 =	simm.s32 $0xB0;
	v12 =	vmul.u32 $0x180, v12;
	v9 =	vcvt.f32.s32 v9;
	v17 =	vmin.f32 v10, v6;
	v10 =	vld [tilespmem:s6+$0x19E00]  }
0x3fc: {  	s16 =	scvt.s32.f32 s13;
	v18 =	vmax.f32 v11, v6;
	v13 =	vtrunc.f32 v13;
	v11 =	vadd.f32 $-8.388608000e+06, v14;
	v14 =	vld [tilespmem:s6+$0x1AA00]  }
0x3fd: {  	s1 =	sand.u32 $0x70, s13;
	s30 =	sand.u32 $0xF80, s15;
	v5 =	vadd.f32 $-8.388608000e+06, v5;
	v8 =	vadd.s32 v19, v12;
	v12 =	vmul.u32 $0xB217, v9  }
0x3fe: {  	s13 =	sor.u32 s1, s30;
	v19 =	vadd.f32 s16, v0;
	v22 =	vadd.s32 v22, v23;
	v23 =	vld [tilespmem:s11+$0x1B600];
	v13 =	vcvt.f32.s32 v13  }
0x3ff: {  	s21 =	sadd.s32 $0xFFFFFFD0, s15;
	v6 =	vshra.s32 v12, $0x16;
	v12 =	vld [tilespmem:s13+$0x19E00];
	v15 =	vsub.f32 v20, v25;
	v20 =	vadd.f32 s5, v0  }
0x400: {  	s31 =	simm.s32 $0xA0;
	s16 =	sand.u32 $0x60, s20;
	v11 =	vtrunc.f32 v11;
	v25 =	vld [tilespmem:s14+$0x19E00];
	v26 =	vmul.u32 $0xFFFFFFA4, v6;
	s5 =	sand.u32 $0xF80, s21;
	v10 =	vadd.f32 v10, v3  }
0x401: {  	s8 =	scvt.s32.f32 s31;
	v5 =	vtrunc.f32 v5;
	v11 =	vcvt.f32.s32 v11;
	s5 =	sor.u32 s16, s5;
	v14 =	vadd.f32 v14, v20;
	v20 =	vld.idx.msk [tilespmem:v16+s3+$0x0], $0xffff  }
0x402: {  	v30 =	vcvt.f32.s32 v5;
	v9 =	vadd.s32 v9, v26;
	v29 =	vld [tilespmem:s5+$0x1AA00];
	v5 =	vmax.f32 v10, $0.0e+00  }
0x403: {  	s24 =	sadd.s32 $0xFFFFFFE0, s15;
	v6 =	vadd.f32 s8, v0;
	v9 =	vmul.u32 $0x180, v9;
	v34 =	vmin.f32 v5, $3.830000000e+02  }
0x404: {  	s1 =	sand.u32 $0xF80, s24;
	s29 =	sand.u32 $0x70, s18;
	v26 =	vld.idx.msk [tilespmem:v8+s3+$0x0], $0xffff;
	v12 =	vadd.f32 v12, v3;
	v14 =	vmax.f32 v14, $0.0e+00;
	v55 =	vadd.f32 $8.388608000e+06, v34  }
0x405: {  	s21 =	sor.u32 s29, s1;
	v9 =	vadd.s32 v21, v9;
	v21 =	vld [tilespmem:s22+$0x1B600];
	v14 =	vmin.f32 v14, $3.830000000e+02;
	v10 =	vadd.f32 v25, v3  }
0x406: {  	v31 =	vld [tilespmem:s21+$0x1AA00];
	v12 =	vmax.f32 v12, $0.0e+00;
	v14 =	vadd.f32 $8.388608000e+06, v14;
	v20 =	vsub.f32 v23, v20  }
0x407: {  	v23 =	vld [tilespmem:s14+$0x1AA00];
	v12 =	vmin.f32 v12, $3.830000000e+02;
	v10 =	vmax.f32 v10, $0.0e+00;
	v28 =	vadd.f32 v29, v28  }
0x408: {  	v32 =	vld [tilespmem:s21+$0x19E00];
	v12 =	vadd.f32 $8.388608000e+06, v12;
	v14 =	vadd.f32 $-8.388608000e+06, v14;
	v10 =	vmin.f32 v10, $3.830000000e+02  }
0x409: {  	v25 =	vmul.u32 $0xB217, v13;
	v29 =	vld [tilespmem:s5+$0x19E00];
	v33 =	vadd.f32 $8.388608000e+06, v10;
	v28 =	vmax.f32 v28, $0.0e+00  }
0x40a: {  	v26 =	vsub.f32 v21, v26;
	v10 =	vadd.f32 $-8.388608000e+06, v12;
	v21 =	vtrunc.f32 v14  }
0x40b: {  	v57 =	vld [tilespmem:s10+$0x1BC00];
	v12 =	vmul.u32 $0x180, v22;
	v28 =	vmin.f32 v28, $3.830000000e+02;
	v22 =	vadd.f32 $-8.388608000e+06, v33  }
0x40c: {  	v49 =	vld [tilespmem:s22+$0x1BC00];
	v28 =	vadd.f32 $8.388608000e+06, v28;
	v21 =	vcvt.f32.s32 v21;
	v14 =	vadd.f32 v23, v24  }
0x40d: {  	v53 =	vld [tilespmem:s0+$0x1B600];
	v23 =	vshra.s32 v25, $0x16;
	v24 =	vadd.f32 v32, v3;
	v25 =	vadd.f32 v31, v27  }
0x40e: {  	v59 =	vld [tilespmem:s0+$0x1BC00];
	v29 =	vadd.f32 v29, v3;
	v31 =	vmax.f32 v10, v1;
	v12 =	vadd.s32 v11, v12  }
0x40f: {  	v58 =	vld [tilespmem:s7+$0x1BC00];
	[tilespmem:s22+$0x1DA00] =	vst v26;
	v23 =	vmul.u32 $0xFFFFFFA4, v23;
	v27 =	vmax.f32 v22, v1;
	v31 =	vmin.f32 v31, v2  }
0x410: {  	v26 =	vld.idx.msk [tilespmem:v8+s25+$0x0], $0xffff;
	v27 =	vmin.f32 v27, v2;
	v24 =	vmax.f32 v24, $0.0e+00;
	v14 =	vmax.f32 v14, $0.0e+00  }
0x411: {  	v35 =	vld [tilespmem:s11+$0x1BC00];
	v11 =	vtrunc.f32 v27;
	v27 =	vmax.f32 v29, $0.0e+00;
	v13 =	vadd.s32 v13, v23  }
0x412: {  	v54 =	vld [tilespmem:s13+$0x1AA00];
	[tilespmem:s11+$0x1DA00] =	vst v20;
	v20 =	vmin.f32 v24, $3.830000000e+02;
	v11 =	vcvt.f32.s32 v11;
	v13 =	vmul.u32 $0x180, v13  }
0x413: {  	v23 =	vld [tilespmem:s10+$0x1B600];
	v14 =	vmin.f32 v14, $3.830000000e+02;
	v24 =	vmin.f32 v27, $3.830000000e+02;
	v20 =	vadd.f32 $8.388608000e+06, v20  }
0x414: {  	v14 =	vadd.f32 $8.388608000e+06, v14;
	v51 =	vld.idx.msk [tilespmem:v12+s3+$0x0], $0xffff;
	v50 =	vmul.u32 $0xB217, v11;
	v36 =	vadd.s32 v30, v13  }
0x415: {  	v27 =	vld.idx.msk [tilespmem:v16+s25+$0x0], $0xffff;
	v13 =	vadd.f32 $-8.388608000e+06, v20;
	v20 =	vmax.f32 v25, $0.0e+00;
	v25 =	vsub.f32 v49, v26  }
0x416: {  	v24 =	vadd.f32 $8.388608000e+06, v24;
	v26 =	vld.idx.msk [tilespmem:v9+s3+$0x0], $0xffff;
	v20 =	vmin.f32 v20, $3.830000000e+02;
	v30 =	vshra.s32 v50, $0x16  }
0x417: {  	v52 =	vmax.f32 v13, v1;
	[tilespmem:s22+$0x1E000] =	vst v25;
	v25 =	vld [tilespmem:s7+$0x1B600];
	v20 =	vadd.f32 $8.388608000e+06, v20;
	v30 =	vmul.u32 $0xFFFFFFA4, v30  }
0x418: {  	v33 =	vmin.f32 v52, v2;
	v37 =	vld.idx.msk [tilespmem:v8+s26+$0x0], $0xffff;
	v8 =	vadd.f32 $-8.388608000e+06, v14;
	v14 =	vadd.f32 $-8.388608000e+06, v28  }
0x419: {  	v29 =	vld [tilespmem:s22+$0x1C200];
	v20 =	vadd.f32 $-8.388608000e+06, v20;
	v23 =	vsub.f32 v23, v51;
	v11 =	vadd.s32 v11, v30  }
0x41a: {  	s30 =	sadd.s32 $0xFFFFFFF0, s15;
	[tilespmem:s12+$0x1E000] =	vst v15;
	v30 =	vsub.f32 v35, v27;
	v27 =	vld.idx.msk [tilespmem:v36+s3+$0x0], $0xffff;
	v15 =	vmul.u32 $0x180, v11;
	v11 =	vtrunc.f32 v33  }
0x41b: {  	s31 =	sand.u32 $0x60, s31;
	v40 =	vld [tilespmem:s14+$0x1B600];
	s1 =	sand.u32 $0xF80, s30;
	v24 =	vadd.f32 $-8.388608000e+06, v24;
	v14 =	vtrunc.f32 v14;
	v28 =	vcvt.f32.s32 v11  }
0x41c: {  	v4 =	vld [tilespmem:s12+$0x1C200];
	s23 =	sor.u32 s31, s1;
	v14 =	vcvt.f32.s32 v14;
	[tilespmem:s10+$0x1DA00] =	vst v23;
	v23 =	vadd.f32 $-8.388608000e+06, v55;
	v20 =	vtrunc.f32 v20  }
0x41d: {  	v38 =	vld [tilespmem:s23+$0x19E00];
	v11 =	vtrunc.f32 v8;
	v25 =	vsub.f32 v25, v26;
	v26 =	vmul.u32 $0xB217, v28  }
0x41e: {  	v5 =	vld [tilespmem:s7+$0x1C200];
	v56 =	vcvt.f32.s32 v11;
	v37 =	vsub.f32 v29, v37;
	v29 =	vadd.f32 v54, v19  }
0x41f: {  	v7 =	vld.idx.msk [tilespmem:v7+s26+$0x0], $0xffff;
	[tilespmem:s11+$0x1E000] =	vst v30;
	v32 =	vmax.f32 v23, v1;
	v27 =	vsub.f32 v53, v27;
	v26 =	vshra.s32 v26, $0x16  }
0x420: {  	v8 =	vld [tilespmem:s5+$0x1C200];
	v18 =	vmax.f32 v18, v23;
	[tilespmem:s7+$0x1DA00] =	vst v25;
	v15 =	vadd.s32 v56, v15;
	v25 =	vmul.u32 $0xFFFFFFA4, v26  }
0x421: {  	v11 =	vld [tilespmem:s14+$0x1C200];
	v17 =	vmin.f32 v17, v23;
	v23 =	vtrunc.f32 v31;
	[tilespmem:s0+$0x1DA00] =	vst v27;
	v27 =	vmax.f32 v29, $0.0e+00  }
0x422: {  	v30 =	vld.idx.msk [tilespmem:v9+s25+$0x0], $0xffff;
	v29 =	vmin.f32 v32, v2;
	v19 =	vadd.s32 v28, v25;
	v28 =	vadd.f32 v38, v3  }
0x423: {  	v31 =	vmax.f32 v24, v1;
	v17 =	vmin.f32 v17, v22;
	v26 =	vld.idx.msk [tilespmem:v12+s25+$0x0], $0xffff;
	v29 =	vtrunc.f32 v29  }
0x424: {  	v22 =	vmax.f32 v18, v22;
	v25 =	vld.idx.msk [tilespmem:v36+s25+$0x0], $0xffff;
	v39 =	vcvt.f32.s32 v29;
	v28 =	vmax.f32 v28, $0.0e+00  }
0x425: {  	v23 =	vcvt.f32.s32 v23;
	v29 =	vmin.f32 v17, v24;
	v60 =	vld.idx.msk [tilespmem:v15+s3+$0x0], $0xffff;
	v17 =	vmin.f32 v28, $3.830000000e+02  }
0x426: {  	v18 =	vld.idx.msk [tilespmem:v16+s26+$0x0], $0xffff;
	v32 =	vcvt.f32.s32 v20;
	v16 =	vmul.u32 $0xB217, v39;
	v17 =	vadd.f32 $8.388608000e+06, v17  }
0x427: {  	v20 =	vld [tilespmem:s10+$0x1C200];
	v19 =	vmul.u32 $0x180, v19;
	v29 =	vmin.f32 v29, v13;
	v28 =	vmax.f32 v22, v24  }
0x428: {  	v24 =	vld [tilespmem:s23+$0x1AA00];
	v33 =	vsub.f32 v57, v26;
	v16 =	vshra.s32 v16, $0x16;
	v17 =	vadd.f32 $-8.388608000e+06, v17  }
0x429: {  	[tilespmem:s22+$0x1E600] =	vst v37;
	v22 =	vsub.f32 v59, v25;
	v25 =	vmul.u32 $0xB217, v23;
	v26 =	vmul.u32 $0xFFFFFFA4, v16;
	v16 =	vld [tilespmem:s11+$0x1C200]  }
0x42a: {  	v34 =	vsub.f32 v58, v30;
	[tilespmem:s10+$0x1E000] =	vst v33;
	v33 =	vld [tilespmem:s14+$0x1BC00];
	v61 =	vsub.f32 v40, v60;
	v62 =	vmax.f32 v17, v1  }
0x42b: {  	[tilespmem:s0+$0x1E000] =	vst v22;
	v22 =	vshra.s32 v25, $0x16;
	v25 =	vld [tilespmem:s0+$0x1C200];
	v63 =	vadd.s32 v39, v26;
	v37 =	vmin.f32 v62, v2  }
0x42c: {  	s28 =	simm.s32 $0x110;
	s4 =	simm.s32 $0x6;
	s22 =	smul.u32 $0x180, s9;
	v30 =	vmul.u32 $0xFFFFFFA4, v22;
	v26 =	vld.idx.msk [tilespmem:v36+s26+$0x0], $0xffff;
	[tilespmem:s14+$0x1DA00] =	vst v61;
	v35 =	vmul.u32 $0x180, v63;
	v22 =	vtrunc.f32 v37  }
.LBB2_32:
0x42d: {  	s1 =	sadd.s32 $0xFFFFFFB0, s28;
	s15 =	sadd.s32 s28, s19;
	s17 =	sadd.s32 $0xFFFFFFE0, s28;
	v36 =	vld.idx.msk [tilespmem:v15+s25+$0x0], $0xffff;
	v31 =	vmin.f32 v31, v2;
	v19 =	vadd.s32 v32, v19;
	v27 =	vmin.f32 v27, $3.830000000e+02;
	[tilespmem:s7+$0x1E000] =	vst v34  }
0x42e: {  	s20 =	sadd.s32 $0xFFFFFFC0, s28;
	s30 =	scvt.s32.f32 s28;
	v13 =	vmax.f32 v28, v13;
	s16 =	sadd.s32 $0xFFFFFFB0, s15;
	v21 =	vadd.s32 v21, v35;
	v9 =	vld.idx.msk [tilespmem:v9+s26+$0x0], $0xffff;
	v16 =	vsub.f32 v16, v18  }
0x42f: {  	s18 =	sand.u32 $0x60, s1;
	s1 =	scvt.s32.f32 s1;
	v18 =	vtrunc.f32 v31;
	v13 =	vmax.f32 v13, v17;
	v27 =	vadd.f32 $8.388608000e+06, v27;
	s16 =	sand.u32 $0xF80, s16;
	v12 =	vld.idx.msk [tilespmem:v12+s26+$0x0], $0xffff  }
0x430: {  	s24 =	sand.u32 $0x70, s28;
	v28 =	vmin.f32 v29, v17;
	v18 =	vcvt.f32.s32 v18;
	v17 =	vmax.f32 v13, v10;
	s29 =	sor.u32 s18, s16;
	s18 =	sand.u32 $0x70, s20;
	[tilespmem:s11+$0x1E600] =	vst v16  }
0x431: {  	s31 =	sadd.s32 $0xFFFFFFF0, s28;
	s2 =	sadd.s32 $0xFFFFFFF0, s15;
	s11 =	sand.u32 $0xF80, s15;
	v27 =	vadd.f32 $-8.388608000e+06, v27;
	v16 =	vmin.f32 v28, v10;
	v10 =	vsub.f32 v25, v26;
	v13 =	vld [tilespmem:s29+$0x1AA00]  }
0x432: {  	v6 =	vadd.f32 v24, v6;
	v7 =	vsub.f32 v4, v7;
	v4 =	vmovc v11;
	s18 =	sor.u32 s18, s16;
	s16 =	sadd.s32 $0xFFFFFFE0, s15;
	s11 =	sor.u32 s24, s11;
	v26 =	vmul.u32 $0xB217, v18;
	v25 =	vld [tilespmem:s29+$0x19E00]  }
0x433: {  	v23 =	vadd.s32 v23, v30;
	s24 =	sadd.s32 $0xFFFFFFD0, s15;
	s15 =	sand.u32 $0xF80, s2;
	s8 =	sand.u32 $0xF80, s16;
	v24 =	vsub.f32 v33, v36;
	v27 =	vtrunc.f32 v27;
	v11 =	vld [tilespmem:s11+$0x19E00];
	[tilespmem:s0+$0x1E600] =	vst v10  }
0x434: {  	s16 =	sand.u32 $0x60, s31;
	v10 =	vadd.f32 s1, v0;
	s0 =	sadd.s32 $0xFFFFFFD0, s28;
	s1 =	sand.u32 $0xF80, s24;
	v26 =	vshra.s32 v26, $0x16;
	v9 =	vsub.f32 v5, v9;
	v5 =	vmovc v8;
	v28 =	vld [tilespmem:s18+$0x19E00];
	[tilespmem:s12+$0x1E600] =	vst v7  }
0x435: {  	s4 =	sadd.s32 $0x6, s4;
	v6 =	vmax.f32 v6, $0.0e+00;
	s24 =	scvt.s32.f32 s31;
	s2 =	sand.u32 $0x60, s0;
	v8 =	vmul.u32 $0xFFFFFFA4, v26;
	v12 =	vsub.f32 v20, v12;
	[tilespmem:s14+$0x1E000] =	vst v24;
	v24 =	vld [tilespmem:s21+$0x1B600]  }
0x436: {  	s20 =	scvt.s32.f32 s20;
	v6 =	vmin.f32 v6, $3.830000000e+02;
	s1 =	sor.u32 s2, s1;
	s2 =	sand.u32 $0x70, s17;
	v10 =	vadd.f32 v13, v10;
	v7 =	vld.idx.msk [tilespmem:v15+s26+$0x0], $0xffff;
	v13 =	vcvt.f32.s32 v22;
	[tilespmem:s7+$0x1E600] =	vst v9  }
0x437: {  	p0 =	slt.u32 s4, $0x12;
	v20 =	vadd.f32 s30, v0;
	s12 =	smov.u32 s14;
	s2 =	sor.u32 s2, s8;
	v8 =	vadd.s32 v18, v8;
	v9 =	vadd.f32 $8.388608000e+06, v6;
	v15 =	vld.idx.msk [tilespmem:v19+s3+$0x0], $0xffff;
	[tilespmem:s10+$0x1E600] =	vst v12  }
0x438: {  	s14 =	smov.u32 s18;
	s8 =	scvt.s32.f32 s17;
	v6 =	vadd.f32 s24, v0;
	v12 =	vadd.f32 s20, v0;
	v8 =	vmul.u32 $0x180, v8;
	s10 =	smov.u32 s13;
	v18 =	vld.idx.msk [tilespmem:v21+s3+$0x0], $0xffff  }
0x439: {  	v27 =	vcvt.f32.s32 v27;
	s0 =	scvt.s32.f32 s0;
	s7 =	smov.u32 s5;
	v22 =	vadd.f32 v25, v3;
	s13 =	smov.u32 s11;
	v26 =	vadd.f32 $-8.388608000e+06, v9;
	v25 =	vld [tilespmem:s1+$0x19E00]  }
0x43a: {  	s5 =	smov.u32 s1;
	s11 =	smov.u32 s21;
	s21 =	smov.u32 s2;
	v30 =	vadd.f32 s8, v0;
	v11 =	vadd.f32 v11, v3;
	v9 =	vadd.s32 v14, v8;
	v29 =	vld [tilespmem:s1+$0x1AA00]  }
0x43b: {  	v8 =	vmax.f32 v10, $0.0e+00;
	v10 =	vadd.f32 s0, v0;
	s0 =	smov.u32 s23;
	v26 =	vtrunc.f32 v26;
	v14 =	vld [tilespmem:s6+$0x1B600]  }
0x43c: {  	v8 =	vmin.f32 v8, $3.830000000e+02;
	v11 =	vmax.f32 v11, $0.0e+00;
	v26 =	vcvt.f32.s32 v26;
	v31 =	vld [tilespmem:s21+$0x1AA00]  }
0x43d: {  	v22 =	vmax.f32 v22, $0.0e+00;
	v28 =	vadd.f32 v28, v3;
	v15 =	vsub.f32 v24, v15;
	v32 =	vld [tilespmem:s14+$0x1AA00]  }
0x43e: {  	v34 =	vmul.u32 $0xB217, v13;
	v11 =	vmin.f32 v11, $3.830000000e+02;
	v24 =	vadd.f32 $8.388608000e+06, v8;
	v33 =	vld [tilespmem:s21+$0x19E00]  }
0x43f: {  	v28 =	vmax.f32 v28, $0.0e+00;
	v10 =	vadd.f32 v29, v10;
	v8 =	vld [tilespmem:s5+$0x1C200];
	v29 =	vadd.f32 $8.388608000e+06, v11;
	[tilespmem:s11+$0x1DA00] =	vst v15  }
0x440: {  	v15 =	vadd.f32 $-8.388608000e+06, v24;
	v24 =	vmin.f32 v28, $3.830000000e+02;
	v11 =	vld [tilespmem:s14+$0x1C200];
	v14 =	vsub.f32 v14, v18  }
0x441: {  	v18 =	vadd.f32 $8.388608000e+06, v24;
	v24 =	vmax.f32 v10, $0.0e+00;
	v10 =	vadd.f32 $-8.388608000e+06, v29  }
0x442: {  	v28 =	vmin.f32 v22, $3.830000000e+02;
	v22 =	vtrunc.f32 v15;
	[tilespmem:s6+$0x1DA00] =	vst v14;
	v14 =	vmul.u32 $0x180, v23  }
0x443: {  	v23 =	vadd.f32 $-8.388608000e+06, v18;
	v15 =	vadd.f32 v32, v12;
	v12 =	vshra.s32 v34, $0x16  }
0x444: {  	v29 =	vadd.f32 v31, v30;
	v18 =	vadd.f32 v33, v3;
	v31 =	vmul.u32 $0xFFFFFFA4, v12;
	v30 =	vld.idx.msk [tilespmem:v21+s25+$0x0], $0xffff  }
0x445: {  	v25 =	vadd.f32 v25, v3;
	v32 =	vmax.f32 v10, v1;
	v12 =	vmax.f32 v23, v1  }
0x446: {  	v33 =	vmin.f32 v12, v2;
	v18 =	vmax.f32 v18, $0.0e+00;
	v12 =	vadd.s32 v27, v14;
	v34 =	vld [tilespmem:s6+$0x1BC00]  }
0x447: {  	v25 =	vmax.f32 v25, $0.0e+00;
	v13 =	vadd.s32 v13, v31;
	v14 =	vtrunc.f32 v33;
	v27 =	vld [tilespmem:s6+$0x1C200]  }
0x448: {  	v18 =	vmin.f32 v18, $3.830000000e+02;
	v13 =	vmul.u32 $0x180, v13;
	v14 =	vcvt.f32.s32 v14;
	v31 =	vld [tilespmem:s10+$0x1B600]  }
0x449: {  	v25 =	vmin.f32 v25, $3.830000000e+02;
	v15 =	vmax.f32 v15, $0.0e+00;
	v18 =	vadd.f32 $8.388608000e+06, v18;
	v33 =	vld.idx.msk [tilespmem:v19+s25+$0x0], $0xffff  }
0x44a: {  	v15 =	vmin.f32 v15, $3.830000000e+02;
	v26 =	vadd.s32 v26, v13;
	v35 =	vmul.u32 $0xB217, v14;
	v36 =	vld [tilespmem:s11+$0x1BC00]  }
0x44b: {  	v13 =	vadd.f32 $-8.388608000e+06, v18;
	v18 =	vmax.f32 v29, $0.0e+00;
	v29 =	vsub.f32 v34, v30;
	v30 =	vld.idx.msk [tilespmem:v9+s3+$0x0], $0xffff  }
0x44c: {  	v15 =	vadd.f32 $8.388608000e+06, v15;
	v18 =	vmin.f32 v18, $3.830000000e+02;
	v34 =	vshra.s32 v35, $0x16;
	v35 =	vld.idx.msk [tilespmem:v12+s3+$0x0], $0xffff  }
0x44d: {  	v24 =	vmin.f32 v24, $3.830000000e+02;
	v37 =	vmax.f32 v13, v1;
	v34 =	vmul.u32 $0xFFFFFFA4, v34;
	[tilespmem:s6+$0x1E000] =	vst v29;
	v29 =	vld [tilespmem:s7+$0x1B600]  }
0x44e: {  	v24 =	vadd.f32 $8.388608000e+06, v24;
	v18 =	vadd.f32 $8.388608000e+06, v18;
	v37 =	vmin.f32 v37, v2;
	v21 =	vld.idx.msk [tilespmem:v21+s26+$0x0], $0xffff  }
0x44f: {  	v15 =	vadd.f32 $-8.388608000e+06, v15;
	v14 =	vadd.s32 v14, v34;
	v33 =	vsub.f32 v36, v33;
	v34 =	vld.idx.msk [tilespmem:v26+s3+$0x0], $0xffff  }
0x450: {  	v32 =	vmin.f32 v32, v2;
	v36 =	vmul.u32 $0x180, v14;
	v14 =	vtrunc.f32 v37;
	v37 =	vld [tilespmem:s0+$0x1B600]  }
0x451: {  	v25 =	vadd.f32 $8.388608000e+06, v25;
	v24 =	vadd.f32 $-8.388608000e+06, v24;
	v38 =	vcvt.f32.s32 v14;
	v39 =	vld [tilespmem:s13+$0x1AA00];
	[tilespmem:s11+$0x1E000] =	vst v33  }
0x452: {  	v14 =	vtrunc.f32 v15;
	v33 =	vadd.f32 $-8.388608000e+06, v18;
	v15 =	vsub.f32 v29, v30;
	v18 =	vld.idx.msk [tilespmem:v19+s26+$0x0], $0xffff  }
0x453: {  	s23 =	sor.u32 s16, s15;
	v19 =	vtrunc.f32 v24;
	v24 =	vmul.u32 $0xB217, v38;
	v29 =	vsub.f32 v31, v35  }
0x454: {  	v28 =	vadd.f32 $8.388608000e+06, v28;
	v30 =	vcvt.f32.s32 v14;
	v21 =	vsub.f32 v27, v21;
	v31 =	vld [tilespmem:s23+$0x19E00];
	[tilespmem:s7+$0x1DA00] =	vst v15  }
0x455: {  	v14 =	vcvt.f32.s32 v19;
	v15 =	vshra.s32 v24, $0x16;
	v24 =	vld [tilespmem:s23+$0x1AA00];
	v19 =	vsub.f32 v37, v34;
	[tilespmem:s10+$0x1DA00] =	vst v29  }
0x456: {  	v28 =	vadd.f32 $-8.388608000e+06, v28;
	v25 =	vadd.f32 $-8.388608000e+06, v25;
	v27 =	vmul.u32 $0xFFFFFFA4, v15;
	[tilespmem:s6+$0x1E600] =	vst v21;
	v21 =	vld.idx.msk [tilespmem:v12+s25+$0x0], $0xffff;
	s6 =	smov.u32 s29  }
0x457: {  	v15 =	vadd.s32 v30, v36;
	v29 =	vtrunc.f32 v33;
	v20 =	vadd.f32 v39, v20;
	[tilespmem:s0+$0x1DA00] =	vst v19;
	v30 =	vld [tilespmem:s10+$0x1BC00]  }
0x458: {  	v17 =	vmax.f32 v17, v28;
	v33 =	vmax.f32 v28, v1;
	v19 =	vadd.s32 v38, v27;
	v34 =	vld.idx.msk [tilespmem:v26+s25+$0x0], $0xffff  }
0x459: {  	v19 =	vmul.u32 $0x180, v19;
	v27 =	vmax.f32 v20, $0.0e+00;
	v31 =	vadd.f32 v31, v3;
	v35 =	vld [tilespmem:s7+$0x1BC00]  }
0x45a: {  	v16 =	vmin.f32 v16, v28;
	v28 =	vtrunc.f32 v32;
	v20 =	vmin.f32 v33, v2;
	v33 =	vld [tilespmem:s0+$0x1BC00]  }
0x45b: {  	v16 =	vmin.f32 v16, v23;
	v20 =	vtrunc.f32 v20;
	v32 =	vmax.f32 v31, $0.0e+00;
	v36 =	vld.idx.msk [tilespmem:v9+s25+$0x0], $0xffff  }
0x45c: {  	v17 =	vmax.f32 v17, v23;
	v37 =	vcvt.f32.s32 v20;
	v31 =	vmax.f32 v25, v1;
	v38 =	vld.idx.msk [tilespmem:v15+s3+$0x0], $0xffff  }
0x45d: {  	v16 =	vmin.f32 v16, v25;
	v23 =	vcvt.f32.s32 v28;
	v20 =	vmin.f32 v32, $3.830000000e+02;
	v39 =	vld [tilespmem:s14+$0x1B600]  }
0x45e: {  	v40 =	vmul.u32 $0xB217, v37;
	v32 =	vcvt.f32.s32 v29;
	v20 =	vadd.f32 $8.388608000e+06, v20  }
0x45f: {  	v28 =	vmax.f32 v17, v25;
	v25 =	vmul.u32 $0xB217, v23;
	v21 =	vsub.f32 v30, v21  }
.Ltmp28:
0x460: {  	v29 =	vshra.s32 v40, $0x16;
	v17 =	vadd.f32 $-8.388608000e+06, v20;
	v30 =	vsub.f32 v33, v34;
	v20 =	vld [tilespmem:s10+$0x1C200];
	(pc) =	sbr.rel @p0 .LBB2_32-.Ltmp28, $4  }
0x461: {  	v40 =	vshra.s32 v25, $0x16;
	v33 =	vmul.u32 $0xFFFFFFA4, v29;
	v29 =	vmin.f32 v16, v13;
	v16 =	vld [tilespmem:s11+$0x1C200];
	[tilespmem:s10+$0x1E000] =	vst v21  }
0x462: {  	v34 =	vsub.f32 v35, v36;
	v21 =	vmax.f32 v17, v1;
	v38 =	vsub.f32 v39, v38;
	[tilespmem:s0+$0x1E000] =	vst v30;
	v25 =	vld [tilespmem:s0+$0x1C200]  }
0x463: {  	v33 =	vadd.s32 v37, v33;
	v36 =	vmin.f32 v21, v2;
	v30 =	vmul.u32 $0xFFFFFFA4, v40;
	v26 =	vld.idx.msk [tilespmem:v26+s26+$0x0], $0xffff  }
0x464: {  	s28 =	sadd.s32 $0x60, s28;
	v21 =	vcvt.f32.s32 v22;
	v35 =	vmul.u32 $0x180, v33;
	v22 =	vtrunc.f32 v36;
	[tilespmem:s14+$0x1DA00] =	vst v38;
	v33 =	vld [tilespmem:s14+$0x1BC00]  }
0x465: {  	v6 =	vadd.f32 v24, v6  }
0x466: {  	v22 =	vcvt.f32.s32 v22  }
0x467: {  	v6 =	vmax.f32 v6, $0.0e+00  }
0x468: {  	v55 =	vmul.u32 $0xB217, v22;
	v6 =	vmin.f32 v6, $3.830000000e+02  }
0x469: {  	v54 =	vmin.f32 v31, v2;
	v56 =	vld.idx.msk [tilespmem:v15+s25+$0x0], $0xffff;
	v27 =	vmin.f32 v27, $3.830000000e+02;
	v6 =	vadd.f32 $8.388608000e+06, v6  }
0x46a: {  	v38 =	vld [tilespmem:s6+$0x1B600];
	v21 =	vadd.s32 v21, v35;
	v24 =	vtrunc.f32 v54;
	v31 =	vshra.s32 v55, $0x16  }
0x46b: {  	v12 =	vld.idx.msk [tilespmem:v12+s26+$0x0], $0xffff;
	v24 =	vcvt.f32.s32 v24;
	v31 =	vmul.u32 $0xFFFFFFA4, v31;
	v6 =	vadd.f32 $-8.388608000e+06, v6  }
0x46c: {  	v59 =	vld [tilespmem:s21+$0x1B600];
	v27 =	vadd.f32 $8.388608000e+06, v27  }
0x46d: {  	v39 =	vld [tilespmem:s23+$0x1B600];
	v36 =	vmul.u32 $0xB217, v24;
	v22 =	vadd.s32 v22, v31;
	v6 =	vtrunc.f32 v6  }
0x46e: {  	v44 =	vld [tilespmem:s5+$0x1B600];
	v22 =	vmul.u32 $0x180, v22;
	v6 =	vcvt.f32.s32 v6  }
0x46f: {  	v19 =	vadd.s32 v32, v19;
	v45 =	vld [tilespmem:s6+$0x1BC00];
	v27 =	vadd.f32 $-8.388608000e+06, v27;
	v57 =	vshra.s32 v36, $0x16  }
0x470: {  	v37 =	vld.idx.msk [tilespmem:v21+s3+$0x0], $0xffff;
	v32 =	vmul.u32 $0xFFFFFFA4, v57;
	v6 =	vadd.s32 v6, v22  }
0x471: {  	v23 =	vadd.s32 v23, v30;
	v46 =	vld [tilespmem:s6+$0x1C200];
	v27 =	vtrunc.f32 v27  }
0x472: {  	v49 =	vld [tilespmem:s21+$0x1BC00];
	v23 =	vmul.u32 $0x180, v23;
	v61 =	vcvt.f32.s32 v27;
	v24 =	vadd.s32 v24, v32  }
0x473: {  	v51 =	vld [tilespmem:s23+$0x1BC00];
	v24 =	vmul.u32 $0x180, v24  }
0x474: {  	v62 =	vld.idx.msk [tilespmem:v19+s3+$0x0], $0xffff;
	v36 =	vmin.f32 v29, v17;
	v22 =	vadd.s32 v61, v23  }
0x475: {  	v60 =	vsub.f32 v38, v37;
	v23 =	vmin.f32 v36, v10;
	v14 =	vadd.s32 v14, v24;
	v38 =	vld.idx.msk [tilespmem:v6+s3+$0x0], $0xffff  }
0x476: {  	v13 =	vmax.f32 v28, v13;
	v53 =	vld [tilespmem:s5+$0x1BC00];
	(xrf0) =	vmin.scan.msk.f32 $0xffff, v23  }
0x477: {  	v13 =	vmax.f32 v13, v17;
	v37 =	vld [tilespmem:s13+$0x1B600];
	[tilespmem:s6+$0x1DA00] =	vst v60  }
0x478: {  	v4 =	vsub.f32 v4, v7;
	v40 =	vmax.f32 v13, v10;
	v63 =	vld.idx.msk [tilespmem:v21+s25+$0x0], $0xffff  }
0x479: {  	[tilespmem:s7+$0x1E000] =	vst v34;
	v43 =	vsub.f32 v59, v62;
	(xrf0) =	vmax.scan.msk.f32 $0xffff, v40;
	v42 =	vld.idx.msk [tilespmem:v22+s3+$0x0], $0xffff  }
0x47a: {  	[tilespmem:s12+$0x1E600] =	vst v4;
	v41 =	vld.idx.msk [tilespmem:v14+s3+$0x0], $0xffff;
	v17 =	vsub.f32 v39, v38  }
0x47b: {  	v9 =	vld.idx.msk [tilespmem:v9+s26+$0x0], $0xffff;
	v16 =	vsub.f32 v16, v18;
	[tilespmem:s21+$0x1DA00] =	vst v43  }
0x47c: {  	v58 =	vsub.f32 v33, v56;
	v48 =	vld.idx.msk [tilespmem:v19+s25+$0x0], $0xffff;
	v47, _, _ =	vpop (xrf0);
	[tilespmem:s23+$0x1DA00] =	vst v17  }
0x47d: {  	[tilespmem:s11+$0x1E600] =	vst v16;
	(v2sf) =	vpush v47, $0xF;
	v24 =	vsub.f32 v45, v63;
	v17 =	vld.idx.msk [tilespmem:v6+s25+$0x0], $0xffff  }
0x47e: {  	v56 =	vld [tilespmem:s13+$0x1BC00];
	[tilespmem:s14+$0x1E000] =	vst v58;
	v23 =	vsub.f32 v37, v42  }
0x47f: {  	v58 =	vld [tilespmem:s21+$0x1C200];
	v50, _, _ =	vpop (xrf0);
	[tilespmem:s6+$0x1E000] =	vst v24;
	v13 =	vsub.f32 v44, v41  }
0x480: {  	v12 =	vsub.f32 v20, v12;
	(v2sf) =	vpush v50, $0xF;
	v21 =	vld.idx.msk [tilespmem:v21+s26+$0x0], $0xffff;
	[tilespmem:s13+$0x1DA00] =	vst v23  }
0x481: {  	v54 =	vsub.f32 v49, v48;
	[tilespmem:s5+$0x1DA00] =	vst v13;
	v52 =	vld.idx.msk [tilespmem:v22+s25+$0x0], $0xffff  }
0x482: {  	[tilespmem:s10+$0x1E600] =	vst v12;
	v55 =	vld.idx.msk [tilespmem:v14+s25+$0x0], $0xffff;
	v17 =	vsub.f32 v51, v17  }
0x483: {  	v5 =	vsub.f32 v5, v9;
	v60 =	vld [tilespmem:s23+$0x1C200];
	[tilespmem:s21+$0x1E000] =	vst v54  }
0x484: {  	v57 =	vsub.f32 v25, v26;
	v19 =	vld.idx.msk [tilespmem:v19+s26+$0x0], $0xffff;
	[tilespmem:s23+$0x1E000] =	vst v17  }
0x485: {  	[tilespmem:s7+$0x1E600] =	vst v5;
	v5 =	vsub.f32 v46, v21;
	v6 =	vld.idx.msk [tilespmem:v6+s26+$0x0], $0xffff  }
0x486: {  	[tilespmem:s0+$0x1E600] =	vst v57;
	v4 =	vsub.f32 v56, v52  }
0x487: {  	[tilespmem:s6+$0x1E600] =	vst v5;
	v59 =	vsub.f32 v53, v55  }
0x488: {  	[tilespmem:s13+$0x1E000] =	vst v4  }
0x489: {  	v7 =	vsub.f32 v58, v19;
	[tilespmem:s5+$0x1E000] =	vst v59  }
0x48a: {  	s1 =	sld [smem:$0x7E5];
	v5 =	vsub.f32 v60, v6  }
0x48b: {  	[tilespmem:s21+$0x1E600] =	vst v7  }
0x48c: {  	s31 =	spop (v2sf);
	[tilespmem:s23+$0x1E600] =	vst v5  }
0x48d: {  	v15 =	vld.idx.msk [tilespmem:v15+s26+$0x0], $0xffff;
	p0 =	slt.f32 s31, s1;
	s1 =	sld [smem:$0x7E6]  }
0x48e: {  	v61 =	vld [tilespmem:s13+$0x1C200]  }
0x48f: {  	v4 =	vld.idx.msk [tilespmem:v14+s26+$0x0], $0xffff;
	s0 =	spop (v2sf)  }
0x490: {  	v62 =	vld.idx.msk [tilespmem:v22+s26+$0x0], $0xffff;
	p1 =	sgt.f32 @!p0 s0, s1;
	_ =	sdelay $0x1  }
0x491: {  	p1 =	por p0, p1  }
.Ltmp29:
0x492: {  	v63 =	vsub.f32 v11, v15;
	(pc) =	sbr.rel @!p1 .LBB2_43-.Ltmp29, $4  }
0x493: {  	v4 =	vsub.f32 v8, v4  }
0x494: {  	v5 =	vsub.f32 v61, v62;
	[tilespmem:s14+$0x1E600] =	vst v63  }
0x495: {  	[tilespmem:s5+$0x1E600] =	vst v4  }
0x496: {  	[tilespmem:s13+$0x1E600] =	vst v5  }
0x497: {  	s6 =	simm.s32 $0x0  }
0x498: {  	s6 =	simm.s32 @p0 $0x0  }
0x499: {  	p1 =	sne.s32 s6, $0x170  }
.Ltmp30:
0x49a: {  	_ = 	snop;
	(pc) =	sbr.rel @!p1 .LBB2_35-.Ltmp30, $4  }
0x49b: {  	_ = 	snop  }
0x49c: {  	s0 =	simm.s32 $0x1FE00  }
0x49d: {  	s0 =	simm.s32 @p0 $0x1FE00  }
0x49e: {  	p0 =	por $0x0, $0x0;
	s7 =	sadd.s32 s6, s19;
	s4 =	sadd.s32 $0x10, s6  }
0x49f: {  	s1 =	sand.u32 $0xF80, s7;
	s2 =	sand.u32 $0x70, s6  }
0x4a0: {  	s1 =	sor.u32 s2, s1  }
0x4a1: {  	v4 =	vld [tilespmem:s1+$0x19E00];
	_ =	sdelay $0x1  }
0x4a2: {  	v5 =	vld [tilespmem:s1+$0x1AA00]  }
0x4a3: {  	s31 =	scvt.s32.f32 s6;
	_ =	sdelay $0x1  }
0x4a4: {  	v6 =	vadd.f32 s31, v0;
	v4 =	vadd.f32 v4, v3;
	_ =	sdelay $0x1  }
0x4a5: {  	v5 =	vadd.f32 v5, v6;
	v4 =	vmax.f32 v4, $0.0e+00  }
0x4a6: {  	v4 =	vmin.f32 v4, $3.830000000e+02  }
0x4a7: {  	v5 =	vmax.f32 v5, $0.0e+00;
	v4 =	vadd.f32 $8.388608000e+06, v4  }
0x4a8: {  	v5 =	vmin.f32 v5, $3.830000000e+02  }
0x4a9: {  	v5 =	vadd.f32 $8.388608000e+06, v5;
	v4 =	vadd.f32 $-8.388608000e+06, v4;
	_ =	sdelay $0x1  }
0x4aa: {  	p1 =	sne.s32 s4, $0x170;
	v5 =	vadd.f32 $-8.388608000e+06, v5;
	v4 =	vmul.f32 $3.840000000e+02, v4  }
.Ltmp31:
0x4ab: {  	_ = 	snop;
	(pc) =	sbr.rel @!p1 .LBB2_37-.Ltmp31, $3  }
0x4ac: {  	v4 =	vadd.f32 v5, v4;
	_ =	sdelay $0x1  }
0x4ad: {  	s7 =	sadd.s32 s4, s19;
	v4 =	vtrunc.f32 v4  }
0x4ae: {  	s6 =	sadd.s32 $0x10, s4;
	p0 =	por $0x1, $0x1;
	s5 =	smov.u32 s0;
	v4 =	vcvt.f32.s32 v4  }
.LBB2_38:
0x4af: {  	p1 =	sne.s32 s6, $0x170;
	s1 =	sand.u32 $0xF80, s7;
	s2 =	sand.u32 $0x70, s4  }
0x4b0: {  	s1 =	sor.u32 s2, s1;
	[tilespmem:s5+$0x0] =	vst v4  }
0x4b1: {  	v4 =	vld [tilespmem:s1+$0x19E00];
	_ =	sdelay $0x1  }
0x4b2: {  	v5 =	vld [tilespmem:s1+$0x1AA00]  }
0x4b3: {  	s1 =	scvt.s32.f32 s4;
	s4 =	smov.u32 s6;
	_ =	sdelay $0x1  }
0x4b4: {  	v6 =	vadd.f32 s1, v0;
	v4 =	vadd.f32 v4, v3;
	_ =	sdelay $0x1  }
0x4b5: {  	v4 =	vmax.f32 v4, $0.0e+00;
	v5 =	vadd.f32 v5, v6  }
0x4b6: {  	v4 =	vmin.f32 v4, $3.830000000e+02  }
0x4b7: {  	v4 =	vadd.f32 $8.388608000e+06, v4;
	v5 =	vmax.f32 v5, $0.0e+00  }
0x4b8: {  	v5 =	vmin.f32 v5, $3.830000000e+02  }
0x4b9: {  	v4 =	vadd.f32 $-8.388608000e+06, v4;
	v5 =	vadd.f32 $8.388608000e+06, v5;
	_ =	sdelay $0x1  }
0x4ba: {  	v5 =	vadd.f32 $-8.388608000e+06, v5;
	v4 =	vmul.f32 $3.840000000e+02, v4  }
.Ltmp32:
0x4bb: {  	(pc) =	sbr.rel @p1 .LBB2_38-.Ltmp32, $3  }
0x4bc: {  	v4 =	vadd.f32 v5, v4;
	_ =	sdelay $0x1  }
0x4bd: {  	v4 =	vtrunc.f32 v4  }
0x4be: {  	s5 =	sadd.s32 $0x10, s5;
	s6 =	sadd.s32 $0x10, s6;
	s7 =	sadd.s32 s4, s19;
	v4 =	vcvt.f32.s32 v4  }
0x4bf: {  	s6 =	smov.u32 s4  }
.LBB2_40:
0x4c0: {  	s1 =	sand.u32 $0xF80, s7;
	s2 =	sand.u32 $0x70, s6  }
0x4c1: {  	[tilespmem:s5+$0x0] =	vst @p0 v4;
	s1 =	sor.u32 s2, s1  }
0x4c2: {  	v4 =	vld [tilespmem:s1+$0x19E00];
	_ =	sdelay $0x1  }
0x4c3: {  	v5 =	vld [tilespmem:s1+$0x1AA00]  }
0x4c4: {  	s15 =	scvt.s32.f32 s6;
	_ =	sdelay $0x1  }
0x4c5: {  	v3 =	vadd.f32 v4, v3;
	v4 =	vadd.f32 s15, v0;
	_ =	sdelay $0x1  }
0x4c6: {  	v3 =	vmax.f32 v3, $0.0e+00;
	v4 =	vadd.f32 v5, v4  }
0x4c7: {  	v3 =	vmin.f32 v3, $3.830000000e+02  }
0x4c8: {  	v3 =	vadd.f32 $8.388608000e+06, v3;
	v4 =	vmax.f32 v4, $0.0e+00  }
0x4c9: {  	v4 =	vmin.f32 v4, $3.830000000e+02  }
0x4ca: {  	v3 =	vadd.f32 $-8.388608000e+06, v3;
	v4 =	vadd.f32 $8.388608000e+06, v4;
	_ =	sdelay $0x1  }
0x4cb: {  	v4 =	vadd.f32 $-8.388608000e+06, v4;
	v3 =	vmul.f32 $3.840000000e+02, v3;
	_ =	sdelay $0x1  }
0x4cc: {  	v3 =	vadd.f32 v4, v3;
	_ =	sdelay $0x1  }
0x4cd: {  	v3 =	vtrunc.f32 v3  }
0x4ce: {  	s1 =	sadd.s32 @p0 $0x10, s5;
	v3 =	vcvt.f32.s32 v3  }
0x4cf: {  	s16 =	sadd.s32 $0x1DA00, s22;
	s0 =	smov.u32 @p0 s1  }
0x4d0: {  	s17 =	rddreg [dreg:$0xe];
	s18 =	simm.s32 $0x1FE00;
	s4 =	simm.s32 $0x180;
	[tilespmem:s0+$0x0] =	vst v3  }
0x4d1: {  	[tilespmem:s16], [sflag:$0x6] =	stream.indirect.gather [hbm4b:s17+s4], $0x1, s18, s4, $0xb8;
	[tilespmem:$0x1FF80] =	vst v63  }
0x4d2: {  	s20 =	sadd.s32 $0x1E000, s22;
	s21 =	rddreg [dreg:$0xf]  }
0x4d3: {  	[tilespmem:s20], [sflag:$0x6] =	stream.indirect.gather [hbm4b:s21+s4], $0x1, s18, s4, $0xb8;
	[tilespmem:$0x1FF80] =	vst v63  }
0x4d4: {  	s22 =	sadd.s32 $0x1E600, s22;
	s23 =	rddreg [dreg:$0x10];
	s24 =	simm.s32 $0x6  }
0x4d5: {  	[tilespmem:s22], [sflag:$0x6] =	stream.indirect.gather [hbm4b:s23+s4], $0x1, s18, s4, $0xb8;
	[tilespmem:$0x1FF80] =	vst v63  }
0x4d6: {  	_ =	swait.ge [sflag:s24], $0x180  }
0x4d7: {  	[sflag:s24] =	ssyncset.done $0x0  }
0x4d8: {  	[sflag:s24] =	ssyncadd.s32 $0xFFFFFE80  }
0x4d9: {  	_ =	swait.ge [sflag:s24], $0x180  }
0x4da: {  	[sflag:s24] =	ssyncset.done $0x0  }
0x4db: {  	[sflag:s24] =	ssyncadd.s32 $0xFFFFFE80  }
0x4dc: {  	s28 =	simm.s32 $0x0;
	s29 =	sadd.s32 $0x0, s19;
	_ =	swait.ge [sflag:s24], $0x180  }
0x4dd: {  	s1 =	sand.u32 $0xF80, s29;
	s0 =	sand.u32 $0x70, s28;
	[sflag:s24] =	ssyncset.done $0x0  }
0x4de: {  	s0 =	sor.u32 s0, s1;
	[sflag:s24] =	ssyncadd.s32 $0xFFFFFE80  }
0x4df: {  	v4 =	vld [tilespmem:s0+$0x1B600]  }
0x4e0: {  	v6 =	vld [tilespmem:s0+$0x1BC00]  }
0x4e1: {  	v7 =	vld [tilespmem:s0+$0x1C200]  }
0x4e2: {  	v5 =	vld [tilespmem:s0+$0x1DA00]  }
0x4e3: {  	v8 =	vld [tilespmem:s0+$0x1E000]  }
0x4e4: {  	s30 =	simm.s32 $0x10;
	s31 =	sadd.s32 $0x10, s19;
	v9 =	vld [tilespmem:s0+$0x1E600]  }
0x4e5: {  	s2 =	sand.u32 $0xF80, s31;
	s1 =	sand.u32 $0x70, s30  }
0x4e6: {  	s4 =	sor.u32 s1, s2  }
0x4e7: {  	v3 =	vld [tilespmem:s4+$0x1B600];
	v10 =	vsub.f32 v4, v5  }
0x4e8: {  	v5 =	vld [tilespmem:s4+$0x1BC00];
	v6 =	vsub.f32 v6, v8  }
0x4e9: {  	s5 =	simm.s32 $0x20;
	v4 =	vld [tilespmem:s4+$0x1C200];
	v7 =	vsub.f32 v7, v9;
	[tilespmem:s0+$0x1DA00] =	vst v10  }
.LBB2_41:
0x4ea: {  	p0 =	sne.s32 s5, $0x170;
	v8 =	vld [tilespmem:s4+$0x1DA00];
	[tilespmem:s0+$0x1E000] =	vst v6  }
0x4eb: {  	v6 =	vld [tilespmem:s4+$0x1E000];
	[tilespmem:s0+$0x1E600] =	vst v7;
	s0 =	smov.u32 s4  }
0x4ec: {  	s1 =	sadd.s32 s5, s19;
	v7 =	vld [tilespmem:s0+$0x1E600]  }
.Ltmp33:
0x4ed: {  	s2 =	sand.u32 $0x70, s5;
	s1 =	sand.u32 $0xF80, s1;
	(pc) =	sbr.rel @p0 .LBB2_41-.Ltmp33, $4  }
0x4ee: {  	s4 =	sor.u32 s2, s1  }
0x4ef: {  	v8 =	vsub.f32 v3, v8;
	v3 =	vld [tilespmem:s4+$0x1B600]  }
0x4f0: {  	v6 =	vsub.f32 v5, v6;
	v5 =	vld [tilespmem:s4+$0x1BC00]  }
0x4f1: {  	s5 =	sadd.s32 $0x10, s5;
	[tilespmem:s0+$0x1DA00] =	vst v8;
	v7 =	vsub.f32 v4, v7;
	v4 =	vld [tilespmem:s4+$0x1C200]  }
0x4f2: {  	v8 =	vld [tilespmem:s4+$0x1DA00];
	[tilespmem:s0+$0x1E000] =	vst v6  }
0x4f3: {  	v6 =	vld [tilespmem:s4+$0x1E000];
	[tilespmem:s0+$0x1E600] =	vst v7  }
0x4f4: {  	v7 =	vld [tilespmem:s4+$0x1E600];
	_ =	sdelay $0x2  }
.Ltmp34:
0x4f5: {  	v3 =	vsub.f32 v3, v8;
	(pc) =	sbr.rel .LBB2_43-.Ltmp34, $4  }
0x4f6: {  	v5 =	vsub.f32 v5, v6  }
0x4f7: {  	[tilespmem:s4+$0x1DA00] =	vst v3;
	v3 =	vsub.f32 v4, v7  }
0x4f8: {  	[tilespmem:s4+$0x1E000] =	vst v5  }
0x4f9: {  	[tilespmem:s4+$0x1E600] =	vst v3  }
.LBB2_35:
.Ltmp35:
0x4fa: {  	(pc) =	sbr.rel .LBB2_40-.Ltmp35, $2  }
0x4fb: {  	_ =	sdelay $0x2  }
0x4fc: {  	s5 =	smov.u32 s0  }
.LBB2_37:
.Ltmp36:
0x4fd: {  	(pc) =	sbr.rel .LBB2_40-.Ltmp36, $2  }
0x4fe: {  	_ =	sdelay $0x2  }
0x4ff: {  	s6 =	smov.u32 s4;
	s5 =	smov.u32 s0  }
.LBB2_45:
0x500: {  	s0 =	simm.s32 $0x1  }
0x501: {  	_ =	swait.ge [sflag:s0], $0x600  }
0x502: {  	[sflag:s0] =	ssyncset.done $0x0  }
0x503: {  	[sflag:s0] =	ssyncadd.s32 $0xFFFFFA00  }
0x504: {  	_ =	swait.ge [sflag:s0], $0x600  }
0x505: {  	[sflag:s0] =	ssyncset.done $0x0  }
0x506: {  	[sflag:s0] =	ssyncadd.s32 $0xFFFFFA00  }
0x507: {  	_ =	swait.ge [sflag:s0], $0x600  }
0x508: {  	[sflag:s0] =	ssyncset.done $0x0  }
0x509: {  	[sflag:s0] =	ssyncadd.s32 $0xFFFFFA00  }
0x50a: {  	_ =	swait.ge [sflag:s1], $0x600  }
0x50b: {  	[sflag:s1] =	ssyncset.done $0x0  }
0x50c: {  	[sflag:s1] =	ssyncadd.s32 $0xFFFFFA00  }
0x50d: {  	_ =	swait.ge [sflag:s1], $0x600  }
0x50e: {  	[sflag:s1] =	ssyncset.done $0x0  }
0x50f: {  	[sflag:s1] =	ssyncadd.s32 $0xFFFFFA00  }
0x510: {  	_ =	swait.ge [sflag:s2], $0x600  }
0x511: {  	[sflag:s2] =	ssyncset.done $0x0  }
0x512: {  	[sflag:s2] =	ssyncadd.s32 $0xFFFFFA00  }
0x513: {  	_ =	swait.ge [sflag:s2], $0x600  }
0x514: {  	[sflag:s2] =	ssyncset.done $0x0  }
0x515: {  	[sflag:s2] =	ssyncadd.s32 $0xFFFFFA00  }
0x516: {  	_ =	swait.ge [sflag:s2], $0x600  }
0x517: {  	s12 =	sld [smem:$0x7F0]  }
0x518: {  	s13 =	simm.s32 $0x1200;
	[sflag:s2] =	ssyncset.done $0x0  }
0x519: {  	s1 =	simm.s32 $0x0;
	s14 =	sld [smem:$0x7F1];
	[sflag:s2] =	ssyncadd.s32 $0xFFFFFA00  }
0x51a: {  	[tilespmem:s13], [sflag:$0x1] =	stream.linear.gather [hbm4b:s12+s1], $0x600, $0x38;
	[tilespmem:$0x1FF80] =	vst v63  }
0x51b: {  	s15 =	simm.s32 $0x9C00;
	s16 =	sld [smem:$0x7F2]  }
0x51c: {  	[tilespmem:s15], [sflag:$0x1] =	stream.linear.gather [hbm4b:s14+s1], $0x600, $0x38;
	[tilespmem:$0x1FF80] =	vst v63  }
0x51d: {  	s17 =	simm.s32 $0x12600;
	s18 =	sld [smem:$0x7F3]  }
0x51e: {  	[tilespmem:s17], [sflag:$0x1] =	stream.linear.gather [hbm4b:s16+s1], $0x600, $0x38;
	[tilespmem:$0x1FF80] =	vst v63  }
0x51f: {  	s19 =	simm.s32 $0x19E00;
	s20 =	sld [smem:$0x7F4]  }
0x520: {  	[tilespmem:s19], [sflag:$0x2] =	stream.linear.gather [hbm4b:s18+s1], $0x600, $0x38;
	[tilespmem:$0x1FF80] =	vst v63  }
0x521: {  	s21 =	simm.s32 $0x1AA00;
	s22 =	sld [smem:$0x7F5]  }
0x522: {  	[tilespmem:s21], [sflag:$0x2] =	stream.linear.gather [hbm4b:s20+s1], $0x600, $0x38;
	[tilespmem:$0x1FF80] =	vst v63  }
0x523: {  	s23 =	simm.s32 $0x1B600;
	s24 =	sld [smem:$0x7F6]  }
0x524: {  	[tilespmem:s23], [sflag:$0x3] =	stream.linear.gather [hbm4b:s22+s1], $0x600, $0x38;
	[tilespmem:$0x1FF80] =	vst v63  }
0x525: {  	s28 =	simm.s32 $0x1BC00;
	s29 =	sld [smem:$0x7F7]  }
0x526: {  	[tilespmem:s28], [sflag:$0x3] =	stream.linear.gather [hbm4b:s24+s1], $0x600, $0x38;
	[tilespmem:$0x1FF80] =	vst v63  }
0x527: {  	s30 =	simm.s32 $0x1C200;
	s31 =	simm.s32 $0x5  }
0x528: {  	[tilespmem:s30], [sflag:$0x3] =	stream.linear.gather [hbm4b:s29+s1], $0x600, $0x38;
	[tilespmem:$0x1FF80] =	vst v63  }
0x529: {  	_ =	swait.ge [sflag:s31], $0x600  }
0x52a: {  	[sflag:s31] =	ssyncset.done $0x0  }
0x52b: {  	[sflag:s31] =	ssyncadd.s32 $0xFFFFFA00  }
0x52c: {  	_ =	swait.ge [sflag:s31], $0x600  }
.Ltmp37:
0x52d: {  	[sflag:s31] =	ssyncset.done $0x0;
	(pc) =	sbr.rel .LBB2_46-.Ltmp37, $4  }
0x52e: {  	[sflag:s31] =	ssyncadd.s32 $0xFFFFFA00  }
0x52f: {  	_ =	swait.ge [sflag:s31], $0x600  }
0x530: {  	[sflag:s31] =	ssyncset.done $0x0  }
0x531: {  	s2 =	simm.s32 $0x0;
	[sflag:s31] =	ssyncadd.s32 $0xFFFFFA00  }
.LBB2_58:
0x532: {  	s2 =	sadd.s32 $0x1, s2  }
0x533: {  	p0 =	sne.s32 s2, $0x4  }
.Ltmp38:
0x534: {  	_ = 	snop;
	(pc) =	sbr.rel @!p0 .LBB2_59-.Ltmp38, $2  }
0x535: {  	_ =	sdelay $0x2  }
0x536: {  	s1 =	sadd.s32 $0x180, s1  }
.LBB2_46:
0x537: {  	s0 =	sadd.s32 $0x50, s1  }
0x538: {  	s4 =	simm.s32 $0x0;
	s7 =	simm.s32 $0x10;
	s30 =	scvt.s32.f32 s2  }
0x539: {  	s11 =	simm.s32 $0x50;
	s13 =	simm.s32 $0x20;
	s17 =	simm.s32 $0x30  }
0x53a: {  	s5 =	sadd.s32 $0xFFFFFFB0, s0;
	s10 =	sand.u32 $0x70, s11;
	s12 =	sand.u32 $0xF80, s0  }
0x53b: {  	s6 =	sand.u32 $0x60, s4;
	s5 =	sand.u32 $0xF80, s5;
	s10 =	sor.u32 s10, s12  }
0x53c: {  	s21 =	simm.s32 $0x40;
	s9 =	sand.u32 $0x70, s7;
	s8 =	sor.u32 s6, s5;
	v5 =	vld [tilespmem:s10+$0x1A400]  }
0x53d: {  	s4 =	scvt.s32.f32 s4;
	s15 =	sand.u32 $0x60, s13;
	s16 =	scvt.s32.f32 s7;
	v2 =	vld [tilespmem:s8+$0x1B000]  }
0x53e: {  	s18 =	sadd.s32 $0xFFFFFFE0, s0;
	s12 =	sadd.s32 $0xFFFFFFD0, s0;
	s9 =	sor.u32 s9, s5;
	v3 =	vld [tilespmem:s8+$0x1A400]  }
0x53f: {  	s20 =	scvt.s32.f32 s13;
	s31 =	sadd.f32 $3.800000000e+02, s30;
	s14 =	sand.u32 $0xF80, s12;
	v4 =	vld [tilespmem:s9+$0x1A400]  }
0x540: {  	s0 =	sadd.s32 $0xFFFFFFF0, s0;
	v6 =	vadd.f32 s4, v0;
	s4 =	scvt.s32.f32 s17;
	s7 =	sor.u32 s15, s14;
	v14 =	vld [tilespmem:s9+$0x1B000]  }
0x541: {  	s22 =	sand.u32 $0x60, s21;
	v10 =	vadd.f32 s16, v0;
	s0 =	sand.u32 $0xF80, s0;
	v8 =	vld [tilespmem:s7+$0x1B000]  }
0x542: {  	s11 =	scvt.s32.f32 s11;
	v11 =	vadd.f32 s20, v0;
	v18 =	vld [tilespmem:s10+$0x1B000];
	v1 =	vmov s31;
	s12 =	sor.u32 s22, s0;
	v13 =	vadd.f32 s4, v0  }
0x543: {  	v20 =	vld [tilespmem:s12+$0x1A400];
	v5 =	vadd.f32 v5, v1;
	v2 =	vadd.f32 v2, v6  }
0x544: {  	v6 =	vadd.f32 s11, v0;
	v4 =	vadd.f32 v4, v1  }
0x545: {  	v3 =	vadd.f32 v3, v1;
	v10 =	vadd.f32 v14, v10;
	v5 =	vmax.f32 v5, $0.0e+00  }
0x546: {  	s19 =	sand.u32 $0x70, s17;
	s6 =	sand.u32 $0xF80, s18;
	v8 =	vadd.f32 v8, v11;
	v2 =	vmax.f32 v2, $0.0e+00;
	v4 =	vmax.f32 v4, $0.0e+00  }
0x547: {  	s11 =	sor.u32 s19, s6;
	v3 =	vmax.f32 v3, $0.0e+00;
	v5 =	vmin.f32 v5, $3.830000000e+02;
	v10 =	vmax.f32 v10, $0.0e+00  }
0x548: {  	v12 =	vld [tilespmem:s11+$0x1A400];
	v6 =	vadd.f32 v18, v6;
	v18 =	vadd.f32 v20, v1;
	v2 =	vmin.f32 v2, $3.830000000e+02  }
0x549: {  	v11 =	vld [tilespmem:s7+$0x1A400];
	v4 =	vmin.f32 v4, $3.830000000e+02;
	v5 =	vadd.f32 $8.388608000e+06, v5;
	v8 =	vmax.f32 v8, $0.0e+00  }
0x54a: {  	v3 =	vmin.f32 v3, $3.830000000e+02;
	v10 =	vmin.f32 v10, $3.830000000e+02;
	v2 =	vadd.f32 $8.388608000e+06, v2  }
0x54b: {  	v4 =	vadd.f32 $8.388608000e+06, v4;
	v8 =	vmin.f32 v8, $3.830000000e+02;
	v10 =	vadd.f32 $8.388608000e+06, v10  }
0x54c: {  	v3 =	vadd.f32 $8.388608000e+06, v3;
	v8 =	vadd.f32 $8.388608000e+06, v8  }
0x54d: {  	v7 =	vimm.f32 $3.840000000e+02;
	v2 =	vadd.f32 $-8.388608000e+06, v2;
	v16 =	vadd.f32 $-8.388608000e+06, v4  }
0x54e: {  	v6 =	vmax.f32 v6, $0.0e+00;
	v4 =	vadd.f32 v12, v1;
	v11 =	vadd.f32 v11, v1  }
0x54f: {  	v15 =	vld [tilespmem:s11+$0x1B000];
	v6 =	vmin.f32 v6, $3.830000000e+02;
	v10 =	vadd.f32 $-8.388608000e+06, v10;
	v3 =	vadd.f32 $-8.388608000e+06, v3  }
0x550: {  	v9 =	vimm.f32 $-1.000000000e+00;
	v6 =	vadd.f32 $8.388608000e+06, v6;
	v8 =	vadd.f32 $-8.388608000e+06, v8  }
0x551: {  	v17 =	vtrunc.f32 v2;
	v12 =	vmax.f32 v16, $3.400000000e+02;
	v4 =	vmax.f32 v4, $0.0e+00  }
0x552: {  	v2 =	vadd.f32 $-8.388608000e+06, v5;
	v5 =	vmin.f32 v12, $3.830000000e+02;
	v4 =	vmin.f32 v4, $3.830000000e+02  }
0x553: {  	v11 =	vmax.f32 v11, $0.0e+00;
	v5 =	vtrunc.f32 v5;
	v4 =	vadd.f32 $8.388608000e+06, v4  }
0x554: {  	v10 =	vtrunc.f32 v10;
	v12 =	vadd.f32 v15, v13;
	v5 =	vcvt.f32.s32 v5  }
0x555: {  	v9 =	vmax.f32 v9, v3;
	v6 =	vadd.f32 $-8.388608000e+06, v6;
	v15 =	vadd.f32 $-8.388608000e+06, v4  }
0x556: {  	v4 =	vmin.f32 v11, $3.830000000e+02;
	v11 =	vmax.f32 v12, $0.0e+00;
	v14 =	vmul.u32 $0xB217, v5  }
0x557: {  	v10 =	vcvt.f32.s32 v10;
	v9 =	vmax.f32 v9, v16;
	v11 =	vmin.f32 v11, $3.830000000e+02  }
0x558: {  	v11 =	vadd.f32 $8.388608000e+06, v11;
	v12 =	vshra.s32 v14, $0x16;
	v14 =	vmax.f32 v15, $3.400000000e+02  }
0x559: {  	v17 =	vcvt.f32.s32 v17;
	v12 =	vmul.u32 $0xFFFFFFA4, v12;
	v14 =	vmin.f32 v14, $3.830000000e+02  }
0x55a: {  	v13 =	vmax.f32 v2, $3.400000000e+02;
	v11 =	vadd.f32 $-8.388608000e+06, v11;
	v14 =	vtrunc.f32 v14  }
0x55b: {  	v6 =	vtrunc.f32 v6;
	v5 =	vadd.s32 v5, v12;
	v12 =	vcvt.f32.s32 v14  }
0x55c: {  	v13 =	vmin.f32 v13, $3.830000000e+02;
	v11 =	vtrunc.f32 v11;
	v5 =	vmul.u32 $0x180, v5  }
0x55d: {  	v14 =	vadd.f32 $8.388608000e+06, v4;
	v11 =	vcvt.f32.s32 v11;
	v19 =	vmul.u32 $0xB217, v12  }
0x55e: {  	v4 =	vadd.s32 v10, v5;
	v5 =	vtrunc.f32 v8;
	v8 =	vtrunc.f32 v13  }
0x55f: {  	v13 =	vadd.f32 $-8.388608000e+06, v14;
	v14 =	vmax.f32 v3, $3.400000000e+02;
	v3 =	vmin.f32 v7, v3  }
0x560: {  	v7 =	vmax.f32 v18, $0.0e+00;
	v10 =	vshra.s32 v19, $0x16;
	v8 =	vcvt.f32.s32 v8  }
0x561: {  	v14 =	vmin.f32 v14, $3.830000000e+02;
	v3 =	vmin.f32 v3, v16;
	v7 =	vmin.f32 v7, $3.830000000e+02  }
0x562: {  	v10 =	vmul.u32 $0xFFFFFFA4, v10;
	v14 =	vtrunc.f32 v14;
	v3 =	vmin.f32 v3, v13  }
0x563: {  	v9 =	vmax.f32 v9, v13;
	v13 =	vmax.f32 v13, $3.400000000e+02;
	v14 =	vcvt.f32.s32 v14  }
0x564: {  	v20 =	vld [tilespmem:s9+$0x1C800];
	v7 =	vadd.f32 $8.388608000e+06, v7;
	v3 =	vmin.f32 v3, v15;
	v13 =	vmin.f32 v13, $3.830000000e+02  }
0x565: {  	v10 =	vadd.s32 v12, v10;
	v12 =	vmul.u32 $0xB217, v8;
	v19 =	vld.idx.msk [tilespmem:v4+s3+$0x0], $0xffff;
	v16 =	vmul.u32 $0xB217, v14  }
0x566: {  	v9 =	vmax.f32 v9, v15;
	v7 =	vadd.f32 $-8.388608000e+06, v7;
	v13 =	vtrunc.f32 v13  }
0x567: {  	s4 =	sadd.s32 $0xB0, s1;
	v13 =	vcvt.f32.s32 v13;
	v12 =	vshra.s32 v12, $0x16;
	v16 =	vshra.s32 v16, $0x16  }
0x568: {  	s24 =	simm.s32 $0x60;
	s28 =	sadd.s32 $0xFFFFFFB0, s4;
	v9 =	vmax.f32 v9, v7;
	v12 =	vmul.u32 $0xFFFFFFA4, v12;
	v16 =	vmul.u32 $0xFFFFFFA4, v16  }
0x569: {  	s23 =	scvt.s32.f32 s21;
	s29 =	sand.u32 $0x60, s24;
	s5 =	sand.u32 $0xF80, s28;
	v10 =	vmul.u32 $0x180, v10;
	v15 =	vmax.f32 v9, v2;
	v9 =	vmul.u32 $0xB217, v13  }
0x56a: {  	s13 =	sor.u32 s29, s5;
	v8 =	vadd.s32 v8, v12;
	v19 =	vsub.f32 v20, v19;
	v20 =	vld [tilespmem:s12+$0x1B000];
	v12 =	vadd.s32 v14, v16  }
0x56b: {  	s18 =	simm.s32 $0x90;
	v18 =	vadd.f32 s23, v0;
	v10 =	vadd.s32 v11, v10;
	v11 =	vld [tilespmem:s13+$0x1B000];
	v12 =	vmul.u32 $0x180, v12  }
0x56c: {  	s14 =	simm.s32 $0xB0;
	s22 =	scvt.s32.f32 s18;
	v21 =	vmax.f32 v7, $3.400000000e+02;
	v3 =	vmin.f32 v3, v7;
	v9 =	vshra.s32 v9, $0x16;
	v16 =	vld [tilespmem:s9+$0x1CE00];
	[tilespmem:s9+$0x1EC00] =	vst v19  }
0x56d: {  	s0 =	scvt.s32.f32 s24;
	s30 =	sand.u32 $0x70, s14;
	s15 =	sand.u32 $0xF80, s4;
	v19 =	vld.idx.msk [tilespmem:v4+s25+$0x0], $0xffff;
	v12 =	vadd.s32 v17, v12;
	v17 =	vmin.f32 v3, v2;
	v2 =	vmul.u32 $0xFFFFFFA4, v9  }
0x56e: {  	s31 =	simm.s32 $0x70;
	v25 =	vadd.f32 s22, v0;
	s6 =	sor.u32 s30, s15;
	v6 =	vcvt.f32.s32 v6;
	v14 =	vmin.f32 v21, $3.830000000e+02;
	v21 =	vld [tilespmem:s11+$0x1C800]  }
0x56f: {  	s16 =	sand.u32 $0x70, s31;
	s14 =	scvt.s32.f32 s14;
	v7 =	vadd.f32 v20, v18;
	v20 =	vld [tilespmem:s6+$0x1A400];
	v18 =	vadd.f32 s0, v0;
	v2 =	vadd.s32 v13, v2  }
0x570: {  	s15 =	scvt.s32.f32 s31;
	v5 =	vcvt.f32.s32 v5;
	v8 =	vmul.u32 $0x180, v8;
	s0 =	sor.u32 s16, s5;
	v13 =	vld.idx.msk [tilespmem:v10+s3+$0x0], $0xffff;
	v2 =	vmul.u32 $0x180, v2  }
0x571: {  	s17 =	simm.s32 $0x80;
	s19 =	sadd.s32 $0xFFFFFFD0, s4;
	v9 =	vld [tilespmem:s0+$0x1A400];
	v3 =	vmax.f32 v7, $0.0e+00;
	v11 =	vadd.f32 v11, v18;
	v18 =	vadd.f32 s14, v0  }
0x572: {  	s21 =	sand.u32 $0x60, s17;
	s20 =	sand.u32 $0xF80, s19;
	s23 =	scvt.s32.f32 s17;
	v7 =	vtrunc.f32 v14;
	v14 =	vadd.f32 s15, v0;
	v19 =	vsub.f32 v16, v19;
	v16 =	vld [tilespmem:s13+$0x1A400]  }
0x573: {  	s14 =	sor.u32 s21, s20;
	v3 =	vmin.f32 v3, $3.830000000e+02;
	v23 =	vcvt.f32.s32 v7;
	v7 =	vadd.s32 v5, v2  }
0x574: {  	s24 =	sadd.s32 $0xFFFFFFE0, s4;
	v24 =	vld [tilespmem:s14+$0x1B000];
	v2 =	vadd.f32 $8.388608000e+06, v3;
	v5 =	vmax.f32 v11, $0.0e+00;
	v11 =	vadd.f32 s23, v0  }
0x575: {  	s5 =	sand.u32 $0xF80, s24;
	s15 =	sand.u32 $0x70, s18;
	v20 =	vadd.f32 v20, v1;
	v5 =	vmin.f32 v5, $3.830000000e+02;
	v13 =	vsub.f32 v21, v13  }
0x576: {  	v26 =	vld [tilespmem:s0+$0x1B000];
	s5 =	sor.u32 s15, s5;
	v28 =	vmul.u32 $0xB217, v23;
	v2 =	vadd.f32 $-8.388608000e+06, v2;
	v9 =	vadd.f32 v9, v1  }
0x577: {  	v27 =	vld [tilespmem:s5+$0x1A400];
	v5 =	vadd.f32 $8.388608000e+06, v5;
	v22 =	vadd.f32 v16, v1;
	v16 =	vadd.s32 v6, v8  }
0x578: {  	v3 =	vld.idx.msk [tilespmem:v12+s3+$0x0], $0xffff;
	v8 =	vmax.f32 v20, $0.0e+00;
	v2 =	vtrunc.f32 v2;
	v9 =	vmax.f32 v9, $0.0e+00  }
0x579: {  	v6 =	vld [tilespmem:s14+$0x1A400];
	v11 =	vadd.f32 v24, v11;
	v5 =	vadd.f32 $-8.388608000e+06, v5;
	v8 =	vmin.f32 v8, $3.830000000e+02  }
0x57a: {  	v20 =	vld [tilespmem:s8+$0x1C800];
	v9 =	vmin.f32 v9, $3.830000000e+02;
	v29 =	vcvt.f32.s32 v2;
	v22 =	vmax.f32 v22, $0.0e+00  }
0x57b: {  	v24 =	vld [tilespmem:s5+$0x1B000];
	v8 =	vadd.f32 $8.388608000e+06, v8;
	v9 =	vadd.f32 $8.388608000e+06, v9;
	v11 =	vmax.f32 v11, $0.0e+00  }
0x57c: {  	v21 =	vtrunc.f32 v5;
	v5 =	vadd.f32 v27, v1;
	v22 =	vmin.f32 v22, $3.830000000e+02  }
0x57d: {  	v11 =	vmin.f32 v11, $3.830000000e+02;
	v30 =	vadd.f32 $-8.388608000e+06, v9;
	v9 =	vadd.f32 v26, v14  }
0x57e: {  	v39 =	vld [tilespmem:s12+$0x1CE00];
	v8 =	vadd.f32 $-8.388608000e+06, v8;
	v14 =	vshra.s32 v28, $0x16;
	v11 =	vadd.f32 $8.388608000e+06, v11  }
0x57f: {  	v58 =	vld [tilespmem:s6+$0x1B000];
	[tilespmem:s9+$0x1F200] =	vst v19;
	v20 =	vsub.f32 v20, v3;
	v6 =	vadd.f32 v6, v1;
	v19 =	vmax.f32 v30, $3.400000000e+02  }
0x580: {  	v4 =	vld.idx.msk [tilespmem:v4+s26+$0x0], $0xffff;
	v24 =	vadd.f32 v24, v25;
	v25 =	vmax.f32 v5, $0.0e+00;
	v19 =	vmin.f32 v19, $3.830000000e+02  }
0x581: {  	[tilespmem:s11+$0x1EC00] =	vst v13;
	v2 =	vld [tilespmem:s7+$0x1D400];
	v14 =	vmul.u32 $0xFFFFFFA4, v14;
	v26 =	vmax.f32 v8, $3.400000000e+02;
	v13 =	vtrunc.f32 v19  }
0x582: {  	v27 =	vld.idx.msk [tilespmem:v10+s25+$0x0], $0xffff;
	v9 =	vmax.f32 v9, $0.0e+00;
	v6 =	vmax.f32 v6, $0.0e+00;
	v13 =	vcvt.f32.s32 v13  }
0x583: {  	v3 =	vld [tilespmem:s8+$0x1D400];
	v28 =	vmin.f32 v9, $3.830000000e+02;
	v14 =	vadd.s32 v23, v14;
	v19 =	vmin.f32 v25, $3.830000000e+02  }
0x584: {  	v5 =	vld [tilespmem:s14+$0x1D400];
	v6 =	vmin.f32 v6, $3.830000000e+02;
	v19 =	vadd.f32 $8.388608000e+06, v19;
	v31 =	vmul.u32 $0xB217, v13  }
0x585: {  	v25 =	vmin.f32 v26, $3.830000000e+02;
	v26 =	vld [tilespmem:s11+$0x1CE00];
	v32 =	vadd.f32 $8.388608000e+06, v6;
	v6 =	vmax.f32 v24, $0.0e+00  }
0x586: {  	v23 =	vld.idx.msk [tilespmem:v16+s3+$0x0], $0xffff;
	v24 =	vadd.f32 $8.388608000e+06, v28;
	v9 =	vadd.f32 $-8.388608000e+06, v19;
	v28 =	vshra.s32 v31, $0x16  }
0x587: {  	v22 =	vadd.f32 $8.388608000e+06, v22;
	[tilespmem:s8+$0x1EC00] =	vst v20;
	v20 =	vld [tilespmem:s7+$0x1C800];
	v6 =	vmin.f32 v6, $3.830000000e+02;
	v28 =	vmul.u32 $0xFFFFFFA4, v28  }
0x588: {  	v14 =	vmul.u32 $0x180, v14;
	v19 =	vld.idx.msk [tilespmem:v7+s3+$0x0], $0xffff;
	v34 =	vadd.f32 $8.388608000e+06, v6;
	v33 =	vmax.f32 v9, $3.400000000e+02  }
0x589: {  	v35 =	vld.idx.msk [tilespmem:v12+s25+$0x0], $0xffff;
	v24 =	vadd.f32 $-8.388608000e+06, v24;
	v33 =	vmin.f32 v33, $3.830000000e+02;
	v13 =	vadd.s32 v13, v28  }
0x58a: {  	v31 =	vld [tilespmem:s10+$0x1C800];
	v26 =	vsub.f32 v26, v27;
	v33 =	vtrunc.f32 v33;
	v27 =	vmul.u32 $0x180, v13  }
0x58b: {  	v6 =	vld [tilespmem:s13+$0x1D400];
	v13 =	vadd.s32 v29, v14;
	v14 =	vadd.f32 $-8.388608000e+06, v11;
	v29 =	vcvt.f32.s32 v33  }
0x58c: {  	s28 =	simm.s32 $0xA0;
	s4 =	sadd.s32 $0xFFFFFFF0, s4;
	v61 =	vadd.f32 v58, v18;
	v22 =	vadd.f32 $-8.388608000e+06, v22;
	v24 =	vtrunc.f32 v24;
	[tilespmem:s11+$0x1F200] =	vst v26;
	v28 =	vld [tilespmem:s8+$0x1CE00]  }
0x58d: {  	s29 =	sand.u32 $0x60, s28;
	s4 =	sand.u32 $0xF80, s4;
	v19 =	vsub.f32 v20, v19;
	v11 =	vld.idx.msk [tilespmem:v10+s26+$0x0], $0xffff;
	v10 =	vtrunc.f32 v14;
	v14 =	vmul.u32 $0xB217, v29  }
0x58e: {  	s21 =	sor.u32 s29, s4;
	v18 =	vmax.f32 v22, $3.400000000e+02;
	v24 =	vcvt.f32.s32 v24;
	v20 =	vtrunc.f32 v25;
	v25 =	vld [tilespmem:s12+$0x1C800]  }
0x58f: {  	v18 =	vmin.f32 v18, $3.830000000e+02;
	v23 =	vsub.f32 v31, v23;
	v31 =	vld [tilespmem:s21+$0x1A400];
	[tilespmem:s7+$0x1EC00] =	vst v19;
	v14 =	vshra.s32 v14, $0x16  }
0x590: {  	v59 =	vcvt.f32.s32 v20;
	v62 =	vld.idx.msk [tilespmem:v7+s25+$0x0], $0xffff;
	v20 =	vmul.u32 $0xFFFFFFA4, v14;
	v14 =	vadd.s32 v24, v27  }
0x591: {  	v17 =	vmin.f32 v17, v22;
	v18 =	vtrunc.f32 v18;
	v19 =	vmax.f32 v15, v22;
	[tilespmem:s10+$0x1EC00] =	vst v23;
	v23 =	vld.idx.msk [tilespmem:v13+s3+$0x0], $0xffff  }
0x592: {  	v37 =	vcvt.f32.s32 v18;
	v26 =	vadd.f32 $-8.388608000e+06, v34;
	v18 =	vmax.f32 v19, v30;
	v19 =	vld [tilespmem:s0+$0x1C800]  }
0x593: {  	v17 =	vmin.f32 v17, v30;
	v28 =	vsub.f32 v28, v35;
	v60 =	vld.idx.msk [tilespmem:v16+s25+$0x0], $0xffff;
	v27 =	vadd.s32 v29, v20  }
0x594: {  	s30 =	scvt.s32.f32 s28;
	v26 =	vtrunc.f32 v26;
	v29 =	vld [tilespmem:s10+$0x1CE00];
	v15 =	vmul.u32 $0x180, v27;
	v27 =	vadd.f32 v31, v1  }
0x595: {  	v33 =	vmax.f32 v61, $0.0e+00;
	v24 =	vadd.f32 $-8.388608000e+06, v32;
	[tilespmem:s8+$0x1F200] =	vst v28;
	v28 =	vmul.u32 $0xB217, v59;
	v36 =	vld.idx.msk [tilespmem:v14+s3+$0x0], $0xffff  }
0x596: {  	v22 =	vadd.f32 s30, v0;
	v30 =	vld [tilespmem:s7+$0x1CE00];
	v27 =	vmax.f32 v27, $0.0e+00;
	v23 =	vsub.f32 v25, v23  }
0x597: {  	v12 =	vld.idx.msk [tilespmem:v12+s26+$0x0], $0xffff;
	v31 =	vshra.s32 v28, $0x16;
	v25 =	vmin.f32 v17, v24;
	v27 =	vmin.f32 v27, $3.830000000e+02  }
0x598: {  	v20 =	vld [tilespmem:s21+$0x1B000];
	v17 =	vcvt.f32.s32 v26;
	[tilespmem:s12+$0x1EC00] =	vst v23;
	v23 =	vmul.u32 $0xB217, v37;
	v26 =	vadd.f32 $8.388608000e+06, v27  }
0x599: {  	v28 =	vmax.f32 v18, v24;
	v27 =	vmul.u32 $0xFFFFFFA4, v31;
	v29 =	vsub.f32 v29, v60;
	v38 =	vld.idx.msk [tilespmem:v13+s25+$0x0], $0xffff  }
0x59a: {  	v18 =	vld [tilespmem:s9+$0x1D400];
	v31 =	vshra.s32 v23, $0x16;
	v23 =	vadd.f32 $-8.388608000e+06, v26;
	v36 =	vsub.f32 v19, v36  }
0x59b: {  	s31 =	smul.u32 $0x180, s2;
	v10 =	vcvt.f32.s32 v10;
	v32 =	vcvt.f32.s32 v21;
	[tilespmem:s10+$0x1F200] =	vst v29;
	v26 =	vld [tilespmem:s11+$0x1D400];
	v63 =	vmul.u32 $0xFFFFFFA4, v31  }
0x59c: {  	v30 =	vsub.f32 v30, v62;
	v31 =	vmax.f32 v24, $3.400000000e+02;
	v19 =	vld.idx.msk [tilespmem:v16+s26+$0x0], $0xffff;
	v24 =	vmax.f32 v23, $3.400000000e+02;
	[tilespmem:s0+$0x1EC00] =	vst v36  }
0x59d: {  	v25 =	vmin.f32 v25, v9;
	v16 =	vadd.s32 v37, v63;
	v29 =	vmin.f32 v24, $3.830000000e+02;
	v24 =	vld [tilespmem:s10+$0x1D400];
	[smem:$0x7E4] =	sst s31  }
0x59e: {  	s22 =	simm.s32 $0x110;
	s4 =	simm.s32 $0x6;
	v27 =	vadd.s32 v59, v27;
	v34 =	vmul.u32 $0x180, v16;
	v16 =	vsub.f32 v39, v38;
	v21 =	vld [tilespmem:s0+$0x1CE00]  }
.LBB2_47:
0x59f: {  	s15 =	sadd.s32 $0xFFFFFFB0, s22;
	s16 =	sadd.s32 s22, s1;
	s28 =	sadd.s32 $0xFFFFFFE0, s22;
	v35 =	vld.idx.msk [tilespmem:v14+s25+$0x0], $0xffff;
	v31 =	vmin.f32 v31, $3.830000000e+02;
	v17 =	vadd.s32 v17, v15;
	v33 =	vmin.f32 v33, $3.830000000e+02;
	[tilespmem:s7+$0x1F200] =	vst v30  }
0x5a0: {  	s30 =	sadd.s32 $0xFFFFFFC0, s22;
	s17 =	scvt.s32.f32 s22;
	v9 =	vmax.f32 v28, v9;
	s18 =	sadd.s32 $0xFFFFFFB0, s16;
	v15 =	vadd.s32 v32, v34;
	v7 =	vld.idx.msk [tilespmem:v7+s26+$0x0], $0xffff;
	v11 =	vsub.f32 v26, v11  }
0x5a1: {  	s20 =	sand.u32 $0x60, s15;
	s23 =	scvt.s32.f32 s15;
	v26 =	vtrunc.f32 v31;
	v9 =	vmax.f32 v9, v23;
	v28 =	vadd.f32 $8.388608000e+06, v33;
	s18 =	sand.u32 $0xF80, s18;
	[tilespmem:s12+$0x1F200] =	vst v16;
	v30 =	vld [tilespmem:s12+$0x1D400]  }
0x5a2: {  	s24 =	sand.u32 $0x70, s22;
	s15 =	sand.u32 $0x70, s30;
	v26 =	vcvt.f32.s32 v26;
	v16 =	vmax.f32 v9, v8;
	s29 =	sor.u32 s20, s18;
	[tilespmem:s11+$0x1F800] =	vst v11;
	v9 =	vld.idx.msk [tilespmem:v13+s26+$0x0], $0xffff;
	v11 =	vsub.f32 v24, v19  }
0x5a3: {  	s31 =	sadd.s32 $0xFFFFFFF0, s22;
	v4 =	vsub.f32 v18, v4;
	s19 =	sadd.s32 $0xFFFFFFF0, s16;
	s11 =	sand.u32 $0xF80, s16;
	v19 =	vmin.f32 v25, v23;
	v23 =	vadd.f32 $-8.388608000e+06, v28;
	v13 =	vld [tilespmem:s29+$0x1B000]  }
0x5a4: {  	v20 =	vadd.f32 v20, v22;
	v12 =	vsub.f32 v3, v12;
	v3 =	vmovc v6;
	s20 =	sor.u32 s15, s18;
	s15 =	sadd.s32 $0xFFFFFFE0, s16;
	s11 =	sor.u32 s24, s11;
	v25 =	vmul.u32 $0xB217, v26;
	v24 =	vld [tilespmem:s29+$0x1A400];
	[tilespmem:s10+$0x1F800] =	vst v11  }
0x5a5: {  	s18 =	sand.u32 $0xF80, s15;
	s15 =	sand.u32 $0xF80, s19;
	v18 =	vmin.f32 v19, v8;
	s10 =	sadd.s32 $0xFFFFFFD0, s16;
	v11 =	vsub.f32 v21, v35;
	v21 =	vtrunc.f32 v23;
	v6 =	vld [tilespmem:s11+$0x1A400];
	[tilespmem:s9+$0x1F800] =	vst v4  }
0x5a6: {  	s19 =	sadd.s32 $0xFFFFFFD0, s22;
	s16 =	sand.u32 $0x60, s31;
	v4 =	vadd.f32 s23, v0;
	s9 =	sand.u32 $0xF80, s10;
	v19 =	vshra.s32 v25, $0x16;
	v7 =	vsub.f32 v2, v7;
	v2 =	vmovc v5;
	v8 =	vld [tilespmem:s20+$0x1A400];
	[tilespmem:s8+$0x1F800] =	vst v12  }
0x5a7: {  	s4 =	sadd.s32 $0x6, s4;
	s23 =	scvt.s32.f32 s31;
	s8 =	sand.u32 $0x60, s19;
	v5 =	vmul.u32 $0xFFFFFFA4, v19;
	v12 =	vmax.f32 v20, $0.0e+00;
	v19 =	vmul.u32 $0x180, v27;
	[tilespmem:s0+$0x1F200] =	vst v11;
	v11 =	vld [tilespmem:s5+$0x1C800]  }
0x5a8: {  	s10 =	scvt.s32.f32 s30;
	v20 =	vtrunc.f32 v29;
	s24 =	sor.u32 s8, s9;
	s8 =	sand.u32 $0x70, s28;
	v13 =	vadd.f32 v13, v4;
	v4 =	vld.idx.msk [tilespmem:v14+s26+$0x0], $0xffff;
	v14 =	vmin.f32 v12, $3.830000000e+02;
	[tilespmem:s7+$0x1F800] =	vst v7  }
0x5a9: {  	p0 =	slt.u32 s4, $0x12;
	s18 =	sor.u32 s8, s18;
	v12 =	vadd.f32 s17, v0;
	v5 =	vadd.s32 v26, v5;
	v7 =	vsub.f32 v30, v9;
	s8 =	smov.u32 s13;
	v22 =	vld.idx.msk [tilespmem:v17+s3+$0x0], $0xffff  }
0x5aa: {  	s9 =	smov.u32 s0;
	v9 =	vadd.f32 s10, v0;
	s7 =	scvt.s32.f32 s28;
	s13 =	smov.u32 s29;
	v5 =	vmul.u32 $0x180, v5;
	v6 =	vadd.f32 v6, v1;
	v23 =	vld.idx.msk [tilespmem:v15+s3+$0x0], $0xffff  }
0x5ab: {  	v21 =	vcvt.f32.s32 v21;
	v20 =	vcvt.f32.s32 v20;
	s0 =	smov.u32 s20;
	s17 =	scvt.s32.f32 s19;
	s10 =	smov.u32 s6;
	v24 =	vadd.f32 v24, v1;
	v25 =	vld [tilespmem:s24+$0x1A400];
	[tilespmem:s12+$0x1F800] =	vst v7  }
0x5ac: {  	s6 =	smov.u32 s11;
	v27 =	vadd.f32 s7, v0;
	s7 =	smov.u32 s14;
	s14 =	smov.u32 s24;
	v7 =	vadd.s32 v10, v5;
	v5 =	vadd.f32 $8.388608000e+06, v14;
	v26 =	vld [tilespmem:s24+$0x1B000]  }
0x5ad: {  	v19 =	vadd.s32 v21, v19;
	s11 =	smov.u32 s5;
	s5 =	smov.u32 s18;
	v10 =	vmax.f32 v13, $0.0e+00;
	v13 =	vadd.f32 s17, v0;
	s12 =	smov.u32 s21;
	v14 =	vld [tilespmem:s8+$0x1C800]  }
0x5ae: {  	v10 =	vmin.f32 v10, $3.830000000e+02;
	v6 =	vmax.f32 v6, $0.0e+00;
	v5 =	vadd.f32 $-8.388608000e+06, v5;
	v28 =	vld [tilespmem:s5+$0x1B000]  }
0x5af: {  	v21 =	vmax.f32 v24, $0.0e+00;
	v8 =	vadd.f32 v8, v1;
	v11 =	vsub.f32 v11, v22;
	v24 =	vld [tilespmem:s0+$0x1B000]  }
0x5b0: {  	v10 =	vadd.f32 $8.388608000e+06, v10;
	v6 =	vmin.f32 v6, $3.830000000e+02;
	v29 =	vtrunc.f32 v5;
	v22 =	vld [tilespmem:s5+$0x1A400]  }
0x5b1: {  	v8 =	vmax.f32 v8, $0.0e+00;
	v13 =	vadd.f32 v26, v13;
	v5 =	vld [tilespmem:s14+$0x1D400];
	v26 =	vadd.f32 $8.388608000e+06, v6;
	[tilespmem:s11+$0x1EC00] =	vst v11  }
0x5b2: {  	v8 =	vmin.f32 v8, $3.830000000e+02;
	v10 =	vadd.f32 $-8.388608000e+06, v10;
	v11 =	vmul.u32 $0xB217, v20;
	v6 =	vld [tilespmem:s13+$0x1D400]  }
0x5b3: {  	v8 =	vadd.f32 $8.388608000e+06, v8;
	v29 =	vcvt.f32.s32 v29;
	v13 =	vmax.f32 v13, $0.0e+00  }
0x5b4: {  	v30 =	vmin.f32 v21, $3.830000000e+02;
	v21 =	vtrunc.f32 v10;
	v10 =	vsub.f32 v14, v23  }
0x5b5: {  	v23 =	vadd.f32 $-8.388608000e+06, v8;
	v9 =	vadd.f32 v24, v9;
	v13 =	vmin.f32 v13, $3.830000000e+02  }
0x5b6: {  	v8 =	vadd.f32 $-8.388608000e+06, v26;
	v11 =	vshra.s32 v11, $0x16;
	v14 =	vadd.f32 v22, v1  }
0x5b7: {  	v24 =	vadd.f32 v25, v1;
	v25 =	vadd.f32 v28, v27;
	v22 =	vmax.f32 v23, $3.400000000e+02  }
0x5b8: {  	v26 =	vmax.f32 v8, $3.400000000e+02;
	v22 =	vmin.f32 v22, $3.830000000e+02;
	v14 =	vmax.f32 v14, $0.0e+00  }
0x5b9: {  	v11 =	vmul.u32 $0xFFFFFFA4, v11;
	v24 =	vmax.f32 v24, $0.0e+00;
	v22 =	vtrunc.f32 v22  }
0x5ba: {  	v26 =	vmin.f32 v26, $3.830000000e+02;
	v22 =	vcvt.f32.s32 v22;
	v14 =	vmin.f32 v14, $3.830000000e+02;
	v27 =	vld [tilespmem:s11+$0x1CE00]  }
0x5bb: {  	v9 =	vmax.f32 v9, $0.0e+00;
	v24 =	vmin.f32 v24, $3.830000000e+02;
	v14 =	vadd.f32 $8.388608000e+06, v14;
	v28 =	vld.idx.msk [tilespmem:v17+s25+$0x0], $0xffff  }
0x5bc: {  	v11 =	vadd.s32 v20, v11;
	v31 =	vmin.f32 v9, $3.830000000e+02;
	v32 =	vmul.u32 $0xB217, v22;
	v20 =	vld.idx.msk [tilespmem:v19+s3+$0x0], $0xffff  }
0x5bd: {  	v24 =	vadd.f32 $8.388608000e+06, v24;
	v9 =	vadd.f32 $-8.388608000e+06, v14;
	v14 =	vmax.f32 v25, $0.0e+00;
	v25 =	vld.idx.msk [tilespmem:v7+s3+$0x0], $0xffff  }
0x5be: {  	v31 =	vadd.f32 $8.388608000e+06, v31;
	v32 =	vshra.s32 v32, $0x16;
	v14 =	vmin.f32 v14, $3.830000000e+02;
	v33 =	vld [tilespmem:s10+$0x1C800]  }
0x5bf: {  	v11 =	vmul.u32 $0x180, v11;
	v32 =	vmul.u32 $0xFFFFFFA4, v32;
	v34 =	vmax.f32 v9, $3.400000000e+02;
	[tilespmem:s8+$0x1EC00] =	vst v10;
	v10 =	vld [tilespmem:s7+$0x1C800]  }
0x5c0: {  	v35 =	vadd.f32 $8.388608000e+06, v13;
	v14 =	vadd.f32 $8.388608000e+06, v14;
	v13 =	vmin.f32 v34, $3.830000000e+02;
	v34 =	vld.idx.msk [tilespmem:v15+s25+$0x0], $0xffff  }
0x5c1: {  	v31 =	vadd.f32 $-8.388608000e+06, v31;
	v22 =	vadd.s32 v22, v32;
	v27 =	vsub.f32 v27, v28;
	v32 =	vld [tilespmem:s8+$0x1CE00]  }
0x5c2: {  	v22 =	vmul.u32 $0x180, v22;
	v28 =	vtrunc.f32 v13;
	v13 =	vadd.s32 v29, v11  }
0x5c3: {  	v29 =	vadd.f32 $-8.388608000e+06, v35;
	v28 =	vcvt.f32.s32 v28;
	v35 =	vld [tilespmem:s6+$0x1B000];
	[tilespmem:s11+$0x1F200] =	vst v27;
	v20 =	vsub.f32 v33, v20  }
0x5c4: {  	v27 =	vtrunc.f32 v31;
	v31 =	vadd.f32 $-8.388608000e+06, v14;
	v10 =	vsub.f32 v10, v25;
	v11 =	vld.idx.msk [tilespmem:v17+s26+$0x0], $0xffff  }
0x5c5: {  	s21 =	sor.u32 s16, s15;
	v14 =	vtrunc.f32 v29;
	v17 =	vmul.u32 $0xB217, v28;
	v25 =	vtrunc.f32 v26;
	v26 =	vld [tilespmem:s12+$0x1C800];
	[tilespmem:s10+$0x1EC00] =	vst v20  }
0x5c6: {  	v27 =	vcvt.f32.s32 v27;
	v20 =	vadd.f32 $8.388608000e+06, v30;
	v29 =	vld [tilespmem:s21+$0x1A400];
	v30 =	vsub.f32 v32, v34;
	[tilespmem:s7+$0x1EC00] =	vst v10  }
0x5c7: {  	v10 =	vcvt.f32.s32 v14;
	v14 =	vshra.s32 v17, $0x16;
	v32 =	vcvt.f32.s32 v25;
	v17 =	vld.idx.msk [tilespmem:v13+s3+$0x0], $0xffff  }
0x5c8: {  	v24 =	vadd.f32 $-8.388608000e+06, v24;
	v25 =	vadd.f32 $-8.388608000e+06, v20;
	v20 =	vmul.u32 $0xFFFFFFA4, v14;
	[tilespmem:s8+$0x1F200] =	vst v30;
	v30 =	vld.idx.msk [tilespmem:v19+s25+$0x0], $0xffff  }
0x5c9: {  	v14 =	vadd.s32 v27, v22;
	v27 =	vtrunc.f32 v31;
	v33 =	vadd.f32 v35, v12;
	v12 =	vld.idx.msk [tilespmem:v15+s26+$0x0], $0xffff  }
0x5ca: {  	v22 =	vmax.f32 v25, $3.400000000e+02;
	v15 =	vadd.s32 v28, v20;
	v28 =	vmul.u32 $0xB217, v32;
	v20 =	vld [tilespmem:s21+$0x1B000]  }
0x5cb: {  	v16 =	vmax.f32 v16, v25;
	v15 =	vmul.u32 $0x180, v15;
	v29 =	vadd.f32 v29, v1;
	v31 =	vld [tilespmem:s10+$0x1CE00]  }
0x5cc: {  	v18 =	vmin.f32 v18, v25;
	v34 =	vmin.f32 v22, $3.830000000e+02;
	v22 =	vadd.f32 s23, v0;
	v35 =	vld.idx.msk [tilespmem:v7+s25+$0x0], $0xffff  }
0x5cd: {  	v25 =	vtrunc.f32 v34;
	v17 =	vsub.f32 v26, v17;
	v29 =	vmax.f32 v29, $0.0e+00;
	v34 =	vld [tilespmem:s7+$0x1CE00]  }
0x5ce: {  	v18 =	vmin.f32 v18, v23;
	v16 =	vmax.f32 v16, v23;
	v36 =	vcvt.f32.s32 v25;
	v37 =	vld.idx.msk [tilespmem:v14+s3+$0x0], $0xffff  }
0x5cf: {  	v18 =	vmin.f32 v18, v24;
	v25 =	vshra.s32 v28, $0x16;
	v23 =	vmin.f32 v29, $3.830000000e+02;
	v38 =	vld [tilespmem:s0+$0x1C800];
	[tilespmem:s12+$0x1EC00] =	vst v17  }
0x5d0: {  	v26 =	vmul.u32 $0xB217, v36;
	v17 =	vcvt.f32.s32 v27;
	v23 =	vadd.f32 $8.388608000e+06, v23;
	v39 =	vld.idx.msk [tilespmem:v13+s25+$0x0], $0xffff  }
0x5d1: {  	v28 =	vmax.f32 v16, v24;
	v16 =	vmul.u32 $0xFFFFFFA4, v25;
	v29 =	vsub.f32 v31, v30;
	v40 =	vld [tilespmem:s12+$0x1CE00]  }
.Ltmp39:
0x5d2: {  	v25 =	vmin.f32 v18, v9;
	v26 =	vshra.s32 v26, $0x16;
	v23 =	vadd.f32 $-8.388608000e+06, v23;
	v18 =	vld [tilespmem:s9+$0x1D400];
	(pc) =	sbr.rel @p0 .LBB2_47-.Ltmp39, $4  }
0x5d3: {  	v27 =	vadd.s32 v32, v16;
	v31 =	vmax.f32 v24, $3.400000000e+02;
	v41 =	vmul.u32 $0xFFFFFFA4, v26;
	v26 =	vld [tilespmem:s11+$0x1D400];
	[tilespmem:s10+$0x1F200] =	vst v29  }
0x5d4: {  	v30 =	vsub.f32 v34, v35;
	v24 =	vmax.f32 v23, $3.400000000e+02;
	v16 =	vsub.f32 v38, v37;
	v19 =	vld.idx.msk [tilespmem:v19+s26+$0x0], $0xffff  }
0x5d5: {  	v33 =	vmax.f32 v33, $0.0e+00;
	v34 =	vadd.s32 v36, v41;
	v29 =	vmin.f32 v24, $3.830000000e+02;
	v24 =	vld [tilespmem:s10+$0x1D400]  }
0x5d6: {  	s22 =	sadd.s32 $0x60, s22;
	v32 =	vcvt.f32.s32 v21;
	v34 =	vmul.u32 $0x180, v34;
	[tilespmem:s0+$0x1EC00] =	vst v16;
	v21 =	vld [tilespmem:s0+$0x1CE00];
	v16 =	vsub.f32 v40, v39  }
0x5d7: {  	_ =	sdelay $0x1  }
0x5d8: {  	v31 =	vmin.f32 v31, $3.830000000e+02;
	v15 =	vadd.s32 v17, v15  }
0x5d9: {  	v45 =	vmin.f32 v33, $3.830000000e+02;
	v20 =	vadd.f32 v20, v22;
	v31 =	vtrunc.f32 v31  }
0x5da: {  	v35 =	vld.idx.msk [tilespmem:v14+s25+$0x0], $0xffff;
	v47 =	vtrunc.f32 v29;
	v27 =	vmul.u32 $0x180, v27;
	v31 =	vcvt.f32.s32 v31  }
0x5db: {  	v49 =	vld [tilespmem:s5+$0x1C800];
	v25 =	vmin.f32 v25, v23;
	v9 =	vmax.f32 v28, v9;
	v17 =	vadd.f32 $8.388608000e+06, v45  }
0x5dc: {  	v58 =	vld [tilespmem:s13+$0x1C800];
	v32 =	vadd.s32 v32, v34;
	v22 =	vcvt.f32.s32 v47;
	v46 =	vmul.u32 $0xB217, v31  }
0x5dd: {  	v59 =	vld [tilespmem:s5+$0x1CE00];
	v61 =	vmin.f32 v25, v8;
	v20 =	vmax.f32 v20, $0.0e+00;
	v17 =	vadd.f32 $-8.388608000e+06, v17  }
0x5de: {  	v62 =	vld [tilespmem:s6+$0x1C800];
	v20 =	vmin.f32 v20, $3.830000000e+02;
	v51 =	vmul.u32 $0xB217, v22;
	v48 =	vshra.s32 v46, $0x16  }
0x5df: {  	v36 =	vld [tilespmem:s21+$0x1C800];
	v20 =	vadd.f32 $8.388608000e+06, v20;
	v17 =	vtrunc.f32 v17;
	v29 =	vmul.u32 $0xFFFFFFA4, v48  }
0x5e0: {  	[tilespmem:s7+$0x1F200] =	vst v30;
	v42 =	vld [tilespmem:s13+$0x1CE00];
	v9 =	vmax.f32 v9, v23;
	v30 =	vshra.s32 v51, $0x16;
	v17 =	vcvt.f32.s32 v17  }
0x5e1: {  	v43 =	vld [tilespmem:s6+$0x1CE00];
	v20 =	vadd.f32 $-8.388608000e+06, v20;
	v53 =	vmul.u32 $0xFFFFFFA4, v30;
	v52 =	vadd.s32 v31, v29  }
0x5e2: {  	v7 =	vld.idx.msk [tilespmem:v7+s26+$0x0], $0xffff;
	[tilespmem:s12+$0x1F200] =	vst v16;
	(xrf0) =	vmin.scan.msk.f32 $0xffff, v61;
	v33 =	vmax.f32 v9, v8;
	v16 =	vmul.u32 $0x180, v52  }
0x5e3: {  	v34 =	vld [tilespmem:s14+$0x1C800];
	v17 =	vadd.s32 v17, v27;
	v56 =	vtrunc.f32 v20;
	v57 =	vadd.s32 v22, v53  }
0x5e4: {  	v47 =	vld [tilespmem:s14+$0x1CE00];
	(xrf0) =	vmax.scan.msk.f32 $0xffff, v33;
	v20 =	vmul.u32 $0x180, v57;
	v10 =	vadd.s32 v10, v16;
	v16 =	vcvt.f32.s32 v56  }
0x5e5: {  	v13 =	vld.idx.msk [tilespmem:v13+s26+$0x0], $0xffff  }
0x5e6: {  	v50 =	vld.idx.msk [tilespmem:v15+s3+$0x0], $0xffff;
	v16 =	vadd.s32 v16, v20  }
0x5e7: {  	v55 =	vld.idx.msk [tilespmem:v32+s3+$0x0], $0xffff  }
0x5e8: {  	v61 =	vld [tilespmem:s21+$0x1D400];
	v41, _, _ =	vpop (xrf0)  }
0x5e9: {  	v21 =	vsub.f32 v21, v35;
	(v2sf) =	vpush v41, $0xF;
	v60 =	vld.idx.msk [tilespmem:v17+s3+$0x0], $0xffff  }
0x5ea: {  	v44, _, _ =	vpop (xrf0);
	v63 =	vld.idx.msk [tilespmem:v10+s3+$0x0], $0xffff  }
0x5eb: {  	[tilespmem:s0+$0x1F200] =	vst v21;
	v54 =	vsub.f32 v49, v50;
	(v2sf) =	vpush v44, $0xF;
	v37 =	vld.idx.msk [tilespmem:v16+s3+$0x0], $0xffff  }
0x5ec: {  	v14 =	vld.idx.msk [tilespmem:v14+s26+$0x0], $0xffff;
	v35 =	vsub.f32 v58, v55  }
0x5ed: {  	v4 =	vsub.f32 v18, v4;
	v29 =	vld [tilespmem:s12+$0x1D400];
	[tilespmem:s5+$0x1EC00] =	vst v54  }
0x5ee: {  	v38 =	vld.idx.msk [tilespmem:v15+s25+$0x0], $0xffff;
	[tilespmem:s13+$0x1EC00] =	vst v35;
	v39 =	vsub.f32 v62, v60  }
0x5ef: {  	[tilespmem:s9+$0x1F800] =	vst v4;
	v40 =	vld.idx.msk [tilespmem:v32+s25+$0x0], $0xffff;
	v9 =	vsub.f32 v34, v63  }
0x5f0: {  	v50 =	vld [tilespmem:s21+$0x1CE00];
	[tilespmem:s6+$0x1EC00] =	vst v39;
	v8 =	vsub.f32 v36, v37  }
0x5f1: {  	v3 =	vsub.f32 v3, v12;
	v20 =	vld.idx.msk [tilespmem:v17+s25+$0x0], $0xffff;
	[tilespmem:s14+$0x1EC00] =	vst v9  }
0x5f2: {  	v11 =	vsub.f32 v26, v11;
	v45 =	vld.idx.msk [tilespmem:v10+s25+$0x0], $0xffff;
	[tilespmem:s21+$0x1EC00] =	vst v8  }
0x5f3: {  	[tilespmem:s8+$0x1F800] =	vst v3;
	v46 =	vsub.f32 v59, v38;
	v49 =	vld.idx.msk [tilespmem:v16+s25+$0x0], $0xffff  }
0x5f4: {  	[tilespmem:s11+$0x1F800] =	vst v11;
	v57 =	vld [tilespmem:s6+$0x1D400];
	v48 =	vsub.f32 v42, v40  }
0x5f5: {  	v2 =	vsub.f32 v2, v7;
	v54 =	vld [tilespmem:s5+$0x1D400];
	[tilespmem:s5+$0x1F200] =	vst v46  }
0x5f6: {  	v15 =	vld.idx.msk [tilespmem:v15+s26+$0x0], $0xffff;
	[tilespmem:s13+$0x1F200] =	vst v48;
	v51 =	vsub.f32 v43, v20  }
0x5f7: {  	[tilespmem:s7+$0x1F800] =	vst v2;
	v53 =	vld.idx.msk [tilespmem:v32+s26+$0x0], $0xffff;
	v55 =	vsub.f32 v47, v45  }
0x5f8: {  	v59 =	vld [tilespmem:s0+$0x1D400];
	s4 =	spop (v2sf);
	[tilespmem:s6+$0x1F200] =	vst v51;
	v58 =	vsub.f32 v50, v49  }
0x5f9: {  	v52 =	vsub.f32 v24, v19;
	p0 =	slt.f32 s4, $3.400000000e+02;
	v56 =	vld.idx.msk [tilespmem:v17+s26+$0x0], $0xffff;
	[tilespmem:s14+$0x1F200] =	vst v55  }
0x5fa: {  	v3 =	vsub.f32 v29, v13;
	s4 =	spop (v2sf);
	v60 =	vld.idx.msk [tilespmem:v10+s26+$0x0], $0xffff;
	[tilespmem:s21+$0x1F200] =	vst v58  }
0x5fb: {  	[tilespmem:s10+$0x1F800] =	vst v52;
	v2 =	vsub.f32 v54, v15;
	p1 =	sgt.f32 @!p0 s4, $3.830000000e+02;
	v62 =	vld.idx.msk [tilespmem:v16+s26+$0x0], $0xffff  }
0x5fc: {  	[tilespmem:s12+$0x1F800] =	vst v3;
	v63 =	vsub.f32 v6, v53  }
0x5fd: {  	[tilespmem:s5+$0x1F800] =	vst v2;
	v2 =	vsub.f32 v59, v14;
	p1 =	por p0, p1  }
.Ltmp40:
0x5fe: {  	[tilespmem:s13+$0x1F800] =	vst v63;
	v3 =	vsub.f32 v57, v56;
	(pc) =	sbr.rel @!p1 .LBB2_58-.Ltmp40, $4  }
0x5ff: {  	[tilespmem:s0+$0x1F800] =	vst v2;
	v2 =	vsub.f32 v5, v60  }
0x600: {  	[tilespmem:s6+$0x1F800] =	vst v3;
	v3 =	vsub.f32 v61, v62  }
0x601: {  	[tilespmem:s14+$0x1F800] =	vst v2  }
0x602: {  	[tilespmem:s21+$0x1F800] =	vst v3  }
0x603: {  	s6 =	simm.s32 $0x0  }
0x604: {  	s6 =	simm.s32 @p0 $0x0  }
0x605: {  	p1 =	sne.s32 s6, $0x170  }
.Ltmp41:
0x606: {  	_ = 	snop;
	(pc) =	sbr.rel @!p1 .LBB2_50-.Ltmp41, $4  }
0x607: {  	_ = 	snop  }
0x608: {  	s0 =	simm.s32 $0x1FE00  }
0x609: {  	s0 =	simm.s32 @p0 $0x1FE00  }
0x60a: {  	p0 =	por $0x0, $0x0;
	s7 =	sadd.s32 s6, s1;
	s4 =	sadd.s32 $0x10, s6  }
0x60b: {  	s5 =	sand.u32 $0xF80, s7;
	s30 =	sand.u32 $0x70, s6  }
0x60c: {  	s5 =	sor.u32 s30, s5  }
0x60d: {  	v2 =	vld [tilespmem:s5+$0x1A400];
	_ =	sdelay $0x1  }
0x60e: {  	v3 =	vld [tilespmem:s5+$0x1B000]  }
0x60f: {  	s31 =	scvt.s32.f32 s6;
	_ =	sdelay $0x1  }
0x610: {  	v4 =	vadd.f32 s31, v0;
	v2 =	vadd.f32 v2, v1;
	_ =	sdelay $0x1  }
0x611: {  	v3 =	vadd.f32 v3, v4;
	v2 =	vmax.f32 v2, $0.0e+00  }
0x612: {  	v2 =	vmin.f32 v2, $3.830000000e+02  }
0x613: {  	v3 =	vmax.f32 v3, $0.0e+00;
	v2 =	vadd.f32 $8.388608000e+06, v2  }
0x614: {  	v3 =	vmin.f32 v3, $3.830000000e+02  }
0x615: {  	v3 =	vadd.f32 $8.388608000e+06, v3;
	v2 =	vadd.f32 $-8.388608000e+06, v2;
	_ =	sdelay $0x1  }
0x616: {  	p1 =	sne.s32 s4, $0x170;
	v3 =	vadd.f32 $-8.388608000e+06, v3;
	v2 =	vmul.f32 $3.840000000e+02, v2  }
.Ltmp42:
0x617: {  	_ = 	snop;
	(pc) =	sbr.rel @!p1 .LBB2_52-.Ltmp42, $3  }
0x618: {  	v2 =	vadd.f32 v3, v2;
	_ =	sdelay $0x1  }
0x619: {  	s7 =	sadd.s32 s4, s1;
	v2 =	vtrunc.f32 v2  }
0x61a: {  	s6 =	sadd.s32 $0x10, s4;
	p0 =	por $0x1, $0x1;
	s5 =	smov.u32 s0;
	v2 =	vcvt.f32.s32 v2  }
.LBB2_53:
0x61b: {  	p1 =	sne.s32 s6, $0x170;
	s7 =	sand.u32 $0xF80, s7;
	s8 =	sand.u32 $0x70, s4  }
0x61c: {  	s7 =	sor.u32 s8, s7;
	[tilespmem:s5+$0x0] =	vst v2  }
0x61d: {  	v2 =	vld [tilespmem:s7+$0x1A400];
	_ =	sdelay $0x1  }
0x61e: {  	v3 =	vld [tilespmem:s7+$0x1B000]  }
0x61f: {  	s7 =	scvt.s32.f32 s4;
	s4 =	smov.u32 s6;
	_ =	sdelay $0x1  }
0x620: {  	v4 =	vadd.f32 s7, v0;
	v2 =	vadd.f32 v2, v1;
	_ =	sdelay $0x1  }
0x621: {  	v2 =	vmax.f32 v2, $0.0e+00;
	v3 =	vadd.f32 v3, v4  }
0x622: {  	v2 =	vmin.f32 v2, $3.830000000e+02  }
0x623: {  	v2 =	vadd.f32 $8.388608000e+06, v2;
	v3 =	vmax.f32 v3, $0.0e+00  }
0x624: {  	v3 =	vmin.f32 v3, $3.830000000e+02  }
0x625: {  	v2 =	vadd.f32 $-8.388608000e+06, v2;
	v3 =	vadd.f32 $8.388608000e+06, v3;
	_ =	sdelay $0x1  }
0x626: {  	v3 =	vadd.f32 $-8.388608000e+06, v3;
	v2 =	vmul.f32 $3.840000000e+02, v2  }
.Ltmp43:
0x627: {  	(pc) =	sbr.rel @p1 .LBB2_53-.Ltmp43, $3  }
0x628: {  	v2 =	vadd.f32 v3, v2;
	_ =	sdelay $0x1  }
0x629: {  	v2 =	vtrunc.f32 v2  }
0x62a: {  	s5 =	sadd.s32 $0x10, s5;
	s6 =	sadd.s32 $0x10, s6;
	s7 =	sadd.s32 s4, s1;
	v2 =	vcvt.f32.s32 v2  }
0x62b: {  	s6 =	smov.u32 s4  }
.LBB2_55:
0x62c: {  	s4 =	sand.u32 $0xF80, s7;
	s13 =	sand.u32 $0x70, s6  }
0x62d: {  	[tilespmem:s5+$0x0] =	vst @p0 v2;
	s4 =	sor.u32 s13, s4  }
0x62e: {  	v2 =	vld [tilespmem:s4+$0x1A400];
	_ =	sdelay $0x1  }
0x62f: {  	v3 =	vld [tilespmem:s4+$0x1B000]  }
0x630: {  	s14 =	scvt.s32.f32 s6;
	_ =	sdelay $0x1  }
0x631: {  	v1 =	vadd.f32 v2, v1;
	v2 =	vadd.f32 s14, v0;
	_ =	sdelay $0x1  }
0x632: {  	v1 =	vmax.f32 v1, $0.0e+00;
	v2 =	vadd.f32 v3, v2  }
0x633: {  	v1 =	vmin.f32 v1, $3.830000000e+02  }
0x634: {  	v1 =	vadd.f32 $8.388608000e+06, v1;
	v2 =	vmax.f32 v2, $0.0e+00  }
0x635: {  	v2 =	vmin.f32 v2, $3.830000000e+02  }
0x636: {  	v1 =	vadd.f32 $-8.388608000e+06, v1;
	v2 =	vadd.f32 $8.388608000e+06, v2;
	_ =	sdelay $0x1  }
0x637: {  	v2 =	vadd.f32 $-8.388608000e+06, v2;
	v1 =	vmul.f32 $3.840000000e+02, v1;
	_ =	sdelay $0x1  }
0x638: {  	v1 =	vadd.f32 v2, v1;
	_ =	sdelay $0x1  }
0x639: {  	s15 =	sld [smem:$0x7E4];
	v1 =	vtrunc.f32 v1  }
0x63a: {  	s4 =	sadd.s32 @p0 $0x10, s5;
	v1 =	vcvt.f32.s32 v1  }
0x63b: {  	s17 =	rddreg [dreg:$0xe];
	s0 =	smov.u32 @p0 s4  }
0x63c: {  	s18 =	simm.s32 $0x1FE00;
	s19 =	simm.s32 $0x180;
	s16 =	sadd.s32 $0x1EC00, s15;
	[tilespmem:s0+$0x0] =	vst v1  }
0x63d: {  	[tilespmem:s16], [sflag:$0x6] =	stream.indirect.gather [hbm4b:s17+s19], $0x1, s18, s19, $0xb8;
	[tilespmem:$0x1FF80] =	vst v63  }
0x63e: {  	s21 =	rddreg [dreg:$0xf];
	s20 =	sadd.s32 $0x1F200, s15  }
0x63f: {  	[tilespmem:s20], [sflag:$0x6] =	stream.indirect.gather [hbm4b:s21+s19], $0x1, s18, s19, $0xb8;
	[tilespmem:$0x1FF80] =	vst v63  }
0x640: {  	s23 =	rddreg [dreg:$0x10];
	s24 =	simm.s32 $0x6;
	s22 =	sadd.s32 $0x1F800, s15  }
0x641: {  	[tilespmem:s22], [sflag:$0x6] =	stream.indirect.gather [hbm4b:s23+s19], $0x1, s18, s19, $0xb8;
	[tilespmem:$0x1FF80] =	vst v63  }
0x642: {  	_ =	swait.ge [sflag:s24], $0x180  }
0x643: {  	[sflag:s24] =	ssyncset.done $0x0  }
0x644: {  	[sflag:s24] =	ssyncadd.s32 $0xFFFFFE80  }
0x645: {  	_ =	swait.ge [sflag:s24], $0x180  }
0x646: {  	[sflag:s24] =	ssyncset.done $0x0  }
0x647: {  	[sflag:s24] =	ssyncadd.s32 $0xFFFFFE80  }
0x648: {  	s28 =	simm.s32 $0x0;
	s29 =	sadd.s32 $0x0, s1;
	_ =	swait.ge [sflag:s24], $0x180  }
0x649: {  	s4 =	sand.u32 $0xF80, s29;
	s0 =	sand.u32 $0x70, s28;
	[sflag:s24] =	ssyncset.done $0x0  }
0x64a: {  	s0 =	sor.u32 s0, s4;
	[sflag:s24] =	ssyncadd.s32 $0xFFFFFE80  }
0x64b: {  	v2 =	vld [tilespmem:s0+$0x1C800]  }
0x64c: {  	v4 =	vld [tilespmem:s0+$0x1CE00]  }
0x64d: {  	v5 =	vld [tilespmem:s0+$0x1D400]  }
0x64e: {  	v3 =	vld [tilespmem:s0+$0x1EC00]  }
0x64f: {  	v6 =	vld [tilespmem:s0+$0x1F200]  }
0x650: {  	s30 =	simm.s32 $0x10;
	s31 =	sadd.s32 $0x10, s1;
	v7 =	vld [tilespmem:s0+$0x1F800]  }
0x651: {  	s5 =	sand.u32 $0xF80, s31;
	s4 =	sand.u32 $0x70, s30  }
0x652: {  	s4 =	sor.u32 s4, s5  }
0x653: {  	v1 =	vld [tilespmem:s4+$0x1C800];
	v8 =	vsub.f32 v2, v3  }
0x654: {  	v3 =	vld [tilespmem:s4+$0x1CE00];
	v4 =	vsub.f32 v4, v6  }
0x655: {  	s5 =	simm.s32 $0x20;
	v2 =	vld [tilespmem:s4+$0x1D400];
	v5 =	vsub.f32 v5, v7;
	[tilespmem:s0+$0x1EC00] =	vst v8  }
.LBB2_56:
0x656: {  	p0 =	sne.s32 s5, $0x170;
	v6 =	vld [tilespmem:s4+$0x1EC00];
	[tilespmem:s0+$0x1F200] =	vst v4  }
0x657: {  	v4 =	vld [tilespmem:s4+$0x1F200];
	[tilespmem:s0+$0x1F800] =	vst v5;
	s0 =	smov.u32 s4  }
0x658: {  	s4 =	sadd.s32 s5, s1;
	v5 =	vld [tilespmem:s0+$0x1F800]  }
.Ltmp44:
0x659: {  	s6 =	sand.u32 $0x70, s5;
	s4 =	sand.u32 $0xF80, s4;
	(pc) =	sbr.rel @p0 .LBB2_56-.Ltmp44, $4  }
0x65a: {  	s4 =	sor.u32 s6, s4  }
0x65b: {  	v6 =	vsub.f32 v1, v6;
	v1 =	vld [tilespmem:s4+$0x1C800]  }
0x65c: {  	v4 =	vsub.f32 v3, v4;
	v3 =	vld [tilespmem:s4+$0x1CE00]  }
0x65d: {  	s5 =	sadd.s32 $0x10, s5;
	[tilespmem:s0+$0x1EC00] =	vst v6;
	v5 =	vsub.f32 v2, v5;
	v2 =	vld [tilespmem:s4+$0x1D400]  }
0x65e: {  	v6 =	vld [tilespmem:s4+$0x1EC00];
	[tilespmem:s0+$0x1F200] =	vst v4  }
0x65f: {  	v4 =	vld [tilespmem:s4+$0x1F200];
	[tilespmem:s0+$0x1F800] =	vst v5  }
0x660: {  	v5 =	vld [tilespmem:s4+$0x1F800];
	_ =	sdelay $0x2  }
.Ltmp45:
0x661: {  	v1 =	vsub.f32 v1, v6;
	(pc) =	sbr.rel .LBB2_58-.Ltmp45, $4  }
0x662: {  	v3 =	vsub.f32 v3, v4  }
0x663: {  	[tilespmem:s4+$0x1EC00] =	vst v1;
	v1 =	vsub.f32 v2, v5  }
0x664: {  	[tilespmem:s4+$0x1F200] =	vst v3  }
0x665: {  	[tilespmem:s4+$0x1F800] =	vst v1  }
.LBB2_50:
.Ltmp46:
0x666: {  	(pc) =	sbr.rel .LBB2_55-.Ltmp46, $2  }
0x667: {  	_ =	sdelay $0x2  }
0x668: {  	s5 =	smov.u32 s0  }
.LBB2_52:
.Ltmp47:
0x669: {  	(pc) =	sbr.rel .LBB2_55-.Ltmp47, $2  }
0x66a: {  	_ =	sdelay $0x2  }
0x66b: {  	s6 =	smov.u32 s4;
	s5 =	smov.u32 s0  }
.LBB2_60:
0x66c: {  	_ =	sfence.sel $0x180000  }
0x66d: {  	[bflag:$0x0] =	sbarrier.arrive $0xFFFF  }
0x66e: {  	_ =	strace $0x90000047  }
0x66f: {  	s0 =	stileid.u32;
	[bflag:$0x2] =	sbarrier.arrive $0xFFFF  }
0x670: {  	p0 =	sne.s32 s0, $0x0;
	s0 =	rddreg [dreg:$0x2]  }
0x671: {  	s0 =	sadd.s32 @!p0 $0x100000, s0  }
0x672: {  	[sflag:s0] =	ssyncadd.tile.s32 @!p0 $0x1;
	_ =	shalt  }
.Lfunc_end2:
_tile_overlayer_lowered:
.L_overlay_start_2:
0x673: {  	(tag) =	ssettag $0x2  }
0x674: {  	s0 =	rddreg [dreg:$0x0];
	s2 =	stileid.u32  }
0x675: {  	s1 =	rddreg [dreg:$0x1];
	p0 =	sne.s32 s2, $0x0  }
0x676: {  	s3 =	rddreg [dreg:$0x2];
	[bflag:$0x3] =	sbarrier.arrive $0xFFFF;
	s2 =	simm.s32 @!p0 $0x1C07  }
0x677: {  	[timem:s3], [sflag:s2] =	dma.local @!p0 [hbm:s0], s1  }
0x678: {  	s0 =	simm.s32 @!p0 $0x7  }
0x679: {  	_ =	swait.ge @!p0 [sflag:s0], s1  }
0x67a: {  	s1 =	ssub.s32 @!p0 $0x0, s1;
	[sflag:s0] =	ssyncset.done @!p0 $0x0  }
0x67b: {  	[sflag:s0] =	ssyncadd.s32 @!p0 s1  }
0x67c: {  	[bflag:$0x3] =	sbarrier.arrive $0xFFFF  }
0x67d: {  	_ =	shalt  }

</sc_bundles>
